<compile_context>
chip_gen: v7x
topology: tpu7x:2x2x1
jax: 0.10.2.dev20260603
libtpu: 0.0.44.dev20260713+nightly
codegen_flags: <defaults>
</compile_context>

<pallas_src>
import functools

import jax
import jax.numpy as jnp
from jax import lax
from jax.experimental import pallas as pl
from jax.experimental.pallas import tpu as pltpu
from jax.experimental.pallas import tpu_sc as plsc

N = 10000
E = 320000
D = 128
NC = 2
NS = 16
NW = NC * NS
CHUNK = 64
IB = 16
C = IB * -(-E // (NW * CHUNK * IB))
NBLK = C // IB
EPT = C * CHUNK
E_PAD = NW * EPT
RPT = 640
NIB = RPT // CHUNK
N_ACC = RPT * NS


def _sc_pass_body(with_cnt, *refs):
    if with_cnt:
        (table, src3, dst3, zfull, agg_out, cnt_out,
         src_v, dst_v, buf0, buf1, cnt_v, iidx_v, sem0, sem1,
         agg_acc) = refs
    else:
        (table, src3, dst3, zfull, agg_out,
         src_v, dst_v, buf0, buf1, iidx_v, sem0, sem1, agg_acc) = refs
    cid = lax.axis_index("c")
    sid = lax.axis_index("s")
    wid = cid * NS + sid

    def irow(c):
        return ((c // IB) % 2) * IB + (c % IB)

    def load_iblock(b):
        pltpu.sync_copy(src3.at[wid, pl.ds(b * IB, IB)],
                        src_v.at[pl.ds((b % 2) * IB, IB)])
        pltpu.sync_copy(dst3.at[wid, pl.ds(b * IB, IB)],
                        dst_v.at[pl.ds((b % 2) * IB, IB)])

    iota = lax.iota(jnp.int32, 16)
    for k in range(NIB):
        for j in range(CHUNK // 16):
            iidx_v[k, pl.ds(j * 16, 16)] = sid * RPT + k * CHUNK + j * 16 + iota

    load_iblock(0)

    pltpu.sync_copy(zfull, buf0)
    for k in range(NIB):
        pltpu.sync_copy(buf0, agg_acc.at[iidx_v.at[k]])
    plsc.subcore_barrier()
    if with_cnt:
        def zc(i, carry):
            cnt_v[pl.ds(i * 16, 16)] = jnp.zeros((16,), jnp.float32)
            return carry
        lax.fori_loop(0, N_ACC // 16, zc, 0)

    pltpu.async_copy(table.at[src_v.at[0]], buf0, sem0)
    pltpu.async_copy(table.at[src_v.at[1]], buf1, sem1)

    def step(i, carry):
        c0 = 2 * i

        @pl.when(c0 % IB == 0)
        def _():
            nb = c0 // IB + 1

            @pl.when(nb < NBLK)
            def _():
                load_iblock(nb)

        for c, buf, sem in ((c0, buf0, sem0), (c0 + 1, buf1, sem1)):
            pltpu.make_async_copy(table.at[src_v.at[irow(c)]], buf,
                                  sem).wait()
            pltpu.sync_copy(buf, agg_acc.at[dst_v.at[irow(c)]], add=True)
            if with_cnt:
                fones = jnp.ones((16,), jnp.float32)
                for j in range(CHUNK // 16):
                    idx16 = dst_v[irow(c), pl.ds(j * 16, 16)]
                    plsc.addupdate_scatter(cnt_v, [idx16], fones)

            @pl.when(i < C // 2 - 1)
            def _():
                pltpu.async_copy(table.at[src_v.at[irow(c + 2)]], buf, sem)
        return carry

    lax.fori_loop(0, C // 2, step, 0)
    plsc.subcore_barrier()

    for k in range(NIB):
        base = sid * RPT + k * CHUNK
        pltpu.async_copy(agg_acc.at[iidx_v.at[k]], buf0, sem0).wait()
        pltpu.sync_copy(buf0, agg_out.at[cid, pl.ds(base, CHUNK)])
    if with_cnt:
        pltpu.sync_copy(cnt_v, cnt_out.at[wid])


@functools.cache
def _sc_pass(with_cnt):
    out_type = [jax.ShapeDtypeStruct((NC, N_ACC, D), jnp.float32)]
    scratch = [
        pltpu.VMEM((2 * IB, CHUNK), jnp.int32),
        pltpu.VMEM((2 * IB, CHUNK), jnp.int32),
        pltpu.VMEM((CHUNK, D), jnp.float32),
        pltpu.VMEM((CHUNK, D), jnp.float32),
    ]
    if with_cnt:
        out_type.append(jax.ShapeDtypeStruct((NW, N_ACC), jnp.float32))
        scratch.append(pltpu.VMEM((N_ACC,), jnp.float32))
    scratch += [pltpu.VMEM((NIB, CHUNK), jnp.int32),
                pltpu.SemaphoreType.DMA, pltpu.SemaphoreType.DMA,
                pltpu.VMEM_SHARED((N_ACC, D), jnp.float32)]
    return pl.kernel(
        functools.partial(_sc_pass_body, with_cnt),
        out_type=out_type,
        mesh=plsc.VectorSubcoreMesh(core_axis_name="c", subcore_axis_name="s",
                                    num_cores=NC, num_subcores=NS),
        scratch_types=scratch,
        compiler_params=pltpu.CompilerParams(needs_layout_passes=False),
    )


BLK = 2000


def _inv_cnt_body(cntp, out):
    ones = jnp.ones((NW, 1), jnp.float32)
    cnt = lax.dot_general(cntp[...], ones, (((0,), (0,)), ((), ())),
                          preferred_element_type=jnp.float32) + 1.0
    out[...] = 1.0 / cnt


def _inv_cnt_call(cntp):
    return pl.pallas_call(
        _inv_cnt_body,
        out_shape=jax.ShapeDtypeStruct((N_ACC, 1), jnp.float32),
    )(cntp)


def _l1_body(aggp, invc, x, w1a, w1b, b1, out):
    agg = aggp[0] + aggp[1] + x[...]
    mean = agg * invc[...]
    h = (jnp.dot(mean, w1a[...], preferred_element_type=jnp.float32)
         + jnp.dot(x[...], w1b[...], preferred_element_type=jnp.float32)
         + b1[...])
    out[...] = jnp.maximum(h, 0.0)


def _l2_body(aggp, invc, h1, w2a, w2b, b2, wl1, bl1, wl2, bl2, out):
    agg = aggp[0] + aggp[1] + h1[...]
    mean = agg * invc[...]
    h = (jnp.dot(mean, w2a[...], preferred_element_type=jnp.float32)
         + jnp.dot(h1[...], w2b[...], preferred_element_type=jnp.float32)
         + b2[...])
    h = jnp.maximum(h, 0.0)
    s = jnp.dot(h, wl1[...], preferred_element_type=jnp.float32) + bl1[...]
    s = jnp.maximum(s, 0.0)
    out[...] = jnp.dot(s, wl2[...], preferred_element_type=jnp.float32) + bl2[...]


def _wspec(shape):
    return pl.BlockSpec(shape, lambda i: (0,) * len(shape))


def _l1_call(aggp, invc, x, w1a, w1b, b1):
    return pl.pallas_call(
        _l1_body,
        grid=(N // BLK,),
        in_specs=[
            pl.BlockSpec((NC, BLK, D), lambda i: (0, i, 0)),
            pl.BlockSpec((BLK, 1), lambda i: (i, 0)),
            pl.BlockSpec((BLK, D), lambda i: (i, 0)),
            _wspec((D, D)), _wspec((D, D)), _wspec((1, D)),
        ],
        out_specs=pl.BlockSpec((BLK, D), lambda i: (i, 0)),
        out_shape=jax.ShapeDtypeStruct((N, D), jnp.float32),
    )(aggp, invc, x, w1a, w1b, b1)


def _l2_call(aggp, invc, h1, w2a, w2b, b2, wl1, bl1, wl2, bl2):
    n_cls = wl2.shape[1]
    return pl.pallas_call(
        _l2_body,
        grid=(N // BLK,),
        in_specs=[
            pl.BlockSpec((NC, BLK, D), lambda i: (0, i, 0)),
            pl.BlockSpec((BLK, 1), lambda i: (i, 0)),
            pl.BlockSpec((BLK, D), lambda i: (i, 0)),
            _wspec((D, D)), _wspec((D, D)), _wspec((1, D)),
            _wspec((D, D)), _wspec((1, D)),
            _wspec((D, n_cls)), _wspec((1, n_cls)),
        ],
        out_specs=pl.BlockSpec((BLK, n_cls), lambda i: (i, 0)),
        out_shape=jax.ShapeDtypeStruct((N, n_cls), jnp.float32),
    )(aggp, invc, h1, w2a, w2b, b2, wl1, bl1, wl2, bl2)


def kernel(x, edge_index, W1, b1, W2, b2, Wl1, bl1, Wl2, bl2):
    src = edge_index[0].astype(jnp.int32)
    dst = edge_index[1].astype(jnp.int32)
    pad = E_PAD - E
    pad_src = jnp.arange(pad, dtype=jnp.int32) % N
    pad_dst = N + (jnp.arange(pad, dtype=jnp.int32) % NS)
    src3 = jnp.concatenate([src, pad_src]).reshape(NW, C, CHUNK)
    dst3 = jnp.concatenate([dst, pad_dst]).reshape(NW, C, CHUNK)
    zfull = jnp.zeros((CHUNK, D), jnp.float32)

    aggp, cntp = _sc_pass(True)(x, src3, dst3, zfull)
    invc = _inv_cnt_call(cntp)
    h1 = _l1_call(aggp, invc, x, W1[:D], W1[D:], b1.reshape(1, D))
    (aggp2,) = _sc_pass(False)(h1, src3, dst3, zfull)
    return _l2_call(aggp2, invc, h1, W2[:D], W2[D:], b2.reshape(1, D),
                    Wl1, bl1.reshape(1, D), Wl2, bl2.reshape(1, 2))

# --- scband reference (transcript-rebuilt; emitter-appended) ---
"""Pipeline reference for scband-gcn-75179107549512 (READ-ONLY COPY).

The authoritative reference and input builder live on the scoring server;
editing this copy changes nothing except your own understanding.
"""

import jax, jax.numpy as jnp
import numpy as np

N_NODES = 10000
N_EDGES = 320000
D_FEAT = 128
D_EMB = 128
N_CLASSES = 2


def setup_inputs(seed: int = 0) -> dict:
    key = jax.random.key(seed)
    ks = jax.random.split(key, 12)
    x = jax.random.normal(ks[0], (N_NODES, D_FEAT), dtype=jnp.float32)
    edge_index = jax.random.randint(ks[1], (2, N_EDGES), 0, N_NODES, dtype=jnp.int64)
    # SAGEConvCat layer 1: Linear(2*in, out)
    W1 = jax.random.normal(ks[2], (2 * D_FEAT, D_EMB), dtype=jnp.float32) * (1.0 / np.sqrt(2 * D_FEAT))
    b1 = jnp.zeros((D_EMB,), dtype=jnp.float32)
    # SAGEConvCat layer 2
    W2 = jax.random.normal(ks[3], (2 * D_EMB, D_EMB), dtype=jnp.float32) * (1.0 / np.sqrt(2 * D_EMB))
    b2 = jnp.zeros((D_EMB,), dtype=jnp.float32)
    # Linear layers
    Wl1 = jax.random.normal(ks[4], (D_EMB, D_EMB), dtype=jnp.float32) * (1.0 / np.sqrt(D_EMB))
    bl1 = jnp.zeros((D_EMB,), dtype=jnp.float32)
    Wl2 = jax.random.normal(ks[5], (D_EMB, N_CLASSES), dtype=jnp.float32) * (1.0 / np.sqrt(D_EMB))
    bl2 = jnp.zeros((N_CLASSES,), dtype=jnp.float32)
    return {"x": x, "edge_index": edge_index, "W1": W1, "b1": b1, "W2": W2, "b2": b2,
            "Wl1": Wl1, "bl1": bl1, "Wl2": Wl2, "bl2": bl2}


def _sage_conv_cat(x, src, dst, W, b):
    # mean aggregation of neighbor messages with self-loops, then concat([aggr, x]) @ W + b
    n = x.shape[0]
    msg = jnp.take(x, src, axis=0)                                  # gather [E, d]
    agg = jax.ops.segment_sum(msg, dst, num_segments=n)             # scatter-add [N, d]
    cnt = jax.ops.segment_sum(jnp.ones((src.shape[0],), dtype=x.dtype), dst, num_segments=n)
    agg = agg + x                                                   # self-loop message
    cnt = cnt + 1.0                                                 # self-loop count
    mean = agg / cnt[:, None]
    h = jnp.concatenate([mean, x], axis=-1) @ W + b
    return h


def reference(x, edge_index, W1, b1, W2, b2, Wl1, bl1, Wl2, bl2):
    src = edge_index[0]
    dst = edge_index[1]
    h = _sage_conv_cat(x, src, dst, W1, b1)
    h = jax.nn.relu(h)
    h = _sage_conv_cat(h, src, dst, W2, b2)
    h = jax.nn.relu(h)
    s = h @ Wl1 + bl1
    s = jax.nn.relu(s)
    # dropout p=0.5 with training=False -> identity
    scores = s @ Wl2 + bl2
    return scores

if __name__ == "__main__":
    import jax
    _d = setup_inputs()
    print(jax.jit(kernel)(*tuple(_d.values())))

</pallas_src>

<mosaic_0001>
#map = affine_map<(d0, d1) -> (0, 0)>
#map1 = affine_map<(d0, d1) -> (0, 0, 0)>
module attributes {stable_mosaic.version = 14 : i64} {
  func.func @_sc_pass_body(%arg0: i32, %arg1: i32, %arg2: memref<10000x128xf32, #tpu.memory_space<hbm>>, %arg3: memref<32x160x64xi32, #tpu.memory_space<hbm>>, %arg4: memref<32x160x64xi32, #tpu.memory_space<hbm>>, %arg5: memref<64x128xf32, #tpu.memory_space<hbm>>, %arg6: memref<2x10240x128xf32, #tpu.memory_space<hbm>>, %arg7: memref<32x10240xf32, #tpu.memory_space<hbm>>, %arg8: memref<32x64xi32, #tpu.memory_space<vmem>>, %arg9: memref<32x64xi32, #tpu.memory_space<vmem>>, %arg10: memref<64x128xf32, #tpu.memory_space<vmem>>, %arg11: memref<64x128xf32, #tpu.memory_space<vmem>>, %arg12: memref<10240xf32, #tpu.memory_space<vmem>>, %arg13: memref<10x64xi32, #tpu.memory_space<vmem>>, %arg14: memref<!tpu.dma_semaphore, #tpu.memory_space<semaphore_mem>>, %arg15: memref<!tpu.dma_semaphore, #tpu.memory_space<semaphore_mem>>, %arg16: memref<10240x128xf32, #tpu.memory_space<vmem_shared>>) attributes {dimension_semantics = [#tpu.dimension_semantics<core_parallel>, #tpu.dimension_semantics<subcore_parallel>], iteration_bounds = array<i64: 2, 16>, scalar_prefetch = 0 : i64, scratch_operands = 9 : i64, tpu.core_type = #tpu.core_type<sc_vector_subcore>, window_params = [{transform_indices = #map}, {transform_indices = #map1}, {transform_indices = #map1}, {transform_indices = #map}, {transform_indices = #map1}, {transform_indices = #map}]} {
    %mul3A = arith.constant 16 : i32
    %mul3A_0 = arith.muli %arg0, %mul3A : i32
    %add3A = arith.addi %mul3A_0, %arg1 : i32
    %iota3A = tpu.iota {dimensions = array<i32: 0>} : vector<16xi32>
    %mul3A_1 = arith.constant 640 : i32
    %mul3A_2 = arith.muli %arg1, %mul3A_1 : i32
    %add3A_3 = arith.constant 0 : i32
    %add3A_4 = arith.addi %mul3A_2, %add3A_3 : i32
    %add3A_5 = arith.constant 0 : i32
    %add3A_6 = arith.addi %add3A_4, %add3A_5 : i32
    %add3A_7 = vector.broadcast %add3A_6 : i32 to vector<16xi32>
    %add3A_8 = arith.addi %add3A_7, %iota3A : vector<16xi32>
    %swap3A = arith.constant 0 : i32
    %swap3A_9 = arith.index_cast %swap3A : i32 to index
    %swap3A_10 = arith.constant 0 : index
    %swap3A_11 = tpu.vector_load %arg13[%swap3A_9, %swap3A_10] {strides = array<i32>} : memref<10x64xi32, #tpu.memory_space<vmem>>, vector<16xi32>,
    tpu.vector_store %arg13[%swap3A_9, %swap3A_10], %add3A_8 {strides = array<i32>} : memref<10x64xi32, #tpu.memory_space<vmem>>, vector<16xi32>,
    %mul3A_12 = arith.constant 640 : i32
    %mul3A_13 = arith.muli %arg1, %mul3A_12 : i32
    %add3A_14 = arith.constant 0 : i32
    %add3A_15 = arith.addi %mul3A_13, %add3A_14 : i32
    %add3A_16 = arith.constant 16 : i32
    %add3A_17 = arith.addi %add3A_15, %add3A_16 : i32
    %add3A_18 = vector.broadcast %add3A_17 : i32 to vector<16xi32>
    %add3A_19 = arith.addi %add3A_18, %iota3A : vector<16xi32>
    %swap3A_20 = arith.constant 0 : i32
    %swap3A_21 = arith.index_cast %swap3A_20 : i32 to index
    %swap3A_22 = arith.constant 16 : index
    %swap3A_23 = tpu.vector_load %arg13[%swap3A_21, %swap3A_22] {strides = array<i32>} : memref<10x64xi32, #tpu.memory_space<vmem>>, vector<16xi32>,
    tpu.vector_store %arg13[%swap3A_21, %swap3A_22], %add3A_19 {strides = array<i32>} : memref<10x64xi32, #tpu.memory_space<vmem>>, vector<16xi32>,
    %mul3A_24 = arith.constant 640 : i32
    %mul3A_25 = arith.muli %arg1, %mul3A_24 : i32
    %add3A_26 = arith.constant 0 : i32
    %add3A_27 = arith.addi %mul3A_25, %add3A_26 : i32
    %add3A_28 = arith.constant 32 : i32
    %add3A_29 = arith.addi %add3A_27, %add3A_28 : i32
    %add3A_30 = vector.broadcast %add3A_29 : i32 to vector<16xi32>
    %add3A_31 = arith.addi %add3A_30, %iota3A : vector<16xi32>
    %swap3A_32 = arith.constant 0 : i32
    %swap3A_33 = arith.index_cast %swap3A_32 : i32 to index
    %swap3A_34 = arith.constant 32 : index
    %swap3A_35 = tpu.vector_load %arg13[%swap3A_33, %swap3A_34] {strides = array<i32>} : memref<10x64xi32, #tpu.memory_space<vmem>>, vector<16xi32>,
    tpu.vector_store %arg13[%swap3A_33, %swap3A_34], %add3A_31 {strides = array<i32>} : memref<10x64xi32, #tpu.memory_space<vmem>>, vector<16xi32>,
    %mul3A_36 = arith.constant 640 : i32
    %mul3A_37 = arith.muli %arg1, %mul3A_36 : i32
    %add3A_38 = arith.constant 0 : i32
    %add3A_39 = arith.addi %mul3A_37, %add3A_38 : i32
    %add3A_40 = arith.constant 48 : i32
    %add3A_41 = arith.addi %add3A_39, %add3A_40 : i32
    %add3A_42 = vector.broadcast %add3A_41 : i32 to vector<16xi32>
    %add3A_43 = arith.addi %add3A_42, %iota3A : vector<16xi32>
    %swap3A_44 = arith.constant 0 : i32
    %swap3A_45 = arith.index_cast %swap3A_44 : i32 to index
    %swap3A_46 = arith.constant 48 : index
    %swap3A_47 = tpu.vector_load %arg13[%swap3A_45, %swap3A_46] {strides = array<i32>} : memref<10x64xi32, #tpu.memory_space<vmem>>, vector<16xi32>,
    tpu.vector_store %arg13[%swap3A_45, %swap3A_46], %add3A_43 {strides = array<i32>} : memref<10x64xi32, #tpu.memory_space<vmem>>, vector<16xi32>,
    %mul3A_48 = arith.constant 640 : i32
    %mul3A_49 = arith.muli %arg1, %mul3A_48 : i32
    %add3A_50 = arith.constant 64 : i32
    %add3A_51 = arith.addi %mul3A_49, %add3A_50 : i32
    %add3A_52 = arith.constant 0 : i32
    %add3A_53 = arith.addi %add3A_51, %add3A_52 : i32
    %add3A_54 = vector.broadcast %add3A_53 : i32 to vector<16xi32>
    %add3A_55 = arith.addi %add3A_54, %iota3A : vector<16xi32>
    %swap3A_56 = arith.constant 1 : i32
    %swap3A_57 = arith.index_cast %swap3A_56 : i32 to index
    %swap3A_58 = arith.constant 0 : index
    %swap3A_59 = tpu.vector_load %arg13[%swap3A_57, %swap3A_58] {strides = array<i32>} : memref<10x64xi32, #tpu.memory_space<vmem>>, vector<16xi32>,
    tpu.vector_store %arg13[%swap3A_57, %swap3A_58], %add3A_55 {strides = array<i32>} : memref<10x64xi32, #tpu.memory_space<vmem>>, vector<16xi32>,
    %mul3A_60 = arith.constant 640 : i32
    %mul3A_61 = arith.muli %arg1, %mul3A_60 : i32
    %add3A_62 = arith.constant 64 : i32
    %add3A_63 = arith.addi %mul3A_61, %add3A_62 : i32
    %add3A_64 = arith.constant 16 : i32
    %add3A_65 = arith.addi %add3A_63, %add3A_64 : i32
    %add3A_66 = vector.broadcast %add3A_65 : i32 to vector<16xi32>
    %add3A_67 = arith.addi %add3A_66, %iota3A : vector<16xi32>
    %swap3A_68 = arith.constant 1 : i32
    %swap3A_69 = arith.index_cast %swap3A_68 : i32 to index
    %swap3A_70 = arith.constant 16 : index
    %swap3A_71 = tpu.vector_load %arg13[%swap3A_69, %swap3A_70] {strides = array<i32>} : memref<10x64xi32, #tpu.memory_space<vmem>>, vector<16xi32>,
    tpu.vector_store %arg13[%swap3A_69, %swap3A_70], %add3A_67 {strides = array<i32>} : memref<10x64xi32, #tpu.memory_space<vmem>>, vector<16xi32>,
    %mul3A_72 = arith.constant 640 : i32
    %mul3A_73 = arith.muli %arg1, %mul3A_72 : i32
    %add3A_74 = arith.constant 64 : i32
    %add3A_75 = arith.addi %mul3A_73, %add3A_74 : i32
    %add3A_76 = arith.constant 32 : i32
    %add3A_77 = arith.addi %add3A_75, %add3A_76 : i32
    %add3A_78 = vector.broadcast %add3A_77 : i32 to vector<16xi32>
    %add3A_79 = arith.addi %add3A_78, %iota3A : vector<16xi32>
    %swap3A_80 = arith.constant 1 : i32
    %swap3A_81 = arith.index_cast %swap3A_80 : i32 to index
    %swap3A_82 = arith.constant 32 : index
    %swap3A_83 = tpu.vector_load %arg13[%swap3A_81, %swap3A_82] {strides = array<i32>} : memref<10x64xi32, #tpu.memory_space<vmem>>, vector<16xi32>,
    tpu.vector_store %arg13[%swap3A_81, %swap3A_82], %add3A_79 {strides = array<i32>} : memref<10x64xi32, #tpu.memory_space<vmem>>, vector<16xi32>,
    %mul3A_84 = arith.constant 640 : i32
    %mul3A_85 = arith.muli %arg1, %mul3A_84 : i32
    %add3A_86 = arith.constant 64 : i32
    %add3A_87 = arith.addi %mul3A_85, %add3A_86 : i32
    %add3A_88 = arith.constant 48 : i32
    %add3A_89 = arith.addi %add3A_87, %add3A_88 : i32
    %add3A_90 = vector.broadcast %add3A_89 : i32 to vector<16xi32>
    %add3A_91 = arith.addi %add3A_90, %iota3A : vector<16xi32>
    %swap3A_92 = arith.constant 1 : i32
    %swap3A_93 = arith.index_cast %swap3A_92 : i32 to index
    %swap3A_94 = arith.constant 48 : index
    %swap3A_95 = tpu.vector_load %arg13[%swap3A_93, %swap3A_94] {strides = array<i32>} : memref<10x64xi32, #tpu.memory_space<vmem>>, vector<16xi32>,
    tpu.vector_store %arg13[%swap3A_93, %swap3A_94], %add3A_91 {strides = array<i32>} : memref<10x64xi32, #tpu.memory_space<vmem>>, vector<16xi32>,
    %mul3A_96 = arith.constant 640 : i32
    %mul3A_97 = arith.muli %arg1, %mul3A_96 : i32
    %add3A_98 = arith.constant 128 : i32
    %add3A_99 = arith.addi %mul3A_97, %add3A_98 : i32
    %add3A_100 = arith.constant 0 : i32
    %add3A_101 = arith.addi %add3A_99, %add3A_100 : i32
    %add3A_102 = vector.broadcast %add3A_101 : i32 to vector<16xi32>
    %add3A_103 = arith.addi %add3A_102, %iota3A : vector<16xi32>
    %swap3A_104 = arith.constant 2 : i32
    %swap3A_105 = arith.index_cast %swap3A_104 : i32 to index
    %swap3A_106 = arith.constant 0 : index
    %swap3A_107 = tpu.vector_load %arg13[%swap3A_105, %swap3A_106] {strides = array<i32>} : memref<10x64xi32, #tpu.memory_space<vmem>>, vector<16xi32>,
    tpu.vector_store %arg13[%swap3A_105, %swap3A_106], %add3A_103 {strides = array<i32>} : memref<10x64xi32, #tpu.memory_space<vmem>>, vector<16xi32>,
    %mul3A_108 = arith.constant 640 : i32
    %mul3A_109 = arith.muli %arg1, %mul3A_108 : i32
    %add3A_110 = arith.constant 128 : i32
    %add3A_111 = arith.addi %mul3A_109, %add3A_110 : i32
    %add3A_112 = arith.constant 16 : i32
    %add3A_113 = arith.addi %add3A_111, %add3A_112 : i32
    %add3A_114 = vector.broadcast %add3A_113 : i32 to vector<16xi32>
    %add3A_115 = arith.addi %add3A_114, %iota3A : vector<16xi32>
    %swap3A_116 = arith.constant 2 : i32
    %swap3A_117 = arith.index_cast %swap3A_116 : i32 to index
    %swap3A_118 = arith.constant 16 : index
    %swap3A_119 = tpu.vector_load %arg13[%swap3A_117, %swap3A_118] {strides = array<i32>} : memref<10x64xi32, #tpu.memory_space<vmem>>, vector<16xi32>,
    tpu.vector_store %arg13[%swap3A_117, %swap3A_118], %add3A_115 {strides = array<i32>} : memref<10x64xi32, #tpu.memory_space<vmem>>, vector<16xi32>,
    %mul3A_120 = arith.constant 640 : i32
    %mul3A_121 = arith.muli %arg1, %mul3A_120 : i32
    %add3A_122 = arith.constant 128 : i32
    %add3A_123 = arith.addi %mul3A_121, %add3A_122 : i32
    %add3A_124 = arith.constant 32 : i32
    %add3A_125 = arith.addi %add3A_123, %add3A_124 : i32
    %add3A_126 = vector.broadcast %add3A_125 : i32 to vector<16xi32>
    %add3A_127 = arith.addi %add3A_126, %iota3A : vector<16xi32>
    %swap3A_128 = arith.constant 2 : i32
    %swap3A_129 = arith.index_cast %swap3A_128 : i32 to index
    %swap3A_130 = arith.constant 32 : index
    %swap3A_131 = tpu.vector_load %arg13[%swap3A_129, %swap3A_130] {strides = array<i32>} : memref<10x64xi32, #tpu.memory_space<vmem>>, vector<16xi32>,
    tpu.vector_store %arg13[%swap3A_129, %swap3A_130], %add3A_127 {strides = array<i32>} : memref<10x64xi32, #tpu.memory_space<vmem>>, vector<16xi32>,
    %mul3A_132 = arith.constant 640 : i32
    %mul3A_133 = arith.muli %arg1, %mul3A_132 : i32
    %add3A_134 = arith.constant 128 : i32
    %add3A_135 = arith.addi %mul3A_133, %add3A_134 : i32
    %add3A_136 = arith.constant 48 : i32
    %add3A_137 = arith.addi %add3A_135, %add3A_136 : i32
    %add3A_138 = vector.broadcast %add3A_137 : i32 to vector<16xi32>
    %add3A_139 = arith.addi %add3A_138, %iota3A : vector<16xi32>
    %swap3A_140 = arith.constant 2 : i32
    %swap3A_141 = arith.index_cast %swap3A_140 : i32 to index
    %swap3A_142 = arith.constant 48 : index
    %swap3A_143 = tpu.vector_load %arg13[%swap3A_141, %swap3A_142] {strides = array<i32>} : memref<10x64xi32, #tpu.memory_space<vmem>>, vector<16xi32>,
    tpu.vector_store %arg13[%swap3A_141, %swap3A_142], %add3A_139 {strides = array<i32>} : memref<10x64xi32, #tpu.memory_space<vmem>>, vector<16xi32>,
    %mul3A_144 = arith.constant 640 : i32
    %mul3A_145 = arith.muli %arg1, %mul3A_144 : i32
    %add3A_146 = arith.constant 192 : i32
    %add3A_147 = arith.addi %mul3A_145, %add3A_146 : i32
    %add3A_148 = arith.constant 0 : i32
    %add3A_149 = arith.addi %add3A_147, %add3A_148 : i32
    %add3A_150 = vector.broadcast %add3A_149 : i32 to vector<16xi32>
    %add3A_151 = arith.addi %add3A_150, %iota3A : vector<16xi32>
    %swap3A_152 = arith.constant 3 : i32
    %swap3A_153 = arith.index_cast %swap3A_152 : i32 to index
    %swap3A_154 = arith.constant 0 : index
    %swap3A_155 = tpu.vector_load %arg13[%swap3A_153, %swap3A_154] {strides = array<i32>} : memref<10x64xi32, #tpu.memory_space<vmem>>, vector<16xi32>,
    tpu.vector_store %arg13[%swap3A_153, %swap3A_154], %add3A_151 {strides = array<i32>} : memref<10x64xi32, #tpu.memory_space<vmem>>, vector<16xi32>,
    %mul3A_156 = arith.constant 640 : i32
    %mul3A_157 = arith.muli %arg1, %mul3A_156 : i32
    %add3A_158 = arith.constant 192 : i32
    %add3A_159 = arith.addi %mul3A_157, %add3A_158 : i32
    %add3A_160 = arith.constant 16 : i32
    %add3A_161 = arith.addi %add3A_159, %add3A_160 : i32
    %add3A_162 = vector.broadcast %add3A_161 : i32 to vector<16xi32>
    %add3A_163 = arith.addi %add3A_162, %iota3A : vector<16xi32>
    %swap3A_164 = arith.constant 3 : i32
    %swap3A_165 = arith.index_cast %swap3A_164 : i32 to index
    %swap3A_166 = arith.constant 16 : index
    %swap3A_167 = tpu.vector_load %arg13[%swap3A_165, %swap3A_166] {strides = array<i32>} : memref<10x64xi32, #tpu.memory_space<vmem>>, vector<16xi32>,
    tpu.vector_store %arg13[%swap3A_165, %swap3A_166], %add3A_163 {strides = array<i32>} : memref<10x64xi32, #tpu.memory_space<vmem>>, vector<16xi32>,
    %mul3A_168 = arith.constant 640 : i32
    %mul3A_169 = arith.muli %arg1, %mul3A_168 : i32
    %add3A_170 = arith.constant 192 : i32
    %add3A_171 = arith.addi %mul3A_169, %add3A_170 : i32
    %add3A_172 = arith.constant 32 : i32
    %add3A_173 = arith.addi %add3A_171, %add3A_172 : i32
    %add3A_174 = vector.broadcast %add3A_173 : i32 to vector<16xi32>
    %add3A_175 = arith.addi %add3A_174, %iota3A : vector<16xi32>
    %swap3A_176 = arith.constant 3 : i32
    %swap3A_177 = arith.index_cast %swap3A_176 : i32 to index
    %swap3A_178 = arith.constant 32 : index
    %swap3A_179 = tpu.vector_load %arg13[%swap3A_177, %swap3A_178] {strides = array<i32>} : memref<10x64xi32, #tpu.memory_space<vmem>>, vector<16xi32>,
    tpu.vector_store %arg13[%swap3A_177, %swap3A_178], %add3A_175 {strides = array<i32>} : memref<10x64xi32, #tpu.memory_space<vmem>>, vector<16xi32>,
    %mul3A_180 = arith.constant 640 : i32
    %mul3A_181 = arith.muli %arg1, %mul3A_180 : i32
    %add3A_182 = arith.constant 192 : i32
    %add3A_183 = arith.addi %mul3A_181, %add3A_182 : i32
    %add3A_184 = arith.constant 48 : i32
    %add3A_185 = arith.addi %add3A_183, %add3A_184 : i32
    %add3A_186 = vector.broadcast %add3A_185 : i32 to vector<16xi32>
    %add3A_187 = arith.addi %add3A_186, %iota3A : vector<16xi32>
    %swap3A_188 = arith.constant 3 : i32
    %swap3A_189 = arith.index_cast %swap3A_188 : i32 to index
    %swap3A_190 = arith.constant 48 : index
    %swap3A_191 = tpu.vector_load %arg13[%swap3A_189, %swap3A_190] {strides = array<i32>} : memref<10x64xi32, #tpu.memory_space<vmem>>, vector<16xi32>,
    tpu.vector_store %arg13[%swap3A_189, %swap3A_190], %add3A_187 {strides = array<i32>} : memref<10x64xi32, #tpu.memory_space<vmem>>, vector<16xi32>,
    %mul3A_192 = arith.constant 640 : i32
    %mul3A_193 = arith.muli %arg1, %mul3A_192 : i32
    %add3A_194 = arith.constant 256 : i32
    %add3A_195 = arith.addi %mul3A_193, %add3A_194 : i32
    %add3A_196 = arith.constant 0 : i32
    %add3A_197 = arith.addi %add3A_195, %add3A_196 : i32
    %add3A_198 = vector.broadcast %add3A_197 : i32 to vector<16xi32>
    %add3A_199 = arith.addi %add3A_198, %iota3A : vector<16xi32>
    %swap3A_200 = arith.constant 4 : i32
    %swap3A_201 = arith.index_cast %swap3A_200 : i32 to index
    %swap3A_202 = arith.constant 0 : index
    %swap3A_203 = tpu.vector_load %arg13[%swap3A_201, %swap3A_202] {strides = array<i32>} : memref<10x64xi32, #tpu.memory_space<vmem>>, vector<16xi32>,
    tpu.vector_store %arg13[%swap3A_201, %swap3A_202], %add3A_199 {strides = array<i32>} : memref<10x64xi32, #tpu.memory_space<vmem>>, vector<16xi32>,
    %mul3A_204 = arith.constant 640 : i32
    %mul3A_205 = arith.muli %arg1, %mul3A_204 : i32
    %add3A_206 = arith.constant 256 : i32
    %add3A_207 = arith.addi %mul3A_205, %add3A_206 : i32
    %add3A_208 = arith.constant 16 : i32
    %add3A_209 = arith.addi %add3A_207, %add3A_208 : i32
    %add3A_210 = vector.broadcast %add3A_209 : i32 to vector<16xi32>
    %add3A_211 = arith.addi %add3A_210, %iota3A : vector<16xi32>
    %swap3A_212 = arith.constant 4 : i32
    %swap3A_213 = arith.index_cast %swap3A_212 : i32 to index
    %swap3A_214 = arith.constant 16 : index
    %swap3A_215 = tpu.vector_load %arg13[%swap3A_213, %swap3A_214] {strides = array<i32>} : memref<10x64xi32, #tpu.memory_space<vmem>>, vector<16xi32>,
    tpu.vector_store %arg13[%swap3A_213, %swap3A_214], %add3A_211 {strides = array<i32>} : memref<10x64xi32, #tpu.memory_space<vmem>>, vector<16xi32>,
    %mul3A_216 = arith.constant 640 : i32
    %mul3A_217 = arith.muli %arg1, %mul3A_216 : i32
    %add3A_218 = arith.constant 256 : i32
    %add3A_219 = arith.addi %mul3A_217, %add3A_218 : i32
    %add3A_220 = arith.constant 32 : i32
    %add3A_221 = arith.addi %add3A_219, %add3A_220 : i32
    %add3A_222 = vector.broadcast %add3A_221 : i32 to vector<16xi32>
    %add3A_223 = arith.addi %add3A_222, %iota3A : vector<16xi32>
    %swap3A_224 = arith.constant 4 : i32
    %swap3A_225 = arith.index_cast %swap3A_224 : i32 to index
    %swap3A_226 = arith.constant 32 : index
    %swap3A_227 = tpu.vector_load %arg13[%swap3A_225, %swap3A_226] {strides = array<i32>} : memref<10x64xi32, #tpu.memory_space<vmem>>, vector<16xi32>,
    tpu.vector_store %arg13[%swap3A_225, %swap3A_226], %add3A_223 {strides = array<i32>} : memref<10x64xi32, #tpu.memory_space<vmem>>, vector<16xi32>,
    %mul3A_228 = arith.constant 640 : i32
    %mul3A_229 = arith.muli %arg1, %mul3A_228 : i32
    %add3A_230 = arith.constant 256 : i32
    %add3A_231 = arith.addi %mul3A_229, %add3A_230 : i32
    %add3A_232 = arith.constant 48 : i32
    %add3A_233 = arith.addi %add3A_231, %add3A_232 : i32
    %add3A_234 = vector.broadcast %add3A_233 : i32 to vector<16xi32>
    %add3A_235 = arith.addi %add3A_234, %iota3A : vector<16xi32>
    %swap3A_236 = arith.constant 4 : i32
    %swap3A_237 = arith.index_cast %swap3A_236 : i32 to index
    %swap3A_238 = arith.constant 48 : index
    %swap3A_239 = tpu.vector_load %arg13[%swap3A_237, %swap3A_238] {strides = array<i32>} : memref<10x64xi32, #tpu.memory_space<vmem>>, vector<16xi32>,
    tpu.vector_store %arg13[%swap3A_237, %swap3A_238], %add3A_235 {strides = array<i32>} : memref<10x64xi32, #tpu.memory_space<vmem>>, vector<16xi32>,
    %mul3A_240 = arith.constant 640 : i32
    %mul3A_241 = arith.muli %arg1, %mul3A_240 : i32
    %add3A_242 = arith.constant 320 : i32
    %add3A_243 = arith.addi %mul3A_241, %add3A_242 : i32
    %add3A_244 = arith.constant 0 : i32
    %add3A_245 = arith.addi %add3A_243, %add3A_244 : i32
    %add3A_246 = vector.broadcast %add3A_245 : i32 to vector<16xi32>
    %add3A_247 = arith.addi %add3A_246, %iota3A : vector<16xi32>
    %swap3A_248 = arith.constant 5 : i32
    %swap3A_249 = arith.index_cast %swap3A_248 : i32 to index
    %swap3A_250 = arith.constant 0 : index
    %swap3A_251 = tpu.vector_load %arg13[%swap3A_249, %swap3A_250] {strides = array<i32>} : memref<10x64xi32, #tpu.memory_space<vmem>>, vector<16xi32>,
    tpu.vector_store %arg13[%swap3A_249, %swap3A_250], %add3A_247 {strides = array<i32>} : memref<10x64xi32, #tpu.memory_space<vmem>>, vector<16xi32>,
    %mul3A_252 = arith.constant 640 : i32
    %mul3A_253 = arith.muli %arg1, %mul3A_252 : i32
    %add3A_254 = arith.constant 320 : i32
    %add3A_255 = arith.addi %mul3A_253, %add3A_254 : i32
    %add3A_256 = arith.constant 16 : i32
    %add3A_257 = arith.addi %add3A_255, %add3A_256 : i32
    %add3A_258 = vector.broadcast %add3A_257 : i32 to vector<16xi32>
    %add3A_259 = arith.addi %add3A_258, %iota3A : vector<16xi32>
    %swap3A_260 = arith.constant 5 : i32
    %swap3A_261 = arith.index_cast %swap3A_260 : i32 to index
    %swap3A_262 = arith.constant 16 : index
    %swap3A_263 = tpu.vector_load %arg13[%swap3A_261, %swap3A_262] {strides = array<i32>} : memref<10x64xi32, #tpu.memory_space<vmem>>, vector<16xi32>,
    tpu.vector_store %arg13[%swap3A_261, %swap3A_262], %add3A_259 {strides = array<i32>} : memref<10x64xi32, #tpu.memory_space<vmem>>, vector<16xi32>,
    %mul3A_264 = arith.constant 640 : i32
    %mul3A_265 = arith.muli %arg1, %mul3A_264 : i32
    %add3A_266 = arith.constant 320 : i32
    %add3A_267 = arith.addi %mul3A_265, %add3A_266 : i32
    %add3A_268 = arith.constant 32 : i32
    %add3A_269 = arith.addi %add3A_267, %add3A_268 : i32
    %add3A_270 = vector.broadcast %add3A_269 : i32 to vector<16xi32>
    %add3A_271 = arith.addi %add3A_270, %iota3A : vector<16xi32>
    %swap3A_272 = arith.constant 5 : i32
    %swap3A_273 = arith.index_cast %swap3A_272 : i32 to index
    %swap3A_274 = arith.constant 32 : index
    %swap3A_275 = tpu.vector_load %arg13[%swap3A_273, %swap3A_274] {strides = array<i32>} : memref<10x64xi32, #tpu.memory_space<vmem>>, vector<16xi32>,
    tpu.vector_store %arg13[%swap3A_273, %swap3A_274], %add3A_271 {strides = array<i32>} : memref<10x64xi32, #tpu.memory_space<vmem>>, vector<16xi32>,
    %mul3A_276 = arith.constant 640 : i32
    %mul3A_277 = arith.muli %arg1, %mul3A_276 : i32
    %add3A_278 = arith.constant 320 : i32
    %add3A_279 = arith.addi %mul3A_277, %add3A_278 : i32
    %add3A_280 = arith.constant 48 : i32
    %add3A_281 = arith.addi %add3A_279, %add3A_280 : i32
    %add3A_282 = vector.broadcast %add3A_281 : i32 to vector<16xi32>
    %add3A_283 = arith.addi %add3A_282, %iota3A : vector<16xi32>
    %swap3A_284 = arith.constant 5 : i32
    %swap3A_285 = arith.index_cast %swap3A_284 : i32 to index
    %swap3A_286 = arith.constant 48 : index
    %swap3A_287 = tpu.vector_load %arg13[%swap3A_285, %swap3A_286] {strides = array<i32>} : memref<10x64xi32, #tpu.memory_space<vmem>>, vector<16xi32>,
    tpu.vector_store %arg13[%swap3A_285, %swap3A_286], %add3A_283 {strides = array<i32>} : memref<10x64xi32, #tpu.memory_space<vmem>>, vector<16xi32>,
    %mul3A_288 = arith.constant 640 : i32
    %mul3A_289 = arith.muli %arg1, %mul3A_288 : i32
    %add3A_290 = arith.constant 384 : i32
    %add3A_291 = arith.addi %mul3A_289, %add3A_290 : i32
    %add3A_292 = arith.constant 0 : i32
    %add3A_293 = arith.addi %add3A_291, %add3A_292 : i32
    %add3A_294 = vector.broadcast %add3A_293 : i32 to vector<16xi32>
    %add3A_295 = arith.addi %add3A_294, %iota3A : vector<16xi32>
    %swap3A_296 = arith.constant 6 : i32
    %swap3A_297 = arith.index_cast %swap3A_296 : i32 to index
    %swap3A_298 = arith.constant 0 : index
    %swap3A_299 = tpu.vector_load %arg13[%swap3A_297, %swap3A_298] {strides = array<i32>} : memref<10x64xi32, #tpu.memory_space<vmem>>, vector<16xi32>,
    tpu.vector_store %arg13[%swap3A_297, %swap3A_298], %add3A_295 {strides = array<i32>} : memref<10x64xi32, #tpu.memory_space<vmem>>, vector<16xi32>,
    %mul3A_300 = arith.constant 640 : i32
    %mul3A_301 = arith.muli %arg1, %mul3A_300 : i32
    %add3A_302 = arith.constant 384 : i32
    %add3A_303 = arith.addi %mul3A_301, %add3A_302 : i32
    %add3A_304 = arith.constant 16 : i32
    %add3A_305 = arith.addi %add3A_303, %add3A_304 : i32
    %add3A_306 = vector.broadcast %add3A_305 : i32 to vector<16xi32>
    %add3A_307 = arith.addi %add3A_306, %iota3A : vector<16xi32>
    %swap3A_308 = arith.constant 6 : i32
    %swap3A_309 = arith.index_cast %swap3A_308 : i32 to index
    %swap3A_310 = arith.constant 16 : index
    %swap3A_311 = tpu.vector_load %arg13[%swap3A_309, %swap3A_310] {strides = array<i32>} : memref<10x64xi32, #tpu.memory_space<vmem>>, vector<16xi32>,
    tpu.vector_store %arg13[%swap3A_309, %swap3A_310], %add3A_307 {strides = array<i32>} : memref<10x64xi32, #tpu.memory_space<vmem>>, vector<16xi32>,
    %mul3A_312 = arith.constant 640 : i32
    %mul3A_313 = arith.muli %arg1, %mul3A_312 : i32
    %add3A_314 = arith.constant 384 : i32
    %add3A_315 = arith.addi %mul3A_313, %add3A_314 : i32
    %add3A_316 = arith.constant 32 : i32
    %add3A_317 = arith.addi %add3A_315, %add3A_316 : i32
    %add3A_318 = vector.broadcast %add3A_317 : i32 to vector<16xi32>
    %add3A_319 = arith.addi %add3A_318, %iota3A : vector<16xi32>
    %swap3A_320 = arith.constant 6 : i32
    %swap3A_321 = arith.index_cast %swap3A_320 : i32 to index
    %swap3A_322 = arith.constant 32 : index
    %swap3A_323 = tpu.vector_load %arg13[%swap3A_321, %swap3A_322] {strides = array<i32>} : memref<10x64xi32, #tpu.memory_space<vmem>>, vector<16xi32>,
    tpu.vector_store %arg13[%swap3A_321, %swap3A_322], %add3A_319 {strides = array<i32>} : memref<10x64xi32, #tpu.memory_space<vmem>>, vector<16xi32>,
    %mul3A_324 = arith.constant 640 : i32
    %mul3A_325 = arith.muli %arg1, %mul3A_324 : i32
    %add3A_326 = arith.constant 384 : i32
    %add3A_327 = arith.addi %mul3A_325, %add3A_326 : i32
    %add3A_328 = arith.constant 48 : i32
    %add3A_329 = arith.addi %add3A_327, %add3A_328 : i32
    %add3A_330 = vector.broadcast %add3A_329 : i32 to vector<16xi32>
    %add3A_331 = arith.addi %add3A_330, %iota3A : vector<16xi32>
    %swap3A_332 = arith.constant 6 : i32
    %swap3A_333 = arith.index_cast %swap3A_332 : i32 to index
    %swap3A_334 = arith.constant 48 : index
    %swap3A_335 = tpu.vector_load %arg13[%swap3A_333, %swap3A_334] {strides = array<i32>} : memref<10x64xi32, #tpu.memory_space<vmem>>, vector<16xi32>,
    tpu.vector_store %arg13[%swap3A_333, %swap3A_334], %add3A_331 {strides = array<i32>} : memref<10x64xi32, #tpu.memory_space<vmem>>, vector<16xi32>,
    %mul3A_336 = arith.constant 640 : i32
    %mul3A_337 = arith.muli %arg1, %mul3A_336 : i32
    %add3A_338 = arith.constant 448 : i32
    %add3A_339 = arith.addi %mul3A_337, %add3A_338 : i32
    %add3A_340 = arith.constant 0 : i32
    %add3A_341 = arith.addi %add3A_339, %add3A_340 : i32
    %add3A_342 = vector.broadcast %add3A_341 : i32 to vector<16xi32>
    %add3A_343 = arith.addi %add3A_342, %iota3A : vector<16xi32>
    %swap3A_344 = arith.constant 7 : i32
    %swap3A_345 = arith.index_cast %swap3A_344 : i32 to index
    %swap3A_346 = arith.constant 0 : index
    %swap3A_347 = tpu.vector_load %arg13[%swap3A_345, %swap3A_346] {strides = array<i32>} : memref<10x64xi32, #tpu.memory_space<vmem>>, vector<16xi32>,
    tpu.vector_store %arg13[%swap3A_345, %swap3A_346], %add3A_343 {strides = array<i32>} : memref<10x64xi32, #tpu.memory_space<vmem>>, vector<16xi32>,
    %mul3A_348 = arith.constant 640 : i32
    %mul3A_349 = arith.muli %arg1, %mul3A_348 : i32
    %add3A_350 = arith.constant 448 : i32
    %add3A_351 = arith.addi %mul3A_349, %add3A_350 : i32
    %add3A_352 = arith.constant 16 : i32
    %add3A_353 = arith.addi %add3A_351, %add3A_352 : i32
    %add3A_354 = vector.broadcast %add3A_353 : i32 to vector<16xi32>
    %add3A_355 = arith.addi %add3A_354, %iota3A : vector<16xi32>
    %swap3A_356 = arith.constant 7 : i32
    %swap3A_357 = arith.index_cast %swap3A_356 : i32 to index
    %swap3A_358 = arith.constant 16 : index
    %swap3A_359 = tpu.vector_load %arg13[%swap3A_357, %swap3A_358] {strides = array<i32>} : memref<10x64xi32, #tpu.memory_space<vmem>>, vector<16xi32>,
    tpu.vector_store %arg13[%swap3A_357, %swap3A_358], %add3A_355 {strides = array<i32>} : memref<10x64xi32, #tpu.memory_space<vmem>>, vector<16xi32>,
    %mul3A_360 = arith.constant 640 : i32
    %mul3A_361 = arith.muli %arg1, %mul3A_360 : i32
    %add3A_362 = arith.constant 448 : i32
    %add3A_363 = arith.addi %mul3A_361, %add3A_362 : i32
    %add3A_364 = arith.constant 32 : i32
    %add3A_365 = arith.addi %add3A_363, %add3A_364 : i32
    %add3A_366 = vector.broadcast %add3A_365 : i32 to vector<16xi32>
    %add3A_367 = arith.addi %add3A_366, %iota3A : vector<16xi32>
    %swap3A_368 = arith.constant 7 : i32
    %swap3A_369 = arith.index_cast %swap3A_368 : i32 to index
    %swap3A_370 = arith.constant 32 : index
    %swap3A_371 = tpu.vector_load %arg13[%swap3A_369, %swap3A_370] {strides = array<i32>} : memref<10x64xi32, #tpu.memory_space<vmem>>, vector<16xi32>,
    tpu.vector_store %arg13[%swap3A_369, %swap3A_370], %add3A_367 {strides = array<i32>} : memref<10x64xi32, #tpu.memory_space<vmem>>, vector<16xi32>,
    %mul3A_372 = arith.constant 640 : i32
    %mul3A_373 = arith.muli %arg1, %mul3A_372 : i32
    %add3A_374 = arith.constant 448 : i32
    %add3A_375 = arith.addi %mul3A_373, %add3A_374 : i32
    %add3A_376 = arith.constant 48 : i32
    %add3A_377 = arith.addi %add3A_375, %add3A_376 : i32
    %add3A_378 = vector.broadcast %add3A_377 : i32 to vector<16xi32>
    %add3A_379 = arith.addi %add3A_378, %iota3A : vector<16xi32>
    %swap3A_380 = arith.constant 7 : i32
    %swap3A_381 = arith.index_cast %swap3A_380 : i32 to index
    %swap3A_382 = arith.constant 48 : index
    %swap3A_383 = tpu.vector_load %arg13[%swap3A_381, %swap3A_382] {strides = array<i32>} : memref<10x64xi32, #tpu.memory_space<vmem>>, vector<16xi32>,
    tpu.vector_store %arg13[%swap3A_381, %swap3A_382], %add3A_379 {strides = array<i32>} : memref<10x64xi32, #tpu.memory_space<vmem>>, vector<16xi32>,
    %mul3A_384 = arith.constant 640 : i32
    %mul3A_385 = arith.muli %arg1, %mul3A_384 : i32
    %add3A_386 = arith.constant 512 : i32
    %add3A_387 = arith.addi %mul3A_385, %add3A_386 : i32
    %add3A_388 = arith.constant 0 : i32
    %add3A_389 = arith.addi %add3A_387, %add3A_388 : i32
    %add3A_390 = vector.broadcast %add3A_389 : i32 to vector<16xi32>
    %add3A_391 = arith.addi %add3A_390, %iota3A : vector<16xi32>
    %swap3A_392 = arith.constant 8 : i32
    %swap3A_393 = arith.index_cast %swap3A_392 : i32 to index
    %swap3A_394 = arith.constant 0 : index
    %swap3A_395 = tpu.vector_load %arg13[%swap3A_393, %swap3A_394] {strides = array<i32>} : memref<10x64xi32, #tpu.memory_space<vmem>>, vector<16xi32>,
    tpu.vector_store %arg13[%swap3A_393, %swap3A_394], %add3A_391 {strides = array<i32>} : memref<10x64xi32, #tpu.memory_space<vmem>>, vector<16xi32>,
    %mul3A_396 = arith.constant 640 : i32
    %mul3A_397 = arith.muli %arg1, %mul3A_396 : i32
    %add3A_398 = arith.constant 512 : i32
    %add3A_399 = arith.addi %mul3A_397, %add3A_398 : i32
    %add3A_400 = arith.constant 16 : i32
    %add3A_401 = arith.addi %add3A_399, %add3A_400 : i32
    %add3A_402 = vector.broadcast %add3A_401 : i32 to vector<16xi32>
    %add3A_403 = arith.addi %add3A_402, %iota3A : vector<16xi32>
    %swap3A_404 = arith.constant 8 : i32
    %swap3A_405 = arith.index_cast %swap3A_404 : i32 to index
    %swap3A_406 = arith.constant 16 : index
    %swap3A_407 = tpu.vector_load %arg13[%swap3A_405, %swap3A_406] {strides = array<i32>} : memref<10x64xi32, #tpu.memory_space<vmem>>, vector<16xi32>,
    tpu.vector_store %arg13[%swap3A_405, %swap3A_406], %add3A_403 {strides = array<i32>} : memref<10x64xi32, #tpu.memory_space<vmem>>, vector<16xi32>,
    %mul3A_408 = arith.constant 640 : i32
    %mul3A_409 = arith.muli %arg1, %mul3A_408 : i32
    %add3A_410 = arith.constant 512 : i32
    %add3A_411 = arith.addi %mul3A_409, %add3A_410 : i32
    %add3A_412 = arith.constant 32 : i32
    %add3A_413 = arith.addi %add3A_411, %add3A_412 : i32
    %add3A_414 = vector.broadcast %add3A_413 : i32 to vector<16xi32>
    %add3A_415 = arith.addi %add3A_414, %iota3A : vector<16xi32>
    %swap3A_416 = arith.constant 8 : i32
    %swap3A_417 = arith.index_cast %swap3A_416 : i32 to index
    %swap3A_418 = arith.constant 32 : index
    %swap3A_419 = tpu.vector_load %arg13[%swap3A_417, %swap3A_418] {strides = array<i32>} : memref<10x64xi32, #tpu.memory_space<vmem>>, vector<16xi32>,
    tpu.vector_store %arg13[%swap3A_417, %swap3A_418], %add3A_415 {strides = array<i32>} : memref<10x64xi32, #tpu.memory_space<vmem>>, vector<16xi32>,
    %mul3A_420 = arith.constant 640 : i32
    %mul3A_421 = arith.muli %arg1, %mul3A_420 : i32
    %add3A_422 = arith.constant 512 : i32
    %add3A_423 = arith.addi %mul3A_421, %add3A_422 : i32
    %add3A_424 = arith.constant 48 : i32
    %add3A_425 = arith.addi %add3A_423, %add3A_424 : i32
    %add3A_426 = vector.broadcast %add3A_425 : i32 to vector<16xi32>
    %add3A_427 = arith.addi %add3A_426, %iota3A : vector<16xi32>
    %swap3A_428 = arith.constant 8 : i32
    %swap3A_429 = arith.index_cast %swap3A_428 : i32 to index
    %swap3A_430 = arith.constant 48 : index
    %swap3A_431 = tpu.vector_load %arg13[%swap3A_429, %swap3A_430] {strides = array<i32>} : memref<10x64xi32, #tpu.memory_space<vmem>>, vector<16xi32>,
    tpu.vector_store %arg13[%swap3A_429, %swap3A_430], %add3A_427 {strides = array<i32>} : memref<10x64xi32, #tpu.memory_space<vmem>>, vector<16xi32>,
    %mul3A_432 = arith.constant 640 : i32
    %mul3A_433 = arith.muli %arg1, %mul3A_432 : i32
    %add3A_434 = arith.constant 576 : i32
    %add3A_435 = arith.addi %mul3A_433, %add3A_434 : i32
    %add3A_436 = arith.constant 0 : i32
    %add3A_437 = arith.addi %add3A_435, %add3A_436 : i32
    %add3A_438 = vector.broadcast %add3A_437 : i32 to vector<16xi32>
    %add3A_439 = arith.addi %add3A_438, %iota3A : vector<16xi32>
    %swap3A_440 = arith.constant 9 : i32
    %swap3A_441 = arith.index_cast %swap3A_440 : i32 to index
    %swap3A_442 = arith.constant 0 : index
    %swap3A_443 = tpu.vector_load %arg13[%swap3A_441, %swap3A_442] {strides = array<i32>} : memref<10x64xi32, #tpu.memory_space<vmem>>, vector<16xi32>,
    tpu.vector_store %arg13[%swap3A_441, %swap3A_442], %add3A_439 {strides = array<i32>} : memref<10x64xi32, #tpu.memory_space<vmem>>, vector<16xi32>,
    %mul3A_444 = arith.constant 640 : i32
    %mul3A_445 = arith.muli %arg1, %mul3A_444 : i32
    %add3A_446 = arith.constant 576 : i32
    %add3A_447 = arith.addi %mul3A_445, %add3A_446 : i32
    %add3A_448 = arith.constant 16 : i32
    %add3A_449 = arith.addi %add3A_447, %add3A_448 : i32
    %add3A_450 = vector.broadcast %add3A_449 : i32 to vector<16xi32>
    %add3A_451 = arith.addi %add3A_450, %iota3A : vector<16xi32>
    %swap3A_452 = arith.constant 9 : i32
    %swap3A_453 = arith.index_cast %swap3A_452 : i32 to index
    %swap3A_454 = arith.constant 16 : index
    %swap3A_455 = tpu.vector_load %arg13[%swap3A_453, %swap3A_454] {strides = array<i32>} : memref<10x64xi32, #tpu.memory_space<vmem>>, vector<16xi32>,
    tpu.vector_store %arg13[%swap3A_453, %swap3A_454], %add3A_451 {strides = array<i32>} : memref<10x64xi32, #tpu.memory_space<vmem>>, vector<16xi32>,
    %mul3A_456 = arith.constant 640 : i32
    %mul3A_457 = arith.muli %arg1, %mul3A_456 : i32
    %add3A_458 = arith.constant 576 : i32
    %add3A_459 = arith.addi %mul3A_457, %add3A_458 : i32
    %add3A_460 = arith.constant 32 : i32
    %add3A_461 = arith.addi %add3A_459, %add3A_460 : i32
    %add3A_462 = vector.broadcast %add3A_461 : i32 to vector<16xi32>
    %add3A_463 = arith.addi %add3A_462, %iota3A : vector<16xi32>
    %swap3A_464 = arith.constant 9 : i32
    %swap3A_465 = arith.index_cast %swap3A_464 : i32 to index
    %swap3A_466 = arith.constant 32 : index
    %swap3A_467 = tpu.vector_load %arg13[%swap3A_465, %swap3A_466] {strides = array<i32>} : memref<10x64xi32, #tpu.memory_space<vmem>>, vector<16xi32>,
    tpu.vector_store %arg13[%swap3A_465, %swap3A_466], %add3A_463 {strides = array<i32>} : memref<10x64xi32, #tpu.memory_space<vmem>>, vector<16xi32>,
    %mul3A_468 = arith.constant 640 : i32
    %mul3A_469 = arith.muli %arg1, %mul3A_468 : i32
    %add3A_470 = arith.constant 576 : i32
    %add3A_471 = arith.addi %mul3A_469, %add3A_470 : i32
    %add3A_472 = arith.constant 48 : i32
    %add3A_473 = arith.addi %add3A_471, %add3A_472 : i32
    %add3A_474 = vector.broadcast %add3A_473 : i32 to vector<16xi32>
    %add3A_475 = arith.addi %add3A_474, %iota3A : vector<16xi32>
    %swap3A_476 = arith.constant 9 : i32
    %swap3A_477 = arith.index_cast %swap3A_476 : i32 to index
    %swap3A_478 = arith.constant 48 : index
    %swap3A_479 = tpu.vector_load %arg13[%swap3A_477, %swap3A_478] {strides = array<i32>} : memref<10x64xi32, #tpu.memory_space<vmem>>, vector<16xi32>,
    tpu.vector_store %arg13[%swap3A_477, %swap3A_478], %add3A_475 {strides = array<i32>} : memref<10x64xi32, #tpu.memory_space<vmem>>, vector<16xi32>,
    "tpu.region"() ({
      %run_scoped3A_693 = tpu.sem_alloc : memref<!tpu.dma_semaphore, #tpu.memory_space<semaphore_mem>>
      %dma_start3A_694 = arith.constant 0 : i32
      %dma_start3A_695 = arith.constant 0 : i32
      %dma_start3A_696 = tpu.memref_slice %arg8[%dma_start3A_694, %dma_start3A_695] : memref<32x64xi32, #tpu.memory_space<vmem>> -> memref<16x64xi32, #tpu.memory_space<vmem>>
      %dma_start3A_697 = arith.constant 0 : i32
      %dma_start3A_698 = arith.constant 0 : i32
      %dma_start3A_699 = tpu.memref_slice %arg3[%add3A, %dma_start3A_697, %dma_start3A_698] : memref<32x160x64xi32, #tpu.memory_space<hbm>> -> memref<1x16x64xi32, #tpu.memory_space<hbm>>
      %dma_start3A_700 = tpu.memref_squeeze %dma_start3A_699 : memref<1x16x64xi32, #tpu.memory_space<hbm>> -> memref<16x64xi32, #tpu.memory_space<hbm>>
      %dma_start3A_701 = arith.constant 0 : i32
      %dma_start3A_702 = arith.constant 0 : i32
      %dma_start3A_703 = tpu.memref_slice %arg8[%dma_start3A_701, %dma_start3A_702] : memref<32x64xi32, #tpu.memory_space<vmem>> -> memref<16x64xi32, #tpu.memory_space<vmem>>
      %dma_start3A_704 = arith.constant 0 : i32
      %dma_start3A_705 = arith.constant 0 : i32
      %dma_start3A_706 = tpu.memref_slice %arg3[%add3A, %dma_start3A_704, %dma_start3A_705] : memref<32x160x64xi32, #tpu.memory_space<hbm>> -> memref<1x16x64xi32, #tpu.memory_space<hbm>>
      %dma_start3A_707 = tpu.memref_squeeze %dma_start3A_706 : memref<1x16x64xi32, #tpu.memory_space<hbm>> -> memref<16x64xi32, #tpu.memory_space<hbm>>
      tpu.enqueue_dma source(%dma_start3A_707 : memref<16x64xi32, #tpu.memory_space<hbm>>) target(%dma_start3A_703 : memref<16x64xi32, #tpu.memory_space<vmem>>) target_semaphore(%run_scoped3A_693 : memref<!tpu.dma_semaphore, #tpu.memory_space<semaphore_mem>>)
      %dma_wait3A_708 = arith.constant 0 : i32
      %dma_wait3A_709 = arith.constant 0 : i32
      %dma_wait3A_710 = tpu.memref_slice %arg8[%dma_wait3A_708, %dma_wait3A_709] : memref<32x64xi32, #tpu.memory_space<vmem>> -> memref<16x64xi32, #tpu.memory_space<vmem>>
      %dma_wait3A_711 = arith.constant 0 : i32
      %dma_wait3A_712 = arith.constant 0 : i32
      %dma_wait3A_713 = tpu.memref_slice %arg3[%add3A, %dma_wait3A_711, %dma_wait3A_712] : memref<32x160x64xi32, #tpu.memory_space<hbm>> -> memref<1x16x64xi32, #tpu.memory_space<hbm>>
      %dma_wait3A_714 = tpu.memref_squeeze %dma_wait3A_713 : memref<1x16x64xi32, #tpu.memory_space<hbm>> -> memref<16x64xi32, #tpu.memory_space<hbm>>
      %dma_wait3A_715 = arith.constant 0 : i32
      %dma_wait3A_716 = arith.constant 0 : i32
      %dma_wait3A_717 = tpu.memref_slice %arg8[%dma_wait3A_715, %dma_wait3A_716] : memref<32x64xi32, #tpu.memory_space<vmem>> -> memref<16x64xi32, #tpu.memory_space<vmem>>
      %dma_wait3A_718 = arith.constant 0 : i32
      %dma_wait3A_719 = arith.constant 0 : i32
      %dma_wait3A_720 = tpu.memref_slice %arg3[%add3A, %dma_wait3A_718, %dma_wait3A_719] : memref<32x160x64xi32, #tpu.memory_space<hbm>> -> memref<1x16x64xi32, #tpu.memory_space<hbm>>
      %dma_wait3A_721 = tpu.memref_squeeze %dma_wait3A_720 : memref<1x16x64xi32, #tpu.memory_space<hbm>> -> memref<16x64xi32, #tpu.memory_space<hbm>>
      tpu.wait_dma2 semaphore(%run_scoped3A_693 : memref<!tpu.dma_semaphore, #tpu.memory_space<semaphore_mem>>) src(%dma_wait3A_721 : memref<16x64xi32, #tpu.memory_space<hbm>>) dst(%dma_wait3A_717 : memref<16x64xi32, #tpu.memory_space<vmem>>)
      tpu.yield
    }) : () -> ()
    "tpu.region"() ({
      %run_scoped3A_693 = tpu.sem_alloc : memref<!tpu.dma_semaphore, #tpu.memory_space<semaphore_mem>>
      %dma_start3A_694 = arith.constant 0 : i32
      %dma_start3A_695 = arith.constant 0 : i32
      %dma_start3A_696 = tpu.memref_slice %arg9[%dma_start3A_694, %dma_start3A_695] : memref<32x64xi32, #tpu.memory_space<vmem>> -> memref<16x64xi32, #tpu.memory_space<vmem>>
      %dma_start3A_697 = arith.constant 0 : i32
      %dma_start3A_698 = arith.constant 0 : i32
      %dma_start3A_699 = tpu.memref_slice %arg4[%add3A, %dma_start3A_697, %dma_start3A_698] : memref<32x160x64xi32, #tpu.memory_space<hbm>> -> memref<1x16x64xi32, #tpu.memory_space<hbm>>
      %dma_start3A_700 = tpu.memref_squeeze %dma_start3A_699 : memref<1x16x64xi32, #tpu.memory_space<hbm>> -> memref<16x64xi32, #tpu.memory_space<hbm>>
      %dma_start3A_701 = arith.constant 0 : i32
      %dma_start3A_702 = arith.constant 0 : i32
      %dma_start3A_703 = tpu.memref_slice %arg9[%dma_start3A_701, %dma_start3A_702] : memref<32x64xi32, #tpu.memory_space<vmem>> -> memref<16x64xi32, #tpu.memory_space<vmem>>
      %dma_start3A_704 = arith.constant 0 : i32
      %dma_start3A_705 = arith.constant 0 : i32
      %dma_start3A_706 = tpu.memref_slice %arg4[%add3A, %dma_start3A_704, %dma_start3A_705] : memref<32x160x64xi32, #tpu.memory_space<hbm>> -> memref<1x16x64xi32, #tpu.memory_space<hbm>>
      %dma_start3A_707 = tpu.memref_squeeze %dma_start3A_706 : memref<1x16x64xi32, #tpu.memory_space<hbm>> -> memref<16x64xi32, #tpu.memory_space<hbm>>
      tpu.enqueue_dma source(%dma_start3A_707 : memref<16x64xi32, #tpu.memory_space<hbm>>) target(%dma_start3A_703 : memref<16x64xi32, #tpu.memory_space<vmem>>) target_semaphore(%run_scoped3A_693 : memref<!tpu.dma_semaphore, #tpu.memory_space<semaphore_mem>>)
      %dma_wait3A_708 = arith.constant 0 : i32
      %dma_wait3A_709 = arith.constant 0 : i32
      %dma_wait3A_710 = tpu.memref_slice %arg9[%dma_wait3A_708, %dma_wait3A_709] : memref<32x64xi32, #tpu.memory_space<vmem>> -> memref<16x64xi32, #tpu.memory_space<vmem>>
      %dma_wait3A_711 = arith.constant 0 : i32
      %dma_wait3A_712 = arith.constant 0 : i32
      %dma_wait3A_713 = tpu.memref_slice %arg4[%add3A, %dma_wait3A_711, %dma_wait3A_712] : memref<32x160x64xi32, #tpu.memory_space<hbm>> -> memref<1x16x64xi32, #tpu.memory_space<hbm>>
      %dma_wait3A_714 = tpu.memref_squeeze %dma_wait3A_713 : memref<1x16x64xi32, #tpu.memory_space<hbm>> -> memref<16x64xi32, #tpu.memory_space<hbm>>
      %dma_wait3A_715 = arith.constant 0 : i32
      %dma_wait3A_716 = arith.constant 0 : i32
      %dma_wait3A_717 = tpu.memref_slice %arg9[%dma_wait3A_715, %dma_wait3A_716] : memref<32x64xi32, #tpu.memory_space<vmem>> -> memref<16x64xi32, #tpu.memory_space<vmem>>
      %dma_wait3A_718 = arith.constant 0 : i32
      %dma_wait3A_719 = arith.constant 0 : i32
      %dma_wait3A_720 = tpu.memref_slice %arg4[%add3A, %dma_wait3A_718, %dma_wait3A_719] : memref<32x160x64xi32, #tpu.memory_space<hbm>> -> memref<1x16x64xi32, #tpu.memory_space<hbm>>
      %dma_wait3A_721 = tpu.memref_squeeze %dma_wait3A_720 : memref<1x16x64xi32, #tpu.memory_space<hbm>> -> memref<16x64xi32, #tpu.memory_space<hbm>>
      tpu.wait_dma2 semaphore(%run_scoped3A_693 : memref<!tpu.dma_semaphore, #tpu.memory_space<semaphore_mem>>) src(%dma_wait3A_721 : memref<16x64xi32, #tpu.memory_space<hbm>>) dst(%dma_wait3A_717 : memref<16x64xi32, #tpu.memory_space<vmem>>)
      tpu.yield
    }) : () -> ()
    "tpu.region"() ({
      %run_scoped3A_693 = tpu.sem_alloc : memref<!tpu.dma_semaphore, #tpu.memory_space<semaphore_mem>>
      tpu.enqueue_dma source(%arg5 : memref<64x128xf32, #tpu.memory_space<hbm>>) target(%arg10 : memref<64x128xf32, #tpu.memory_space<vmem>>) target_semaphore(%run_scoped3A_693 : memref<!tpu.dma_semaphore, #tpu.memory_space<semaphore_mem>>)
      tpu.wait_dma2 semaphore(%run_scoped3A_693 : memref<!tpu.dma_semaphore, #tpu.memory_space<semaphore_mem>>) src(%arg5 : memref<64x128xf32, #tpu.memory_space<hbm>>) dst(%arg10 : memref<64x128xf32, #tpu.memory_space<vmem>>)
      tpu.yield
    }) : () -> ()
    %run_scoped3A = arith.constant 0 : i32
    "tpu.region"() ({
      %run_scoped3A_693 = tpu.sem_alloc : memref<!tpu.dma_semaphore, #tpu.memory_space<semaphore_mem>>
      %dma_start3A_694 = arith.constant 0 : i32
      %dma_start3A_695 = tpu.memref_slice %arg13[%run_scoped3A, %dma_start3A_694] : memref<10x64xi32, #tpu.memory_space<vmem>> -> memref<1x64xi32, #tpu.memory_space<vmem>>
      %dma_start3A_696 = tpu.memref_squeeze %dma_start3A_695 : memref<1x64xi32, #tpu.memory_space<vmem>> -> memref<64xi32, #tpu.memory_space<vmem>>
      %dma_start3A_697 = arith.constant 0 : i32
      %dma_start3A_698 = arith.constant 0 : i32
      %dma_start3A_699 = tpu.memref_slice %arg16[%dma_start3A_697, %dma_start3A_698] : memref<10240x128xf32, #tpu.memory_space<vmem_shared>> -> memref<10240x128xf32, #tpu.memory_space<vmem_shared>>
      tpu.enqueue_indirect_dma source(%arg10 : memref<64x128xf32, #tpu.memory_space<vmem>>) target(%dma_start3A_699 : memref<10240x128xf32, #tpu.memory_space<vmem_shared>>) offsets(%dma_start3A_696 : memref<64xi32, #tpu.memory_space<vmem>>) semaphore(%run_scoped3A_693 : memref<!tpu.dma_semaphore, #tpu.memory_space<semaphore_mem>>)
      %dma_wait3A_700 = arith.constant 0 : i32
      %dma_wait3A_701 = tpu.memref_slice %arg13[%run_scoped3A, %dma_wait3A_700] : memref<10x64xi32, #tpu.memory_space<vmem>> -> memref<1x64xi32, #tpu.memory_space<vmem>>
      %dma_wait3A_702 = tpu.memref_squeeze %dma_wait3A_701 : memref<1x64xi32, #tpu.memory_space<vmem>> -> memref<64xi32, #tpu.memory_space<vmem>>
      %dma_wait3A_703 = arith.constant 0 : i32
      %dma_wait3A_704 = arith.constant 0 : i32
      %dma_wait3A_705 = tpu.memref_slice %arg16[%dma_wait3A_703, %dma_wait3A_704] : memref<10240x128xf32, #tpu.memory_space<vmem_shared>> -> memref<10240x128xf32, #tpu.memory_space<vmem_shared>>
      tpu.wait_indirect_dma semaphore(%run_scoped3A_693 : memref<!tpu.dma_semaphore, #tpu.memory_space<semaphore_mem>>) src(%arg10 : memref<64x128xf32, #tpu.memory_space<vmem>>) dst(%dma_wait3A_705 : memref<10240x128xf32, #tpu.memory_space<vmem_shared>>)
      tpu.yield
    }) : () -> ()
    %run_scoped3A_480 = arith.constant 1 : i32
    "tpu.region"() ({
      %run_scoped3A_693 = tpu.sem_alloc : memref<!tpu.dma_semaphore, #tpu.memory_space<semaphore_mem>>
      %dma_start3A_694 = arith.constant 0 : i32
      %dma_start3A_695 = tpu.memref_slice %arg13[%run_scoped3A_480, %dma_start3A_694] : memref<10x64xi32, #tpu.memory_space<vmem>> -> memref<1x64xi32, #tpu.memory_space<vmem>>
      %dma_start3A_696 = tpu.memref_squeeze %dma_start3A_695 : memref<1x64xi32, #tpu.memory_space<vmem>> -> memref<64xi32, #tpu.memory_space<vmem>>
      %dma_start3A_697 = arith.constant 0 : i32
      %dma_start3A_698 = arith.constant 0 : i32
      %dma_start3A_699 = tpu.memref_slice %arg16[%dma_start3A_697, %dma_start3A_698] : memref<10240x128xf32, #tpu.memory_space<vmem_shared>> -> memref<10240x128xf32, #tpu.memory_space<vmem_shared>>
      tpu.enqueue_indirect_dma source(%arg10 : memref<64x128xf32, #tpu.memory_space<vmem>>) target(%dma_start3A_699 : memref<10240x128xf32, #tpu.memory_space<vmem_shared>>) offsets(%dma_start3A_696 : memref<64xi32, #tpu.memory_space<vmem>>) semaphore(%run_scoped3A_693 : memref<!tpu.dma_semaphore, #tpu.memory_space<semaphore_mem>>)
      %dma_wait3A_700 = arith.constant 0 : i32
      %dma_wait3A_701 = tpu.memref_slice %arg13[%run_scoped3A_480, %dma_wait3A_700] : memref<10x64xi32, #tpu.memory_space<vmem>> -> memref<1x64xi32, #tpu.memory_space<vmem>>
      %dma_wait3A_702 = tpu.memref_squeeze %dma_wait3A_701 : memref<1x64xi32, #tpu.memory_space<vmem>> -> memref<64xi32, #tpu.memory_space<vmem>>
      %dma_wait3A_703 = arith.constant 0 : i32
      %dma_wait3A_704 = arith.constant 0 : i32
      %dma_wait3A_705 = tpu.memref_slice %arg16[%dma_wait3A_703, %dma_wait3A_704] : memref<10240x128xf32, #tpu.memory_space<vmem_shared>> -> memref<10240x128xf32, #tpu.memory_space<vmem_shared>>
      tpu.wait_indirect_dma semaphore(%run_scoped3A_693 : memref<!tpu.dma_semaphore, #tpu.memory_space<semaphore_mem>>) src(%arg10 : memref<64x128xf32, #tpu.memory_space<vmem>>) dst(%dma_wait3A_705 : memref<10240x128xf32, #tpu.memory_space<vmem_shared>>)
      tpu.yield
    }) : () -> ()
    %run_scoped3A_481 = arith.constant 2 : i32
    "tpu.region"() ({
      %run_scoped3A_693 = tpu.sem_alloc : memref<!tpu.dma_semaphore, #tpu.memory_space<semaphore_mem>>
      %dma_start3A_694 = arith.constant 0 : i32
      %dma_start3A_695 = tpu.memref_slice %arg13[%run_scoped3A_481, %dma_start3A_694] : memref<10x64xi32, #tpu.memory_space<vmem>> -> memref<1x64xi32, #tpu.memory_space<vmem>>
      %dma_start3A_696 = tpu.memref_squeeze %dma_start3A_695 : memref<1x64xi32, #tpu.memory_space<vmem>> -> memref<64xi32, #tpu.memory_space<vmem>>
      %dma_start3A_697 = arith.constant 0 : i32
      %dma_start3A_698 = arith.constant 0 : i32
      %dma_start3A_699 = tpu.memref_slice %arg16[%dma_start3A_697, %dma_start3A_698] : memref<10240x128xf32, #tpu.memory_space<vmem_shared>> -> memref<10240x128xf32, #tpu.memory_space<vmem_shared>>
      tpu.enqueue_indirect_dma source(%arg10 : memref<64x128xf32, #tpu.memory_space<vmem>>) target(%dma_start3A_699 : memref<10240x128xf32, #tpu.memory_space<vmem_shared>>) offsets(%dma_start3A_696 : memref<64xi32, #tpu.memory_space<vmem>>) semaphore(%run_scoped3A_693 : memref<!tpu.dma_semaphore, #tpu.memory_space<semaphore_mem>>)
      %dma_wait3A_700 = arith.constant 0 : i32
      %dma_wait3A_701 = tpu.memref_slice %arg13[%run_scoped3A_481, %dma_wait3A_700] : memref<10x64xi32, #tpu.memory_space<vmem>> -> memref<1x64xi32, #tpu.memory_space<vmem>>
      %dma_wait3A_702 = tpu.memref_squeeze %dma_wait3A_701 : memref<1x64xi32, #tpu.memory_space<vmem>> -> memref<64xi32, #tpu.memory_space<vmem>>
      %dma_wait3A_703 = arith.constant 0 : i32
      %dma_wait3A_704 = arith.constant 0 : i32
      %dma_wait3A_705 = tpu.memref_slice %arg16[%dma_wait3A_703, %dma_wait3A_704] : memref<10240x128xf32, #tpu.memory_space<vmem_shared>> -> memref<10240x128xf32, #tpu.memory_space<vmem_shared>>
      tpu.wait_indirect_dma semaphore(%run_scoped3A_693 : memref<!tpu.dma_semaphore, #tpu.memory_space<semaphore_mem>>) src(%arg10 : memref<64x128xf32, #tpu.memory_space<vmem>>) dst(%dma_wait3A_705 : memref<10240x128xf32, #tpu.memory_space<vmem_shared>>)
      tpu.yield
    }) : () -> ()
    %run_scoped3A_482 = arith.constant 3 : i32
    "tpu.region"() ({
      %run_scoped3A_693 = tpu.sem_alloc : memref<!tpu.dma_semaphore, #tpu.memory_space<semaphore_mem>>
      %dma_start3A_694 = arith.constant 0 : i32
      %dma_start3A_695 = tpu.memref_slice %arg13[%run_scoped3A_482, %dma_start3A_694] : memref<10x64xi32, #tpu.memory_space<vmem>> -> memref<1x64xi32, #tpu.memory_space<vmem>>
      %dma_start3A_696 = tpu.memref_squeeze %dma_start3A_695 : memref<1x64xi32, #tpu.memory_space<vmem>> -> memref<64xi32, #tpu.memory_space<vmem>>
      %dma_start3A_697 = arith.constant 0 : i32
      %dma_start3A_698 = arith.constant 0 : i32
      %dma_start3A_699 = tpu.memref_slice %arg16[%dma_start3A_697, %dma_start3A_698] : memref<10240x128xf32, #tpu.memory_space<vmem_shared>> -> memref<10240x128xf32, #tpu.memory_space<vmem_shared>>
      tpu.enqueue_indirect_dma source(%arg10 : memref<64x128xf32, #tpu.memory_space<vmem>>) target(%dma_start3A_699 : memref<10240x128xf32, #tpu.memory_space<vmem_shared>>) offsets(%dma_start3A_696 : memref<64xi32, #tpu.memory_space<vmem>>) semaphore(%run_scoped3A_693 : memref<!tpu.dma_semaphore, #tpu.memory_space<semaphore_mem>>)
      %dma_wait3A_700 = arith.constant 0 : i32
      %dma_wait3A_701 = tpu.memref_slice %arg13[%run_scoped3A_482, %dma_wait3A_700] : memref<10x64xi32, #tpu.memory_space<vmem>> -> memref<1x64xi32, #tpu.memory_space<vmem>>
      %dma_wait3A_702 = tpu.memref_squeeze %dma_wait3A_701 : memref<1x64xi32, #tpu.memory_space<vmem>> -> memref<64xi32, #tpu.memory_space<vmem>>
      %dma_wait3A_703 = arith.constant 0 : i32
      %dma_wait3A_704 = arith.constant 0 : i32
      %dma_wait3A_705 = tpu.memref_slice %arg16[%dma_wait3A_703, %dma_wait3A_704] : memref<10240x128xf32, #tpu.memory_space<vmem_shared>> -> memref<10240x128xf32, #tpu.memory_space<vmem_shared>>
      tpu.wait_indirect_dma semaphore(%run_scoped3A_693 : memref<!tpu.dma_semaphore, #tpu.memory_space<semaphore_mem>>) src(%arg10 : memref<64x128xf32, #tpu.memory_space<vmem>>) dst(%dma_wait3A_705 : memref<10240x128xf32, #tpu.memory_space<vmem_shared>>)
      tpu.yield
    }) : () -> ()
    %run_scoped3A_483 = arith.constant 4 : i32
    "tpu.region"() ({
      %run_scoped3A_693 = tpu.sem_alloc : memref<!tpu.dma_semaphore, #tpu.memory_space<semaphore_mem>>
      %dma_start3A_694 = arith.constant 0 : i32
      %dma_start3A_695 = tpu.memref_slice %arg13[%run_scoped3A_483, %dma_start3A_694] : memref<10x64xi32, #tpu.memory_space<vmem>> -> memref<1x64xi32, #tpu.memory_space<vmem>>
      %dma_start3A_696 = tpu.memref_squeeze %dma_start3A_695 : memref<1x64xi32, #tpu.memory_space<vmem>> -> memref<64xi32, #tpu.memory_space<vmem>>
      %dma_start3A_697 = arith.constant 0 : i32
      %dma_start3A_698 = arith.constant 0 : i32
      %dma_start3A_699 = tpu.memref_slice %arg16[%dma_start3A_697, %dma_start3A_698] : memref<10240x128xf32, #tpu.memory_space<vmem_shared>> -> memref<10240x128xf32, #tpu.memory_space<vmem_shared>>
      tpu.enqueue_indirect_dma source(%arg10 : memref<64x128xf32, #tpu.memory_space<vmem>>) target(%dma_start3A_699 : memref<10240x128xf32, #tpu.memory_space<vmem_shared>>) offsets(%dma_start3A_696 : memref<64xi32, #tpu.memory_space<vmem>>) semaphore(%run_scoped3A_693 : memref<!tpu.dma_semaphore, #tpu.memory_space<semaphore_mem>>)
      %dma_wait3A_700 = arith.constant 0 : i32
      %dma_wait3A_701 = tpu.memref_slice %arg13[%run_scoped3A_483, %dma_wait3A_700] : memref<10x64xi32, #tpu.memory_space<vmem>> -> memref<1x64xi32, #tpu.memory_space<vmem>>
      %dma_wait3A_702 = tpu.memref_squeeze %dma_wait3A_701 : memref<1x64xi32, #tpu.memory_space<vmem>> -> memref<64xi32, #tpu.memory_space<vmem>>
      %dma_wait3A_703 = arith.constant 0 : i32
      %dma_wait3A_704 = arith.constant 0 : i32
      %dma_wait3A_705 = tpu.memref_slice %arg16[%dma_wait3A_703, %dma_wait3A_704] : memref<10240x128xf32, #tpu.memory_space<vmem_shared>> -> memref<10240x128xf32, #tpu.memory_space<vmem_shared>>
      tpu.wait_indirect_dma semaphore(%run_scoped3A_693 : memref<!tpu.dma_semaphore, #tpu.memory_space<semaphore_mem>>) src(%arg10 : memref<64x128xf32, #tpu.memory_space<vmem>>) dst(%dma_wait3A_705 : memref<10240x128xf32, #tpu.memory_space<vmem_shared>>)
      tpu.yield
    }) : () -> ()
    %run_scoped3A_484 = arith.constant 5 : i32
    "tpu.region"() ({
      %run_scoped3A_693 = tpu.sem_alloc : memref<!tpu.dma_semaphore, #tpu.memory_space<semaphore_mem>>
      %dma_start3A_694 = arith.constant 0 : i32
      %dma_start3A_695 = tpu.memref_slice %arg13[%run_scoped3A_484, %dma_start3A_694] : memref<10x64xi32, #tpu.memory_space<vmem>> -> memref<1x64xi32, #tpu.memory_space<vmem>>
      %dma_start3A_696 = tpu.memref_squeeze %dma_start3A_695 : memref<1x64xi32, #tpu.memory_space<vmem>> -> memref<64xi32, #tpu.memory_space<vmem>>
      %dma_start3A_697 = arith.constant 0 : i32
      %dma_start3A_698 = arith.constant 0 : i32
      %dma_start3A_699 = tpu.memref_slice %arg16[%dma_start3A_697, %dma_start3A_698] : memref<10240x128xf32, #tpu.memory_space<vmem_shared>> -> memref<10240x128xf32, #tpu.memory_space<vmem_shared>>
      tpu.enqueue_indirect_dma source(%arg10 : memref<64x128xf32, #tpu.memory_space<vmem>>) target(%dma_start3A_699 : memref<10240x128xf32, #tpu.memory_space<vmem_shared>>) offsets(%dma_start3A_696 : memref<64xi32, #tpu.memory_space<vmem>>) semaphore(%run_scoped3A_693 : memref<!tpu.dma_semaphore, #tpu.memory_space<semaphore_mem>>)
      %dma_wait3A_700 = arith.constant 0 : i32
      %dma_wait3A_701 = tpu.memref_slice %arg13[%run_scoped3A_484, %dma_wait3A_700] : memref<10x64xi32, #tpu.memory_space<vmem>> -> memref<1x64xi32, #tpu.memory_space<vmem>>
      %dma_wait3A_702 = tpu.memref_squeeze %dma_wait3A_701 : memref<1x64xi32, #tpu.memory_space<vmem>> -> memref<64xi32, #tpu.memory_space<vmem>>
      %dma_wait3A_703 = arith.constant 0 : i32
      %dma_wait3A_704 = arith.constant 0 : i32
      %dma_wait3A_705 = tpu.memref_slice %arg16[%dma_wait3A_703, %dma_wait3A_704] : memref<10240x128xf32, #tpu.memory_space<vmem_shared>> -> memref<10240x128xf32, #tpu.memory_space<vmem_shared>>
      tpu.wait_indirect_dma semaphore(%run_scoped3A_693 : memref<!tpu.dma_semaphore, #tpu.memory_space<semaphore_mem>>) src(%arg10 : memref<64x128xf32, #tpu.memory_space<vmem>>) dst(%dma_wait3A_705 : memref<10240x128xf32, #tpu.memory_space<vmem_shared>>)
      tpu.yield
    }) : () -> ()
    %run_scoped3A_485 = arith.constant 6 : i32
    "tpu.region"() ({
      %run_scoped3A_693 = tpu.sem_alloc : memref<!tpu.dma_semaphore, #tpu.memory_space<semaphore_mem>>
      %dma_start3A_694 = arith.constant 0 : i32
      %dma_start3A_695 = tpu.memref_slice %arg13[%run_scoped3A_485, %dma_start3A_694] : memref<10x64xi32, #tpu.memory_space<vmem>> -> memref<1x64xi32, #tpu.memory_space<vmem>>
      %dma_start3A_696 = tpu.memref_squeeze %dma_start3A_695 : memref<1x64xi32, #tpu.memory_space<vmem>> -> memref<64xi32, #tpu.memory_space<vmem>>
      %dma_start3A_697 = arith.constant 0 : i32
      %dma_start3A_698 = arith.constant 0 : i32
      %dma_start3A_699 = tpu.memref_slice %arg16[%dma_start3A_697, %dma_start3A_698] : memref<10240x128xf32, #tpu.memory_space<vmem_shared>> -> memref<10240x128xf32, #tpu.memory_space<vmem_shared>>
      tpu.enqueue_indirect_dma source(%arg10 : memref<64x128xf32, #tpu.memory_space<vmem>>) target(%dma_start3A_699 : memref<10240x128xf32, #tpu.memory_space<vmem_shared>>) offsets(%dma_start3A_696 : memref<64xi32, #tpu.memory_space<vmem>>) semaphore(%run_scoped3A_693 : memref<!tpu.dma_semaphore, #tpu.memory_space<semaphore_mem>>)
      %dma_wait3A_700 = arith.constant 0 : i32
      %dma_wait3A_701 = tpu.memref_slice %arg13[%run_scoped3A_485, %dma_wait3A_700] : memref<10x64xi32, #tpu.memory_space<vmem>> -> memref<1x64xi32, #tpu.memory_space<vmem>>
      %dma_wait3A_702 = tpu.memref_squeeze %dma_wait3A_701 : memref<1x64xi32, #tpu.memory_space<vmem>> -> memref<64xi32, #tpu.memory_space<vmem>>
      %dma_wait3A_703 = arith.constant 0 : i32
      %dma_wait3A_704 = arith.constant 0 : i32
      %dma_wait3A_705 = tpu.memref_slice %arg16[%dma_wait3A_703, %dma_wait3A_704] : memref<10240x128xf32, #tpu.memory_space<vmem_shared>> -> memref<10240x128xf32, #tpu.memory_space<vmem_shared>>
      tpu.wait_indirect_dma semaphore(%run_scoped3A_693 : memref<!tpu.dma_semaphore, #tpu.memory_space<semaphore_mem>>) src(%arg10 : memref<64x128xf32, #tpu.memory_space<vmem>>) dst(%dma_wait3A_705 : memref<10240x128xf32, #tpu.memory_space<vmem_shared>>)
      tpu.yield
    }) : () -> ()
    %run_scoped3A_486 = arith.constant 7 : i32
    "tpu.region"() ({
      %run_scoped3A_693 = tpu.sem_alloc : memref<!tpu.dma_semaphore, #tpu.memory_space<semaphore_mem>>
      %dma_start3A_694 = arith.constant 0 : i32
      %dma_start3A_695 = tpu.memref_slice %arg13[%run_scoped3A_486, %dma_start3A_694] : memref<10x64xi32, #tpu.memory_space<vmem>> -> memref<1x64xi32, #tpu.memory_space<vmem>>
      %dma_start3A_696 = tpu.memref_squeeze %dma_start3A_695 : memref<1x64xi32, #tpu.memory_space<vmem>> -> memref<64xi32, #tpu.memory_space<vmem>>
      %dma_start3A_697 = arith.constant 0 : i32
      %dma_start3A_698 = arith.constant 0 : i32
      %dma_start3A_699 = tpu.memref_slice %arg16[%dma_start3A_697, %dma_start3A_698] : memref<10240x128xf32, #tpu.memory_space<vmem_shared>> -> memref<10240x128xf32, #tpu.memory_space<vmem_shared>>
      tpu.enqueue_indirect_dma source(%arg10 : memref<64x128xf32, #tpu.memory_space<vmem>>) target(%dma_start3A_699 : memref<10240x128xf32, #tpu.memory_space<vmem_shared>>) offsets(%dma_start3A_696 : memref<64xi32, #tpu.memory_space<vmem>>) semaphore(%run_scoped3A_693 : memref<!tpu.dma_semaphore, #tpu.memory_space<semaphore_mem>>)
      %dma_wait3A_700 = arith.constant 0 : i32
      %dma_wait3A_701 = tpu.memref_slice %arg13[%run_scoped3A_486, %dma_wait3A_700] : memref<10x64xi32, #tpu.memory_space<vmem>> -> memref<1x64xi32, #tpu.memory_space<vmem>>
      %dma_wait3A_702 = tpu.memref_squeeze %dma_wait3A_701 : memref<1x64xi32, #tpu.memory_space<vmem>> -> memref<64xi32, #tpu.memory_space<vmem>>
      %dma_wait3A_703 = arith.constant 0 : i32
      %dma_wait3A_704 = arith.constant 0 : i32
      %dma_wait3A_705 = tpu.memref_slice %arg16[%dma_wait3A_703, %dma_wait3A_704] : memref<10240x128xf32, #tpu.memory_space<vmem_shared>> -> memref<10240x128xf32, #tpu.memory_space<vmem_shared>>
      tpu.wait_indirect_dma semaphore(%run_scoped3A_693 : memref<!tpu.dma_semaphore, #tpu.memory_space<semaphore_mem>>) src(%arg10 : memref<64x128xf32, #tpu.memory_space<vmem>>) dst(%dma_wait3A_705 : memref<10240x128xf32, #tpu.memory_space<vmem_shared>>)
      tpu.yield
    }) : () -> ()
    %run_scoped3A_487 = arith.constant 8 : i32
    "tpu.region"() ({
      %run_scoped3A_693 = tpu.sem_alloc : memref<!tpu.dma_semaphore, #tpu.memory_space<semaphore_mem>>
      %dma_start3A_694 = arith.constant 0 : i32
      %dma_start3A_695 = tpu.memref_slice %arg13[%run_scoped3A_487, %dma_start3A_694] : memref<10x64xi32, #tpu.memory_space<vmem>> -> memref<1x64xi32, #tpu.memory_space<vmem>>
      %dma_start3A_696 = tpu.memref_squeeze %dma_start3A_695 : memref<1x64xi32, #tpu.memory_space<vmem>> -> memref<64xi32, #tpu.memory_space<vmem>>
      %dma_start3A_697 = arith.constant 0 : i32
      %dma_start3A_698 = arith.constant 0 : i32
      %dma_start3A_699 = tpu.memref_slice %arg16[%dma_start3A_697, %dma_start3A_698] : memref<10240x128xf32, #tpu.memory_space<vmem_shared>> -> memref<10240x128xf32, #tpu.memory_space<vmem_shared>>
      tpu.enqueue_indirect_dma source(%arg10 : memref<64x128xf32, #tpu.memory_space<vmem>>) target(%dma_start3A_699 : memref<10240x128xf32, #tpu.memory_space<vmem_shared>>) offsets(%dma_start3A_696 : memref<64xi32, #tpu.memory_space<vmem>>) semaphore(%run_scoped3A_693 : memref<!tpu.dma_semaphore, #tpu.memory_space<semaphore_mem>>)
      %dma_wait3A_700 = arith.constant 0 : i32
      %dma_wait3A_701 = tpu.memref_slice %arg13[%run_scoped3A_487, %dma_wait3A_700] : memref<10x64xi32, #tpu.memory_space<vmem>> -> memref<1x64xi32, #tpu.memory_space<vmem>>
      %dma_wait3A_702 = tpu.memref_squeeze %dma_wait3A_701 : memref<1x64xi32, #tpu.memory_space<vmem>> -> memref<64xi32, #tpu.memory_space<vmem>>
      %dma_wait3A_703 = arith.constant 0 : i32
      %dma_wait3A_704 = arith.constant 0 : i32
      %dma_wait3A_705 = tpu.memref_slice %arg16[%dma_wait3A_703, %dma_wait3A_704] : memref<10240x128xf32, #tpu.memory_space<vmem_shared>> -> memref<10240x128xf32, #tpu.memory_space<vmem_shared>>
      tpu.wait_indirect_dma semaphore(%run_scoped3A_693 : memref<!tpu.dma_semaphore, #tpu.memory_space<semaphore_mem>>) src(%arg10 : memref<64x128xf32, #tpu.memory_space<vmem>>) dst(%dma_wait3A_705 : memref<10240x128xf32, #tpu.memory_space<vmem_shared>>)
      tpu.yield
    }) : () -> ()
    %run_scoped3A_488 = arith.constant 9 : i32
    "tpu.region"() ({
      %run_scoped3A_693 = tpu.sem_alloc : memref<!tpu.dma_semaphore, #tpu.memory_space<semaphore_mem>>
      %dma_start3A_694 = arith.constant 0 : i32
      %dma_start3A_695 = tpu.memref_slice %arg13[%run_scoped3A_488, %dma_start3A_694] : memref<10x64xi32, #tpu.memory_space<vmem>> -> memref<1x64xi32, #tpu.memory_space<vmem>>
      %dma_start3A_696 = tpu.memref_squeeze %dma_start3A_695 : memref<1x64xi32, #tpu.memory_space<vmem>> -> memref<64xi32, #tpu.memory_space<vmem>>
      %dma_start3A_697 = arith.constant 0 : i32
      %dma_start3A_698 = arith.constant 0 : i32
      %dma_start3A_699 = tpu.memref_slice %arg16[%dma_start3A_697, %dma_start3A_698] : memref<10240x128xf32, #tpu.memory_space<vmem_shared>> -> memref<10240x128xf32, #tpu.memory_space<vmem_shared>>
      tpu.enqueue_indirect_dma source(%arg10 : memref<64x128xf32, #tpu.memory_space<vmem>>) target(%dma_start3A_699 : memref<10240x128xf32, #tpu.memory_space<vmem_shared>>) offsets(%dma_start3A_696 : memref<64xi32, #tpu.memory_space<vmem>>) semaphore(%run_scoped3A_693 : memref<!tpu.dma_semaphore, #tpu.memory_space<semaphore_mem>>)
      %dma_wait3A_700 = arith.constant 0 : i32
      %dma_wait3A_701 = tpu.memref_slice %arg13[%run_scoped3A_488, %dma_wait3A_700] : memref<10x64xi32, #tpu.memory_space<vmem>> -> memref<1x64xi32, #tpu.memory_space<vmem>>
      %dma_wait3A_702 = tpu.memref_squeeze %dma_wait3A_701 : memref<1x64xi32, #tpu.memory_space<vmem>> -> memref<64xi32, #tpu.memory_space<vmem>>
      %dma_wait3A_703 = arith.constant 0 : i32
      %dma_wait3A_704 = arith.constant 0 : i32
      %dma_wait3A_705 = tpu.memref_slice %arg16[%dma_wait3A_703, %dma_wait3A_704] : memref<10240x128xf32, #tpu.memory_space<vmem_shared>> -> memref<10240x128xf32, #tpu.memory_space<vmem_shared>>
      tpu.wait_indirect_dma semaphore(%run_scoped3A_693 : memref<!tpu.dma_semaphore, #tpu.memory_space<semaphore_mem>>) src(%arg10 : memref<64x128xf32, #tpu.memory_space<vmem>>) dst(%dma_wait3A_705 : memref<10240x128xf32, #tpu.memory_space<vmem_shared>>)
      tpu.yield
    }) : () -> ()
    %barrier3A = arith.constant 0 : index
    tpu.barrier barrier_id(%barrier3A)
    %scan3A = arith.constant 0 : i32
    %scan3A_489 = arith.constant 0 : i32
    %scan3A_490 = arith.constant 640 : i32
    %scan3A_491 = arith.addi %scan3A_489, %scan3A_490 : i32
    %scan3A_492 = arith.constant 1 : i32
    scf.for %scan3A_693 = %scan3A_489 to %scan3A_491 step %scan3A_492  : i32 {
      %broadcast_in_dim3A = arith.constant 0.000000e+00 : f32
      %broadcast_in_dim3A_694 = vector.broadcast %broadcast_in_dim3A : f32 to vector<16xf32>
      %mul3A_695 = arith.constant 16 : i32
      %mul3A_696 = arith.muli %scan3A_693, %mul3A_695 : i32
      %swap3A_697 = arith.index_cast %mul3A_696 : i32 to index
      %swap3A_698 = tpu.vector_load %arg12[%swap3A_697] {strides = array<i32>} : memref<10240xf32, #tpu.memory_space<vmem>>, vector<16xf32>,
      tpu.vector_store %arg12[%swap3A_697], %broadcast_in_dim3A_694 {strides = array<i32>} : memref<10240xf32, #tpu.memory_space<vmem>>, vector<16xf32>,
    }
    %scan3A_493 = arith.constant 640 : i32
    %dma_start3A = arith.constant 0 : i32
    %dma_start3A_494 = arith.constant 0 : i32
    %dma_start3A_495 = tpu.memref_slice %arg8[%dma_start3A, %dma_start3A_494] : memref<32x64xi32, #tpu.memory_space<vmem>> -> memref<1x64xi32, #tpu.memory_space<vmem>>
    %dma_start3A_496 = tpu.memref_squeeze %dma_start3A_495 : memref<1x64xi32, #tpu.memory_space<vmem>> -> memref<64xi32, #tpu.memory_space<vmem>>
    %dma_start3A_497 = arith.constant 0 : i32
    %dma_start3A_498 = arith.constant 0 : i32
    %dma_start3A_499 = tpu.memref_slice %arg2[%dma_start3A_497, %dma_start3A_498] : memref<10000x128xf32, #tpu.memory_space<hbm>> -> memref<10000x128xf32, #tpu.memory_space<hbm>>
    tpu.enqueue_indirect_dma source(%dma_start3A_499 : memref<10000x128xf32, #tpu.memory_space<hbm>>) target(%arg10 : memref<64x128xf32, #tpu.memory_space<vmem>>) offsets(%dma_start3A_496 : memref<64xi32, #tpu.memory_space<vmem>>) semaphore(%arg14 : memref<!tpu.dma_semaphore, #tpu.memory_space<semaphore_mem>>)
    %dma_start3A_500 = arith.constant 1 : i32
    %dma_start3A_501 = arith.constant 0 : i32
    %dma_start3A_502 = tpu.memref_slice %arg8[%dma_start3A_500, %dma_start3A_501] : memref<32x64xi32, #tpu.memory_space<vmem>> -> memref<1x64xi32, #tpu.memory_space<vmem>>
    %dma_start3A_503 = tpu.memref_squeeze %dma_start3A_502 : memref<1x64xi32, #tpu.memory_space<vmem>> -> memref<64xi32, #tpu.memory_space<vmem>>
    %dma_start3A_504 = arith.constant 0 : i32
    %dma_start3A_505 = arith.constant 0 : i32
    %dma_start3A_506 = tpu.memref_slice %arg2[%dma_start3A_504, %dma_start3A_505] : memref<10000x128xf32, #tpu.memory_space<hbm>> -> memref<10000x128xf32, #tpu.memory_space<hbm>>
    tpu.enqueue_indirect_dma source(%dma_start3A_506 : memref<10000x128xf32, #tpu.memory_space<hbm>>) target(%arg11 : memref<64x128xf32, #tpu.memory_space<vmem>>) offsets(%dma_start3A_503 : memref<64xi32, #tpu.memory_space<vmem>>) semaphore(%arg15 : memref<!tpu.dma_semaphore, #tpu.memory_space<semaphore_mem>>)
    %scan3A_507 = arith.constant 0 : i32
    %scan3A_508 = arith.constant 0 : i32
    %scan3A_509 = arith.constant 80 : i32
    %scan3A_510 = arith.addi %scan3A_508, %scan3A_509 : i32
    %scan3A_511 = arith.constant 1 : i32
    scf.for %scan3A_693 = %scan3A_508 to %scan3A_510 step %scan3A_511  : i32 {
      %mul3A_694 = arith.constant 2 : i32
      %mul3A_695 = arith.muli %mul3A_694, %scan3A_693 : i32
      %jit3A = arith.constant 16 : i32
      %eq3A = arith.constant 0 : i32
      %eq3A_696 = arith.cmpi eq, %jit3A, %eq3A : i32
      %jit3A_697 = arith.constant 1 : i32
      %select_n3A = arith.select %eq3A_696, %jit3A_697, %jit3A : i32
      %rem3A = arith.remsi %mul3A_695, %select_n3A : i32
      %ne3A = arith.constant 0 : i32
      %ne3A_698 = arith.cmpi ne, %rem3A, %ne3A : i32
      %lt3A = arith.constant 0 : i32
      %lt3A_699 = arith.cmpi slt, %rem3A, %lt3A : i32
      %lt3A_700 = arith.constant 0 : i32
      %lt3A_701 = arith.cmpi slt, %select_n3A, %lt3A_700 : i32
      %ne3A_702 = arith.xori %lt3A_699, %lt3A_701 : i1
      %and3A = arith.andi %ne3A_702, %ne3A_698 : i1
      %add3A_703 = arith.addi %rem3A, %select_n3A : i32
      %select_n3A_704 = arith.select %and3A, %add3A_703, %rem3A : i32
      %eq3A_705 = arith.constant 0 : i32
      %eq3A_706 = arith.cmpi eq, %select_n3A_704, %eq3A_705 : i32
      %convert_element_type3A = arith.extui %eq3A_706 : i1 to i32
      %cond3A = arith.constant 0 : i32
      %cond3A_707 = arith.cmpi ne, %convert_element_type3A, %cond3A : i32
      scf.if %cond3A_707 {
        %jit3A_1463 = arith.constant 16 : i32
        %div3A_1464 = arith.divsi %mul3A_695, %jit3A_1463 : i32
        %sign3A_1465 = arith.constant 0 : i32
        %sign3A_1466 = arith.cmpi sgt, %mul3A_695, %sign3A_1465 : i32
        %sign3A_1467 = arith.extui %sign3A_1466 : i1 to i32
        %sign3A_1468 = arith.constant 0 : i32
        %sign3A_1469 = arith.cmpi slt, %mul3A_695, %sign3A_1468 : i32
        %sign3A_1470 = arith.extui %sign3A_1469 : i1 to i32
        %sign3A_1471 = arith.subi %sign3A_1467, %sign3A_1470 : i32
        %sign3A_1472 = arith.constant 0 : i32
        %sign3A_1473 = arith.cmpi sgt, %jit3A_1463, %sign3A_1472 : i32
        %sign3A_1474 = arith.extui %sign3A_1473 : i1 to i32
        %sign3A_1475 = arith.constant 0 : i32
        %sign3A_1476 = arith.cmpi slt, %jit3A_1463, %sign3A_1475 : i32
        %sign3A_1477 = arith.extui %sign3A_1476 : i1 to i32
        %sign3A_1478 = arith.subi %sign3A_1474, %sign3A_1477 : i32
        %ne3A_1479 = arith.cmpi ne, %sign3A_1471, %sign3A_1478 : i32
        %rem3A_1480 = arith.remsi %mul3A_695, %jit3A_1463 : i32
        %ne3A_1481 = arith.constant 0 : i32
        %ne3A_1482 = arith.cmpi ne, %rem3A_1480, %ne3A_1481 : i32
        %and3A_1483 = arith.andi %ne3A_1479, %ne3A_1482 : i1
        %sub3A_1484 = arith.constant 1 : i32
        %sub3A_1485 = arith.subi %div3A_1464, %sub3A_1484 : i32
        %select_n3A_1486 = arith.select %and3A_1483, %sub3A_1485, %div3A_1464 : i32
        %add3A_1487 = arith.constant 1 : i32
        %add3A_1488 = arith.addi %select_n3A_1486, %add3A_1487 : i32
        %lt3A_1489 = arith.constant 10 : i32
        %lt3A_1490 = arith.cmpi slt, %add3A_1488, %lt3A_1489 : i32
        %convert_element_type3A_1491 = arith.extui %lt3A_1490 : i1 to i32
        %cond3A_1492 = arith.constant 0 : i32
        %cond3A_1493 = arith.cmpi ne, %convert_element_type3A_1491, %cond3A_1492 : i32
        scf.if %cond3A_1493 {
          %mul3A_1494 = arith.constant 16 : i32
          %mul3A_1495 = arith.muli %add3A_1488, %mul3A_1494 : i32
          %jit3A_1496 = arith.constant 2 : i32
          %eq3A_1497 = arith.constant 0 : i32
          %eq3A_1498 = arith.cmpi eq, %jit3A_1496, %eq3A_1497 : i32
          %jit3A_1499 = arith.constant 1 : i32
          %select_n3A_1500 = arith.select %eq3A_1498, %jit3A_1499, %jit3A_1496 : i32
          %rem3A_1501 = arith.remsi %add3A_1488, %select_n3A_1500 : i32
          %ne3A_1502 = arith.constant 0 : i32
          %ne3A_1503 = arith.cmpi ne, %rem3A_1501, %ne3A_1502 : i32
          %lt3A_1504 = arith.constant 0 : i32
          %lt3A_1505 = arith.cmpi slt, %rem3A_1501, %lt3A_1504 : i32
          %lt3A_1506 = arith.constant 0 : i32
          %lt3A_1507 = arith.cmpi slt, %select_n3A_1500, %lt3A_1506 : i32
          %ne3A_1508 = arith.xori %lt3A_1505, %lt3A_1507 : i1
          %and3A_1509 = arith.andi %ne3A_1508, %ne3A_1503 : i1
          %add3A_1510 = arith.addi %rem3A_1501, %select_n3A_1500 : i32
          %select_n3A_1511 = arith.select %and3A_1509, %add3A_1510, %rem3A_1501 : i32
          %mul3A_1512 = arith.constant 16 : i32
          %mul3A_1513 = arith.muli %select_n3A_1511, %mul3A_1512 : i32
          "tpu.region"() ({
            %run_scoped3A_1534 = tpu.sem_alloc : memref<!tpu.dma_semaphore, #tpu.memory_space<semaphore_mem>>
            %dma_start3A_1535 = arith.constant 0 : i32
            %dma_start3A_1536 = tpu.memref_slice %arg8[%mul3A_1513, %dma_start3A_1535] : memref<32x64xi32, #tpu.memory_space<vmem>> -> memref<16x64xi32, #tpu.memory_space<vmem>>
            %dma_start3A_1537 = arith.constant 0 : i32
            %dma_start3A_1538 = tpu.memref_slice %arg3[%add3A, %mul3A_1495, %dma_start3A_1537] : memref<32x160x64xi32, #tpu.memory_space<hbm>> -> memref<1x16x64xi32, #tpu.memory_space<hbm>>
            %dma_start3A_1539 = tpu.memref_squeeze %dma_start3A_1538 : memref<1x16x64xi32, #tpu.memory_space<hbm>> -> memref<16x64xi32, #tpu.memory_space<hbm>>
            %dma_start3A_1540 = arith.constant 0 : i32
            %dma_start3A_1541 = tpu.memref_slice %arg8[%mul3A_1513, %dma_start3A_1540] : memref<32x64xi32, #tpu.memory_space<vmem>> -> memref<16x64xi32, #tpu.memory_space<vmem>>
            %dma_start3A_1542 = arith.constant 0 : i32
            %dma_start3A_1543 = tpu.memref_slice %arg3[%add3A, %mul3A_1495, %dma_start3A_1542] : memref<32x160x64xi32, #tpu.memory_space<hbm>> -> memref<1x16x64xi32, #tpu.memory_space<hbm>>
            %dma_start3A_1544 = tpu.memref_squeeze %dma_start3A_1543 : memref<1x16x64xi32, #tpu.memory_space<hbm>> -> memref<16x64xi32, #tpu.memory_space<hbm>>
            tpu.enqueue_dma source(%dma_start3A_1544 : memref<16x64xi32, #tpu.memory_space<hbm>>) target(%dma_start3A_1541 : memref<16x64xi32, #tpu.memory_space<vmem>>) target_semaphore(%run_scoped3A_1534 : memref<!tpu.dma_semaphore, #tpu.memory_space<semaphore_mem>>)
            %dma_wait3A_1545 = arith.constant 0 : i32
            %dma_wait3A_1546 = tpu.memref_slice %arg8[%mul3A_1513, %dma_wait3A_1545] : memref<32x64xi32, #tpu.memory_space<vmem>> -> memref<16x64xi32, #tpu.memory_space<vmem>>
            %dma_wait3A_1547 = arith.constant 0 : i32
            %dma_wait3A_1548 = tpu.memref_slice %arg3[%add3A, %mul3A_1495, %dma_wait3A_1547] : memref<32x160x64xi32, #tpu.memory_space<hbm>> -> memref<1x16x64xi32, #tpu.memory_space<hbm>>
            %dma_wait3A_1549 = tpu.memref_squeeze %dma_wait3A_1548 : memref<1x16x64xi32, #tpu.memory_space<hbm>> -> memref<16x64xi32, #tpu.memory_space<hbm>>
            %dma_wait3A_1550 = arith.constant 0 : i32
            %dma_wait3A_1551 = tpu.memref_slice %arg8[%mul3A_1513, %dma_wait3A_1550] : memref<32x64xi32, #tpu.memory_space<vmem>> -> memref<16x64xi32, #tpu.memory_space<vmem>>
            %dma_wait3A_1552 = arith.constant 0 : i32
            %dma_wait3A_1553 = tpu.memref_slice %arg3[%add3A, %mul3A_1495, %dma_wait3A_1552] : memref<32x160x64xi32, #tpu.memory_space<hbm>> -> memref<1x16x64xi32, #tpu.memory_space<hbm>>
            %dma_wait3A_1554 = tpu.memref_squeeze %dma_wait3A_1553 : memref<1x16x64xi32, #tpu.memory_space<hbm>> -> memref<16x64xi32, #tpu.memory_space<hbm>>
            tpu.wait_dma2 semaphore(%run_scoped3A_1534 : memref<!tpu.dma_semaphore, #tpu.memory_space<semaphore_mem>>) src(%dma_wait3A_1554 : memref<16x64xi32, #tpu.memory_space<hbm>>) dst(%dma_wait3A_1551 : memref<16x64xi32, #tpu.memory_space<vmem>>)
            tpu.yield
          }) : () -> ()
          %mul3A_1514 = arith.constant 16 : i32
          %mul3A_1515 = arith.muli %add3A_1488, %mul3A_1514 : i32
          %jit3A_1516 = arith.constant 2 : i32
          %eq3A_1517 = arith.constant 0 : i32
          %eq3A_1518 = arith.cmpi eq, %jit3A_1516, %eq3A_1517 : i32
          %jit3A_1519 = arith.constant 1 : i32
          %select_n3A_1520 = arith.select %eq3A_1518, %jit3A_1519, %jit3A_1516 : i32
          %rem3A_1521 = arith.remsi %add3A_1488, %select_n3A_1520 : i32
          %ne3A_1522 = arith.constant 0 : i32
          %ne3A_1523 = arith.cmpi ne, %rem3A_1521, %ne3A_1522 : i32
          %lt3A_1524 = arith.constant 0 : i32
          %lt3A_1525 = arith.cmpi slt, %rem3A_1521, %lt3A_1524 : i32
          %lt3A_1526 = arith.constant 0 : i32
          %lt3A_1527 = arith.cmpi slt, %select_n3A_1520, %lt3A_1526 : i32
          %ne3A_1528 = arith.xori %lt3A_1525, %lt3A_1527 : i1
          %and3A_1529 = arith.andi %ne3A_1528, %ne3A_1523 : i1
          %add3A_1530 = arith.addi %rem3A_1521, %select_n3A_1520 : i32
          %select_n3A_1531 = arith.select %and3A_1529, %add3A_1530, %rem3A_1521 : i32
          %mul3A_1532 = arith.constant 16 : i32
          %mul3A_1533 = arith.muli %select_n3A_1531, %mul3A_1532 : i32
          "tpu.region"() ({
            %run_scoped3A_1534 = tpu.sem_alloc : memref<!tpu.dma_semaphore, #tpu.memory_space<semaphore_mem>>
            %dma_start3A_1535 = arith.constant 0 : i32
            %dma_start3A_1536 = tpu.memref_slice %arg9[%mul3A_1533, %dma_start3A_1535] : memref<32x64xi32, #tpu.memory_space<vmem>> -> memref<16x64xi32, #tpu.memory_space<vmem>>
            %dma_start3A_1537 = arith.constant 0 : i32
            %dma_start3A_1538 = tpu.memref_slice %arg4[%add3A, %mul3A_1515, %dma_start3A_1537] : memref<32x160x64xi32, #tpu.memory_space<hbm>> -> memref<1x16x64xi32, #tpu.memory_space<hbm>>
            %dma_start3A_1539 = tpu.memref_squeeze %dma_start3A_1538 : memref<1x16x64xi32, #tpu.memory_space<hbm>> -> memref<16x64xi32, #tpu.memory_space<hbm>>
            %dma_start3A_1540 = arith.constant 0 : i32
            %dma_start3A_1541 = tpu.memref_slice %arg9[%mul3A_1533, %dma_start3A_1540] : memref<32x64xi32, #tpu.memory_space<vmem>> -> memref<16x64xi32, #tpu.memory_space<vmem>>
            %dma_start3A_1542 = arith.constant 0 : i32
            %dma_start3A_1543 = tpu.memref_slice %arg4[%add3A, %mul3A_1515, %dma_start3A_1542] : memref<32x160x64xi32, #tpu.memory_space<hbm>> -> memref<1x16x64xi32, #tpu.memory_space<hbm>>
            %dma_start3A_1544 = tpu.memref_squeeze %dma_start3A_1543 : memref<1x16x64xi32, #tpu.memory_space<hbm>> -> memref<16x64xi32, #tpu.memory_space<hbm>>
            tpu.enqueue_dma source(%dma_start3A_1544 : memref<16x64xi32, #tpu.memory_space<hbm>>) target(%dma_start3A_1541 : memref<16x64xi32, #tpu.memory_space<vmem>>) target_semaphore(%run_scoped3A_1534 : memref<!tpu.dma_semaphore, #tpu.memory_space<semaphore_mem>>)
            %dma_wait3A_1545 = arith.constant 0 : i32
            %dma_wait3A_1546 = tpu.memref_slice %arg9[%mul3A_1533, %dma_wait3A_1545] : memref<32x64xi32, #tpu.memory_space<vmem>> -> memref<16x64xi32, #tpu.memory_space<vmem>>
            %dma_wait3A_1547 = arith.constant 0 : i32
            %dma_wait3A_1548 = tpu.memref_slice %arg4[%add3A, %mul3A_1515, %dma_wait3A_1547] : memref<32x160x64xi32, #tpu.memory_space<hbm>> -> memref<1x16x64xi32, #tpu.memory_space<hbm>>
            %dma_wait3A_1549 = tpu.memref_squeeze %dma_wait3A_1548 : memref<1x16x64xi32, #tpu.memory_space<hbm>> -> memref<16x64xi32, #tpu.memory_space<hbm>>
            %dma_wait3A_1550 = arith.constant 0 : i32
            %dma_wait3A_1551 = tpu.memref_slice %arg9[%mul3A_1533, %dma_wait3A_1550] : memref<32x64xi32, #tpu.memory_space<vmem>> -> memref<16x64xi32, #tpu.memory_space<vmem>>
            %dma_wait3A_1552 = arith.constant 0 : i32
            %dma_wait3A_1553 = tpu.memref_slice %arg4[%add3A, %mul3A_1515, %dma_wait3A_1552] : memref<32x160x64xi32, #tpu.memory_space<hbm>> -> memref<1x16x64xi32, #tpu.memory_space<hbm>>
            %dma_wait3A_1554 = tpu.memref_squeeze %dma_wait3A_1553 : memref<1x16x64xi32, #tpu.memory_space<hbm>> -> memref<16x64xi32, #tpu.memory_space<hbm>>
            tpu.wait_dma2 semaphore(%run_scoped3A_1534 : memref<!tpu.dma_semaphore, #tpu.memory_space<semaphore_mem>>) src(%dma_wait3A_1554 : memref<16x64xi32, #tpu.memory_space<hbm>>) dst(%dma_wait3A_1551 : memref<16x64xi32, #tpu.memory_space<vmem>>)
            tpu.yield
          }) : () -> ()
        } else {
        }
      } else {
      }
      %add3A_708 = arith.constant 1 : i32
      %add3A_709 = arith.addi %mul3A_695, %add3A_708 : i32
      %jit3A_710 = arith.constant 16 : i32
      %div3A = arith.divsi %mul3A_695, %jit3A_710 : i32
      %sign3A = arith.constant 0 : i32
      %sign3A_711 = arith.cmpi sgt, %mul3A_695, %sign3A : i32
      %sign3A_712 = arith.extui %sign3A_711 : i1 to i32
      %sign3A_713 = arith.constant 0 : i32
      %sign3A_714 = arith.cmpi slt, %mul3A_695, %sign3A_713 : i32
      %sign3A_715 = arith.extui %sign3A_714 : i1 to i32
      %sign3A_716 = arith.subi %sign3A_712, %sign3A_715 : i32
      %sign3A_717 = arith.constant 0 : i32
      %sign3A_718 = arith.cmpi sgt, %jit3A_710, %sign3A_717 : i32
      %sign3A_719 = arith.extui %sign3A_718 : i1 to i32
      %sign3A_720 = arith.constant 0 : i32
      %sign3A_721 = arith.cmpi slt, %jit3A_710, %sign3A_720 : i32
      %sign3A_722 = arith.extui %sign3A_721 : i1 to i32
      %sign3A_723 = arith.subi %sign3A_719, %sign3A_722 : i32
      %ne3A_724 = arith.cmpi ne, %sign3A_716, %sign3A_723 : i32
      %rem3A_725 = arith.remsi %mul3A_695, %jit3A_710 : i32
      %ne3A_726 = arith.constant 0 : i32
      %ne3A_727 = arith.cmpi ne, %rem3A_725, %ne3A_726 : i32
      %and3A_728 = arith.andi %ne3A_724, %ne3A_727 : i1
      %sub3A = arith.constant 1 : i32
      %sub3A_729 = arith.subi %div3A, %sub3A : i32
      %select_n3A_730 = arith.select %and3A_728, %sub3A_729, %div3A : i32
      %jit3A_731 = arith.constant 2 : i32
      %eq3A_732 = arith.constant 0 : i32
      %eq3A_733 = arith.cmpi eq, %jit3A_731, %eq3A_732 : i32
      %jit3A_734 = arith.constant 1 : i32
      %select_n3A_735 = arith.select %eq3A_733, %jit3A_734, %jit3A_731 : i32
      %rem3A_736 = arith.remsi %select_n3A_730, %select_n3A_735 : i32
      %ne3A_737 = arith.constant 0 : i32
      %ne3A_738 = arith.cmpi ne, %rem3A_736, %ne3A_737 : i32
      %lt3A_739 = arith.constant 0 : i32
      %lt3A_740 = arith.cmpi slt, %rem3A_736, %lt3A_739 : i32
      %lt3A_741 = arith.constant 0 : i32
      %lt3A_742 = arith.cmpi slt, %select_n3A_735, %lt3A_741 : i32
      %ne3A_743 = arith.xori %lt3A_740, %lt3A_742 : i1
      %and3A_744 = arith.andi %ne3A_743, %ne3A_738 : i1
      %add3A_745 = arith.addi %rem3A_736, %select_n3A_735 : i32
      %select_n3A_746 = arith.select %and3A_744, %add3A_745, %rem3A_736 : i32
      %mul3A_747 = arith.constant 16 : i32
      %mul3A_748 = arith.muli %select_n3A_746, %mul3A_747 : i32
      %jit3A_749 = arith.constant 16 : i32
      %eq3A_750 = arith.constant 0 : i32
      %eq3A_751 = arith.cmpi eq, %jit3A_749, %eq3A_750 : i32
      %jit3A_752 = arith.constant 1 : i32
      %select_n3A_753 = arith.select %eq3A_751, %jit3A_752, %jit3A_749 : i32
      %rem3A_754 = arith.remsi %mul3A_695, %select_n3A_753 : i32
      %ne3A_755 = arith.constant 0 : i32
      %ne3A_756 = arith.cmpi ne, %rem3A_754, %ne3A_755 : i32
      %lt3A_757 = arith.constant 0 : i32
      %lt3A_758 = arith.cmpi slt, %rem3A_754, %lt3A_757 : i32
      %lt3A_759 = arith.constant 0 : i32
      %lt3A_760 = arith.cmpi slt, %select_n3A_753, %lt3A_759 : i32
      %ne3A_761 = arith.xori %lt3A_758, %lt3A_760 : i1
      %and3A_762 = arith.andi %ne3A_761, %ne3A_756 : i1
      %add3A_763 = arith.addi %rem3A_754, %select_n3A_753 : i32
      %select_n3A_764 = arith.select %and3A_762, %add3A_763, %rem3A_754 : i32
      %add3A_765 = arith.addi %mul3A_748, %select_n3A_764 : i32
      %dma_wait3A_766 = arith.constant 0 : i32
      %dma_wait3A_767 = tpu.memref_slice %arg8[%add3A_765, %dma_wait3A_766] : memref<32x64xi32, #tpu.memory_space<vmem>> -> memref<1x64xi32, #tpu.memory_space<vmem>>
      %dma_wait3A_768 = tpu.memref_squeeze %dma_wait3A_767 : memref<1x64xi32, #tpu.memory_space<vmem>> -> memref<64xi32, #tpu.memory_space<vmem>>
      %dma_wait3A_769 = arith.constant 0 : i32
      %dma_wait3A_770 = arith.constant 0 : i32
      %dma_wait3A_771 = tpu.memref_slice %arg2[%dma_wait3A_769, %dma_wait3A_770] : memref<10000x128xf32, #tpu.memory_space<hbm>> -> memref<10000x128xf32, #tpu.memory_space<hbm>>
      tpu.wait_indirect_dma semaphore(%arg14 : memref<!tpu.dma_semaphore, #tpu.memory_space<semaphore_mem>>) src(%dma_wait3A_771 : memref<10000x128xf32, #tpu.memory_space<hbm>>) dst(%arg10 : memref<64x128xf32, #tpu.memory_space<vmem>>)
      %jit3A_772 = arith.constant 16 : i32
      %div3A_773 = arith.divsi %mul3A_695, %jit3A_772 : i32
      %sign3A_774 = arith.constant 0 : i32
      %sign3A_775 = arith.cmpi sgt, %mul3A_695, %sign3A_774 : i32
      %sign3A_776 = arith.extui %sign3A_775 : i1 to i32
      %sign3A_777 = arith.constant 0 : i32
      %sign3A_778 = arith.cmpi slt, %mul3A_695, %sign3A_777 : i32
      %sign3A_779 = arith.extui %sign3A_778 : i1 to i32
      %sign3A_780 = arith.subi %sign3A_776, %sign3A_779 : i32
      %sign3A_781 = arith.constant 0 : i32
      %sign3A_782 = arith.cmpi sgt, %jit3A_772, %sign3A_781 : i32
      %sign3A_783 = arith.extui %sign3A_782 : i1 to i32
      %sign3A_784 = arith.constant 0 : i32
      %sign3A_785 = arith.cmpi slt, %jit3A_772, %sign3A_784 : i32
      %sign3A_786 = arith.extui %sign3A_785 : i1 to i32
      %sign3A_787 = arith.subi %sign3A_783, %sign3A_786 : i32
      %ne3A_788 = arith.cmpi ne, %sign3A_780, %sign3A_787 : i32
      %rem3A_789 = arith.remsi %mul3A_695, %jit3A_772 : i32
      %ne3A_790 = arith.constant 0 : i32
      %ne3A_791 = arith.cmpi ne, %rem3A_789, %ne3A_790 : i32
      %and3A_792 = arith.andi %ne3A_788, %ne3A_791 : i1
      %sub3A_793 = arith.constant 1 : i32
      %sub3A_794 = arith.subi %div3A_773, %sub3A_793 : i32
      %select_n3A_795 = arith.select %and3A_792, %sub3A_794, %div3A_773 : i32
      %jit3A_796 = arith.constant 2 : i32
      %eq3A_797 = arith.constant 0 : i32
      %eq3A_798 = arith.cmpi eq, %jit3A_796, %eq3A_797 : i32
      %jit3A_799 = arith.constant 1 : i32
      %select_n3A_800 = arith.select %eq3A_798, %jit3A_799, %jit3A_796 : i32
      %rem3A_801 = arith.remsi %select_n3A_795, %select_n3A_800 : i32
      %ne3A_802 = arith.constant 0 : i32
      %ne3A_803 = arith.cmpi ne, %rem3A_801, %ne3A_802 : i32
      %lt3A_804 = arith.constant 0 : i32
      %lt3A_805 = arith.cmpi slt, %rem3A_801, %lt3A_804 : i32
      %lt3A_806 = arith.constant 0 : i32
      %lt3A_807 = arith.cmpi slt, %select_n3A_800, %lt3A_806 : i32
      %ne3A_808 = arith.xori %lt3A_805, %lt3A_807 : i1
      %and3A_809 = arith.andi %ne3A_808, %ne3A_803 : i1
      %add3A_810 = arith.addi %rem3A_801, %select_n3A_800 : i32
      %select_n3A_811 = arith.select %and3A_809, %add3A_810, %rem3A_801 : i32
      %mul3A_812 = arith.constant 16 : i32
      %mul3A_813 = arith.muli %select_n3A_811, %mul3A_812 : i32
      %jit3A_814 = arith.constant 16 : i32
      %eq3A_815 = arith.constant 0 : i32
      %eq3A_816 = arith.cmpi eq, %jit3A_814, %eq3A_815 : i32
      %jit3A_817 = arith.constant 1 : i32
      %select_n3A_818 = arith.select %eq3A_816, %jit3A_817, %jit3A_814 : i32
      %rem3A_819 = arith.remsi %mul3A_695, %select_n3A_818 : i32
      %ne3A_820 = arith.constant 0 : i32
      %ne3A_821 = arith.cmpi ne, %rem3A_819, %ne3A_820 : i32
      %lt3A_822 = arith.constant 0 : i32
      %lt3A_823 = arith.cmpi slt, %rem3A_819, %lt3A_822 : i32
      %lt3A_824 = arith.constant 0 : i32
      %lt3A_825 = arith.cmpi slt, %select_n3A_818, %lt3A_824 : i32
      %ne3A_826 = arith.xori %lt3A_823, %lt3A_825 : i1
      %and3A_827 = arith.andi %ne3A_826, %ne3A_821 : i1
      %add3A_828 = arith.addi %rem3A_819, %select_n3A_818 : i32
      %select_n3A_829 = arith.select %and3A_827, %add3A_828, %rem3A_819 : i32
      %add3A_830 = arith.addi %mul3A_813, %select_n3A_829 : i32
      "tpu.region"() ({
        %run_scoped3A_1463 = tpu.sem_alloc : memref<!tpu.dma_semaphore, #tpu.memory_space<semaphore_mem>>
        %dma_start3A_1464 = arith.constant 0 : i32
        %dma_start3A_1465 = tpu.memref_slice %arg9[%add3A_830, %dma_start3A_1464] : memref<32x64xi32, #tpu.memory_space<vmem>> -> memref<1x64xi32, #tpu.memory_space<vmem>>
        %dma_start3A_1466 = tpu.memref_squeeze %dma_start3A_1465 : memref<1x64xi32, #tpu.memory_space<vmem>> -> memref<64xi32, #tpu.memory_space<vmem>>
        %dma_start3A_1467 = arith.constant 0 : i32
        %dma_start3A_1468 = arith.constant 0 : i32
        %dma_start3A_1469 = tpu.memref_slice %arg16[%dma_start3A_1467, %dma_start3A_1468] : memref<10240x128xf32, #tpu.memory_space<vmem_shared>> -> memref<10240x128xf32, #tpu.memory_space<vmem_shared>>
        tpu.enqueue_indirect_dma source(%arg10 : memref<64x128xf32, #tpu.memory_space<vmem>>) target(%dma_start3A_1469 : memref<10240x128xf32, #tpu.memory_space<vmem_shared>>) offsets(%dma_start3A_1466 : memref<64xi32, #tpu.memory_space<vmem>>) semaphore(%run_scoped3A_1463 : memref<!tpu.dma_semaphore, #tpu.memory_space<semaphore_mem>>) {add = true}
        %dma_wait3A_1470 = arith.constant 0 : i32
        %dma_wait3A_1471 = tpu.memref_slice %arg9[%add3A_830, %dma_wait3A_1470] : memref<32x64xi32, #tpu.memory_space<vmem>> -> memref<1x64xi32, #tpu.memory_space<vmem>>
        %dma_wait3A_1472 = tpu.memref_squeeze %dma_wait3A_1471 : memref<1x64xi32, #tpu.memory_space<vmem>> -> memref<64xi32, #tpu.memory_space<vmem>>
        %dma_wait3A_1473 = arith.constant 0 : i32
        %dma_wait3A_1474 = arith.constant 0 : i32
        %dma_wait3A_1475 = tpu.memref_slice %arg16[%dma_wait3A_1473, %dma_wait3A_1474] : memref<10240x128xf32, #tpu.memory_space<vmem_shared>> -> memref<10240x128xf32, #tpu.memory_space<vmem_shared>>
        tpu.wait_indirect_dma semaphore(%run_scoped3A_1463 : memref<!tpu.dma_semaphore, #tpu.memory_space<semaphore_mem>>) src(%arg10 : memref<64x128xf32, #tpu.memory_space<vmem>>) dst(%dma_wait3A_1475 : memref<10240x128xf32, #tpu.memory_space<vmem_shared>>)
        tpu.yield
      }) : () -> ()
      %broadcast_in_dim3A = arith.constant 1.000000e+00 : f32
      %broadcast_in_dim3A_831 = vector.broadcast %broadcast_in_dim3A : f32 to vector<16xf32>
      %jit3A_832 = arith.constant 16 : i32
      %div3A_833 = arith.divsi %mul3A_695, %jit3A_832 : i32
      %sign3A_834 = arith.constant 0 : i32
      %sign3A_835 = arith.cmpi sgt, %mul3A_695, %sign3A_834 : i32
      %sign3A_836 = arith.extui %sign3A_835 : i1 to i32
      %sign3A_837 = arith.constant 0 : i32
      %sign3A_838 = arith.cmpi slt, %mul3A_695, %sign3A_837 : i32
      %sign3A_839 = arith.extui %sign3A_838 : i1 to i32
      %sign3A_840 = arith.subi %sign3A_836, %sign3A_839 : i32
      %sign3A_841 = arith.constant 0 : i32
      %sign3A_842 = arith.cmpi sgt, %jit3A_832, %sign3A_841 : i32
      %sign3A_843 = arith.extui %sign3A_842 : i1 to i32
      %sign3A_844 = arith.constant 0 : i32
      %sign3A_845 = arith.cmpi slt, %jit3A_832, %sign3A_844 : i32
      %sign3A_846 = arith.extui %sign3A_845 : i1 to i32
      %sign3A_847 = arith.subi %sign3A_843, %sign3A_846 : i32
      %ne3A_848 = arith.cmpi ne, %sign3A_840, %sign3A_847 : i32
      %rem3A_849 = arith.remsi %mul3A_695, %jit3A_832 : i32
      %ne3A_850 = arith.constant 0 : i32
      %ne3A_851 = arith.cmpi ne, %rem3A_849, %ne3A_850 : i32
      %and3A_852 = arith.andi %ne3A_848, %ne3A_851 : i1
      %sub3A_853 = arith.constant 1 : i32
      %sub3A_854 = arith.subi %div3A_833, %sub3A_853 : i32
      %select_n3A_855 = arith.select %and3A_852, %sub3A_854, %div3A_833 : i32
      %jit3A_856 = arith.constant 2 : i32
      %eq3A_857 = arith.constant 0 : i32
      %eq3A_858 = arith.cmpi eq, %jit3A_856, %eq3A_857 : i32
      %jit3A_859 = arith.constant 1 : i32
      %select_n3A_860 = arith.select %eq3A_858, %jit3A_859, %jit3A_856 : i32
      %rem3A_861 = arith.remsi %select_n3A_855, %select_n3A_860 : i32
      %ne3A_862 = arith.constant 0 : i32
      %ne3A_863 = arith.cmpi ne, %rem3A_861, %ne3A_862 : i32
      %lt3A_864 = arith.constant 0 : i32
      %lt3A_865 = arith.cmpi slt, %rem3A_861, %lt3A_864 : i32
      %lt3A_866 = arith.constant 0 : i32
      %lt3A_867 = arith.cmpi slt, %select_n3A_860, %lt3A_866 : i32
      %ne3A_868 = arith.xori %lt3A_865, %lt3A_867 : i1
      %and3A_869 = arith.andi %ne3A_868, %ne3A_863 : i1
      %add3A_870 = arith.addi %rem3A_861, %select_n3A_860 : i32
      %select_n3A_871 = arith.select %and3A_869, %add3A_870, %rem3A_861 : i32
      %mul3A_872 = arith.constant 16 : i32
      %mul3A_873 = arith.muli %select_n3A_871, %mul3A_872 : i32
      %jit3A_874 = arith.constant 16 : i32
      %eq3A_875 = arith.constant 0 : i32
      %eq3A_876 = arith.cmpi eq, %jit3A_874, %eq3A_875 : i32
      %jit3A_877 = arith.constant 1 : i32
      %select_n3A_878 = arith.select %eq3A_876, %jit3A_877, %jit3A_874 : i32
      %rem3A_879 = arith.remsi %mul3A_695, %select_n3A_878 : i32
      %ne3A_880 = arith.constant 0 : i32
      %ne3A_881 = arith.cmpi ne, %rem3A_879, %ne3A_880 : i32
      %lt3A_882 = arith.constant 0 : i32
      %lt3A_883 = arith.cmpi slt, %rem3A_879, %lt3A_882 : i32
      %lt3A_884 = arith.constant 0 : i32
      %lt3A_885 = arith.cmpi slt, %select_n3A_878, %lt3A_884 : i32
      %ne3A_886 = arith.xori %lt3A_883, %lt3A_885 : i1
      %and3A_887 = arith.andi %ne3A_886, %ne3A_881 : i1
      %add3A_888 = arith.addi %rem3A_879, %select_n3A_878 : i32
      %select_n3A_889 = arith.select %and3A_887, %add3A_888, %rem3A_879 : i32
      %add3A_890 = arith.addi %mul3A_873, %select_n3A_889 : i32
      %get3A = arith.index_cast %add3A_890 : i32 to index
      %get3A_891 = arith.constant 0 : index
      %get3A_892 = tpu.vector_load %arg9[%get3A, %get3A_891] {strides = array<i32>} : memref<32x64xi32, #tpu.memory_space<vmem>>, vector<16xi32>,
      tpu.vector_store_idx %arg12[%get3A_892], %broadcast_in_dim3A_831 {add = true} : memref<10240xf32, #tpu.memory_space<vmem>>[vector<16xi32>], vector<16xf32>,
      %jit3A_893 = arith.constant 16 : i32
      %div3A_894 = arith.divsi %mul3A_695, %jit3A_893 : i32
      %sign3A_895 = arith.constant 0 : i32
      %sign3A_896 = arith.cmpi sgt, %mul3A_695, %sign3A_895 : i32
      %sign3A_897 = arith.extui %sign3A_896 : i1 to i32
      %sign3A_898 = arith.constant 0 : i32
      %sign3A_899 = arith.cmpi slt, %mul3A_695, %sign3A_898 : i32
      %sign3A_900 = arith.extui %sign3A_899 : i1 to i32
      %sign3A_901 = arith.subi %sign3A_897, %sign3A_900 : i32
      %sign3A_902 = arith.constant 0 : i32
      %sign3A_903 = arith.cmpi sgt, %jit3A_893, %sign3A_902 : i32
      %sign3A_904 = arith.extui %sign3A_903 : i1 to i32
      %sign3A_905 = arith.constant 0 : i32
      %sign3A_906 = arith.cmpi slt, %jit3A_893, %sign3A_905 : i32
      %sign3A_907 = arith.extui %sign3A_906 : i1 to i32
      %sign3A_908 = arith.subi %sign3A_904, %sign3A_907 : i32
      %ne3A_909 = arith.cmpi ne, %sign3A_901, %sign3A_908 : i32
      %rem3A_910 = arith.remsi %mul3A_695, %jit3A_893 : i32
      %ne3A_911 = arith.constant 0 : i32
      %ne3A_912 = arith.cmpi ne, %rem3A_910, %ne3A_911 : i32
      %and3A_913 = arith.andi %ne3A_909, %ne3A_912 : i1
      %sub3A_914 = arith.constant 1 : i32
      %sub3A_915 = arith.subi %div3A_894, %sub3A_914 : i32
      %select_n3A_916 = arith.select %and3A_913, %sub3A_915, %div3A_894 : i32
      %jit3A_917 = arith.constant 2 : i32
      %eq3A_918 = arith.constant 0 : i32
      %eq3A_919 = arith.cmpi eq, %jit3A_917, %eq3A_918 : i32
      %jit3A_920 = arith.constant 1 : i32
      %select_n3A_921 = arith.select %eq3A_919, %jit3A_920, %jit3A_917 : i32
      %rem3A_922 = arith.remsi %select_n3A_916, %select_n3A_921 : i32
      %ne3A_923 = arith.constant 0 : i32
      %ne3A_924 = arith.cmpi ne, %rem3A_922, %ne3A_923 : i32
      %lt3A_925 = arith.constant 0 : i32
      %lt3A_926 = arith.cmpi slt, %rem3A_922, %lt3A_925 : i32
      %lt3A_927 = arith.constant 0 : i32
      %lt3A_928 = arith.cmpi slt, %select_n3A_921, %lt3A_927 : i32
      %ne3A_929 = arith.xori %lt3A_926, %lt3A_928 : i1
      %and3A_930 = arith.andi %ne3A_929, %ne3A_924 : i1
      %add3A_931 = arith.addi %rem3A_922, %select_n3A_921 : i32
      %select_n3A_932 = arith.select %and3A_930, %add3A_931, %rem3A_922 : i32
      %mul3A_933 = arith.constant 16 : i32
      %mul3A_934 = arith.muli %select_n3A_932, %mul3A_933 : i32
      %jit3A_935 = arith.constant 16 : i32
      %eq3A_936 = arith.constant 0 : i32
      %eq3A_937 = arith.cmpi eq, %jit3A_935, %eq3A_936 : i32
      %jit3A_938 = arith.constant 1 : i32
      %select_n3A_939 = arith.select %eq3A_937, %jit3A_938, %jit3A_935 : i32
      %rem3A_940 = arith.remsi %mul3A_695, %select_n3A_939 : i32
      %ne3A_941 = arith.constant 0 : i32
      %ne3A_942 = arith.cmpi ne, %rem3A_940, %ne3A_941 : i32
      %lt3A_943 = arith.constant 0 : i32
      %lt3A_944 = arith.cmpi slt, %rem3A_940, %lt3A_943 : i32
      %lt3A_945 = arith.constant 0 : i32
      %lt3A_946 = arith.cmpi slt, %select_n3A_939, %lt3A_945 : i32
      %ne3A_947 = arith.xori %lt3A_944, %lt3A_946 : i1
      %and3A_948 = arith.andi %ne3A_947, %ne3A_942 : i1
      %add3A_949 = arith.addi %rem3A_940, %select_n3A_939 : i32
      %select_n3A_950 = arith.select %and3A_948, %add3A_949, %rem3A_940 : i32
      %add3A_951 = arith.addi %mul3A_934, %select_n3A_950 : i32
      %get3A_952 = arith.index_cast %add3A_951 : i32 to index
      %get3A_953 = arith.constant 16 : index
      %get3A_954 = tpu.vector_load %arg9[%get3A_952, %get3A_953] {strides = array<i32>} : memref<32x64xi32, #tpu.memory_space<vmem>>, vector<16xi32>,
      tpu.vector_store_idx %arg12[%get3A_954], %broadcast_in_dim3A_831 {add = true} : memref<10240xf32, #tpu.memory_space<vmem>>[vector<16xi32>], vector<16xf32>,
      %jit3A_955 = arith.constant 16 : i32
      %div3A_956 = arith.divsi %mul3A_695, %jit3A_955 : i32
      %sign3A_957 = arith.constant 0 : i32
      %sign3A_958 = arith.cmpi sgt, %mul3A_695, %sign3A_957 : i32
      %sign3A_959 = arith.extui %sign3A_958 : i1 to i32
      %sign3A_960 = arith.constant 0 : i32
      %sign3A_961 = arith.cmpi slt, %mul3A_695, %sign3A_960 : i32
      %sign3A_962 = arith.extui %sign3A_961 : i1 to i32
      %sign3A_963 = arith.subi %sign3A_959, %sign3A_962 : i32
      %sign3A_964 = arith.constant 0 : i32
      %sign3A_965 = arith.cmpi sgt, %jit3A_955, %sign3A_964 : i32
      %sign3A_966 = arith.extui %sign3A_965 : i1 to i32
      %sign3A_967 = arith.constant 0 : i32
      %sign3A_968 = arith.cmpi slt, %jit3A_955, %sign3A_967 : i32
      %sign3A_969 = arith.extui %sign3A_968 : i1 to i32
      %sign3A_970 = arith.subi %sign3A_966, %sign3A_969 : i32
      %ne3A_971 = arith.cmpi ne, %sign3A_963, %sign3A_970 : i32
      %rem3A_972 = arith.remsi %mul3A_695, %jit3A_955 : i32
      %ne3A_973 = arith.constant 0 : i32
      %ne3A_974 = arith.cmpi ne, %rem3A_972, %ne3A_973 : i32
      %and3A_975 = arith.andi %ne3A_971, %ne3A_974 : i1
      %sub3A_976 = arith.constant 1 : i32
      %sub3A_977 = arith.subi %div3A_956, %sub3A_976 : i32
      %select_n3A_978 = arith.select %and3A_975, %sub3A_977, %div3A_956 : i32
      %jit3A_979 = arith.constant 2 : i32
      %eq3A_980 = arith.constant 0 : i32
      %eq3A_981 = arith.cmpi eq, %jit3A_979, %eq3A_980 : i32
      %jit3A_982 = arith.constant 1 : i32
      %select_n3A_983 = arith.select %eq3A_981, %jit3A_982, %jit3A_979 : i32
      %rem3A_984 = arith.remsi %select_n3A_978, %select_n3A_983 : i32
      %ne3A_985 = arith.constant 0 : i32
      %ne3A_986 = arith.cmpi ne, %rem3A_984, %ne3A_985 : i32
      %lt3A_987 = arith.constant 0 : i32
      %lt3A_988 = arith.cmpi slt, %rem3A_984, %lt3A_987 : i32
      %lt3A_989 = arith.constant 0 : i32
      %lt3A_990 = arith.cmpi slt, %select_n3A_983, %lt3A_989 : i32
      %ne3A_991 = arith.xori %lt3A_988, %lt3A_990 : i1
      %and3A_992 = arith.andi %ne3A_991, %ne3A_986 : i1
      %add3A_993 = arith.addi %rem3A_984, %select_n3A_983 : i32
      %select_n3A_994 = arith.select %and3A_992, %add3A_993, %rem3A_984 : i32
      %mul3A_995 = arith.constant 16 : i32
      %mul3A_996 = arith.muli %select_n3A_994, %mul3A_995 : i32
      %jit3A_997 = arith.constant 16 : i32
      %eq3A_998 = arith.constant 0 : i32
      %eq3A_999 = arith.cmpi eq, %jit3A_997, %eq3A_998 : i32
      %jit3A_1000 = arith.constant 1 : i32
      %select_n3A_1001 = arith.select %eq3A_999, %jit3A_1000, %jit3A_997 : i32
      %rem3A_1002 = arith.remsi %mul3A_695, %select_n3A_1001 : i32
      %ne3A_1003 = arith.constant 0 : i32
      %ne3A_1004 = arith.cmpi ne, %rem3A_1002, %ne3A_1003 : i32
      %lt3A_1005 = arith.constant 0 : i32
      %lt3A_1006 = arith.cmpi slt, %rem3A_1002, %lt3A_1005 : i32
      %lt3A_1007 = arith.constant 0 : i32
      %lt3A_1008 = arith.cmpi slt, %select_n3A_1001, %lt3A_1007 : i32
      %ne3A_1009 = arith.xori %lt3A_1006, %lt3A_1008 : i1
      %and3A_1010 = arith.andi %ne3A_1009, %ne3A_1004 : i1
      %add3A_1011 = arith.addi %rem3A_1002, %select_n3A_1001 : i32
      %select_n3A_1012 = arith.select %and3A_1010, %add3A_1011, %rem3A_1002 : i32
      %add3A_1013 = arith.addi %mul3A_996, %select_n3A_1012 : i32
      %get3A_1014 = arith.index_cast %add3A_1013 : i32 to index
      %get3A_1015 = arith.constant 32 : index
      %get3A_1016 = tpu.vector_load %arg9[%get3A_1014, %get3A_1015] {strides = array<i32>} : memref<32x64xi32, #tpu.memory_space<vmem>>, vector<16xi32>,
      tpu.vector_store_idx %arg12[%get3A_1016], %broadcast_in_dim3A_831 {add = true} : memref<10240xf32, #tpu.memory_space<vmem>>[vector<16xi32>], vector<16xf32>,
      %jit3A_1017 = arith.constant 16 : i32
      %div3A_1018 = arith.divsi %mul3A_695, %jit3A_1017 : i32
      %sign3A_1019 = arith.constant 0 : i32
      %sign3A_1020 = arith.cmpi sgt, %mul3A_695, %sign3A_1019 : i32
      %sign3A_1021 = arith.extui %sign3A_1020 : i1 to i32
      %sign3A_1022 = arith.constant 0 : i32
      %sign3A_1023 = arith.cmpi slt, %mul3A_695, %sign3A_1022 : i32
      %sign3A_1024 = arith.extui %sign3A_1023 : i1 to i32
      %sign3A_1025 = arith.subi %sign3A_1021, %sign3A_1024 : i32
      %sign3A_1026 = arith.constant 0 : i32
      %sign3A_1027 = arith.cmpi sgt, %jit3A_1017, %sign3A_1026 : i32
      %sign3A_1028 = arith.extui %sign3A_1027 : i1 to i32
      %sign3A_1029 = arith.constant 0 : i32
      %sign3A_1030 = arith.cmpi slt, %jit3A_1017, %sign3A_1029 : i32
      %sign3A_1031 = arith.extui %sign3A_1030 : i1 to i32
      %sign3A_1032 = arith.subi %sign3A_1028, %sign3A_1031 : i32
      %ne3A_1033 = arith.cmpi ne, %sign3A_1025, %sign3A_1032 : i32
      %rem3A_1034 = arith.remsi %mul3A_695, %jit3A_1017 : i32
      %ne3A_1035 = arith.constant 0 : i32
      %ne3A_1036 = arith.cmpi ne, %rem3A_1034, %ne3A_1035 : i32
      %and3A_1037 = arith.andi %ne3A_1033, %ne3A_1036 : i1
      %sub3A_1038 = arith.constant 1 : i32
      %sub3A_1039 = arith.subi %div3A_1018, %sub3A_1038 : i32
      %select_n3A_1040 = arith.select %and3A_1037, %sub3A_1039, %div3A_1018 : i32
      %jit3A_1041 = arith.constant 2 : i32
      %eq3A_1042 = arith.constant 0 : i32
      %eq3A_1043 = arith.cmpi eq, %jit3A_1041, %eq3A_1042 : i32
      %jit3A_1044 = arith.constant 1 : i32
      %select_n3A_1045 = arith.select %eq3A_1043, %jit3A_1044, %jit3A_1041 : i32
      %rem3A_1046 = arith.remsi %select_n3A_1040, %select_n3A_1045 : i32
      %ne3A_1047 = arith.constant 0 : i32
      %ne3A_1048 = arith.cmpi ne, %rem3A_1046, %ne3A_1047 : i32
      %lt3A_1049 = arith.constant 0 : i32
      %lt3A_1050 = arith.cmpi slt, %rem3A_1046, %lt3A_1049 : i32
      %lt3A_1051 = arith.constant 0 : i32
      %lt3A_1052 = arith.cmpi slt, %select_n3A_1045, %lt3A_1051 : i32
      %ne3A_1053 = arith.xori %lt3A_1050, %lt3A_1052 : i1
      %and3A_1054 = arith.andi %ne3A_1053, %ne3A_1048 : i1
      %add3A_1055 = arith.addi %rem3A_1046, %select_n3A_1045 : i32
      %select_n3A_1056 = arith.select %and3A_1054, %add3A_1055, %rem3A_1046 : i32
      %mul3A_1057 = arith.constant 16 : i32
      %mul3A_1058 = arith.muli %select_n3A_1056, %mul3A_1057 : i32
      %jit3A_1059 = arith.constant 16 : i32
      %eq3A_1060 = arith.constant 0 : i32
      %eq3A_1061 = arith.cmpi eq, %jit3A_1059, %eq3A_1060 : i32
      %jit3A_1062 = arith.constant 1 : i32
      %select_n3A_1063 = arith.select %eq3A_1061, %jit3A_1062, %jit3A_1059 : i32
      %rem3A_1064 = arith.remsi %mul3A_695, %select_n3A_1063 : i32
      %ne3A_1065 = arith.constant 0 : i32
      %ne3A_1066 = arith.cmpi ne, %rem3A_1064, %ne3A_1065 : i32
      %lt3A_1067 = arith.constant 0 : i32
      %lt3A_1068 = arith.cmpi slt, %rem3A_1064, %lt3A_1067 : i32
      %lt3A_1069 = arith.constant 0 : i32
      %lt3A_1070 = arith.cmpi slt, %select_n3A_1063, %lt3A_1069 : i32
      %ne3A_1071 = arith.xori %lt3A_1068, %lt3A_1070 : i1
      %and3A_1072 = arith.andi %ne3A_1071, %ne3A_1066 : i1
      %add3A_1073 = arith.addi %rem3A_1064, %select_n3A_1063 : i32
      %select_n3A_1074 = arith.select %and3A_1072, %add3A_1073, %rem3A_1064 : i32
      %add3A_1075 = arith.addi %mul3A_1058, %select_n3A_1074 : i32
      %get3A_1076 = arith.index_cast %add3A_1075 : i32 to index
      %get3A_1077 = arith.constant 48 : index
      %get3A_1078 = tpu.vector_load %arg9[%get3A_1076, %get3A_1077] {strides = array<i32>} : memref<32x64xi32, #tpu.memory_space<vmem>>, vector<16xi32>,
      tpu.vector_store_idx %arg12[%get3A_1078], %broadcast_in_dim3A_831 {add = true} : memref<10240xf32, #tpu.memory_space<vmem>>[vector<16xi32>], vector<16xf32>,
      %lt3A_1079 = arith.constant 79 : i32
      %lt3A_1080 = arith.cmpi slt, %scan3A_693, %lt3A_1079 : i32
      %convert_element_type3A_1081 = arith.extui %lt3A_1080 : i1 to i32
      %cond3A_1082 = arith.constant 0 : i32
      %cond3A_1083 = arith.cmpi ne, %convert_element_type3A_1081, %cond3A_1082 : i32
      scf.if %cond3A_1083 {
        %add3A_1463 = arith.constant 2 : i32
        %add3A_1464 = arith.addi %mul3A_695, %add3A_1463 : i32
        %jit3A_1465 = arith.constant 16 : i32
        %div3A_1466 = arith.divsi %add3A_1464, %jit3A_1465 : i32
        %sign3A_1467 = arith.constant 0 : i32
        %sign3A_1468 = arith.cmpi sgt, %add3A_1464, %sign3A_1467 : i32
        %sign3A_1469 = arith.extui %sign3A_1468 : i1 to i32
        %sign3A_1470 = arith.constant 0 : i32
        %sign3A_1471 = arith.cmpi slt, %add3A_1464, %sign3A_1470 : i32
        %sign3A_1472 = arith.extui %sign3A_1471 : i1 to i32
        %sign3A_1473 = arith.subi %sign3A_1469, %sign3A_1472 : i32
        %sign3A_1474 = arith.constant 0 : i32
        %sign3A_1475 = arith.cmpi sgt, %jit3A_1465, %sign3A_1474 : i32
        %sign3A_1476 = arith.extui %sign3A_1475 : i1 to i32
        %sign3A_1477 = arith.constant 0 : i32
        %sign3A_1478 = arith.cmpi slt, %jit3A_1465, %sign3A_1477 : i32
        %sign3A_1479 = arith.extui %sign3A_1478 : i1 to i32
        %sign3A_1480 = arith.subi %sign3A_1476, %sign3A_1479 : i32
        %ne3A_1481 = arith.cmpi ne, %sign3A_1473, %sign3A_1480 : i32
        %rem3A_1482 = arith.remsi %add3A_1464, %jit3A_1465 : i32
        %ne3A_1483 = arith.constant 0 : i32
        %ne3A_1484 = arith.cmpi ne, %rem3A_1482, %ne3A_1483 : i32
        %and3A_1485 = arith.andi %ne3A_1481, %ne3A_1484 : i1
        %sub3A_1486 = arith.constant 1 : i32
        %sub3A_1487 = arith.subi %div3A_1466, %sub3A_1486 : i32
        %select_n3A_1488 = arith.select %and3A_1485, %sub3A_1487, %div3A_1466 : i32
        %jit3A_1489 = arith.constant 2 : i32
        %eq3A_1490 = arith.constant 0 : i32
        %eq3A_1491 = arith.cmpi eq, %jit3A_1489, %eq3A_1490 : i32
        %jit3A_1492 = arith.constant 1 : i32
        %select_n3A_1493 = arith.select %eq3A_1491, %jit3A_1492, %jit3A_1489 : i32
        %rem3A_1494 = arith.remsi %select_n3A_1488, %select_n3A_1493 : i32
        %ne3A_1495 = arith.constant 0 : i32
        %ne3A_1496 = arith.cmpi ne, %rem3A_1494, %ne3A_1495 : i32
        %lt3A_1497 = arith.constant 0 : i32
        %lt3A_1498 = arith.cmpi slt, %rem3A_1494, %lt3A_1497 : i32
        %lt3A_1499 = arith.constant 0 : i32
        %lt3A_1500 = arith.cmpi slt, %select_n3A_1493, %lt3A_1499 : i32
        %ne3A_1501 = arith.xori %lt3A_1498, %lt3A_1500 : i1
        %and3A_1502 = arith.andi %ne3A_1501, %ne3A_1496 : i1
        %add3A_1503 = arith.addi %rem3A_1494, %select_n3A_1493 : i32
        %select_n3A_1504 = arith.select %and3A_1502, %add3A_1503, %rem3A_1494 : i32
        %mul3A_1505 = arith.constant 16 : i32
        %mul3A_1506 = arith.muli %select_n3A_1504, %mul3A_1505 : i32
        %jit3A_1507 = arith.constant 16 : i32
        %eq3A_1508 = arith.constant 0 : i32
        %eq3A_1509 = arith.cmpi eq, %jit3A_1507, %eq3A_1508 : i32
        %jit3A_1510 = arith.constant 1 : i32
        %select_n3A_1511 = arith.select %eq3A_1509, %jit3A_1510, %jit3A_1507 : i32
        %rem3A_1512 = arith.remsi %add3A_1464, %select_n3A_1511 : i32
        %ne3A_1513 = arith.constant 0 : i32
        %ne3A_1514 = arith.cmpi ne, %rem3A_1512, %ne3A_1513 : i32
        %lt3A_1515 = arith.constant 0 : i32
        %lt3A_1516 = arith.cmpi slt, %rem3A_1512, %lt3A_1515 : i32
        %lt3A_1517 = arith.constant 0 : i32
        %lt3A_1518 = arith.cmpi slt, %select_n3A_1511, %lt3A_1517 : i32
        %ne3A_1519 = arith.xori %lt3A_1516, %lt3A_1518 : i1
        %and3A_1520 = arith.andi %ne3A_1519, %ne3A_1514 : i1
        %add3A_1521 = arith.addi %rem3A_1512, %select_n3A_1511 : i32
        %select_n3A_1522 = arith.select %and3A_1520, %add3A_1521, %rem3A_1512 : i32
        %add3A_1523 = arith.addi %mul3A_1506, %select_n3A_1522 : i32
        %dma_start3A_1524 = arith.constant 0 : i32
        %dma_start3A_1525 = tpu.memref_slice %arg8[%add3A_1523, %dma_start3A_1524] : memref<32x64xi32, #tpu.memory_space<vmem>> -> memref<1x64xi32, #tpu.memory_space<vmem>>
        %dma_start3A_1526 = tpu.memref_squeeze %dma_start3A_1525 : memref<1x64xi32, #tpu.memory_space<vmem>> -> memref<64xi32, #tpu.memory_space<vmem>>
        %dma_start3A_1527 = arith.constant 0 : i32
        %dma_start3A_1528 = arith.constant 0 : i32
        %dma_start3A_1529 = tpu.memref_slice %arg2[%dma_start3A_1527, %dma_start3A_1528] : memref<10000x128xf32, #tpu.memory_space<hbm>> -> memref<10000x128xf32, #tpu.memory_space<hbm>>
        tpu.enqueue_indirect_dma source(%dma_start3A_1529 : memref<10000x128xf32, #tpu.memory_space<hbm>>) target(%arg10 : memref<64x128xf32, #tpu.memory_space<vmem>>) offsets(%dma_start3A_1526 : memref<64xi32, #tpu.memory_space<vmem>>) semaphore(%arg14 : memref<!tpu.dma_semaphore, #tpu.memory_space<semaphore_mem>>)
      } else {
      }
      %jit3A_1084 = arith.constant 16 : i32
      %div3A_1085 = arith.divsi %add3A_709, %jit3A_1084 : i32
      %sign3A_1086 = arith.constant 0 : i32
      %sign3A_1087 = arith.cmpi sgt, %add3A_709, %sign3A_1086 : i32
      %sign3A_1088 = arith.extui %sign3A_1087 : i1 to i32
      %sign3A_1089 = arith.constant 0 : i32
      %sign3A_1090 = arith.cmpi slt, %add3A_709, %sign3A_1089 : i32
      %sign3A_1091 = arith.extui %sign3A_1090 : i1 to i32
      %sign3A_1092 = arith.subi %sign3A_1088, %sign3A_1091 : i32
      %sign3A_1093 = arith.constant 0 : i32
      %sign3A_1094 = arith.cmpi sgt, %jit3A_1084, %sign3A_1093 : i32
      %sign3A_1095 = arith.extui %sign3A_1094 : i1 to i32
      %sign3A_1096 = arith.constant 0 : i32
      %sign3A_1097 = arith.cmpi slt, %jit3A_1084, %sign3A_1096 : i32
      %sign3A_1098 = arith.extui %sign3A_1097 : i1 to i32
      %sign3A_1099 = arith.subi %sign3A_1095, %sign3A_1098 : i32
      %ne3A_1100 = arith.cmpi ne, %sign3A_1092, %sign3A_1099 : i32
      %rem3A_1101 = arith.remsi %add3A_709, %jit3A_1084 : i32
      %ne3A_1102 = arith.constant 0 : i32
      %ne3A_1103 = arith.cmpi ne, %rem3A_1101, %ne3A_1102 : i32
      %and3A_1104 = arith.andi %ne3A_1100, %ne3A_1103 : i1
      %sub3A_1105 = arith.constant 1 : i32
      %sub3A_1106 = arith.subi %div3A_1085, %sub3A_1105 : i32
      %select_n3A_1107 = arith.select %and3A_1104, %sub3A_1106, %div3A_1085 : i32
      %jit3A_1108 = arith.constant 2 : i32
      %eq3A_1109 = arith.constant 0 : i32
      %eq3A_1110 = arith.cmpi eq, %jit3A_1108, %eq3A_1109 : i32
      %jit3A_1111 = arith.constant 1 : i32
      %select_n3A_1112 = arith.select %eq3A_1110, %jit3A_1111, %jit3A_1108 : i32
      %rem3A_1113 = arith.remsi %select_n3A_1107, %select_n3A_1112 : i32
      %ne3A_1114 = arith.constant 0 : i32
      %ne3A_1115 = arith.cmpi ne, %rem3A_1113, %ne3A_1114 : i32
      %lt3A_1116 = arith.constant 0 : i32
      %lt3A_1117 = arith.cmpi slt, %rem3A_1113, %lt3A_1116 : i32
      %lt3A_1118 = arith.constant 0 : i32
      %lt3A_1119 = arith.cmpi slt, %select_n3A_1112, %lt3A_1118 : i32
      %ne3A_1120 = arith.xori %lt3A_1117, %lt3A_1119 : i1
      %and3A_1121 = arith.andi %ne3A_1120, %ne3A_1115 : i1
      %add3A_1122 = arith.addi %rem3A_1113, %select_n3A_1112 : i32
      %select_n3A_1123 = arith.select %and3A_1121, %add3A_1122, %rem3A_1113 : i32
      %mul3A_1124 = arith.constant 16 : i32
      %mul3A_1125 = arith.muli %select_n3A_1123, %mul3A_1124 : i32
      %jit3A_1126 = arith.constant 16 : i32
      %eq3A_1127 = arith.constant 0 : i32
      %eq3A_1128 = arith.cmpi eq, %jit3A_1126, %eq3A_1127 : i32
      %jit3A_1129 = arith.constant 1 : i32
      %select_n3A_1130 = arith.select %eq3A_1128, %jit3A_1129, %jit3A_1126 : i32
      %rem3A_1131 = arith.remsi %add3A_709, %select_n3A_1130 : i32
      %ne3A_1132 = arith.constant 0 : i32
      %ne3A_1133 = arith.cmpi ne, %rem3A_1131, %ne3A_1132 : i32
      %lt3A_1134 = arith.constant 0 : i32
      %lt3A_1135 = arith.cmpi slt, %rem3A_1131, %lt3A_1134 : i32
      %lt3A_1136 = arith.constant 0 : i32
      %lt3A_1137 = arith.cmpi slt, %select_n3A_1130, %lt3A_1136 : i32
      %ne3A_1138 = arith.xori %lt3A_1135, %lt3A_1137 : i1
      %and3A_1139 = arith.andi %ne3A_1138, %ne3A_1133 : i1
      %add3A_1140 = arith.addi %rem3A_1131, %select_n3A_1130 : i32
      %select_n3A_1141 = arith.select %and3A_1139, %add3A_1140, %rem3A_1131 : i32
      %add3A_1142 = arith.addi %mul3A_1125, %select_n3A_1141 : i32
      %dma_wait3A_1143 = arith.constant 0 : i32
      %dma_wait3A_1144 = tpu.memref_slice %arg8[%add3A_1142, %dma_wait3A_1143] : memref<32x64xi32, #tpu.memory_space<vmem>> -> memref<1x64xi32, #tpu.memory_space<vmem>>
      %dma_wait3A_1145 = tpu.memref_squeeze %dma_wait3A_1144 : memref<1x64xi32, #tpu.memory_space<vmem>> -> memref<64xi32, #tpu.memory_space<vmem>>
      %dma_wait3A_1146 = arith.constant 0 : i32
      %dma_wait3A_1147 = arith.constant 0 : i32
      %dma_wait3A_1148 = tpu.memref_slice %arg2[%dma_wait3A_1146, %dma_wait3A_1147] : memref<10000x128xf32, #tpu.memory_space<hbm>> -> memref<10000x128xf32, #tpu.memory_space<hbm>>
      tpu.wait_indirect_dma semaphore(%arg15 : memref<!tpu.dma_semaphore, #tpu.memory_space<semaphore_mem>>) src(%dma_wait3A_1148 : memref<10000x128xf32, #tpu.memory_space<hbm>>) dst(%arg11 : memref<64x128xf32, #tpu.memory_space<vmem>>)
      %jit3A_1149 = arith.constant 16 : i32
      %div3A_1150 = arith.divsi %add3A_709, %jit3A_1149 : i32
      %sign3A_1151 = arith.constant 0 : i32
      %sign3A_1152 = arith.cmpi sgt, %add3A_709, %sign3A_1151 : i32
      %sign3A_1153 = arith.extui %sign3A_1152 : i1 to i32
      %sign3A_1154 = arith.constant 0 : i32
      %sign3A_1155 = arith.cmpi slt, %add3A_709, %sign3A_1154 : i32
      %sign3A_1156 = arith.extui %sign3A_1155 : i1 to i32
      %sign3A_1157 = arith.subi %sign3A_1153, %sign3A_1156 : i32
      %sign3A_1158 = arith.constant 0 : i32
      %sign3A_1159 = arith.cmpi sgt, %jit3A_1149, %sign3A_1158 : i32
      %sign3A_1160 = arith.extui %sign3A_1159 : i1 to i32
      %sign3A_1161 = arith.constant 0 : i32
      %sign3A_1162 = arith.cmpi slt, %jit3A_1149, %sign3A_1161 : i32
      %sign3A_1163 = arith.extui %sign3A_1162 : i1 to i32
      %sign3A_1164 = arith.subi %sign3A_1160, %sign3A_1163 : i32
      %ne3A_1165 = arith.cmpi ne, %sign3A_1157, %sign3A_1164 : i32
      %rem3A_1166 = arith.remsi %add3A_709, %jit3A_1149 : i32
      %ne3A_1167 = arith.constant 0 : i32
      %ne3A_1168 = arith.cmpi ne, %rem3A_1166, %ne3A_1167 : i32
      %and3A_1169 = arith.andi %ne3A_1165, %ne3A_1168 : i1
      %sub3A_1170 = arith.constant 1 : i32
      %sub3A_1171 = arith.subi %div3A_1150, %sub3A_1170 : i32
      %select_n3A_1172 = arith.select %and3A_1169, %sub3A_1171, %div3A_1150 : i32
      %jit3A_1173 = arith.constant 2 : i32
      %eq3A_1174 = arith.constant 0 : i32
      %eq3A_1175 = arith.cmpi eq, %jit3A_1173, %eq3A_1174 : i32
      %jit3A_1176 = arith.constant 1 : i32
      %select_n3A_1177 = arith.select %eq3A_1175, %jit3A_1176, %jit3A_1173 : i32
      %rem3A_1178 = arith.remsi %select_n3A_1172, %select_n3A_1177 : i32
      %ne3A_1179 = arith.constant 0 : i32
      %ne3A_1180 = arith.cmpi ne, %rem3A_1178, %ne3A_1179 : i32
      %lt3A_1181 = arith.constant 0 : i32
      %lt3A_1182 = arith.cmpi slt, %rem3A_1178, %lt3A_1181 : i32
      %lt3A_1183 = arith.constant 0 : i32
      %lt3A_1184 = arith.cmpi slt, %select_n3A_1177, %lt3A_1183 : i32
      %ne3A_1185 = arith.xori %lt3A_1182, %lt3A_1184 : i1
      %and3A_1186 = arith.andi %ne3A_1185, %ne3A_1180 : i1
      %add3A_1187 = arith.addi %rem3A_1178, %select_n3A_1177 : i32
      %select_n3A_1188 = arith.select %and3A_1186, %add3A_1187, %rem3A_1178 : i32
      %mul3A_1189 = arith.constant 16 : i32
      %mul3A_1190 = arith.muli %select_n3A_1188, %mul3A_1189 : i32
      %jit3A_1191 = arith.constant 16 : i32
      %eq3A_1192 = arith.constant 0 : i32
      %eq3A_1193 = arith.cmpi eq, %jit3A_1191, %eq3A_1192 : i32
      %jit3A_1194 = arith.constant 1 : i32
      %select_n3A_1195 = arith.select %eq3A_1193, %jit3A_1194, %jit3A_1191 : i32
      %rem3A_1196 = arith.remsi %add3A_709, %select_n3A_1195 : i32
      %ne3A_1197 = arith.constant 0 : i32
      %ne3A_1198 = arith.cmpi ne, %rem3A_1196, %ne3A_1197 : i32
      %lt3A_1199 = arith.constant 0 : i32
      %lt3A_1200 = arith.cmpi slt, %rem3A_1196, %lt3A_1199 : i32
      %lt3A_1201 = arith.constant 0 : i32
      %lt3A_1202 = arith.cmpi slt, %select_n3A_1195, %lt3A_1201 : i32
      %ne3A_1203 = arith.xori %lt3A_1200, %lt3A_1202 : i1
      %and3A_1204 = arith.andi %ne3A_1203, %ne3A_1198 : i1
      %add3A_1205 = arith.addi %rem3A_1196, %select_n3A_1195 : i32
      %select_n3A_1206 = arith.select %and3A_1204, %add3A_1205, %rem3A_1196 : i32
      %add3A_1207 = arith.addi %mul3A_1190, %select_n3A_1206 : i32
      "tpu.region"() ({
        %run_scoped3A_1463 = tpu.sem_alloc : memref<!tpu.dma_semaphore, #tpu.memory_space<semaphore_mem>>
        %dma_start3A_1464 = arith.constant 0 : i32
        %dma_start3A_1465 = tpu.memref_slice %arg9[%add3A_1207, %dma_start3A_1464] : memref<32x64xi32, #tpu.memory_space<vmem>> -> memref<1x64xi32, #tpu.memory_space<vmem>>
        %dma_start3A_1466 = tpu.memref_squeeze %dma_start3A_1465 : memref<1x64xi32, #tpu.memory_space<vmem>> -> memref<64xi32, #tpu.memory_space<vmem>>
        %dma_start3A_1467 = arith.constant 0 : i32
        %dma_start3A_1468 = arith.constant 0 : i32
        %dma_start3A_1469 = tpu.memref_slice %arg16[%dma_start3A_1467, %dma_start3A_1468] : memref<10240x128xf32, #tpu.memory_space<vmem_shared>> -> memref<10240x128xf32, #tpu.memory_space<vmem_shared>>
        tpu.enqueue_indirect_dma source(%arg11 : memref<64x128xf32, #tpu.memory_space<vmem>>) target(%dma_start3A_1469 : memref<10240x128xf32, #tpu.memory_space<vmem_shared>>) offsets(%dma_start3A_1466 : memref<64xi32, #tpu.memory_space<vmem>>) semaphore(%run_scoped3A_1463 : memref<!tpu.dma_semaphore, #tpu.memory_space<semaphore_mem>>) {add = true}
        %dma_wait3A_1470 = arith.constant 0 : i32
        %dma_wait3A_1471 = tpu.memref_slice %arg9[%add3A_1207, %dma_wait3A_1470] : memref<32x64xi32, #tpu.memory_space<vmem>> -> memref<1x64xi32, #tpu.memory_space<vmem>>
        %dma_wait3A_1472 = tpu.memref_squeeze %dma_wait3A_1471 : memref<1x64xi32, #tpu.memory_space<vmem>> -> memref<64xi32, #tpu.memory_space<vmem>>
        %dma_wait3A_1473 = arith.constant 0 : i32
        %dma_wait3A_1474 = arith.constant 0 : i32
        %dma_wait3A_1475 = tpu.memref_slice %arg16[%dma_wait3A_1473, %dma_wait3A_1474] : memref<10240x128xf32, #tpu.memory_space<vmem_shared>> -> memref<10240x128xf32, #tpu.memory_space<vmem_shared>>
        tpu.wait_indirect_dma semaphore(%run_scoped3A_1463 : memref<!tpu.dma_semaphore, #tpu.memory_space<semaphore_mem>>) src(%arg11 : memref<64x128xf32, #tpu.memory_space<vmem>>) dst(%dma_wait3A_1475 : memref<10240x128xf32, #tpu.memory_space<vmem_shared>>)
        tpu.yield
      }) : () -> ()
      %broadcast_in_dim3A_1208 = arith.constant 1.000000e+00 : f32
      %broadcast_in_dim3A_1209 = vector.broadcast %broadcast_in_dim3A_1208 : f32 to vector<16xf32>
      %jit3A_1210 = arith.constant 16 : i32
      %div3A_1211 = arith.divsi %add3A_709, %jit3A_1210 : i32
      %sign3A_1212 = arith.constant 0 : i32
      %sign3A_1213 = arith.cmpi sgt, %add3A_709, %sign3A_1212 : i32
      %sign3A_1214 = arith.extui %sign3A_1213 : i1 to i32
      %sign3A_1215 = arith.constant 0 : i32
      %sign3A_1216 = arith.cmpi slt, %add3A_709, %sign3A_1215 : i32
      %sign3A_1217 = arith.extui %sign3A_1216 : i1 to i32
      %sign3A_1218 = arith.subi %sign3A_1214, %sign3A_1217 : i32
      %sign3A_1219 = arith.constant 0 : i32
      %sign3A_1220 = arith.cmpi sgt, %jit3A_1210, %sign3A_1219 : i32
      %sign3A_1221 = arith.extui %sign3A_1220 : i1 to i32
      %sign3A_1222 = arith.constant 0 : i32
      %sign3A_1223 = arith.cmpi slt, %jit3A_1210, %sign3A_1222 : i32
      %sign3A_1224 = arith.extui %sign3A_1223 : i1 to i32
      %sign3A_1225 = arith.subi %sign3A_1221, %sign3A_1224 : i32
      %ne3A_1226 = arith.cmpi ne, %sign3A_1218, %sign3A_1225 : i32
      %rem3A_1227 = arith.remsi %add3A_709, %jit3A_1210 : i32
      %ne3A_1228 = arith.constant 0 : i32
      %ne3A_1229 = arith.cmpi ne, %rem3A_1227, %ne3A_1228 : i32
      %and3A_1230 = arith.andi %ne3A_1226, %ne3A_1229 : i1
      %sub3A_1231 = arith.constant 1 : i32
      %sub3A_1232 = arith.subi %div3A_1211, %sub3A_1231 : i32
      %select_n3A_1233 = arith.select %and3A_1230, %sub3A_1232, %div3A_1211 : i32
      %jit3A_1234 = arith.constant 2 : i32
      %eq3A_1235 = arith.constant 0 : i32
      %eq3A_1236 = arith.cmpi eq, %jit3A_1234, %eq3A_1235 : i32
      %jit3A_1237 = arith.constant 1 : i32
      %select_n3A_1238 = arith.select %eq3A_1236, %jit3A_1237, %jit3A_1234 : i32
      %rem3A_1239 = arith.remsi %select_n3A_1233, %select_n3A_1238 : i32
      %ne3A_1240 = arith.constant 0 : i32
      %ne3A_1241 = arith.cmpi ne, %rem3A_1239, %ne3A_1240 : i32
      %lt3A_1242 = arith.constant 0 : i32
      %lt3A_1243 = arith.cmpi slt, %rem3A_1239, %lt3A_1242 : i32
      %lt3A_1244 = arith.constant 0 : i32
      %lt3A_1245 = arith.cmpi slt, %select_n3A_1238, %lt3A_1244 : i32
      %ne3A_1246 = arith.xori %lt3A_1243, %lt3A_1245 : i1
      %and3A_1247 = arith.andi %ne3A_1246, %ne3A_1241 : i1
      %add3A_1248 = arith.addi %rem3A_1239, %select_n3A_1238 : i32
      %select_n3A_1249 = arith.select %and3A_1247, %add3A_1248, %rem3A_1239 : i32
      %mul3A_1250 = arith.constant 16 : i32
      %mul3A_1251 = arith.muli %select_n3A_1249, %mul3A_1250 : i32
      %jit3A_1252 = arith.constant 16 : i32
      %eq3A_1253 = arith.constant 0 : i32
      %eq3A_1254 = arith.cmpi eq, %jit3A_1252, %eq3A_1253 : i32
      %jit3A_1255 = arith.constant 1 : i32
      %select_n3A_1256 = arith.select %eq3A_1254, %jit3A_1255, %jit3A_1252 : i32
      %rem3A_1257 = arith.remsi %add3A_709, %select_n3A_1256 : i32
      %ne3A_1258 = arith.constant 0 : i32
      %ne3A_1259 = arith.cmpi ne, %rem3A_1257, %ne3A_1258 : i32
      %lt3A_1260 = arith.constant 0 : i32
      %lt3A_1261 = arith.cmpi slt, %rem3A_1257, %lt3A_1260 : i32
      %lt3A_1262 = arith.constant 0 : i32
      %lt3A_1263 = arith.cmpi slt, %select_n3A_1256, %lt3A_1262 : i32
      %ne3A_1264 = arith.xori %lt3A_1261, %lt3A_1263 : i1
      %and3A_1265 = arith.andi %ne3A_1264, %ne3A_1259 : i1
      %add3A_1266 = arith.addi %rem3A_1257, %select_n3A_1256 : i32
      %select_n3A_1267 = arith.select %and3A_1265, %add3A_1266, %rem3A_1257 : i32
      %add3A_1268 = arith.addi %mul3A_1251, %select_n3A_1267 : i32
      %get3A_1269 = arith.index_cast %add3A_1268 : i32 to index
      %get3A_1270 = arith.constant 0 : index
      %get3A_1271 = tpu.vector_load %arg9[%get3A_1269, %get3A_1270] {strides = array<i32>} : memref<32x64xi32, #tpu.memory_space<vmem>>, vector<16xi32>,
      tpu.vector_store_idx %arg12[%get3A_1271], %broadcast_in_dim3A_1209 {add = true} : memref<10240xf32, #tpu.memory_space<vmem>>[vector<16xi32>], vector<16xf32>,
      %jit3A_1272 = arith.constant 16 : i32
      %div3A_1273 = arith.divsi %add3A_709, %jit3A_1272 : i32
      %sign3A_1274 = arith.constant 0 : i32
      %sign3A_1275 = arith.cmpi sgt, %add3A_709, %sign3A_1274 : i32
      %sign3A_1276 = arith.extui %sign3A_1275 : i1 to i32
      %sign3A_1277 = arith.constant 0 : i32
      %sign3A_1278 = arith.cmpi slt, %add3A_709, %sign3A_1277 : i32
      %sign3A_1279 = arith.extui %sign3A_1278 : i1 to i32
      %sign3A_1280 = arith.subi %sign3A_1276, %sign3A_1279 : i32
      %sign3A_1281 = arith.constant 0 : i32
      %sign3A_1282 = arith.cmpi sgt, %jit3A_1272, %sign3A_1281 : i32
      %sign3A_1283 = arith.extui %sign3A_1282 : i1 to i32
      %sign3A_1284 = arith.constant 0 : i32
      %sign3A_1285 = arith.cmpi slt, %jit3A_1272, %sign3A_1284 : i32
      %sign3A_1286 = arith.extui %sign3A_1285 : i1 to i32
      %sign3A_1287 = arith.subi %sign3A_1283, %sign3A_1286 : i32
      %ne3A_1288 = arith.cmpi ne, %sign3A_1280, %sign3A_1287 : i32
      %rem3A_1289 = arith.remsi %add3A_709, %jit3A_1272 : i32
      %ne3A_1290 = arith.constant 0 : i32
      %ne3A_1291 = arith.cmpi ne, %rem3A_1289, %ne3A_1290 : i32
      %and3A_1292 = arith.andi %ne3A_1288, %ne3A_1291 : i1
      %sub3A_1293 = arith.constant 1 : i32
      %sub3A_1294 = arith.subi %div3A_1273, %sub3A_1293 : i32
      %select_n3A_1295 = arith.select %and3A_1292, %sub3A_1294, %div3A_1273 : i32
      %jit3A_1296 = arith.constant 2 : i32
      %eq3A_1297 = arith.constant 0 : i32
      %eq3A_1298 = arith.cmpi eq, %jit3A_1296, %eq3A_1297 : i32
      %jit3A_1299 = arith.constant 1 : i32
      %select_n3A_1300 = arith.select %eq3A_1298, %jit3A_1299, %jit3A_1296 : i32
      %rem3A_1301 = arith.remsi %select_n3A_1295, %select_n3A_1300 : i32
      %ne3A_1302 = arith.constant 0 : i32
      %ne3A_1303 = arith.cmpi ne, %rem3A_1301, %ne3A_1302 : i32
      %lt3A_1304 = arith.constant 0 : i32
      %lt3A_1305 = arith.cmpi slt, %rem3A_1301, %lt3A_1304 : i32
      %lt3A_1306 = arith.constant 0 : i32
      %lt3A_1307 = arith.cmpi slt, %select_n3A_1300, %lt3A_1306 : i32
      %ne3A_1308 = arith.xori %lt3A_1305, %lt3A_1307 : i1
      %and3A_1309 = arith.andi %ne3A_1308, %ne3A_1303 : i1
      %add3A_1310 = arith.addi %rem3A_1301, %select_n3A_1300 : i32
      %select_n3A_1311 = arith.select %and3A_1309, %add3A_1310, %rem3A_1301 : i32
      %mul3A_1312 = arith.constant 16 : i32
      %mul3A_1313 = arith.muli %select_n3A_1311, %mul3A_1312 : i32
      %jit3A_1314 = arith.constant 16 : i32
      %eq3A_1315 = arith.constant 0 : i32
      %eq3A_1316 = arith.cmpi eq, %jit3A_1314, %eq3A_1315 : i32
      %jit3A_1317 = arith.constant 1 : i32
      %select_n3A_1318 = arith.select %eq3A_1316, %jit3A_1317, %jit3A_1314 : i32
      %rem3A_1319 = arith.remsi %add3A_709, %select_n3A_1318 : i32
      %ne3A_1320 = arith.constant 0 : i32
      %ne3A_1321 = arith.cmpi ne, %rem3A_1319, %ne3A_1320 : i32
      %lt3A_1322 = arith.constant 0 : i32
      %lt3A_1323 = arith.cmpi slt, %rem3A_1319, %lt3A_1322 : i32
      %lt3A_1324 = arith.constant 0 : i32
      %lt3A_1325 = arith.cmpi slt, %select_n3A_1318, %lt3A_1324 : i32
      %ne3A_1326 = arith.xori %lt3A_1323, %lt3A_1325 : i1
      %and3A_1327 = arith.andi %ne3A_1326, %ne3A_1321 : i1
      %add3A_1328 = arith.addi %rem3A_1319, %select_n3A_1318 : i32
      %select_n3A_1329 = arith.select %and3A_1327, %add3A_1328, %rem3A_1319 : i32
      %add3A_1330 = arith.addi %mul3A_1313, %select_n3A_1329 : i32
      %get3A_1331 = arith.index_cast %add3A_1330 : i32 to index
      %get3A_1332 = arith.constant 16 : index
      %get3A_1333 = tpu.vector_load %arg9[%get3A_1331, %get3A_1332] {strides = array<i32>} : memref<32x64xi32, #tpu.memory_space<vmem>>, vector<16xi32>,
      tpu.vector_store_idx %arg12[%get3A_1333], %broadcast_in_dim3A_1209 {add = true} : memref<10240xf32, #tpu.memory_space<vmem>>[vector<16xi32>], vector<16xf32>,
      %jit3A_1334 = arith.constant 16 : i32
      %div3A_1335 = arith.divsi %add3A_709, %jit3A_1334 : i32
      %sign3A_1336 = arith.constant 0 : i32
      %sign3A_1337 = arith.cmpi sgt, %add3A_709, %sign3A_1336 : i32
      %sign3A_1338 = arith.extui %sign3A_1337 : i1 to i32
      %sign3A_1339 = arith.constant 0 : i32
      %sign3A_1340 = arith.cmpi slt, %add3A_709, %sign3A_1339 : i32
      %sign3A_1341 = arith.extui %sign3A_1340 : i1 to i32
      %sign3A_1342 = arith.subi %sign3A_1338, %sign3A_1341 : i32
      %sign3A_1343 = arith.constant 0 : i32
      %sign3A_1344 = arith.cmpi sgt, %jit3A_1334, %sign3A_1343 : i32
      %sign3A_1345 = arith.extui %sign3A_1344 : i1 to i32
      %sign3A_1346 = arith.constant 0 : i32
      %sign3A_1347 = arith.cmpi slt, %jit3A_1334, %sign3A_1346 : i32
      %sign3A_1348 = arith.extui %sign3A_1347 : i1 to i32
      %sign3A_1349 = arith.subi %sign3A_1345, %sign3A_1348 : i32
      %ne3A_1350 = arith.cmpi ne, %sign3A_1342, %sign3A_1349 : i32
      %rem3A_1351 = arith.remsi %add3A_709, %jit3A_1334 : i32
      %ne3A_1352 = arith.constant 0 : i32
      %ne3A_1353 = arith.cmpi ne, %rem3A_1351, %ne3A_1352 : i32
      %and3A_1354 = arith.andi %ne3A_1350, %ne3A_1353 : i1
      %sub3A_1355 = arith.constant 1 : i32
      %sub3A_1356 = arith.subi %div3A_1335, %sub3A_1355 : i32
      %select_n3A_1357 = arith.select %and3A_1354, %sub3A_1356, %div3A_1335 : i32
      %jit3A_1358 = arith.constant 2 : i32
      %eq3A_1359 = arith.constant 0 : i32
      %eq3A_1360 = arith.cmpi eq, %jit3A_1358, %eq3A_1359 : i32
      %jit3A_1361 = arith.constant 1 : i32
      %select_n3A_1362 = arith.select %eq3A_1360, %jit3A_1361, %jit3A_1358 : i32
      %rem3A_1363 = arith.remsi %select_n3A_1357, %select_n3A_1362 : i32
      %ne3A_1364 = arith.constant 0 : i32
      %ne3A_1365 = arith.cmpi ne, %rem3A_1363, %ne3A_1364 : i32
      %lt3A_1366 = arith.constant 0 : i32
      %lt3A_1367 = arith.cmpi slt, %rem3A_1363, %lt3A_1366 : i32
      %lt3A_1368 = arith.constant 0 : i32
      %lt3A_1369 = arith.cmpi slt, %select_n3A_1362, %lt3A_1368 : i32
      %ne3A_1370 = arith.xori %lt3A_1367, %lt3A_1369 : i1
      %and3A_1371 = arith.andi %ne3A_1370, %ne3A_1365 : i1
      %add3A_1372 = arith.addi %rem3A_1363, %select_n3A_1362 : i32
      %select_n3A_1373 = arith.select %and3A_1371, %add3A_1372, %rem3A_1363 : i32
      %mul3A_1374 = arith.constant 16 : i32
      %mul3A_1375 = arith.muli %select_n3A_1373, %mul3A_1374 : i32
      %jit3A_1376 = arith.constant 16 : i32
      %eq3A_1377 = arith.constant 0 : i32
      %eq3A_1378 = arith.cmpi eq, %jit3A_1376, %eq3A_1377 : i32
      %jit3A_1379 = arith.constant 1 : i32
      %select_n3A_1380 = arith.select %eq3A_1378, %jit3A_1379, %jit3A_1376 : i32
      %rem3A_1381 = arith.remsi %add3A_709, %select_n3A_1380 : i32
      %ne3A_1382 = arith.constant 0 : i32
      %ne3A_1383 = arith.cmpi ne, %rem3A_1381, %ne3A_1382 : i32
      %lt3A_1384 = arith.constant 0 : i32
      %lt3A_1385 = arith.cmpi slt, %rem3A_1381, %lt3A_1384 : i32
      %lt3A_1386 = arith.constant 0 : i32
      %lt3A_1387 = arith.cmpi slt, %select_n3A_1380, %lt3A_1386 : i32
      %ne3A_1388 = arith.xori %lt3A_1385, %lt3A_1387 : i1
      %and3A_1389 = arith.andi %ne3A_1388, %ne3A_1383 : i1
      %add3A_1390 = arith.addi %rem3A_1381, %select_n3A_1380 : i32
      %select_n3A_1391 = arith.select %and3A_1389, %add3A_1390, %rem3A_1381 : i32
      %add3A_1392 = arith.addi %mul3A_1375, %select_n3A_1391 : i32
      %get3A_1393 = arith.index_cast %add3A_1392 : i32 to index
      %get3A_1394 = arith.constant 32 : index
      %get3A_1395 = tpu.vector_load %arg9[%get3A_1393, %get3A_1394] {strides = array<i32>} : memref<32x64xi32, #tpu.memory_space<vmem>>, vector<16xi32>,
      tpu.vector_store_idx %arg12[%get3A_1395], %broadcast_in_dim3A_1209 {add = true} : memref<10240xf32, #tpu.memory_space<vmem>>[vector<16xi32>], vector<16xf32>,
      %jit3A_1396 = arith.constant 16 : i32
      %div3A_1397 = arith.divsi %add3A_709, %jit3A_1396 : i32
      %sign3A_1398 = arith.constant 0 : i32
      %sign3A_1399 = arith.cmpi sgt, %add3A_709, %sign3A_1398 : i32
      %sign3A_1400 = arith.extui %sign3A_1399 : i1 to i32
      %sign3A_1401 = arith.constant 0 : i32
      %sign3A_1402 = arith.cmpi slt, %add3A_709, %sign3A_1401 : i32
      %sign3A_1403 = arith.extui %sign3A_1402 : i1 to i32
      %sign3A_1404 = arith.subi %sign3A_1400, %sign3A_1403 : i32
      %sign3A_1405 = arith.constant 0 : i32
      %sign3A_1406 = arith.cmpi sgt, %jit3A_1396, %sign3A_1405 : i32
      %sign3A_1407 = arith.extui %sign3A_1406 : i1 to i32
      %sign3A_1408 = arith.constant 0 : i32
      %sign3A_1409 = arith.cmpi slt, %jit3A_1396, %sign3A_1408 : i32
      %sign3A_1410 = arith.extui %sign3A_1409 : i1 to i32
      %sign3A_1411 = arith.subi %sign3A_1407, %sign3A_1410 : i32
      %ne3A_1412 = arith.cmpi ne, %sign3A_1404, %sign3A_1411 : i32
      %rem3A_1413 = arith.remsi %add3A_709, %jit3A_1396 : i32
      %ne3A_1414 = arith.constant 0 : i32
      %ne3A_1415 = arith.cmpi ne, %rem3A_1413, %ne3A_1414 : i32
      %and3A_1416 = arith.andi %ne3A_1412, %ne3A_1415 : i1
      %sub3A_1417 = arith.constant 1 : i32
      %sub3A_1418 = arith.subi %div3A_1397, %sub3A_1417 : i32
      %select_n3A_1419 = arith.select %and3A_1416, %sub3A_1418, %div3A_1397 : i32
      %jit3A_1420 = arith.constant 2 : i32
      %eq3A_1421 = arith.constant 0 : i32
      %eq3A_1422 = arith.cmpi eq, %jit3A_1420, %eq3A_1421 : i32
      %jit3A_1423 = arith.constant 1 : i32
      %select_n3A_1424 = arith.select %eq3A_1422, %jit3A_1423, %jit3A_1420 : i32
      %rem3A_1425 = arith.remsi %select_n3A_1419, %select_n3A_1424 : i32
      %ne3A_1426 = arith.constant 0 : i32
      %ne3A_1427 = arith.cmpi ne, %rem3A_1425, %ne3A_1426 : i32
      %lt3A_1428 = arith.constant 0 : i32
      %lt3A_1429 = arith.cmpi slt, %rem3A_1425, %lt3A_1428 : i32
      %lt3A_1430 = arith.constant 0 : i32
      %lt3A_1431 = arith.cmpi slt, %select_n3A_1424, %lt3A_1430 : i32
      %ne3A_1432 = arith.xori %lt3A_1429, %lt3A_1431 : i1
      %and3A_1433 = arith.andi %ne3A_1432, %ne3A_1427 : i1
      %add3A_1434 = arith.addi %rem3A_1425, %select_n3A_1424 : i32
      %select_n3A_1435 = arith.select %and3A_1433, %add3A_1434, %rem3A_1425 : i32
      %mul3A_1436 = arith.constant 16 : i32
      %mul3A_1437 = arith.muli %select_n3A_1435, %mul3A_1436 : i32
      %jit3A_1438 = arith.constant 16 : i32
      %eq3A_1439 = arith.constant 0 : i32
      %eq3A_1440 = arith.cmpi eq, %jit3A_1438, %eq3A_1439 : i32
      %jit3A_1441 = arith.constant 1 : i32
      %select_n3A_1442 = arith.select %eq3A_1440, %jit3A_1441, %jit3A_1438 : i32
      %rem3A_1443 = arith.remsi %add3A_709, %select_n3A_1442 : i32
      %ne3A_1444 = arith.constant 0 : i32
      %ne3A_1445 = arith.cmpi ne, %rem3A_1443, %ne3A_1444 : i32
      %lt3A_1446 = arith.constant 0 : i32
      %lt3A_1447 = arith.cmpi slt, %rem3A_1443, %lt3A_1446 : i32
      %lt3A_1448 = arith.constant 0 : i32
      %lt3A_1449 = arith.cmpi slt, %select_n3A_1442, %lt3A_1448 : i32
      %ne3A_1450 = arith.xori %lt3A_1447, %lt3A_1449 : i1
      %and3A_1451 = arith.andi %ne3A_1450, %ne3A_1445 : i1
      %add3A_1452 = arith.addi %rem3A_1443, %select_n3A_1442 : i32
      %select_n3A_1453 = arith.select %and3A_1451, %add3A_1452, %rem3A_1443 : i32
      %add3A_1454 = arith.addi %mul3A_1437, %select_n3A_1453 : i32
      %get3A_1455 = arith.index_cast %add3A_1454 : i32 to index
      %get3A_1456 = arith.constant 48 : index
      %get3A_1457 = tpu.vector_load %arg9[%get3A_1455, %get3A_1456] {strides = array<i32>} : memref<32x64xi32, #tpu.memory_space<vmem>>, vector<16xi32>,
      tpu.vector_store_idx %arg12[%get3A_1457], %broadcast_in_dim3A_1209 {add = true} : memref<10240xf32, #tpu.memory_space<vmem>>[vector<16xi32>], vector<16xf32>,
      %lt3A_1458 = arith.constant 79 : i32
      %lt3A_1459 = arith.cmpi slt, %scan3A_693, %lt3A_1458 : i32
      %convert_element_type3A_1460 = arith.extui %lt3A_1459 : i1 to i32
      %cond3A_1461 = arith.constant 0 : i32
      %cond3A_1462 = arith.cmpi ne, %convert_element_type3A_1460, %cond3A_1461 : i32
      scf.if %cond3A_1462 {
        %add3A_1463 = arith.constant 2 : i32
        %add3A_1464 = arith.addi %add3A_709, %add3A_1463 : i32
        %jit3A_1465 = arith.constant 16 : i32
        %div3A_1466 = arith.divsi %add3A_1464, %jit3A_1465 : i32
        %sign3A_1467 = arith.constant 0 : i32
        %sign3A_1468 = arith.cmpi sgt, %add3A_1464, %sign3A_1467 : i32
        %sign3A_1469 = arith.extui %sign3A_1468 : i1 to i32
        %sign3A_1470 = arith.constant 0 : i32
        %sign3A_1471 = arith.cmpi slt, %add3A_1464, %sign3A_1470 : i32
        %sign3A_1472 = arith.extui %sign3A_1471 : i1 to i32
        %sign3A_1473 = arith.subi %sign3A_1469, %sign3A_1472 : i32
        %sign3A_1474 = arith.constant 0 : i32
        %sign3A_1475 = arith.cmpi sgt, %jit3A_1465, %sign3A_1474 : i32
        %sign3A_1476 = arith.extui %sign3A_1475 : i1 to i32
        %sign3A_1477 = arith.constant 0 : i32
        %sign3A_1478 = arith.cmpi slt, %jit3A_1465, %sign3A_1477 : i32
        %sign3A_1479 = arith.extui %sign3A_1478 : i1 to i32
        %sign3A_1480 = arith.subi %sign3A_1476, %sign3A_1479 : i32
        %ne3A_1481 = arith.cmpi ne, %sign3A_1473, %sign3A_1480 : i32
        %rem3A_1482 = arith.remsi %add3A_1464, %jit3A_1465 : i32
        %ne3A_1483 = arith.constant 0 : i32
        %ne3A_1484 = arith.cmpi ne, %rem3A_1482, %ne3A_1483 : i32
        %and3A_1485 = arith.andi %ne3A_1481, %ne3A_1484 : i1
        %sub3A_1486 = arith.constant 1 : i32
        %sub3A_1487 = arith.subi %div3A_1466, %sub3A_1486 : i32
        %select_n3A_1488 = arith.select %and3A_1485, %sub3A_1487, %div3A_1466 : i32
        %jit3A_1489 = arith.constant 2 : i32
        %eq3A_1490 = arith.constant 0 : i32
        %eq3A_1491 = arith.cmpi eq, %jit3A_1489, %eq3A_1490 : i32
        %jit3A_1492 = arith.constant 1 : i32
        %select_n3A_1493 = arith.select %eq3A_1491, %jit3A_1492, %jit3A_1489 : i32
        %rem3A_1494 = arith.remsi %select_n3A_1488, %select_n3A_1493 : i32
        %ne3A_1495 = arith.constant 0 : i32
        %ne3A_1496 = arith.cmpi ne, %rem3A_1494, %ne3A_1495 : i32
        %lt3A_1497 = arith.constant 0 : i32
        %lt3A_1498 = arith.cmpi slt, %rem3A_1494, %lt3A_1497 : i32
        %lt3A_1499 = arith.constant 0 : i32
        %lt3A_1500 = arith.cmpi slt, %select_n3A_1493, %lt3A_1499 : i32
        %ne3A_1501 = arith.xori %lt3A_1498, %lt3A_1500 : i1
        %and3A_1502 = arith.andi %ne3A_1501, %ne3A_1496 : i1
        %add3A_1503 = arith.addi %rem3A_1494, %select_n3A_1493 : i32
        %select_n3A_1504 = arith.select %and3A_1502, %add3A_1503, %rem3A_1494 : i32
        %mul3A_1505 = arith.constant 16 : i32
        %mul3A_1506 = arith.muli %select_n3A_1504, %mul3A_1505 : i32
        %jit3A_1507 = arith.constant 16 : i32
        %eq3A_1508 = arith.constant 0 : i32
        %eq3A_1509 = arith.cmpi eq, %jit3A_1507, %eq3A_1508 : i32
        %jit3A_1510 = arith.constant 1 : i32
        %select_n3A_1511 = arith.select %eq3A_1509, %jit3A_1510, %jit3A_1507 : i32
        %rem3A_1512 = arith.remsi %add3A_1464, %select_n3A_1511 : i32
        %ne3A_1513 = arith.constant 0 : i32
        %ne3A_1514 = arith.cmpi ne, %rem3A_1512, %ne3A_1513 : i32
        %lt3A_1515 = arith.constant 0 : i32
        %lt3A_1516 = arith.cmpi slt, %rem3A_1512, %lt3A_1515 : i32
        %lt3A_1517 = arith.constant 0 : i32
        %lt3A_1518 = arith.cmpi slt, %select_n3A_1511, %lt3A_1517 : i32
        %ne3A_1519 = arith.xori %lt3A_1516, %lt3A_1518 : i1
        %and3A_1520 = arith.andi %ne3A_1519, %ne3A_1514 : i1
        %add3A_1521 = arith.addi %rem3A_1512, %select_n3A_1511 : i32
        %select_n3A_1522 = arith.select %and3A_1520, %add3A_1521, %rem3A_1512 : i32
        %add3A_1523 = arith.addi %mul3A_1506, %select_n3A_1522 : i32
        %dma_start3A_1524 = arith.constant 0 : i32
        %dma_start3A_1525 = tpu.memref_slice %arg8[%add3A_1523, %dma_start3A_1524] : memref<32x64xi32, #tpu.memory_space<vmem>> -> memref<1x64xi32, #tpu.memory_space<vmem>>
        %dma_start3A_1526 = tpu.memref_squeeze %dma_start3A_1525 : memref<1x64xi32, #tpu.memory_space<vmem>> -> memref<64xi32, #tpu.memory_space<vmem>>
        %dma_start3A_1527 = arith.constant 0 : i32
        %dma_start3A_1528 = arith.constant 0 : i32
        %dma_start3A_1529 = tpu.memref_slice %arg2[%dma_start3A_1527, %dma_start3A_1528] : memref<10000x128xf32, #tpu.memory_space<hbm>> -> memref<10000x128xf32, #tpu.memory_space<hbm>>
        tpu.enqueue_indirect_dma source(%dma_start3A_1529 : memref<10000x128xf32, #tpu.memory_space<hbm>>) target(%arg11 : memref<64x128xf32, #tpu.memory_space<vmem>>) offsets(%dma_start3A_1526 : memref<64xi32, #tpu.memory_space<vmem>>) semaphore(%arg15 : memref<!tpu.dma_semaphore, #tpu.memory_space<semaphore_mem>>)
      } else {
      }
    }
    %scan3A_512 = arith.constant 80 : i32
    %barrier3A_513 = arith.constant 0 : index
    tpu.barrier barrier_id(%barrier3A_513)
    %mul3A_514 = arith.constant 640 : i32
    %mul3A_515 = arith.muli %arg1, %mul3A_514 : i32
    %add3A_516 = arith.constant 0 : i32
    %add3A_517 = arith.addi %mul3A_515, %add3A_516 : i32
    %dma_start3A_518 = arith.constant 0 : i32
    %dma_start3A_519 = arith.constant 0 : i32
    %dma_start3A_520 = tpu.memref_slice %arg13[%dma_start3A_518, %dma_start3A_519] : memref<10x64xi32, #tpu.memory_space<vmem>> -> memref<1x64xi32, #tpu.memory_space<vmem>>
    %dma_start3A_521 = tpu.memref_squeeze %dma_start3A_520 : memref<1x64xi32, #tpu.memory_space<vmem>> -> memref<64xi32, #tpu.memory_space<vmem>>
    %dma_start3A_522 = arith.constant 0 : i32
    %dma_start3A_523 = arith.constant 0 : i32
    %dma_start3A_524 = tpu.memref_slice %arg16[%dma_start3A_522, %dma_start3A_523] : memref<10240x128xf32, #tpu.memory_space<vmem_shared>> -> memref<10240x128xf32, #tpu.memory_space<vmem_shared>>
    tpu.enqueue_indirect_dma source(%dma_start3A_524 : memref<10240x128xf32, #tpu.memory_space<vmem_shared>>) target(%arg10 : memref<64x128xf32, #tpu.memory_space<vmem>>) offsets(%dma_start3A_521 : memref<64xi32, #tpu.memory_space<vmem>>) semaphore(%arg14 : memref<!tpu.dma_semaphore, #tpu.memory_space<semaphore_mem>>)
    %dma_wait3A = arith.constant 0 : i32
    %dma_wait3A_525 = arith.constant 0 : i32
    %dma_wait3A_526 = tpu.memref_slice %arg13[%dma_wait3A, %dma_wait3A_525] : memref<10x64xi32, #tpu.memory_space<vmem>> -> memref<1x64xi32, #tpu.memory_space<vmem>>
    %dma_wait3A_527 = tpu.memref_squeeze %dma_wait3A_526 : memref<1x64xi32, #tpu.memory_space<vmem>> -> memref<64xi32, #tpu.memory_space<vmem>>
    %dma_wait3A_528 = arith.constant 0 : i32
    %dma_wait3A_529 = arith.constant 0 : i32
    %dma_wait3A_530 = tpu.memref_slice %arg16[%dma_wait3A_528, %dma_wait3A_529] : memref<10240x128xf32, #tpu.memory_space<vmem_shared>> -> memref<10240x128xf32, #tpu.memory_space<vmem_shared>>
    tpu.wait_indirect_dma semaphore(%arg14 : memref<!tpu.dma_semaphore, #tpu.memory_space<semaphore_mem>>) src(%dma_wait3A_530 : memref<10240x128xf32, #tpu.memory_space<vmem_shared>>) dst(%arg10 : memref<64x128xf32, #tpu.memory_space<vmem>>)
    "tpu.region"() ({
      %run_scoped3A_693 = tpu.sem_alloc : memref<!tpu.dma_semaphore, #tpu.memory_space<semaphore_mem>>
      %dma_start3A_694 = arith.constant 0 : i32
      %dma_start3A_695 = tpu.memref_slice %arg6[%arg0, %add3A_517, %dma_start3A_694] : memref<2x10240x128xf32, #tpu.memory_space<hbm>> -> memref<1x64x128xf32, #tpu.memory_space<hbm>>
      %dma_start3A_696 = tpu.memref_squeeze %dma_start3A_695 : memref<1x64x128xf32, #tpu.memory_space<hbm>> -> memref<64x128xf32, #tpu.memory_space<hbm>>
      %dma_start3A_697 = arith.constant 0 : i32
      %dma_start3A_698 = tpu.memref_slice %arg6[%arg0, %add3A_517, %dma_start3A_697] : memref<2x10240x128xf32, #tpu.memory_space<hbm>> -> memref<1x64x128xf32, #tpu.memory_space<hbm>>
      %dma_start3A_699 = tpu.memref_squeeze %dma_start3A_698 : memref<1x64x128xf32, #tpu.memory_space<hbm>> -> memref<64x128xf32, #tpu.memory_space<hbm>>
      tpu.enqueue_dma source(%arg10 : memref<64x128xf32, #tpu.memory_space<vmem>>) target(%dma_start3A_699 : memref<64x128xf32, #tpu.memory_space<hbm>>) target_semaphore(%run_scoped3A_693 : memref<!tpu.dma_semaphore, #tpu.memory_space<semaphore_mem>>)
      %dma_wait3A_700 = arith.constant 0 : i32
      %dma_wait3A_701 = tpu.memref_slice %arg6[%arg0, %add3A_517, %dma_wait3A_700] : memref<2x10240x128xf32, #tpu.memory_space<hbm>> -> memref<1x64x128xf32, #tpu.memory_space<hbm>>
      %dma_wait3A_702 = tpu.memref_squeeze %dma_wait3A_701 : memref<1x64x128xf32, #tpu.memory_space<hbm>> -> memref<64x128xf32, #tpu.memory_space<hbm>>
      %dma_wait3A_703 = arith.constant 0 : i32
      %dma_wait3A_704 = tpu.memref_slice %arg6[%arg0, %add3A_517, %dma_wait3A_703] : memref<2x10240x128xf32, #tpu.memory_space<hbm>> -> memref<1x64x128xf32, #tpu.memory_space<hbm>>
      %dma_wait3A_705 = tpu.memref_squeeze %dma_wait3A_704 : memref<1x64x128xf32, #tpu.memory_space<hbm>> -> memref<64x128xf32, #tpu.memory_space<hbm>>
      tpu.wait_dma2 semaphore(%run_scoped3A_693 : memref<!tpu.dma_semaphore, #tpu.memory_space<semaphore_mem>>) src(%arg10 : memref<64x128xf32, #tpu.memory_space<vmem>>) dst(%dma_wait3A_705 : memref<64x128xf32, #tpu.memory_space<hbm>>)
      tpu.yield
    }) : () -> ()
    %mul3A_531 = arith.constant 640 : i32
    %mul3A_532 = arith.muli %arg1, %mul3A_531 : i32
    %add3A_533 = arith.constant 64 : i32
    %add3A_534 = arith.addi %mul3A_532, %add3A_533 : i32
    %dma_start3A_535 = arith.constant 1 : i32
    %dma_start3A_536 = arith.constant 0 : i32
    %dma_start3A_537 = tpu.memref_slice %arg13[%dma_start3A_535, %dma_start3A_536] : memref<10x64xi32, #tpu.memory_space<vmem>> -> memref<1x64xi32, #tpu.memory_space<vmem>>
    %dma_start3A_538 = tpu.memref_squeeze %dma_start3A_537 : memref<1x64xi32, #tpu.memory_space<vmem>> -> memref<64xi32, #tpu.memory_space<vmem>>
    %dma_start3A_539 = arith.constant 0 : i32
    %dma_start3A_540 = arith.constant 0 : i32
    %dma_start3A_541 = tpu.memref_slice %arg16[%dma_start3A_539, %dma_start3A_540] : memref<10240x128xf32, #tpu.memory_space<vmem_shared>> -> memref<10240x128xf32, #tpu.memory_space<vmem_shared>>
    tpu.enqueue_indirect_dma source(%dma_start3A_541 : memref<10240x128xf32, #tpu.memory_space<vmem_shared>>) target(%arg10 : memref<64x128xf32, #tpu.memory_space<vmem>>) offsets(%dma_start3A_538 : memref<64xi32, #tpu.memory_space<vmem>>) semaphore(%arg14 : memref<!tpu.dma_semaphore, #tpu.memory_space<semaphore_mem>>)
    %dma_wait3A_542 = arith.constant 1 : i32
    %dma_wait3A_543 = arith.constant 0 : i32
    %dma_wait3A_544 = tpu.memref_slice %arg13[%dma_wait3A_542, %dma_wait3A_543] : memref<10x64xi32, #tpu.memory_space<vmem>> -> memref<1x64xi32, #tpu.memory_space<vmem>>
    %dma_wait3A_545 = tpu.memref_squeeze %dma_wait3A_544 : memref<1x64xi32, #tpu.memory_space<vmem>> -> memref<64xi32, #tpu.memory_space<vmem>>
    %dma_wait3A_546 = arith.constant 0 : i32
    %dma_wait3A_547 = arith.constant 0 : i32
    %dma_wait3A_548 = tpu.memref_slice %arg16[%dma_wait3A_546, %dma_wait3A_547] : memref<10240x128xf32, #tpu.memory_space<vmem_shared>> -> memref<10240x128xf32, #tpu.memory_space<vmem_shared>>
    tpu.wait_indirect_dma semaphore(%arg14 : memref<!tpu.dma_semaphore, #tpu.memory_space<semaphore_mem>>) src(%dma_wait3A_548 : memref<10240x128xf32, #tpu.memory_space<vmem_shared>>) dst(%arg10 : memref<64x128xf32, #tpu.memory_space<vmem>>)
    "tpu.region"() ({
      %run_scoped3A_693 = tpu.sem_alloc : memref<!tpu.dma_semaphore, #tpu.memory_space<semaphore_mem>>
      %dma_start3A_694 = arith.constant 0 : i32
      %dma_start3A_695 = tpu.memref_slice %arg6[%arg0, %add3A_534, %dma_start3A_694] : memref<2x10240x128xf32, #tpu.memory_space<hbm>> -> memref<1x64x128xf32, #tpu.memory_space<hbm>>
      %dma_start3A_696 = tpu.memref_squeeze %dma_start3A_695 : memref<1x64x128xf32, #tpu.memory_space<hbm>> -> memref<64x128xf32, #tpu.memory_space<hbm>>
      %dma_start3A_697 = arith.constant 0 : i32
      %dma_start3A_698 = tpu.memref_slice %arg6[%arg0, %add3A_534, %dma_start3A_697] : memref<2x10240x128xf32, #tpu.memory_space<hbm>> -> memref<1x64x128xf32, #tpu.memory_space<hbm>>
      %dma_start3A_699 = tpu.memref_squeeze %dma_start3A_698 : memref<1x64x128xf32, #tpu.memory_space<hbm>> -> memref<64x128xf32, #tpu.memory_space<hbm>>
      tpu.enqueue_dma source(%arg10 : memref<64x128xf32, #tpu.memory_space<vmem>>) target(%dma_start3A_699 : memref<64x128xf32, #tpu.memory_space<hbm>>) target_semaphore(%run_scoped3A_693 : memref<!tpu.dma_semaphore, #tpu.memory_space<semaphore_mem>>)
      %dma_wait3A_700 = arith.constant 0 : i32
      %dma_wait3A_701 = tpu.memref_slice %arg6[%arg0, %add3A_534, %dma_wait3A_700] : memref<2x10240x128xf32, #tpu.memory_space<hbm>> -> memref<1x64x128xf32, #tpu.memory_space<hbm>>
      %dma_wait3A_702 = tpu.memref_squeeze %dma_wait3A_701 : memref<1x64x128xf32, #tpu.memory_space<hbm>> -> memref<64x128xf32, #tpu.memory_space<hbm>>
      %dma_wait3A_703 = arith.constant 0 : i32
      %dma_wait3A_704 = tpu.memref_slice %arg6[%arg0, %add3A_534, %dma_wait3A_703] : memref<2x10240x128xf32, #tpu.memory_space<hbm>> -> memref<1x64x128xf32, #tpu.memory_space<hbm>>
      %dma_wait3A_705 = tpu.memref_squeeze %dma_wait3A_704 : memref<1x64x128xf32, #tpu.memory_space<hbm>> -> memref<64x128xf32, #tpu.memory_space<hbm>>
      tpu.wait_dma2 semaphore(%run_scoped3A_693 : memref<!tpu.dma_semaphore, #tpu.memory_space<semaphore_mem>>) src(%arg10 : memref<64x128xf32, #tpu.memory_space<vmem>>) dst(%dma_wait3A_705 : memref<64x128xf32, #tpu.memory_space<hbm>>)
      tpu.yield
    }) : () -> ()
    %mul3A_549 = arith.constant 640 : i32
    %mul3A_550 = arith.muli %arg1, %mul3A_549 : i32
    %add3A_551 = arith.constant 128 : i32
    %add3A_552 = arith.addi %mul3A_550, %add3A_551 : i32
    %dma_start3A_553 = arith.constant 2 : i32
    %dma_start3A_554 = arith.constant 0 : i32
    %dma_start3A_555 = tpu.memref_slice %arg13[%dma_start3A_553, %dma_start3A_554] : memref<10x64xi32, #tpu.memory_space<vmem>> -> memref<1x64xi32, #tpu.memory_space<vmem>>
    %dma_start3A_556 = tpu.memref_squeeze %dma_start3A_555 : memref<1x64xi32, #tpu.memory_space<vmem>> -> memref<64xi32, #tpu.memory_space<vmem>>
    %dma_start3A_557 = arith.constant 0 : i32
    %dma_start3A_558 = arith.constant 0 : i32
    %dma_start3A_559 = tpu.memref_slice %arg16[%dma_start3A_557, %dma_start3A_558] : memref<10240x128xf32, #tpu.memory_space<vmem_shared>> -> memref<10240x128xf32, #tpu.memory_space<vmem_shared>>
    tpu.enqueue_indirect_dma source(%dma_start3A_559 : memref<10240x128xf32, #tpu.memory_space<vmem_shared>>) target(%arg10 : memref<64x128xf32, #tpu.memory_space<vmem>>) offsets(%dma_start3A_556 : memref<64xi32, #tpu.memory_space<vmem>>) semaphore(%arg14 : memref<!tpu.dma_semaphore, #tpu.memory_space<semaphore_mem>>)
    %dma_wait3A_560 = arith.constant 2 : i32
    %dma_wait3A_561 = arith.constant 0 : i32
    %dma_wait3A_562 = tpu.memref_slice %arg13[%dma_wait3A_560, %dma_wait3A_561] : memref<10x64xi32, #tpu.memory_space<vmem>> -> memref<1x64xi32, #tpu.memory_space<vmem>>
    %dma_wait3A_563 = tpu.memref_squeeze %dma_wait3A_562 : memref<1x64xi32, #tpu.memory_space<vmem>> -> memref<64xi32, #tpu.memory_space<vmem>>
    %dma_wait3A_564 = arith.constant 0 : i32
    %dma_wait3A_565 = arith.constant 0 : i32
    %dma_wait3A_566 = tpu.memref_slice %arg16[%dma_wait3A_564, %dma_wait3A_565] : memref<10240x128xf32, #tpu.memory_space<vmem_shared>> -> memref<10240x128xf32, #tpu.memory_space<vmem_shared>>
    tpu.wait_indirect_dma semaphore(%arg14 : memref<!tpu.dma_semaphore, #tpu.memory_space<semaphore_mem>>) src(%dma_wait3A_566 : memref<10240x128xf32, #tpu.memory_space<vmem_shared>>) dst(%arg10 : memref<64x128xf32, #tpu.memory_space<vmem>>)
    "tpu.region"() ({
      %run_scoped3A_693 = tpu.sem_alloc : memref<!tpu.dma_semaphore, #tpu.memory_space<semaphore_mem>>
      %dma_start3A_694 = arith.constant 0 : i32
      %dma_start3A_695 = tpu.memref_slice %arg6[%arg0, %add3A_552, %dma_start3A_694] : memref<2x10240x128xf32, #tpu.memory_space<hbm>> -> memref<1x64x128xf32, #tpu.memory_space<hbm>>
      %dma_start3A_696 = tpu.memref_squeeze %dma_start3A_695 : memref<1x64x128xf32, #tpu.memory_space<hbm>> -> memref<64x128xf32, #tpu.memory_space<hbm>>
      %dma_start3A_697 = arith.constant 0 : i32
      %dma_start3A_698 = tpu.memref_slice %arg6[%arg0, %add3A_552, %dma_start3A_697] : memref<2x10240x128xf32, #tpu.memory_space<hbm>> -> memref<1x64x128xf32, #tpu.memory_space<hbm>>
      %dma_start3A_699 = tpu.memref_squeeze %dma_start3A_698 : memref<1x64x128xf32, #tpu.memory_space<hbm>> -> memref<64x128xf32, #tpu.memory_space<hbm>>
      tpu.enqueue_dma source(%arg10 : memref<64x128xf32, #tpu.memory_space<vmem>>) target(%dma_start3A_699 : memref<64x128xf32, #tpu.memory_space<hbm>>) target_semaphore(%run_scoped3A_693 : memref<!tpu.dma_semaphore, #tpu.memory_space<semaphore_mem>>)
      %dma_wait3A_700 = arith.constant 0 : i32
      %dma_wait3A_701 = tpu.memref_slice %arg6[%arg0, %add3A_552, %dma_wait3A_700] : memref<2x10240x128xf32, #tpu.memory_space<hbm>> -> memref<1x64x128xf32, #tpu.memory_space<hbm>>
      %dma_wait3A_702 = tpu.memref_squeeze %dma_wait3A_701 : memref<1x64x128xf32, #tpu.memory_space<hbm>> -> memref<64x128xf32, #tpu.memory_space<hbm>>
      %dma_wait3A_703 = arith.constant 0 : i32
      %dma_wait3A_704 = tpu.memref_slice %arg6[%arg0, %add3A_552, %dma_wait3A_703] : memref<2x10240x128xf32, #tpu.memory_space<hbm>> -> memref<1x64x128xf32, #tpu.memory_space<hbm>>
      %dma_wait3A_705 = tpu.memref_squeeze %dma_wait3A_704 : memref<1x64x128xf32, #tpu.memory_space<hbm>> -> memref<64x128xf32, #tpu.memory_space<hbm>>
      tpu.wait_dma2 semaphore(%run_scoped3A_693 : memref<!tpu.dma_semaphore, #tpu.memory_space<semaphore_mem>>) src(%arg10 : memref<64x128xf32, #tpu.memory_space<vmem>>) dst(%dma_wait3A_705 : memref<64x128xf32, #tpu.memory_space<hbm>>)
      tpu.yield
    }) : () -> ()
    %mul3A_567 = arith.constant 640 : i32
    %mul3A_568 = arith.muli %arg1, %mul3A_567 : i32
    %add3A_569 = arith.constant 192 : i32
    %add3A_570 = arith.addi %mul3A_568, %add3A_569 : i32
    %dma_start3A_571 = arith.constant 3 : i32
    %dma_start3A_572 = arith.constant 0 : i32
    %dma_start3A_573 = tpu.memref_slice %arg13[%dma_start3A_571, %dma_start3A_572] : memref<10x64xi32, #tpu.memory_space<vmem>> -> memref<1x64xi32, #tpu.memory_space<vmem>>
    %dma_start3A_574 = tpu.memref_squeeze %dma_start3A_573 : memref<1x64xi32, #tpu.memory_space<vmem>> -> memref<64xi32, #tpu.memory_space<vmem>>
    %dma_start3A_575 = arith.constant 0 : i32
    %dma_start3A_576 = arith.constant 0 : i32
    %dma_start3A_577 = tpu.memref_slice %arg16[%dma_start3A_575, %dma_start3A_576] : memref<10240x128xf32, #tpu.memory_space<vmem_shared>> -> memref<10240x128xf32, #tpu.memory_space<vmem_shared>>
    tpu.enqueue_indirect_dma source(%dma_start3A_577 : memref<10240x128xf32, #tpu.memory_space<vmem_shared>>) target(%arg10 : memref<64x128xf32, #tpu.memory_space<vmem>>) offsets(%dma_start3A_574 : memref<64xi32, #tpu.memory_space<vmem>>) semaphore(%arg14 : memref<!tpu.dma_semaphore, #tpu.memory_space<semaphore_mem>>)
    %dma_wait3A_578 = arith.constant 3 : i32
    %dma_wait3A_579 = arith.constant 0 : i32
    %dma_wait3A_580 = tpu.memref_slice %arg13[%dma_wait3A_578, %dma_wait3A_579] : memref<10x64xi32, #tpu.memory_space<vmem>> -> memref<1x64xi32, #tpu.memory_space<vmem>>
    %dma_wait3A_581 = tpu.memref_squeeze %dma_wait3A_580 : memref<1x64xi32, #tpu.memory_space<vmem>> -> memref<64xi32, #tpu.memory_space<vmem>>
    %dma_wait3A_582 = arith.constant 0 : i32
    %dma_wait3A_583 = arith.constant 0 : i32
    %dma_wait3A_584 = tpu.memref_slice %arg16[%dma_wait3A_582, %dma_wait3A_583] : memref<10240x128xf32, #tpu.memory_space<vmem_shared>> -> memref<10240x128xf32, #tpu.memory_space<vmem_shared>>
    tpu.wait_indirect_dma semaphore(%arg14 : memref<!tpu.dma_semaphore, #tpu.memory_space<semaphore_mem>>) src(%dma_wait3A_584 : memref<10240x128xf32, #tpu.memory_space<vmem_shared>>) dst(%arg10 : memref<64x128xf32, #tpu.memory_space<vmem>>)
    "tpu.region"() ({
      %run_scoped3A_693 = tpu.sem_alloc : memref<!tpu.dma_semaphore, #tpu.memory_space<semaphore_mem>>
      %dma_start3A_694 = arith.constant 0 : i32
      %dma_start3A_695 = tpu.memref_slice %arg6[%arg0, %add3A_570, %dma_start3A_694] : memref<2x10240x128xf32, #tpu.memory_space<hbm>> -> memref<1x64x128xf32, #tpu.memory_space<hbm>>
      %dma_start3A_696 = tpu.memref_squeeze %dma_start3A_695 : memref<1x64x128xf32, #tpu.memory_space<hbm>> -> memref<64x128xf32, #tpu.memory_space<hbm>>
      %dma_start3A_697 = arith.constant 0 : i32
      %dma_start3A_698 = tpu.memref_slice %arg6[%arg0, %add3A_570, %dma_start3A_697] : memref<2x10240x128xf32, #tpu.memory_space<hbm>> -> memref<1x64x128xf32, #tpu.memory_space<hbm>>
      %dma_start3A_699 = tpu.memref_squeeze %dma_start3A_698 : memref<1x64x128xf32, #tpu.memory_space<hbm>> -> memref<64x128xf32, #tpu.memory_space<hbm>>
      tpu.enqueue_dma source(%arg10 : memref<64x128xf32, #tpu.memory_space<vmem>>) target(%dma_start3A_699 : memref<64x128xf32, #tpu.memory_space<hbm>>) target_semaphore(%run_scoped3A_693 : memref<!tpu.dma_semaphore, #tpu.memory_space<semaphore_mem>>)
      %dma_wait3A_700 = arith.constant 0 : i32
      %dma_wait3A_701 = tpu.memref_slice %arg6[%arg0, %add3A_570, %dma_wait3A_700] : memref<2x10240x128xf32, #tpu.memory_space<hbm>> -> memref<1x64x128xf32, #tpu.memory_space<hbm>>
      %dma_wait3A_702 = tpu.memref_squeeze %dma_wait3A_701 : memref<1x64x128xf32, #tpu.memory_space<hbm>> -> memref<64x128xf32, #tpu.memory_space<hbm>>
      %dma_wait3A_703 = arith.constant 0 : i32
      %dma_wait3A_704 = tpu.memref_slice %arg6[%arg0, %add3A_570, %dma_wait3A_703] : memref<2x10240x128xf32, #tpu.memory_space<hbm>> -> memref<1x64x128xf32, #tpu.memory_space<hbm>>
      %dma_wait3A_705 = tpu.memref_squeeze %dma_wait3A_704 : memref<1x64x128xf32, #tpu.memory_space<hbm>> -> memref<64x128xf32, #tpu.memory_space<hbm>>
      tpu.wait_dma2 semaphore(%run_scoped3A_693 : memref<!tpu.dma_semaphore, #tpu.memory_space<semaphore_mem>>) src(%arg10 : memref<64x128xf32, #tpu.memory_space<vmem>>) dst(%dma_wait3A_705 : memref<64x128xf32, #tpu.memory_space<hbm>>)
      tpu.yield
    }) : () -> ()
    %mul3A_585 = arith.constant 640 : i32
    %mul3A_586 = arith.muli %arg1, %mul3A_585 : i32
    %add3A_587 = arith.constant 256 : i32
    %add3A_588 = arith.addi %mul3A_586, %add3A_587 : i32
    %dma_start3A_589 = arith.constant 4 : i32
    %dma_start3A_590 = arith.constant 0 : i32
    %dma_start3A_591 = tpu.memref_slice %arg13[%dma_start3A_589, %dma_start3A_590] : memref<10x64xi32, #tpu.memory_space<vmem>> -> memref<1x64xi32, #tpu.memory_space<vmem>>
    %dma_start3A_592 = tpu.memref_squeeze %dma_start3A_591 : memref<1x64xi32, #tpu.memory_space<vmem>> -> memref<64xi32, #tpu.memory_space<vmem>>
    %dma_start3A_593 = arith.constant 0 : i32
    %dma_start3A_594 = arith.constant 0 : i32
    %dma_start3A_595 = tpu.memref_slice %arg16[%dma_start3A_593, %dma_start3A_594] : memref<10240x128xf32, #tpu.memory_space<vmem_shared>> -> memref<10240x128xf32, #tpu.memory_space<vmem_shared>>
    tpu.enqueue_indirect_dma source(%dma_start3A_595 : memref<10240x128xf32, #tpu.memory_space<vmem_shared>>) target(%arg10 : memref<64x128xf32, #tpu.memory_space<vmem>>) offsets(%dma_start3A_592 : memref<64xi32, #tpu.memory_space<vmem>>) semaphore(%arg14 : memref<!tpu.dma_semaphore, #tpu.memory_space<semaphore_mem>>)
    %dma_wait3A_596 = arith.constant 4 : i32
    %dma_wait3A_597 = arith.constant 0 : i32
    %dma_wait3A_598 = tpu.memref_slice %arg13[%dma_wait3A_596, %dma_wait3A_597] : memref<10x64xi32, #tpu.memory_space<vmem>> -> memref<1x64xi32, #tpu.memory_space<vmem>>
    %dma_wait3A_599 = tpu.memref_squeeze %dma_wait3A_598 : memref<1x64xi32, #tpu.memory_space<vmem>> -> memref<64xi32, #tpu.memory_space<vmem>>
    %dma_wait3A_600 = arith.constant 0 : i32
    %dma_wait3A_601 = arith.constant 0 : i32
    %dma_wait3A_602 = tpu.memref_slice %arg16[%dma_wait3A_600, %dma_wait3A_601] : memref<10240x128xf32, #tpu.memory_space<vmem_shared>> -> memref<10240x128xf32, #tpu.memory_space<vmem_shared>>
    tpu.wait_indirect_dma semaphore(%arg14 : memref<!tpu.dma_semaphore, #tpu.memory_space<semaphore_mem>>) src(%dma_wait3A_602 : memref<10240x128xf32, #tpu.memory_space<vmem_shared>>) dst(%arg10 : memref<64x128xf32, #tpu.memory_space<vmem>>)
    "tpu.region"() ({
      %run_scoped3A_693 = tpu.sem_alloc : memref<!tpu.dma_semaphore, #tpu.memory_space<semaphore_mem>>
      %dma_start3A_694 = arith.constant 0 : i32
      %dma_start3A_695 = tpu.memref_slice %arg6[%arg0, %add3A_588, %dma_start3A_694] : memref<2x10240x128xf32, #tpu.memory_space<hbm>> -> memref<1x64x128xf32, #tpu.memory_space<hbm>>
      %dma_start3A_696 = tpu.memref_squeeze %dma_start3A_695 : memref<1x64x128xf32, #tpu.memory_space<hbm>> -> memref<64x128xf32, #tpu.memory_space<hbm>>
      %dma_start3A_697 = arith.constant 0 : i32
      %dma_start3A_698 = tpu.memref_slice %arg6[%arg0, %add3A_588, %dma_start3A_697] : memref<2x10240x128xf32, #tpu.memory_space<hbm>> -> memref<1x64x128xf32, #tpu.memory_space<hbm>>
      %dma_start3A_699 = tpu.memref_squeeze %dma_start3A_698 : memref<1x64x128xf32, #tpu.memory_space<hbm>> -> memref<64x128xf32, #tpu.memory_space<hbm>>
      tpu.enqueue_dma source(%arg10 : memref<64x128xf32, #tpu.memory_space<vmem>>) target(%dma_start3A_699 : memref<64x128xf32, #tpu.memory_space<hbm>>) target_semaphore(%run_scoped3A_693 : memref<!tpu.dma_semaphore, #tpu.memory_space<semaphore_mem>>)
      %dma_wait3A_700 = arith.constant 0 : i32
      %dma_wait3A_701 = tpu.memref_slice %arg6[%arg0, %add3A_588, %dma_wait3A_700] : memref<2x10240x128xf32, #tpu.memory_space<hbm>> -> memref<1x64x128xf32, #tpu.memory_space<hbm>>
      %dma_wait3A_702 = tpu.memref_squeeze %dma_wait3A_701 : memref<1x64x128xf32, #tpu.memory_space<hbm>> -> memref<64x128xf32, #tpu.memory_space<hbm>>
      %dma_wait3A_703 = arith.constant 0 : i32
      %dma_wait3A_704 = tpu.memref_slice %arg6[%arg0, %add3A_588, %dma_wait3A_703] : memref<2x10240x128xf32, #tpu.memory_space<hbm>> -> memref<1x64x128xf32, #tpu.memory_space<hbm>>
      %dma_wait3A_705 = tpu.memref_squeeze %dma_wait3A_704 : memref<1x64x128xf32, #tpu.memory_space<hbm>> -> memref<64x128xf32, #tpu.memory_space<hbm>>
      tpu.wait_dma2 semaphore(%run_scoped3A_693 : memref<!tpu.dma_semaphore, #tpu.memory_space<semaphore_mem>>) src(%arg10 : memref<64x128xf32, #tpu.memory_space<vmem>>) dst(%dma_wait3A_705 : memref<64x128xf32, #tpu.memory_space<hbm>>)
      tpu.yield
    }) : () -> ()
    %mul3A_603 = arith.constant 640 : i32
    %mul3A_604 = arith.muli %arg1, %mul3A_603 : i32
    %add3A_605 = arith.constant 320 : i32
    %add3A_606 = arith.addi %mul3A_604, %add3A_605 : i32
    %dma_start3A_607 = arith.constant 5 : i32
    %dma_start3A_608 = arith.constant 0 : i32
    %dma_start3A_609 = tpu.memref_slice %arg13[%dma_start3A_607, %dma_start3A_608] : memref<10x64xi32, #tpu.memory_space<vmem>> -> memref<1x64xi32, #tpu.memory_space<vmem>>
    %dma_start3A_610 = tpu.memref_squeeze %dma_start3A_609 : memref<1x64xi32, #tpu.memory_space<vmem>> -> memref<64xi32, #tpu.memory_space<vmem>>
    %dma_start3A_611 = arith.constant 0 : i32
    %dma_start3A_612 = arith.constant 0 : i32
    %dma_start3A_613 = tpu.memref_slice %arg16[%dma_start3A_611, %dma_start3A_612] : memref<10240x128xf32, #tpu.memory_space<vmem_shared>> -> memref<10240x128xf32, #tpu.memory_space<vmem_shared>>
    tpu.enqueue_indirect_dma source(%dma_start3A_613 : memref<10240x128xf32, #tpu.memory_space<vmem_shared>>) target(%arg10 : memref<64x128xf32, #tpu.memory_space<vmem>>) offsets(%dma_start3A_610 : memref<64xi32, #tpu.memory_space<vmem>>) semaphore(%arg14 : memref<!tpu.dma_semaphore, #tpu.memory_space<semaphore_mem>>)
    %dma_wait3A_614 = arith.constant 5 : i32
    %dma_wait3A_615 = arith.constant 0 : i32
    %dma_wait3A_616 = tpu.memref_slice %arg13[%dma_wait3A_614, %dma_wait3A_615] : memref<10x64xi32, #tpu.memory_space<vmem>> -> memref<1x64xi32, #tpu.memory_space<vmem>>
    %dma_wait3A_617 = tpu.memref_squeeze %dma_wait3A_616 : memref<1x64xi32, #tpu.memory_space<vmem>> -> memref<64xi32, #tpu.memory_space<vmem>>
    %dma_wait3A_618 = arith.constant 0 : i32
    %dma_wait3A_619 = arith.constant 0 : i32
    %dma_wait3A_620 = tpu.memref_slice %arg16[%dma_wait3A_618, %dma_wait3A_619] : memref<10240x128xf32, #tpu.memory_space<vmem_shared>> -> memref<10240x128xf32, #tpu.memory_space<vmem_shared>>
    tpu.wait_indirect_dma semaphore(%arg14 : memref<!tpu.dma_semaphore, #tpu.memory_space<semaphore_mem>>) src(%dma_wait3A_620 : memref<10240x128xf32, #tpu.memory_space<vmem_shared>>) dst(%arg10 : memref<64x128xf32, #tpu.memory_space<vmem>>)
    "tpu.region"() ({
      %run_scoped3A_693 = tpu.sem_alloc : memref<!tpu.dma_semaphore, #tpu.memory_space<semaphore_mem>>
      %dma_start3A_694 = arith.constant 0 : i32
      %dma_start3A_695 = tpu.memref_slice %arg6[%arg0, %add3A_606, %dma_start3A_694] : memref<2x10240x128xf32, #tpu.memory_space<hbm>> -> memref<1x64x128xf32, #tpu.memory_space<hbm>>
      %dma_start3A_696 = tpu.memref_squeeze %dma_start3A_695 : memref<1x64x128xf32, #tpu.memory_space<hbm>> -> memref<64x128xf32, #tpu.memory_space<hbm>>
      %dma_start3A_697 = arith.constant 0 : i32
      %dma_start3A_698 = tpu.memref_slice %arg6[%arg0, %add3A_606, %dma_start3A_697] : memref<2x10240x128xf32, #tpu.memory_space<hbm>> -> memref<1x64x128xf32, #tpu.memory_space<hbm>>
      %dma_start3A_699 = tpu.memref_squeeze %dma_start3A_698 : memref<1x64x128xf32, #tpu.memory_space<hbm>> -> memref<64x128xf32, #tpu.memory_space<hbm>>
      tpu.enqueue_dma source(%arg10 : memref<64x128xf32, #tpu.memory_space<vmem>>) target(%dma_start3A_699 : memref<64x128xf32, #tpu.memory_space<hbm>>) target_semaphore(%run_scoped3A_693 : memref<!tpu.dma_semaphore, #tpu.memory_space<semaphore_mem>>)
      %dma_wait3A_700 = arith.constant 0 : i32
      %dma_wait3A_701 = tpu.memref_slice %arg6[%arg0, %add3A_606, %dma_wait3A_700] : memref<2x10240x128xf32, #tpu.memory_space<hbm>> -> memref<1x64x128xf32, #tpu.memory_space<hbm>>
      %dma_wait3A_702 = tpu.memref_squeeze %dma_wait3A_701 : memref<1x64x128xf32, #tpu.memory_space<hbm>> -> memref<64x128xf32, #tpu.memory_space<hbm>>
      %dma_wait3A_703 = arith.constant 0 : i32
      %dma_wait3A_704 = tpu.memref_slice %arg6[%arg0, %add3A_606, %dma_wait3A_703] : memref<2x10240x128xf32, #tpu.memory_space<hbm>> -> memref<1x64x128xf32, #tpu.memory_space<hbm>>
      %dma_wait3A_705 = tpu.memref_squeeze %dma_wait3A_704 : memref<1x64x128xf32, #tpu.memory_space<hbm>> -> memref<64x128xf32, #tpu.memory_space<hbm>>
      tpu.wait_dma2 semaphore(%run_scoped3A_693 : memref<!tpu.dma_semaphore, #tpu.memory_space<semaphore_mem>>) src(%arg10 : memref<64x128xf32, #tpu.memory_space<vmem>>) dst(%dma_wait3A_705 : memref<64x128xf32, #tpu.memory_space<hbm>>)
      tpu.yield
    }) : () -> ()
    %mul3A_621 = arith.constant 640 : i32
    %mul3A_622 = arith.muli %arg1, %mul3A_621 : i32
    %add3A_623 = arith.constant 384 : i32
    %add3A_624 = arith.addi %mul3A_622, %add3A_623 : i32
    %dma_start3A_625 = arith.constant 6 : i32
    %dma_start3A_626 = arith.constant 0 : i32
    %dma_start3A_627 = tpu.memref_slice %arg13[%dma_start3A_625, %dma_start3A_626] : memref<10x64xi32, #tpu.memory_space<vmem>> -> memref<1x64xi32, #tpu.memory_space<vmem>>
    %dma_start3A_628 = tpu.memref_squeeze %dma_start3A_627 : memref<1x64xi32, #tpu.memory_space<vmem>> -> memref<64xi32, #tpu.memory_space<vmem>>
    %dma_start3A_629 = arith.constant 0 : i32
    %dma_start3A_630 = arith.constant 0 : i32
    %dma_start3A_631 = tpu.memref_slice %arg16[%dma_start3A_629, %dma_start3A_630] : memref<10240x128xf32, #tpu.memory_space<vmem_shared>> -> memref<10240x128xf32, #tpu.memory_space<vmem_shared>>
    tpu.enqueue_indirect_dma source(%dma_start3A_631 : memref<10240x128xf32, #tpu.memory_space<vmem_shared>>) target(%arg10 : memref<64x128xf32, #tpu.memory_space<vmem>>) offsets(%dma_start3A_628 : memref<64xi32, #tpu.memory_space<vmem>>) semaphore(%arg14 : memref<!tpu.dma_semaphore, #tpu.memory_space<semaphore_mem>>)
    %dma_wait3A_632 = arith.constant 6 : i32
    %dma_wait3A_633 = arith.constant 0 : i32
    %dma_wait3A_634 = tpu.memref_slice %arg13[%dma_wait3A_632, %dma_wait3A_633] : memref<10x64xi32, #tpu.memory_space<vmem>> -> memref<1x64xi32, #tpu.memory_space<vmem>>
    %dma_wait3A_635 = tpu.memref_squeeze %dma_wait3A_634 : memref<1x64xi32, #tpu.memory_space<vmem>> -> memref<64xi32, #tpu.memory_space<vmem>>
    %dma_wait3A_636 = arith.constant 0 : i32
    %dma_wait3A_637 = arith.constant 0 : i32
    %dma_wait3A_638 = tpu.memref_slice %arg16[%dma_wait3A_636, %dma_wait3A_637] : memref<10240x128xf32, #tpu.memory_space<vmem_shared>> -> memref<10240x128xf32, #tpu.memory_space<vmem_shared>>
    tpu.wait_indirect_dma semaphore(%arg14 : memref<!tpu.dma_semaphore, #tpu.memory_space<semaphore_mem>>) src(%dma_wait3A_638 : memref<10240x128xf32, #tpu.memory_space<vmem_shared>>) dst(%arg10 : memref<64x128xf32, #tpu.memory_space<vmem>>)
    "tpu.region"() ({
      %run_scoped3A_693 = tpu.sem_alloc : memref<!tpu.dma_semaphore, #tpu.memory_space<semaphore_mem>>
      %dma_start3A_694 = arith.constant 0 : i32
      %dma_start3A_695 = tpu.memref_slice %arg6[%arg0, %add3A_624, %dma_start3A_694] : memref<2x10240x128xf32, #tpu.memory_space<hbm>> -> memref<1x64x128xf32, #tpu.memory_space<hbm>>
      %dma_start3A_696 = tpu.memref_squeeze %dma_start3A_695 : memref<1x64x128xf32, #tpu.memory_space<hbm>> -> memref<64x128xf32, #tpu.memory_space<hbm>>
      %dma_start3A_697 = arith.constant 0 : i32
      %dma_start3A_698 = tpu.memref_slice %arg6[%arg0, %add3A_624, %dma_start3A_697] : memref<2x10240x128xf32, #tpu.memory_space<hbm>> -> memref<1x64x128xf32, #tpu.memory_space<hbm>>
      %dma_start3A_699 = tpu.memref_squeeze %dma_start3A_698 : memref<1x64x128xf32, #tpu.memory_space<hbm>> -> memref<64x128xf32, #tpu.memory_space<hbm>>
      tpu.enqueue_dma source(%arg10 : memref<64x128xf32, #tpu.memory_space<vmem>>) target(%dma_start3A_699 : memref<64x128xf32, #tpu.memory_space<hbm>>) target_semaphore(%run_scoped3A_693 : memref<!tpu.dma_semaphore, #tpu.memory_space<semaphore_mem>>)
      %dma_wait3A_700 = arith.constant 0 : i32
      %dma_wait3A_701 = tpu.memref_slice %arg6[%arg0, %add3A_624, %dma_wait3A_700] : memref<2x10240x128xf32, #tpu.memory_space<hbm>> -> memref<1x64x128xf32, #tpu.memory_space<hbm>>
      %dma_wait3A_702 = tpu.memref_squeeze %dma_wait3A_701 : memref<1x64x128xf32, #tpu.memory_space<hbm>> -> memref<64x128xf32, #tpu.memory_space<hbm>>
      %dma_wait3A_703 = arith.constant 0 : i32
      %dma_wait3A_704 = tpu.memref_slice %arg6[%arg0, %add3A_624, %dma_wait3A_703] : memref<2x10240x128xf32, #tpu.memory_space<hbm>> -> memref<1x64x128xf32, #tpu.memory_space<hbm>>
      %dma_wait3A_705 = tpu.memref_squeeze %dma_wait3A_704 : memref<1x64x128xf32, #tpu.memory_space<hbm>> -> memref<64x128xf32, #tpu.memory_space<hbm>>
      tpu.wait_dma2 semaphore(%run_scoped3A_693 : memref<!tpu.dma_semaphore, #tpu.memory_space<semaphore_mem>>) src(%arg10 : memref<64x128xf32, #tpu.memory_space<vmem>>) dst(%dma_wait3A_705 : memref<64x128xf32, #tpu.memory_space<hbm>>)
      tpu.yield
    }) : () -> ()
    %mul3A_639 = arith.constant 640 : i32
    %mul3A_640 = arith.muli %arg1, %mul3A_639 : i32
    %add3A_641 = arith.constant 448 : i32
    %add3A_642 = arith.addi %mul3A_640, %add3A_641 : i32
    %dma_start3A_643 = arith.constant 7 : i32
    %dma_start3A_644 = arith.constant 0 : i32
    %dma_start3A_645 = tpu.memref_slice %arg13[%dma_start3A_643, %dma_start3A_644] : memref<10x64xi32, #tpu.memory_space<vmem>> -> memref<1x64xi32, #tpu.memory_space<vmem>>
    %dma_start3A_646 = tpu.memref_squeeze %dma_start3A_645 : memref<1x64xi32, #tpu.memory_space<vmem>> -> memref<64xi32, #tpu.memory_space<vmem>>
    %dma_start3A_647 = arith.constant 0 : i32
    %dma_start3A_648 = arith.constant 0 : i32
    %dma_start3A_649 = tpu.memref_slice %arg16[%dma_start3A_647, %dma_start3A_648] : memref<10240x128xf32, #tpu.memory_space<vmem_shared>> -> memref<10240x128xf32, #tpu.memory_space<vmem_shared>>
    tpu.enqueue_indirect_dma source(%dma_start3A_649 : memref<10240x128xf32, #tpu.memory_space<vmem_shared>>) target(%arg10 : memref<64x128xf32, #tpu.memory_space<vmem>>) offsets(%dma_start3A_646 : memref<64xi32, #tpu.memory_space<vmem>>) semaphore(%arg14 : memref<!tpu.dma_semaphore, #tpu.memory_space<semaphore_mem>>)
    %dma_wait3A_650 = arith.constant 7 : i32
    %dma_wait3A_651 = arith.constant 0 : i32
    %dma_wait3A_652 = tpu.memref_slice %arg13[%dma_wait3A_650, %dma_wait3A_651] : memref<10x64xi32, #tpu.memory_space<vmem>> -> memref<1x64xi32, #tpu.memory_space<vmem>>
    %dma_wait3A_653 = tpu.memref_squeeze %dma_wait3A_652 : memref<1x64xi32, #tpu.memory_space<vmem>> -> memref<64xi32, #tpu.memory_space<vmem>>
    %dma_wait3A_654 = arith.constant 0 : i32
    %dma_wait3A_655 = arith.constant 0 : i32
    %dma_wait3A_656 = tpu.memref_slice %arg16[%dma_wait3A_654, %dma_wait3A_655] : memref<10240x128xf32, #tpu.memory_space<vmem_shared>> -> memref<10240x128xf32, #tpu.memory_space<vmem_shared>>
    tpu.wait_indirect_dma semaphore(%arg14 : memref<!tpu.dma_semaphore, #tpu.memory_space<semaphore_mem>>) src(%dma_wait3A_656 : memref<10240x128xf32, #tpu.memory_space<vmem_shared>>) dst(%arg10 : memref<64x128xf32, #tpu.memory_space<vmem>>)
    "tpu.region"() ({
      %run_scoped3A_693 = tpu.sem_alloc : memref<!tpu.dma_semaphore, #tpu.memory_space<semaphore_mem>>
      %dma_start3A_694 = arith.constant 0 : i32
      %dma_start3A_695 = tpu.memref_slice %arg6[%arg0, %add3A_642, %dma_start3A_694] : memref<2x10240x128xf32, #tpu.memory_space<hbm>> -> memref<1x64x128xf32, #tpu.memory_space<hbm>>
      %dma_start3A_696 = tpu.memref_squeeze %dma_start3A_695 : memref<1x64x128xf32, #tpu.memory_space<hbm>> -> memref<64x128xf32, #tpu.memory_space<hbm>>
      %dma_start3A_697 = arith.constant 0 : i32
      %dma_start3A_698 = tpu.memref_slice %arg6[%arg0, %add3A_642, %dma_start3A_697] : memref<2x10240x128xf32, #tpu.memory_space<hbm>> -> memref<1x64x128xf32, #tpu.memory_space<hbm>>
      %dma_start3A_699 = tpu.memref_squeeze %dma_start3A_698 : memref<1x64x128xf32, #tpu.memory_space<hbm>> -> memref<64x128xf32, #tpu.memory_space<hbm>>
      tpu.enqueue_dma source(%arg10 : memref<64x128xf32, #tpu.memory_space<vmem>>) target(%dma_start3A_699 : memref<64x128xf32, #tpu.memory_space<hbm>>) target_semaphore(%run_scoped3A_693 : memref<!tpu.dma_semaphore, #tpu.memory_space<semaphore_mem>>)
      %dma_wait3A_700 = arith.constant 0 : i32
      %dma_wait3A_701 = tpu.memref_slice %arg6[%arg0, %add3A_642, %dma_wait3A_700] : memref<2x10240x128xf32, #tpu.memory_space<hbm>> -> memref<1x64x128xf32, #tpu.memory_space<hbm>>
      %dma_wait3A_702 = tpu.memref_squeeze %dma_wait3A_701 : memref<1x64x128xf32, #tpu.memory_space<hbm>> -> memref<64x128xf32, #tpu.memory_space<hbm>>
      %dma_wait3A_703 = arith.constant 0 : i32
      %dma_wait3A_704 = tpu.memref_slice %arg6[%arg0, %add3A_642, %dma_wait3A_703] : memref<2x10240x128xf32, #tpu.memory_space<hbm>> -> memref<1x64x128xf32, #tpu.memory_space<hbm>>
      %dma_wait3A_705 = tpu.memref_squeeze %dma_wait3A_704 : memref<1x64x128xf32, #tpu.memory_space<hbm>> -> memref<64x128xf32, #tpu.memory_space<hbm>>
      tpu.wait_dma2 semaphore(%run_scoped3A_693 : memref<!tpu.dma_semaphore, #tpu.memory_space<semaphore_mem>>) src(%arg10 : memref<64x128xf32, #tpu.memory_space<vmem>>) dst(%dma_wait3A_705 : memref<64x128xf32, #tpu.memory_space<hbm>>)
      tpu.yield
    }) : () -> ()
    %mul3A_657 = arith.constant 640 : i32
    %mul3A_658 = arith.muli %arg1, %mul3A_657 : i32
    %add3A_659 = arith.constant 512 : i32
    %add3A_660 = arith.addi %mul3A_658, %add3A_659 : i32
    %dma_start3A_661 = arith.constant 8 : i32
    %dma_start3A_662 = arith.constant 0 : i32
    %dma_start3A_663 = tpu.memref_slice %arg13[%dma_start3A_661, %dma_start3A_662] : memref<10x64xi32, #tpu.memory_space<vmem>> -> memref<1x64xi32, #tpu.memory_space<vmem>>
    %dma_start3A_664 = tpu.memref_squeeze %dma_start3A_663 : memref<1x64xi32, #tpu.memory_space<vmem>> -> memref<64xi32, #tpu.memory_space<vmem>>
    %dma_start3A_665 = arith.constant 0 : i32
    %dma_start3A_666 = arith.constant 0 : i32
    %dma_start3A_667 = tpu.memref_slice %arg16[%dma_start3A_665, %dma_start3A_666] : memref<10240x128xf32, #tpu.memory_space<vmem_shared>> -> memref<10240x128xf32, #tpu.memory_space<vmem_shared>>
    tpu.enqueue_indirect_dma source(%dma_start3A_667 : memref<10240x128xf32, #tpu.memory_space<vmem_shared>>) target(%arg10 : memref<64x128xf32, #tpu.memory_space<vmem>>) offsets(%dma_start3A_664 : memref<64xi32, #tpu.memory_space<vmem>>) semaphore(%arg14 : memref<!tpu.dma_semaphore, #tpu.memory_space<semaphore_mem>>)
    %dma_wait3A_668 = arith.constant 8 : i32
    %dma_wait3A_669 = arith.constant 0 : i32
    %dma_wait3A_670 = tpu.memref_slice %arg13[%dma_wait3A_668, %dma_wait3A_669] : memref<10x64xi32, #tpu.memory_space<vmem>> -> memref<1x64xi32, #tpu.memory_space<vmem>>
    %dma_wait3A_671 = tpu.memref_squeeze %dma_wait3A_670 : memref<1x64xi32, #tpu.memory_space<vmem>> -> memref<64xi32, #tpu.memory_space<vmem>>
    %dma_wait3A_672 = arith.constant 0 : i32
    %dma_wait3A_673 = arith.constant 0 : i32
    %dma_wait3A_674 = tpu.memref_slice %arg16[%dma_wait3A_672, %dma_wait3A_673] : memref<10240x128xf32, #tpu.memory_space<vmem_shared>> -> memref<10240x128xf32, #tpu.memory_space<vmem_shared>>
    tpu.wait_indirect_dma semaphore(%arg14 : memref<!tpu.dma_semaphore, #tpu.memory_space<semaphore_mem>>) src(%dma_wait3A_674 : memref<10240x128xf32, #tpu.memory_space<vmem_shared>>) dst(%arg10 : memref<64x128xf32, #tpu.memory_space<vmem>>)
    "tpu.region"() ({
      %run_scoped3A_693 = tpu.sem_alloc : memref<!tpu.dma_semaphore, #tpu.memory_space<semaphore_mem>>
      %dma_start3A_694 = arith.constant 0 : i32
      %dma_start3A_695 = tpu.memref_slice %arg6[%arg0, %add3A_660, %dma_start3A_694] : memref<2x10240x128xf32, #tpu.memory_space<hbm>> -> memref<1x64x128xf32, #tpu.memory_space<hbm>>
      %dma_start3A_696 = tpu.memref_squeeze %dma_start3A_695 : memref<1x64x128xf32, #tpu.memory_space<hbm>> -> memref<64x128xf32, #tpu.memory_space<hbm>>
      %dma_start3A_697 = arith.constant 0 : i32
      %dma_start3A_698 = tpu.memref_slice %arg6[%arg0, %add3A_660, %dma_start3A_697] : memref<2x10240x128xf32, #tpu.memory_space<hbm>> -> memref<1x64x128xf32, #tpu.memory_space<hbm>>
      %dma_start3A_699 = tpu.memref_squeeze %dma_start3A_698 : memref<1x64x128xf32, #tpu.memory_space<hbm>> -> memref<64x128xf32, #tpu.memory_space<hbm>>
      tpu.enqueue_dma source(%arg10 : memref<64x128xf32, #tpu.memory_space<vmem>>) target(%dma_start3A_699 : memref<64x128xf32, #tpu.memory_space<hbm>>) target_semaphore(%run_scoped3A_693 : memref<!tpu.dma_semaphore, #tpu.memory_space<semaphore_mem>>)
      %dma_wait3A_700 = arith.constant 0 : i32
      %dma_wait3A_701 = tpu.memref_slice %arg6[%arg0, %add3A_660, %dma_wait3A_700] : memref<2x10240x128xf32, #tpu.memory_space<hbm>> -> memref<1x64x128xf32, #tpu.memory_space<hbm>>
      %dma_wait3A_702 = tpu.memref_squeeze %dma_wait3A_701 : memref<1x64x128xf32, #tpu.memory_space<hbm>> -> memref<64x128xf32, #tpu.memory_space<hbm>>
      %dma_wait3A_703 = arith.constant 0 : i32
      %dma_wait3A_704 = tpu.memref_slice %arg6[%arg0, %add3A_660, %dma_wait3A_703] : memref<2x10240x128xf32, #tpu.memory_space<hbm>> -> memref<1x64x128xf32, #tpu.memory_space<hbm>>
      %dma_wait3A_705 = tpu.memref_squeeze %dma_wait3A_704 : memref<1x64x128xf32, #tpu.memory_space<hbm>> -> memref<64x128xf32, #tpu.memory_space<hbm>>
      tpu.wait_dma2 semaphore(%run_scoped3A_693 : memref<!tpu.dma_semaphore, #tpu.memory_space<semaphore_mem>>) src(%arg10 : memref<64x128xf32, #tpu.memory_space<vmem>>) dst(%dma_wait3A_705 : memref<64x128xf32, #tpu.memory_space<hbm>>)
      tpu.yield
    }) : () -> ()
    %mul3A_675 = arith.constant 640 : i32
    %mul3A_676 = arith.muli %arg1, %mul3A_675 : i32
    %add3A_677 = arith.constant 576 : i32
    %add3A_678 = arith.addi %mul3A_676, %add3A_677 : i32
    %dma_start3A_679 = arith.constant 9 : i32
    %dma_start3A_680 = arith.constant 0 : i32
    %dma_start3A_681 = tpu.memref_slice %arg13[%dma_start3A_679, %dma_start3A_680] : memref<10x64xi32, #tpu.memory_space<vmem>> -> memref<1x64xi32, #tpu.memory_space<vmem>>
    %dma_start3A_682 = tpu.memref_squeeze %dma_start3A_681 : memref<1x64xi32, #tpu.memory_space<vmem>> -> memref<64xi32, #tpu.memory_space<vmem>>
    %dma_start3A_683 = arith.constant 0 : i32
    %dma_start3A_684 = arith.constant 0 : i32
    %dma_start3A_685 = tpu.memref_slice %arg16[%dma_start3A_683, %dma_start3A_684] : memref<10240x128xf32, #tpu.memory_space<vmem_shared>> -> memref<10240x128xf32, #tpu.memory_space<vmem_shared>>
    tpu.enqueue_indirect_dma source(%dma_start3A_685 : memref<10240x128xf32, #tpu.memory_space<vmem_shared>>) target(%arg10 : memref<64x128xf32, #tpu.memory_space<vmem>>) offsets(%dma_start3A_682 : memref<64xi32, #tpu.memory_space<vmem>>) semaphore(%arg14 : memref<!tpu.dma_semaphore, #tpu.memory_space<semaphore_mem>>)
    %dma_wait3A_686 = arith.constant 9 : i32
    %dma_wait3A_687 = arith.constant 0 : i32
    %dma_wait3A_688 = tpu.memref_slice %arg13[%dma_wait3A_686, %dma_wait3A_687] : memref<10x64xi32, #tpu.memory_space<vmem>> -> memref<1x64xi32, #tpu.memory_space<vmem>>
    %dma_wait3A_689 = tpu.memref_squeeze %dma_wait3A_688 : memref<1x64xi32, #tpu.memory_space<vmem>> -> memref<64xi32, #tpu.memory_space<vmem>>
    %dma_wait3A_690 = arith.constant 0 : i32
    %dma_wait3A_691 = arith.constant 0 : i32
    %dma_wait3A_692 = tpu.memref_slice %arg16[%dma_wait3A_690, %dma_wait3A_691] : memref<10240x128xf32, #tpu.memory_space<vmem_shared>> -> memref<10240x128xf32, #tpu.memory_space<vmem_shared>>
    tpu.wait_indirect_dma semaphore(%arg14 : memref<!tpu.dma_semaphore, #tpu.memory_space<semaphore_mem>>) src(%dma_wait3A_692 : memref<10240x128xf32, #tpu.memory_space<vmem_shared>>) dst(%arg10 : memref<64x128xf32, #tpu.memory_space<vmem>>)
    "tpu.region"() ({
      %run_scoped3A_693 = tpu.sem_alloc : memref<!tpu.dma_semaphore, #tpu.memory_space<semaphore_mem>>
      %dma_start3A_694 = arith.constant 0 : i32
      %dma_start3A_695 = tpu.memref_slice %arg6[%arg0, %add3A_678, %dma_start3A_694] : memref<2x10240x128xf32, #tpu.memory_space<hbm>> -> memref<1x64x128xf32, #tpu.memory_space<hbm>>
      %dma_start3A_696 = tpu.memref_squeeze %dma_start3A_695 : memref<1x64x128xf32, #tpu.memory_space<hbm>> -> memref<64x128xf32, #tpu.memory_space<hbm>>
      %dma_start3A_697 = arith.constant 0 : i32
      %dma_start3A_698 = tpu.memref_slice %arg6[%arg0, %add3A_678, %dma_start3A_697] : memref<2x10240x128xf32, #tpu.memory_space<hbm>> -> memref<1x64x128xf32, #tpu.memory_space<hbm>>
      %dma_start3A_699 = tpu.memref_squeeze %dma_start3A_698 : memref<1x64x128xf32, #tpu.memory_space<hbm>> -> memref<64x128xf32, #tpu.memory_space<hbm>>
      tpu.enqueue_dma source(%arg10 : memref<64x128xf32, #tpu.memory_space<vmem>>) target(%dma_start3A_699 : memref<64x128xf32, #tpu.memory_space<hbm>>) target_semaphore(%run_scoped3A_693 : memref<!tpu.dma_semaphore, #tpu.memory_space<semaphore_mem>>)
      %dma_wait3A_700 = arith.constant 0 : i32
      %dma_wait3A_701 = tpu.memref_slice %arg6[%arg0, %add3A_678, %dma_wait3A_700] : memref<2x10240x128xf32, #tpu.memory_space<hbm>> -> memref<1x64x128xf32, #tpu.memory_space<hbm>>
      %dma_wait3A_702 = tpu.memref_squeeze %dma_wait3A_701 : memref<1x64x128xf32, #tpu.memory_space<hbm>> -> memref<64x128xf32, #tpu.memory_space<hbm>>
      %dma_wait3A_703 = arith.constant 0 : i32
      %dma_wait3A_704 = tpu.memref_slice %arg6[%arg0, %add3A_678, %dma_wait3A_703] : memref<2x10240x128xf32, #tpu.memory_space<hbm>> -> memref<1x64x128xf32, #tpu.memory_space<hbm>>
      %dma_wait3A_705 = tpu.memref_squeeze %dma_wait3A_704 : memref<1x64x128xf32, #tpu.memory_space<hbm>> -> memref<64x128xf32, #tpu.memory_space<hbm>>
      tpu.wait_dma2 semaphore(%run_scoped3A_693 : memref<!tpu.dma_semaphore, #tpu.memory_space<semaphore_mem>>) src(%arg10 : memref<64x128xf32, #tpu.memory_space<vmem>>) dst(%dma_wait3A_705 : memref<64x128xf32, #tpu.memory_space<hbm>>)
      tpu.yield
    }) : () -> ()
    "tpu.region"() ({
      %run_scoped3A_693 = tpu.sem_alloc : memref<!tpu.dma_semaphore, #tpu.memory_space<semaphore_mem>>
      %dma_start3A_694 = arith.constant 0 : i32
      %dma_start3A_695 = tpu.memref_slice %arg7[%add3A, %dma_start3A_694] : memref<32x10240xf32, #tpu.memory_space<hbm>> -> memref<1x10240xf32, #tpu.memory_space<hbm>>
      %dma_start3A_696 = tpu.memref_squeeze %dma_start3A_695 : memref<1x10240xf32, #tpu.memory_space<hbm>> -> memref<10240xf32, #tpu.memory_space<hbm>>
      %dma_start3A_697 = arith.constant 0 : i32
      %dma_start3A_698 = tpu.memref_slice %arg7[%add3A, %dma_start3A_697] : memref<32x10240xf32, #tpu.memory_space<hbm>> -> memref<1x10240xf32, #tpu.memory_space<hbm>>
      %dma_start3A_699 = tpu.memref_squeeze %dma_start3A_698 : memref<1x10240xf32, #tpu.memory_space<hbm>> -> memref<10240xf32, #tpu.memory_space<hbm>>
      tpu.enqueue_dma source(%arg12 : memref<10240xf32, #tpu.memory_space<vmem>>) target(%dma_start3A_699 : memref<10240xf32, #tpu.memory_space<hbm>>) target_semaphore(%run_scoped3A_693 : memref<!tpu.dma_semaphore, #tpu.memory_space<semaphore_mem>>)
      %dma_wait3A_700 = arith.constant 0 : i32
      %dma_wait3A_701 = tpu.memref_slice %arg7[%add3A, %dma_wait3A_700] : memref<32x10240xf32, #tpu.memory_space<hbm>> -> memref<1x10240xf32, #tpu.memory_space<hbm>>
      %dma_wait3A_702 = tpu.memref_squeeze %dma_wait3A_701 : memref<1x10240xf32, #tpu.memory_space<hbm>> -> memref<10240xf32, #tpu.memory_space<hbm>>
      %dma_wait3A_703 = arith.constant 0 : i32
      %dma_wait3A_704 = tpu.memref_slice %arg7[%add3A, %dma_wait3A_703] : memref<32x10240xf32, #tpu.memory_space<hbm>> -> memref<1x10240xf32, #tpu.memory_space<hbm>>
      %dma_wait3A_705 = tpu.memref_squeeze %dma_wait3A_704 : memref<1x10240xf32, #tpu.memory_space<hbm>> -> memref<10240xf32, #tpu.memory_space<hbm>>
      tpu.wait_dma2 semaphore(%run_scoped3A_693 : memref<!tpu.dma_semaphore, #tpu.memory_space<semaphore_mem>>) src(%arg12 : memref<10240xf32, #tpu.memory_space<vmem>>) dst(%dma_wait3A_705 : memref<10240xf32, #tpu.memory_space<hbm>>)
      tpu.yield
    }) : () -> ()
    return
  }
}

#map = affine_map<(d0, d1) -> (0, 0)>
#map1 = affine_map<(d0, d1) -> (0, 0, 0)>
module attributes {stable_mosaic.version = 14 : i64} {
  func.func @_sc_pass_body(%arg0: i32, %arg1: i32, %arg2: memref<10000x128xf32, #tpu.memory_space<hbm>>, %arg3: memref<32x160x64xi32, #tpu.memory_space<hbm>>, %arg4: memref<32x160x64xi32, #tpu.memory_space<hbm>>, %arg5: memref<64x128xf32, #tpu.memory_space<hbm>>, %arg6: memref<2x10240x128xf32, #tpu.memory_space<hbm>>, %arg7: memref<32x64xi32, #tpu.memory_space<vmem>>, %arg8: memref<32x64xi32, #tpu.memory_space<vmem>>, %arg9: memref<64x128xf32, #tpu.memory_space<vmem>>, %arg10: memref<64x128xf32, #tpu.memory_space<vmem>>, %arg11: memref<10x64xi32, #tpu.memory_space<vmem>>, %arg12: memref<!tpu.dma_semaphore, #tpu.memory_space<semaphore_mem>>, %arg13: memref<!tpu.dma_semaphore, #tpu.memory_space<semaphore_mem>>, %arg14: memref<10240x128xf32, #tpu.memory_space<vmem_shared>>) attributes {dimension_semantics = [#tpu.dimension_semantics<core_parallel>, #tpu.dimension_semantics<subcore_parallel>], iteration_bounds = array<i64: 2, 16>, scalar_prefetch = 0 : i64, scratch_operands = 8 : i64, tpu.core_type = #tpu.core_type<sc_vector_subcore>, window_params = [{transform_indices = #map}, {transform_indices = #map1}, {transform_indices = #map1}, {transform_indices = #map}, {transform_indices = #map1}]} {
    %mul3A = arith.constant 16 : i32
    %mul3A_0 = arith.muli %arg0, %mul3A : i32
    %add3A = arith.addi %mul3A_0, %arg1 : i32
    %iota3A = tpu.iota {dimensions = array<i32: 0>} : vector<16xi32>
    %mul3A_1 = arith.constant 640 : i32
    %mul3A_2 = arith.muli %arg1, %mul3A_1 : i32
    %add3A_3 = arith.constant 0 : i32
    %add3A_4 = arith.addi %mul3A_2, %add3A_3 : i32
    %add3A_5 = arith.constant 0 : i32
    %add3A_6 = arith.addi %add3A_4, %add3A_5 : i32
    %add3A_7 = vector.broadcast %add3A_6 : i32 to vector<16xi32>
    %add3A_8 = arith.addi %add3A_7, %iota3A : vector<16xi32>
    %swap3A = arith.constant 0 : i32
    %swap3A_9 = arith.index_cast %swap3A : i32 to index
    %swap3A_10 = arith.constant 0 : index
    %swap3A_11 = tpu.vector_load %arg11[%swap3A_9, %swap3A_10] {strides = array<i32>} : memref<10x64xi32, #tpu.memory_space<vmem>>, vector<16xi32>,
    tpu.vector_store %arg11[%swap3A_9, %swap3A_10], %add3A_8 {strides = array<i32>} : memref<10x64xi32, #tpu.memory_space<vmem>>, vector<16xi32>,
    %mul3A_12 = arith.constant 640 : i32
    %mul3A_13 = arith.muli %arg1, %mul3A_12 : i32
    %add3A_14 = arith.constant 0 : i32
    %add3A_15 = arith.addi %mul3A_13, %add3A_14 : i32
    %add3A_16 = arith.constant 16 : i32
    %add3A_17 = arith.addi %add3A_15, %add3A_16 : i32
    %add3A_18 = vector.broadcast %add3A_17 : i32 to vector<16xi32>
    %add3A_19 = arith.addi %add3A_18, %iota3A : vector<16xi32>
    %swap3A_20 = arith.constant 0 : i32
    %swap3A_21 = arith.index_cast %swap3A_20 : i32 to index
    %swap3A_22 = arith.constant 16 : index
    %swap3A_23 = tpu.vector_load %arg11[%swap3A_21, %swap3A_22] {strides = array<i32>} : memref<10x64xi32, #tpu.memory_space<vmem>>, vector<16xi32>,
    tpu.vector_store %arg11[%swap3A_21, %swap3A_22], %add3A_19 {strides = array<i32>} : memref<10x64xi32, #tpu.memory_space<vmem>>, vector<16xi32>,
    %mul3A_24 = arith.constant 640 : i32
    %mul3A_25 = arith.muli %arg1, %mul3A_24 : i32
    %add3A_26 = arith.constant 0 : i32
    %add3A_27 = arith.addi %mul3A_25, %add3A_26 : i32
    %add3A_28 = arith.constant 32 : i32
    %add3A_29 = arith.addi %add3A_27, %add3A_28 : i32
    %add3A_30 = vector.broadcast %add3A_29 : i32 to vector<16xi32>
    %add3A_31 = arith.addi %add3A_30, %iota3A : vector<16xi32>
    %swap3A_32 = arith.constant 0 : i32
    %swap3A_33 = arith.index_cast %swap3A_32 : i32 to index
    %swap3A_34 = arith.constant 32 : index
    %swap3A_35 = tpu.vector_load %arg11[%swap3A_33, %swap3A_34] {strides = array<i32>} : memref<10x64xi32, #tpu.memory_space<vmem>>, vector<16xi32>,
    tpu.vector_store %arg11[%swap3A_33, %swap3A_34], %add3A_31 {strides = array<i32>} : memref<10x64xi32, #tpu.memory_space<vmem>>, vector<16xi32>,
    %mul3A_36 = arith.constant 640 : i32
    %mul3A_37 = arith.muli %arg1, %mul3A_36 : i32
    %add3A_38 = arith.constant 0 : i32
    %add3A_39 = arith.addi %mul3A_37, %add3A_38 : i32
    %add3A_40 = arith.constant 48 : i32
    %add3A_41 = arith.addi %add3A_39, %add3A_40 : i32
    %add3A_42 = vector.broadcast %add3A_41 : i32 to vector<16xi32>
    %add3A_43 = arith.addi %add3A_42, %iota3A : vector<16xi32>
    %swap3A_44 = arith.constant 0 : i32
    %swap3A_45 = arith.index_cast %swap3A_44 : i32 to index
    %swap3A_46 = arith.constant 48 : index
    %swap3A_47 = tpu.vector_load %arg11[%swap3A_45, %swap3A_46] {strides = array<i32>} : memref<10x64xi32, #tpu.memory_space<vmem>>, vector<16xi32>,
    tpu.vector_store %arg11[%swap3A_45, %swap3A_46], %add3A_43 {strides = array<i32>} : memref<10x64xi32, #tpu.memory_space<vmem>>, vector<16xi32>,
    %mul3A_48 = arith.constant 640 : i32
    %mul3A_49 = arith.muli %arg1, %mul3A_48 : i32
    %add3A_50 = arith.constant 64 : i32
    %add3A_51 = arith.addi %mul3A_49, %add3A_50 : i32
    %add3A_52 = arith.constant 0 : i32
    %add3A_53 = arith.addi %add3A_51, %add3A_52 : i32
    %add3A_54 = vector.broadcast %add3A_53 : i32 to vector<16xi32>
    %add3A_55 = arith.addi %add3A_54, %iota3A : vector<16xi32>
    %swap3A_56 = arith.constant 1 : i32
    %swap3A_57 = arith.index_cast %swap3A_56 : i32 to index
    %swap3A_58 = arith.constant 0 : index
    %swap3A_59 = tpu.vector_load %arg11[%swap3A_57, %swap3A_58] {strides = array<i32>} : memref<10x64xi32, #tpu.memory_space<vmem>>, vector<16xi32>,
    tpu.vector_store %arg11[%swap3A_57, %swap3A_58], %add3A_55 {strides = array<i32>} : memref<10x64xi32, #tpu.memory_space<vmem>>, vector<16xi32>,
    %mul3A_60 = arith.constant 640 : i32
    %mul3A_61 = arith.muli %arg1, %mul3A_60 : i32
    %add3A_62 = arith.constant 64 : i32
    %add3A_63 = arith.addi %mul3A_61, %add3A_62 : i32
    %add3A_64 = arith.constant 16 : i32
    %add3A_65 = arith.addi %add3A_63, %add3A_64 : i32
    %add3A_66 = vector.broadcast %add3A_65 : i32 to vector<16xi32>
    %add3A_67 = arith.addi %add3A_66, %iota3A : vector<16xi32>
    %swap3A_68 = arith.constant 1 : i32
    %swap3A_69 = arith.index_cast %swap3A_68 : i32 to index
    %swap3A_70 = arith.constant 16 : index
    %swap3A_71 = tpu.vector_load %arg11[%swap3A_69, %swap3A_70] {strides = array<i32>} : memref<10x64xi32, #tpu.memory_space<vmem>>, vector<16xi32>,
    tpu.vector_store %arg11[%swap3A_69, %swap3A_70], %add3A_67 {strides = array<i32>} : memref<10x64xi32, #tpu.memory_space<vmem>>, vector<16xi32>,
    %mul3A_72 = arith.constant 640 : i32
    %mul3A_73 = arith.muli %arg1, %mul3A_72 : i32
    %add3A_74 = arith.constant 64 : i32
    %add3A_75 = arith.addi %mul3A_73, %add3A_74 : i32
    %add3A_76 = arith.constant 32 : i32
    %add3A_77 = arith.addi %add3A_75, %add3A_76 : i32
    %add3A_78 = vector.broadcast %add3A_77 : i32 to vector<16xi32>
    %add3A_79 = arith.addi %add3A_78, %iota3A : vector<16xi32>
    %swap3A_80 = arith.constant 1 : i32
    %swap3A_81 = arith.index_cast %swap3A_80 : i32 to index
    %swap3A_82 = arith.constant 32 : index
    %swap3A_83 = tpu.vector_load %arg11[%swap3A_81, %swap3A_82] {strides = array<i32>} : memref<10x64xi32, #tpu.memory_space<vmem>>, vector<16xi32>,
    tpu.vector_store %arg11[%swap3A_81, %swap3A_82], %add3A_79 {strides = array<i32>} : memref<10x64xi32, #tpu.memory_space<vmem>>, vector<16xi32>,
    %mul3A_84 = arith.constant 640 : i32
    %mul3A_85 = arith.muli %arg1, %mul3A_84 : i32
    %add3A_86 = arith.constant 64 : i32
    %add3A_87 = arith.addi %mul3A_85, %add3A_86 : i32
    %add3A_88 = arith.constant 48 : i32
    %add3A_89 = arith.addi %add3A_87, %add3A_88 : i32
    %add3A_90 = vector.broadcast %add3A_89 : i32 to vector<16xi32>
    %add3A_91 = arith.addi %add3A_90, %iota3A : vector<16xi32>
    %swap3A_92 = arith.constant 1 : i32
    %swap3A_93 = arith.index_cast %swap3A_92 : i32 to index
    %swap3A_94 = arith.constant 48 : index
    %swap3A_95 = tpu.vector_load %arg11[%swap3A_93, %swap3A_94] {strides = array<i32>} : memref<10x64xi32, #tpu.memory_space<vmem>>, vector<16xi32>,
    tpu.vector_store %arg11[%swap3A_93, %swap3A_94], %add3A_91 {strides = array<i32>} : memref<10x64xi32, #tpu.memory_space<vmem>>, vector<16xi32>,
    %mul3A_96 = arith.constant 640 : i32
    %mul3A_97 = arith.muli %arg1, %mul3A_96 : i32
    %add3A_98 = arith.constant 128 : i32
    %add3A_99 = arith.addi %mul3A_97, %add3A_98 : i32
    %add3A_100 = arith.constant 0 : i32
    %add3A_101 = arith.addi %add3A_99, %add3A_100 : i32
    %add3A_102 = vector.broadcast %add3A_101 : i32 to vector<16xi32>
    %add3A_103 = arith.addi %add3A_102, %iota3A : vector<16xi32>
    %swap3A_104 = arith.constant 2 : i32
    %swap3A_105 = arith.index_cast %swap3A_104 : i32 to index
    %swap3A_106 = arith.constant 0 : index
    %swap3A_107 = tpu.vector_load %arg11[%swap3A_105, %swap3A_106] {strides = array<i32>} : memref<10x64xi32, #tpu.memory_space<vmem>>, vector<16xi32>,
    tpu.vector_store %arg11[%swap3A_105, %swap3A_106], %add3A_103 {strides = array<i32>} : memref<10x64xi32, #tpu.memory_space<vmem>>, vector<16xi32>,
    %mul3A_108 = arith.constant 640 : i32
    %mul3A_109 = arith.muli %arg1, %mul3A_108 : i32
    %add3A_110 = arith.constant 128 : i32
    %add3A_111 = arith.addi %mul3A_109, %add3A_110 : i32
    %add3A_112 = arith.constant 16 : i32
    %add3A_113 = arith.addi %add3A_111, %add3A_112 : i32
    %add3A_114 = vector.broadcast %add3A_113 : i32 to vector<16xi32>
    %add3A_115 = arith.addi %add3A_114, %iota3A : vector<16xi32>
    %swap3A_116 = arith.constant 2 : i32
    %swap3A_117 = arith.index_cast %swap3A_116 : i32 to index
    %swap3A_118 = arith.constant 16 : index
    %swap3A_119 = tpu.vector_load %arg11[%swap3A_117, %swap3A_118] {strides = array<i32>} : memref<10x64xi32, #tpu.memory_space<vmem>>, vector<16xi32>,
    tpu.vector_store %arg11[%swap3A_117, %swap3A_118], %add3A_115 {strides = array<i32>} : memref<10x64xi32, #tpu.memory_space<vmem>>, vector<16xi32>,
    %mul3A_120 = arith.constant 640 : i32
    %mul3A_121 = arith.muli %arg1, %mul3A_120 : i32
    %add3A_122 = arith.constant 128 : i32
    %add3A_123 = arith.addi %mul3A_121, %add3A_122 : i32
    %add3A_124 = arith.constant 32 : i32
    %add3A_125 = arith.addi %add3A_123, %add3A_124 : i32
    %add3A_126 = vector.broadcast %add3A_125 : i32 to vector<16xi32>
    %add3A_127 = arith.addi %add3A_126, %iota3A : vector<16xi32>
    %swap3A_128 = arith.constant 2 : i32
    %swap3A_129 = arith.index_cast %swap3A_128 : i32 to index
    %swap3A_130 = arith.constant 32 : index
    %swap3A_131 = tpu.vector_load %arg11[%swap3A_129, %swap3A_130] {strides = array<i32>} : memref<10x64xi32, #tpu.memory_space<vmem>>, vector<16xi32>,
    tpu.vector_store %arg11[%swap3A_129, %swap3A_130], %add3A_127 {strides = array<i32>} : memref<10x64xi32, #tpu.memory_space<vmem>>, vector<16xi32>,
    %mul3A_132 = arith.constant 640 : i32
    %mul3A_133 = arith.muli %arg1, %mul3A_132 : i32
    %add3A_134 = arith.constant 128 : i32
    %add3A_135 = arith.addi %mul3A_133, %add3A_134 : i32
    %add3A_136 = arith.constant 48 : i32
    %add3A_137 = arith.addi %add3A_135, %add3A_136 : i32
    %add3A_138 = vector.broadcast %add3A_137 : i32 to vector<16xi32>
    %add3A_139 = arith.addi %add3A_138, %iota3A : vector<16xi32>
    %swap3A_140 = arith.constant 2 : i32
    %swap3A_141 = arith.index_cast %swap3A_140 : i32 to index
    %swap3A_142 = arith.constant 48 : index
    %swap3A_143 = tpu.vector_load %arg11[%swap3A_141, %swap3A_142] {strides = array<i32>} : memref<10x64xi32, #tpu.memory_space<vmem>>, vector<16xi32>,
    tpu.vector_store %arg11[%swap3A_141, %swap3A_142], %add3A_139 {strides = array<i32>} : memref<10x64xi32, #tpu.memory_space<vmem>>, vector<16xi32>,
    %mul3A_144 = arith.constant 640 : i32
    %mul3A_145 = arith.muli %arg1, %mul3A_144 : i32
    %add3A_146 = arith.constant 192 : i32
    %add3A_147 = arith.addi %mul3A_145, %add3A_146 : i32
    %add3A_148 = arith.constant 0 : i32
    %add3A_149 = arith.addi %add3A_147, %add3A_148 : i32
    %add3A_150 = vector.broadcast %add3A_149 : i32 to vector<16xi32>
    %add3A_151 = arith.addi %add3A_150, %iota3A : vector<16xi32>
    %swap3A_152 = arith.constant 3 : i32
    %swap3A_153 = arith.index_cast %swap3A_152 : i32 to index
    %swap3A_154 = arith.constant 0 : index
    %swap3A_155 = tpu.vector_load %arg11[%swap3A_153, %swap3A_154] {strides = array<i32>} : memref<10x64xi32, #tpu.memory_space<vmem>>, vector<16xi32>,
    tpu.vector_store %arg11[%swap3A_153, %swap3A_154], %add3A_151 {strides = array<i32>} : memref<10x64xi32, #tpu.memory_space<vmem>>, vector<16xi32>,
    %mul3A_156 = arith.constant 640 : i32
    %mul3A_157 = arith.muli %arg1, %mul3A_156 : i32
    %add3A_158 = arith.constant 192 : i32
    %add3A_159 = arith.addi %mul3A_157, %add3A_158 : i32
    %add3A_160 = arith.constant 16 : i32
    %add3A_161 = arith.addi %add3A_159, %add3A_160 : i32
    %add3A_162 = vector.broadcast %add3A_161 : i32 to vector<16xi32>
    %add3A_163 = arith.addi %add3A_162, %iota3A : vector<16xi32>
    %swap3A_164 = arith.constant 3 : i32
    %swap3A_165 = arith.index_cast %swap3A_164 : i32 to index
    %swap3A_166 = arith.constant 16 : index
    %swap3A_167 = tpu.vector_load %arg11[%swap3A_165, %swap3A_166] {strides = array<i32>} : memref<10x64xi32, #tpu.memory_space<vmem>>, vector<16xi32>,
    tpu.vector_store %arg11[%swap3A_165, %swap3A_166], %add3A_163 {strides = array<i32>} : memref<10x64xi32, #tpu.memory_space<vmem>>, vector<16xi32>,
    %mul3A_168 = arith.constant 640 : i32
    %mul3A_169 = arith.muli %arg1, %mul3A_168 : i32
    %add3A_170 = arith.constant 192 : i32
    %add3A_171 = arith.addi %mul3A_169, %add3A_170 : i32
    %add3A_172 = arith.constant 32 : i32
    %add3A_173 = arith.addi %add3A_171, %add3A_172 : i32
    %add3A_174 = vector.broadcast %add3A_173 : i32 to vector<16xi32>
    %add3A_175 = arith.addi %add3A_174, %iota3A : vector<16xi32>
    %swap3A_176 = arith.constant 3 : i32
    %swap3A_177 = arith.index_cast %swap3A_176 : i32 to index
    %swap3A_178 = arith.constant 32 : index
    %swap3A_179 = tpu.vector_load %arg11[%swap3A_177, %swap3A_178] {strides = array<i32>} : memref<10x64xi32, #tpu.memory_space<vmem>>, vector<16xi32>,
    tpu.vector_store %arg11[%swap3A_177, %swap3A_178], %add3A_175 {strides = array<i32>} : memref<10x64xi32, #tpu.memory_space<vmem>>, vector<16xi32>,
    %mul3A_180 = arith.constant 640 : i32
    %mul3A_181 = arith.muli %arg1, %mul3A_180 : i32
    %add3A_182 = arith.constant 192 : i32
    %add3A_183 = arith.addi %mul3A_181, %add3A_182 : i32
    %add3A_184 = arith.constant 48 : i32
    %add3A_185 = arith.addi %add3A_183, %add3A_184 : i32
    %add3A_186 = vector.broadcast %add3A_185 : i32 to vector<16xi32>
    %add3A_187 = arith.addi %add3A_186, %iota3A : vector<16xi32>
    %swap3A_188 = arith.constant 3 : i32
    %swap3A_189 = arith.index_cast %swap3A_188 : i32 to index
    %swap3A_190 = arith.constant 48 : index
    %swap3A_191 = tpu.vector_load %arg11[%swap3A_189, %swap3A_190] {strides = array<i32>} : memref<10x64xi32, #tpu.memory_space<vmem>>, vector<16xi32>,
    tpu.vector_store %arg11[%swap3A_189, %swap3A_190], %add3A_187 {strides = array<i32>} : memref<10x64xi32, #tpu.memory_space<vmem>>, vector<16xi32>,
    %mul3A_192 = arith.constant 640 : i32
    %mul3A_193 = arith.muli %arg1, %mul3A_192 : i32
    %add3A_194 = arith.constant 256 : i32
    %add3A_195 = arith.addi %mul3A_193, %add3A_194 : i32
    %add3A_196 = arith.constant 0 : i32
    %add3A_197 = arith.addi %add3A_195, %add3A_196 : i32
    %add3A_198 = vector.broadcast %add3A_197 : i32 to vector<16xi32>
    %add3A_199 = arith.addi %add3A_198, %iota3A : vector<16xi32>
    %swap3A_200 = arith.constant 4 : i32
    %swap3A_201 = arith.index_cast %swap3A_200 : i32 to index
    %swap3A_202 = arith.constant 0 : index
    %swap3A_203 = tpu.vector_load %arg11[%swap3A_201, %swap3A_202] {strides = array<i32>} : memref<10x64xi32, #tpu.memory_space<vmem>>, vector<16xi32>,
    tpu.vector_store %arg11[%swap3A_201, %swap3A_202], %add3A_199 {strides = array<i32>} : memref<10x64xi32, #tpu.memory_space<vmem>>, vector<16xi32>,
    %mul3A_204 = arith.constant 640 : i32
    %mul3A_205 = arith.muli %arg1, %mul3A_204 : i32
    %add3A_206 = arith.constant 256 : i32
    %add3A_207 = arith.addi %mul3A_205, %add3A_206 : i32
    %add3A_208 = arith.constant 16 : i32
    %add3A_209 = arith.addi %add3A_207, %add3A_208 : i32
    %add3A_210 = vector.broadcast %add3A_209 : i32 to vector<16xi32>
    %add3A_211 = arith.addi %add3A_210, %iota3A : vector<16xi32>
    %swap3A_212 = arith.constant 4 : i32
    %swap3A_213 = arith.index_cast %swap3A_212 : i32 to index
    %swap3A_214 = arith.constant 16 : index
    %swap3A_215 = tpu.vector_load %arg11[%swap3A_213, %swap3A_214] {strides = array<i32>} : memref<10x64xi32, #tpu.memory_space<vmem>>, vector<16xi32>,
    tpu.vector_store %arg11[%swap3A_213, %swap3A_214], %add3A_211 {strides = array<i32>} : memref<10x64xi32, #tpu.memory_space<vmem>>, vector<16xi32>,
    %mul3A_216 = arith.constant 640 : i32
    %mul3A_217 = arith.muli %arg1, %mul3A_216 : i32
    %add3A_218 = arith.constant 256 : i32
    %add3A_219 = arith.addi %mul3A_217, %add3A_218 : i32
    %add3A_220 = arith.constant 32 : i32
    %add3A_221 = arith.addi %add3A_219, %add3A_220 : i32
    %add3A_222 = vector.broadcast %add3A_221 : i32 to vector<16xi32>
    %add3A_223 = arith.addi %add3A_222, %iota3A : vector<16xi32>
    %swap3A_224 = arith.constant 4 : i32
    %swap3A_225 = arith.index_cast %swap3A_224 : i32 to index
    %swap3A_226 = arith.constant 32 : index
    %swap3A_227 = tpu.vector_load %arg11[%swap3A_225, %swap3A_226] {strides = array<i32>} : memref<10x64xi32, #tpu.memory_space<vmem>>, vector<16xi32>,
    tpu.vector_store %arg11[%swap3A_225, %swap3A_226], %add3A_223 {strides = array<i32>} : memref<10x64xi32, #tpu.memory_space<vmem>>, vector<16xi32>,
    %mul3A_228 = arith.constant 640 : i32
    %mul3A_229 = arith.muli %arg1, %mul3A_228 : i32
    %add3A_230 = arith.constant 256 : i32
    %add3A_231 = arith.addi %mul3A_229, %add3A_230 : i32
    %add3A_232 = arith.constant 48 : i32
    %add3A_233 = arith.addi %add3A_231, %add3A_232 : i32
    %add3A_234 = vector.broadcast %add3A_233 : i32 to vector<16xi32>
    %add3A_235 = arith.addi %add3A_234, %iota3A : vector<16xi32>
    %swap3A_236 = arith.constant 4 : i32
    %swap3A_237 = arith.index_cast %swap3A_236 : i32 to index
    %swap3A_238 = arith.constant 48 : index
    %swap3A_239 = tpu.vector_load %arg11[%swap3A_237, %swap3A_238] {strides = array<i32>} : memref<10x64xi32, #tpu.memory_space<vmem>>, vector<16xi32>,
    tpu.vector_store %arg11[%swap3A_237, %swap3A_238], %add3A_235 {strides = array<i32>} : memref<10x64xi32, #tpu.memory_space<vmem>>, vector<16xi32>,
    %mul3A_240 = arith.constant 640 : i32
    %mul3A_241 = arith.muli %arg1, %mul3A_240 : i32
    %add3A_242 = arith.constant 320 : i32
    %add3A_243 = arith.addi %mul3A_241, %add3A_242 : i32
    %add3A_244 = arith.constant 0 : i32
    %add3A_245 = arith.addi %add3A_243, %add3A_244 : i32
    %add3A_246 = vector.broadcast %add3A_245 : i32 to vector<16xi32>
    %add3A_247 = arith.addi %add3A_246, %iota3A : vector<16xi32>
    %swap3A_248 = arith.constant 5 : i32
    %swap3A_249 = arith.index_cast %swap3A_248 : i32 to index
    %swap3A_250 = arith.constant 0 : index
    %swap3A_251 = tpu.vector_load %arg11[%swap3A_249, %swap3A_250] {strides = array<i32>} : memref<10x64xi32, #tpu.memory_space<vmem>>, vector<16xi32>,
    tpu.vector_store %arg11[%swap3A_249, %swap3A_250], %add3A_247 {strides = array<i32>} : memref<10x64xi32, #tpu.memory_space<vmem>>, vector<16xi32>,
    %mul3A_252 = arith.constant 640 : i32
    %mul3A_253 = arith.muli %arg1, %mul3A_252 : i32
    %add3A_254 = arith.constant 320 : i32
    %add3A_255 = arith.addi %mul3A_253, %add3A_254 : i32
    %add3A_256 = arith.constant 16 : i32
    %add3A_257 = arith.addi %add3A_255, %add3A_256 : i32
    %add3A_258 = vector.broadcast %add3A_257 : i32 to vector<16xi32>
    %add3A_259 = arith.addi %add3A_258, %iota3A : vector<16xi32>
    %swap3A_260 = arith.constant 5 : i32
    %swap3A_261 = arith.index_cast %swap3A_260 : i32 to index
    %swap3A_262 = arith.constant 16 : index
    %swap3A_263 = tpu.vector_load %arg11[%swap3A_261, %swap3A_262] {strides = array<i32>} : memref<10x64xi32, #tpu.memory_space<vmem>>, vector<16xi32>,
    tpu.vector_store %arg11[%swap3A_261, %swap3A_262], %add3A_259 {strides = array<i32>} : memref<10x64xi32, #tpu.memory_space<vmem>>, vector<16xi32>,
    %mul3A_264 = arith.constant 640 : i32
    %mul3A_265 = arith.muli %arg1, %mul3A_264 : i32
    %add3A_266 = arith.constant 320 : i32
    %add3A_267 = arith.addi %mul3A_265, %add3A_266 : i32
    %add3A_268 = arith.constant 32 : i32
    %add3A_269 = arith.addi %add3A_267, %add3A_268 : i32
    %add3A_270 = vector.broadcast %add3A_269 : i32 to vector<16xi32>
    %add3A_271 = arith.addi %add3A_270, %iota3A : vector<16xi32>
    %swap3A_272 = arith.constant 5 : i32
    %swap3A_273 = arith.index_cast %swap3A_272 : i32 to index
    %swap3A_274 = arith.constant 32 : index
    %swap3A_275 = tpu.vector_load %arg11[%swap3A_273, %swap3A_274] {strides = array<i32>} : memref<10x64xi32, #tpu.memory_space<vmem>>, vector<16xi32>,
    tpu.vector_store %arg11[%swap3A_273, %swap3A_274], %add3A_271 {strides = array<i32>} : memref<10x64xi32, #tpu.memory_space<vmem>>, vector<16xi32>,
    %mul3A_276 = arith.constant 640 : i32
    %mul3A_277 = arith.muli %arg1, %mul3A_276 : i32
    %add3A_278 = arith.constant 320 : i32
    %add3A_279 = arith.addi %mul3A_277, %add3A_278 : i32
    %add3A_280 = arith.constant 48 : i32
    %add3A_281 = arith.addi %add3A_279, %add3A_280 : i32
    %add3A_282 = vector.broadcast %add3A_281 : i32 to vector<16xi32>
    %add3A_283 = arith.addi %add3A_282, %iota3A : vector<16xi32>
    %swap3A_284 = arith.constant 5 : i32
    %swap3A_285 = arith.index_cast %swap3A_284 : i32 to index
    %swap3A_286 = arith.constant 48 : index
    %swap3A_287 = tpu.vector_load %arg11[%swap3A_285, %swap3A_286] {strides = array<i32>} : memref<10x64xi32, #tpu.memory_space<vmem>>, vector<16xi32>,
    tpu.vector_store %arg11[%swap3A_285, %swap3A_286], %add3A_283 {strides = array<i32>} : memref<10x64xi32, #tpu.memory_space<vmem>>, vector<16xi32>,
    %mul3A_288 = arith.constant 640 : i32
    %mul3A_289 = arith.muli %arg1, %mul3A_288 : i32
    %add3A_290 = arith.constant 384 : i32
    %add3A_291 = arith.addi %mul3A_289, %add3A_290 : i32
    %add3A_292 = arith.constant 0 : i32
    %add3A_293 = arith.addi %add3A_291, %add3A_292 : i32
    %add3A_294 = vector.broadcast %add3A_293 : i32 to vector<16xi32>
    %add3A_295 = arith.addi %add3A_294, %iota3A : vector<16xi32>
    %swap3A_296 = arith.constant 6 : i32
    %swap3A_297 = arith.index_cast %swap3A_296 : i32 to index
    %swap3A_298 = arith.constant 0 : index
    %swap3A_299 = tpu.vector_load %arg11[%swap3A_297, %swap3A_298] {strides = array<i32>} : memref<10x64xi32, #tpu.memory_space<vmem>>, vector<16xi32>,
    tpu.vector_store %arg11[%swap3A_297, %swap3A_298], %add3A_295 {strides = array<i32>} : memref<10x64xi32, #tpu.memory_space<vmem>>, vector<16xi32>,
    %mul3A_300 = arith.constant 640 : i32
    %mul3A_301 = arith.muli %arg1, %mul3A_300 : i32
    %add3A_302 = arith.constant 384 : i32
    %add3A_303 = arith.addi %mul3A_301, %add3A_302 : i32
    %add3A_304 = arith.constant 16 : i32
    %add3A_305 = arith.addi %add3A_303, %add3A_304 : i32
    %add3A_306 = vector.broadcast %add3A_305 : i32 to vector<16xi32>
    %add3A_307 = arith.addi %add3A_306, %iota3A : vector<16xi32>
    %swap3A_308 = arith.constant 6 : i32
    %swap3A_309 = arith.index_cast %swap3A_308 : i32 to index
    %swap3A_310 = arith.constant 16 : index
    %swap3A_311 = tpu.vector_load %arg11[%swap3A_309, %swap3A_310] {strides = array<i32>} : memref<10x64xi32, #tpu.memory_space<vmem>>, vector<16xi32>,
    tpu.vector_store %arg11[%swap3A_309, %swap3A_310], %add3A_307 {strides = array<i32>} : memref<10x64xi32, #tpu.memory_space<vmem>>, vector<16xi32>,
    %mul3A_312 = arith.constant 640 : i32
    %mul3A_313 = arith.muli %arg1, %mul3A_312 : i32
    %add3A_314 = arith.constant 384 : i32
    %add3A_315 = arith.addi %mul3A_313, %add3A_314 : i32
    %add3A_316 = arith.constant 32 : i32
    %add3A_317 = arith.addi %add3A_315, %add3A_316 : i32
    %add3A_318 = vector.broadcast %add3A_317 : i32 to vector<16xi32>
    %add3A_319 = arith.addi %add3A_318, %iota3A : vector<16xi32>
    %swap3A_320 = arith.constant 6 : i32
    %swap3A_321 = arith.index_cast %swap3A_320 : i32 to index
    %swap3A_322 = arith.constant 32 : index
    %swap3A_323 = tpu.vector_load %arg11[%swap3A_321, %swap3A_322] {strides = array<i32>} : memref<10x64xi32, #tpu.memory_space<vmem>>, vector<16xi32>,
    tpu.vector_store %arg11[%swap3A_321, %swap3A_322], %add3A_319 {strides = array<i32>} : memref<10x64xi32, #tpu.memory_space<vmem>>, vector<16xi32>,
    %mul3A_324 = arith.constant 640 : i32
    %mul3A_325 = arith.muli %arg1, %mul3A_324 : i32
    %add3A_326 = arith.constant 384 : i32
    %add3A_327 = arith.addi %mul3A_325, %add3A_326 : i32
    %add3A_328 = arith.constant 48 : i32
    %add3A_329 = arith.addi %add3A_327, %add3A_328 : i32
    %add3A_330 = vector.broadcast %add3A_329 : i32 to vector<16xi32>
    %add3A_331 = arith.addi %add3A_330, %iota3A : vector<16xi32>
    %swap3A_332 = arith.constant 6 : i32
    %swap3A_333 = arith.index_cast %swap3A_332 : i32 to index
    %swap3A_334 = arith.constant 48 : index
    %swap3A_335 = tpu.vector_load %arg11[%swap3A_333, %swap3A_334] {strides = array<i32>} : memref<10x64xi32, #tpu.memory_space<vmem>>, vector<16xi32>,
    tpu.vector_store %arg11[%swap3A_333, %swap3A_334], %add3A_331 {strides = array<i32>} : memref<10x64xi32, #tpu.memory_space<vmem>>, vector<16xi32>,
    %mul3A_336 = arith.constant 640 : i32
    %mul3A_337 = arith.muli %arg1, %mul3A_336 : i32
    %add3A_338 = arith.constant 448 : i32
    %add3A_339 = arith.addi %mul3A_337, %add3A_338 : i32
    %add3A_340 = arith.constant 0 : i32
    %add3A_341 = arith.addi %add3A_339, %add3A_340 : i32
    %add3A_342 = vector.broadcast %add3A_341 : i32 to vector<16xi32>
    %add3A_343 = arith.addi %add3A_342, %iota3A : vector<16xi32>
    %swap3A_344 = arith.constant 7 : i32
    %swap3A_345 = arith.index_cast %swap3A_344 : i32 to index
    %swap3A_346 = arith.constant 0 : index
    %swap3A_347 = tpu.vector_load %arg11[%swap3A_345, %swap3A_346] {strides = array<i32>} : memref<10x64xi32, #tpu.memory_space<vmem>>, vector<16xi32>,
    tpu.vector_store %arg11[%swap3A_345, %swap3A_346], %add3A_343 {strides = array<i32>} : memref<10x64xi32, #tpu.memory_space<vmem>>, vector<16xi32>,
    %mul3A_348 = arith.constant 640 : i32
    %mul3A_349 = arith.muli %arg1, %mul3A_348 : i32
    %add3A_350 = arith.constant 448 : i32
    %add3A_351 = arith.addi %mul3A_349, %add3A_350 : i32
    %add3A_352 = arith.constant 16 : i32
    %add3A_353 = arith.addi %add3A_351, %add3A_352 : i32
    %add3A_354 = vector.broadcast %add3A_353 : i32 to vector<16xi32>
    %add3A_355 = arith.addi %add3A_354, %iota3A : vector<16xi32>
    %swap3A_356 = arith.constant 7 : i32
    %swap3A_357 = arith.index_cast %swap3A_356 : i32 to index
    %swap3A_358 = arith.constant 16 : index
    %swap3A_359 = tpu.vector_load %arg11[%swap3A_357, %swap3A_358] {strides = array<i32>} : memref<10x64xi32, #tpu.memory_space<vmem>>, vector<16xi32>,
    tpu.vector_store %arg11[%swap3A_357, %swap3A_358], %add3A_355 {strides = array<i32>} : memref<10x64xi32, #tpu.memory_space<vmem>>, vector<16xi32>,
    %mul3A_360 = arith.constant 640 : i32
    %mul3A_361 = arith.muli %arg1, %mul3A_360 : i32
    %add3A_362 = arith.constant 448 : i32
    %add3A_363 = arith.addi %mul3A_361, %add3A_362 : i32
    %add3A_364 = arith.constant 32 : i32
    %add3A_365 = arith.addi %add3A_363, %add3A_364 : i32
    %add3A_366 = vector.broadcast %add3A_365 : i32 to vector<16xi32>
    %add3A_367 = arith.addi %add3A_366, %iota3A : vector<16xi32>
    %swap3A_368 = arith.constant 7 : i32
    %swap3A_369 = arith.index_cast %swap3A_368 : i32 to index
    %swap3A_370 = arith.constant 32 : index
    %swap3A_371 = tpu.vector_load %arg11[%swap3A_369, %swap3A_370] {strides = array<i32>} : memref<10x64xi32, #tpu.memory_space<vmem>>, vector<16xi32>,
    tpu.vector_store %arg11[%swap3A_369, %swap3A_370], %add3A_367 {strides = array<i32>} : memref<10x64xi32, #tpu.memory_space<vmem>>, vector<16xi32>,
    %mul3A_372 = arith.constant 640 : i32
    %mul3A_373 = arith.muli %arg1, %mul3A_372 : i32
    %add3A_374 = arith.constant 448 : i32
    %add3A_375 = arith.addi %mul3A_373, %add3A_374 : i32
    %add3A_376 = arith.constant 48 : i32
    %add3A_377 = arith.addi %add3A_375, %add3A_376 : i32
    %add3A_378 = vector.broadcast %add3A_377 : i32 to vector<16xi32>
    %add3A_379 = arith.addi %add3A_378, %iota3A : vector<16xi32>
    %swap3A_380 = arith.constant 7 : i32
    %swap3A_381 = arith.index_cast %swap3A_380 : i32 to index
    %swap3A_382 = arith.constant 48 : index
    %swap3A_383 = tpu.vector_load %arg11[%swap3A_381, %swap3A_382] {strides = array<i32>} : memref<10x64xi32, #tpu.memory_space<vmem>>, vector<16xi32>,
    tpu.vector_store %arg11[%swap3A_381, %swap3A_382], %add3A_379 {strides = array<i32>} : memref<10x64xi32, #tpu.memory_space<vmem>>, vector<16xi32>,
    %mul3A_384 = arith.constant 640 : i32
    %mul3A_385 = arith.muli %arg1, %mul3A_384 : i32
    %add3A_386 = arith.constant 512 : i32
    %add3A_387 = arith.addi %mul3A_385, %add3A_386 : i32
    %add3A_388 = arith.constant 0 : i32
    %add3A_389 = arith.addi %add3A_387, %add3A_388 : i32
    %add3A_390 = vector.broadcast %add3A_389 : i32 to vector<16xi32>
    %add3A_391 = arith.addi %add3A_390, %iota3A : vector<16xi32>
    %swap3A_392 = arith.constant 8 : i32
    %swap3A_393 = arith.index_cast %swap3A_392 : i32 to index
    %swap3A_394 = arith.constant 0 : index
    %swap3A_395 = tpu.vector_load %arg11[%swap3A_393, %swap3A_394] {strides = array<i32>} : memref<10x64xi32, #tpu.memory_space<vmem>>, vector<16xi32>,
    tpu.vector_store %arg11[%swap3A_393, %swap3A_394], %add3A_391 {strides = array<i32>} : memref<10x64xi32, #tpu.memory_space<vmem>>, vector<16xi32>,
    %mul3A_396 = arith.constant 640 : i32
    %mul3A_397 = arith.muli %arg1, %mul3A_396 : i32
    %add3A_398 = arith.constant 512 : i32
    %add3A_399 = arith.addi %mul3A_397, %add3A_398 : i32
    %add3A_400 = arith.constant 16 : i32
    %add3A_401 = arith.addi %add3A_399, %add3A_400 : i32
    %add3A_402 = vector.broadcast %add3A_401 : i32 to vector<16xi32>
    %add3A_403 = arith.addi %add3A_402, %iota3A : vector<16xi32>
    %swap3A_404 = arith.constant 8 : i32
    %swap3A_405 = arith.index_cast %swap3A_404 : i32 to index
    %swap3A_406 = arith.constant 16 : index
    %swap3A_407 = tpu.vector_load %arg11[%swap3A_405, %swap3A_406] {strides = array<i32>} : memref<10x64xi32, #tpu.memory_space<vmem>>, vector<16xi32>,
    tpu.vector_store %arg11[%swap3A_405, %swap3A_406], %add3A_403 {strides = array<i32>} : memref<10x64xi32, #tpu.memory_space<vmem>>, vector<16xi32>,
    %mul3A_408 = arith.constant 640 : i32
    %mul3A_409 = arith.muli %arg1, %mul3A_408 : i32
    %add3A_410 = arith.constant 512 : i32
    %add3A_411 = arith.addi %mul3A_409, %add3A_410 : i32
    %add3A_412 = arith.constant 32 : i32
    %add3A_413 = arith.addi %add3A_411, %add3A_412 : i32
    %add3A_414 = vector.broadcast %add3A_413 : i32 to vector<16xi32>
    %add3A_415 = arith.addi %add3A_414, %iota3A : vector<16xi32>
    %swap3A_416 = arith.constant 8 : i32
    %swap3A_417 = arith.index_cast %swap3A_416 : i32 to index
    %swap3A_418 = arith.constant 32 : index
    %swap3A_419 = tpu.vector_load %arg11[%swap3A_417, %swap3A_418] {strides = array<i32>} : memref<10x64xi32, #tpu.memory_space<vmem>>, vector<16xi32>,
    tpu.vector_store %arg11[%swap3A_417, %swap3A_418], %add3A_415 {strides = array<i32>} : memref<10x64xi32, #tpu.memory_space<vmem>>, vector<16xi32>,
    %mul3A_420 = arith.constant 640 : i32
    %mul3A_421 = arith.muli %arg1, %mul3A_420 : i32
    %add3A_422 = arith.constant 512 : i32
    %add3A_423 = arith.addi %mul3A_421, %add3A_422 : i32
    %add3A_424 = arith.constant 48 : i32
    %add3A_425 = arith.addi %add3A_423, %add3A_424 : i32
    %add3A_426 = vector.broadcast %add3A_425 : i32 to vector<16xi32>
    %add3A_427 = arith.addi %add3A_426, %iota3A : vector<16xi32>
    %swap3A_428 = arith.constant 8 : i32
    %swap3A_429 = arith.index_cast %swap3A_428 : i32 to index
    %swap3A_430 = arith.constant 48 : index
    %swap3A_431 = tpu.vector_load %arg11[%swap3A_429, %swap3A_430] {strides = array<i32>} : memref<10x64xi32, #tpu.memory_space<vmem>>, vector<16xi32>,
    tpu.vector_store %arg11[%swap3A_429, %swap3A_430], %add3A_427 {strides = array<i32>} : memref<10x64xi32, #tpu.memory_space<vmem>>, vector<16xi32>,
    %mul3A_432 = arith.constant 640 : i32
    %mul3A_433 = arith.muli %arg1, %mul3A_432 : i32
    %add3A_434 = arith.constant 576 : i32
    %add3A_435 = arith.addi %mul3A_433, %add3A_434 : i32
    %add3A_436 = arith.constant 0 : i32
    %add3A_437 = arith.addi %add3A_435, %add3A_436 : i32
    %add3A_438 = vector.broadcast %add3A_437 : i32 to vector<16xi32>
    %add3A_439 = arith.addi %add3A_438, %iota3A : vector<16xi32>
    %swap3A_440 = arith.constant 9 : i32
    %swap3A_441 = arith.index_cast %swap3A_440 : i32 to index
    %swap3A_442 = arith.constant 0 : index
    %swap3A_443 = tpu.vector_load %arg11[%swap3A_441, %swap3A_442] {strides = array<i32>} : memref<10x64xi32, #tpu.memory_space<vmem>>, vector<16xi32>,
    tpu.vector_store %arg11[%swap3A_441, %swap3A_442], %add3A_439 {strides = array<i32>} : memref<10x64xi32, #tpu.memory_space<vmem>>, vector<16xi32>,
    %mul3A_444 = arith.constant 640 : i32
    %mul3A_445 = arith.muli %arg1, %mul3A_444 : i32
    %add3A_446 = arith.constant 576 : i32
    %add3A_447 = arith.addi %mul3A_445, %add3A_446 : i32
    %add3A_448 = arith.constant 16 : i32
    %add3A_449 = arith.addi %add3A_447, %add3A_448 : i32
    %add3A_450 = vector.broadcast %add3A_449 : i32 to vector<16xi32>
    %add3A_451 = arith.addi %add3A_450, %iota3A : vector<16xi32>
    %swap3A_452 = arith.constant 9 : i32
    %swap3A_453 = arith.index_cast %swap3A_452 : i32 to index
    %swap3A_454 = arith.constant 16 : index
    %swap3A_455 = tpu.vector_load %arg11[%swap3A_453, %swap3A_454] {strides = array<i32>} : memref<10x64xi32, #tpu.memory_space<vmem>>, vector<16xi32>,
    tpu.vector_store %arg11[%swap3A_453, %swap3A_454], %add3A_451 {strides = array<i32>} : memref<10x64xi32, #tpu.memory_space<vmem>>, vector<16xi32>,
    %mul3A_456 = arith.constant 640 : i32
    %mul3A_457 = arith.muli %arg1, %mul3A_456 : i32
    %add3A_458 = arith.constant 576 : i32
    %add3A_459 = arith.addi %mul3A_457, %add3A_458 : i32
    %add3A_460 = arith.constant 32 : i32
    %add3A_461 = arith.addi %add3A_459, %add3A_460 : i32
    %add3A_462 = vector.broadcast %add3A_461 : i32 to vector<16xi32>
    %add3A_463 = arith.addi %add3A_462, %iota3A : vector<16xi32>
    %swap3A_464 = arith.constant 9 : i32
    %swap3A_465 = arith.index_cast %swap3A_464 : i32 to index
    %swap3A_466 = arith.constant 32 : index
    %swap3A_467 = tpu.vector_load %arg11[%swap3A_465, %swap3A_466] {strides = array<i32>} : memref<10x64xi32, #tpu.memory_space<vmem>>, vector<16xi32>,
    tpu.vector_store %arg11[%swap3A_465, %swap3A_466], %add3A_463 {strides = array<i32>} : memref<10x64xi32, #tpu.memory_space<vmem>>, vector<16xi32>,
    %mul3A_468 = arith.constant 640 : i32
    %mul3A_469 = arith.muli %arg1, %mul3A_468 : i32
    %add3A_470 = arith.constant 576 : i32
    %add3A_471 = arith.addi %mul3A_469, %add3A_470 : i32
    %add3A_472 = arith.constant 48 : i32
    %add3A_473 = arith.addi %add3A_471, %add3A_472 : i32
    %add3A_474 = vector.broadcast %add3A_473 : i32 to vector<16xi32>
    %add3A_475 = arith.addi %add3A_474, %iota3A : vector<16xi32>
    %swap3A_476 = arith.constant 9 : i32
    %swap3A_477 = arith.index_cast %swap3A_476 : i32 to index
    %swap3A_478 = arith.constant 48 : index
    %swap3A_479 = tpu.vector_load %arg11[%swap3A_477, %swap3A_478] {strides = array<i32>} : memref<10x64xi32, #tpu.memory_space<vmem>>, vector<16xi32>,
    tpu.vector_store %arg11[%swap3A_477, %swap3A_478], %add3A_475 {strides = array<i32>} : memref<10x64xi32, #tpu.memory_space<vmem>>, vector<16xi32>,
    "tpu.region"() ({
      %run_scoped3A_687 = tpu.sem_alloc : memref<!tpu.dma_semaphore, #tpu.memory_space<semaphore_mem>>
      %dma_start3A_688 = arith.constant 0 : i32
      %dma_start3A_689 = arith.constant 0 : i32
      %dma_start3A_690 = tpu.memref_slice %arg7[%dma_start3A_688, %dma_start3A_689] : memref<32x64xi32, #tpu.memory_space<vmem>> -> memref<16x64xi32, #tpu.memory_space<vmem>>
      %dma_start3A_691 = arith.constant 0 : i32
      %dma_start3A_692 = arith.constant 0 : i32
      %dma_start3A_693 = tpu.memref_slice %arg3[%add3A, %dma_start3A_691, %dma_start3A_692] : memref<32x160x64xi32, #tpu.memory_space<hbm>> -> memref<1x16x64xi32, #tpu.memory_space<hbm>>
      %dma_start3A_694 = tpu.memref_squeeze %dma_start3A_693 : memref<1x16x64xi32, #tpu.memory_space<hbm>> -> memref<16x64xi32, #tpu.memory_space<hbm>>
      %dma_start3A_695 = arith.constant 0 : i32
      %dma_start3A_696 = arith.constant 0 : i32
      %dma_start3A_697 = tpu.memref_slice %arg7[%dma_start3A_695, %dma_start3A_696] : memref<32x64xi32, #tpu.memory_space<vmem>> -> memref<16x64xi32, #tpu.memory_space<vmem>>
      %dma_start3A_698 = arith.constant 0 : i32
      %dma_start3A_699 = arith.constant 0 : i32
      %dma_start3A_700 = tpu.memref_slice %arg3[%add3A, %dma_start3A_698, %dma_start3A_699] : memref<32x160x64xi32, #tpu.memory_space<hbm>> -> memref<1x16x64xi32, #tpu.memory_space<hbm>>
      %dma_start3A_701 = tpu.memref_squeeze %dma_start3A_700 : memref<1x16x64xi32, #tpu.memory_space<hbm>> -> memref<16x64xi32, #tpu.memory_space<hbm>>
      tpu.enqueue_dma source(%dma_start3A_701 : memref<16x64xi32, #tpu.memory_space<hbm>>) target(%dma_start3A_697 : memref<16x64xi32, #tpu.memory_space<vmem>>) target_semaphore(%run_scoped3A_687 : memref<!tpu.dma_semaphore, #tpu.memory_space<semaphore_mem>>)
      %dma_wait3A_702 = arith.constant 0 : i32
      %dma_wait3A_703 = arith.constant 0 : i32
      %dma_wait3A_704 = tpu.memref_slice %arg7[%dma_wait3A_702, %dma_wait3A_703] : memref<32x64xi32, #tpu.memory_space<vmem>> -> memref<16x64xi32, #tpu.memory_space<vmem>>
      %dma_wait3A_705 = arith.constant 0 : i32
      %dma_wait3A_706 = arith.constant 0 : i32
      %dma_wait3A_707 = tpu.memref_slice %arg3[%add3A, %dma_wait3A_705, %dma_wait3A_706] : memref<32x160x64xi32, #tpu.memory_space<hbm>> -> memref<1x16x64xi32, #tpu.memory_space<hbm>>
      %dma_wait3A_708 = tpu.memref_squeeze %dma_wait3A_707 : memref<1x16x64xi32, #tpu.memory_space<hbm>> -> memref<16x64xi32, #tpu.memory_space<hbm>>
      %dma_wait3A_709 = arith.constant 0 : i32
      %dma_wait3A_710 = arith.constant 0 : i32
      %dma_wait3A_711 = tpu.memref_slice %arg7[%dma_wait3A_709, %dma_wait3A_710] : memref<32x64xi32, #tpu.memory_space<vmem>> -> memref<16x64xi32, #tpu.memory_space<vmem>>
      %dma_wait3A_712 = arith.constant 0 : i32
      %dma_wait3A_713 = arith.constant 0 : i32
      %dma_wait3A_714 = tpu.memref_slice %arg3[%add3A, %dma_wait3A_712, %dma_wait3A_713] : memref<32x160x64xi32, #tpu.memory_space<hbm>> -> memref<1x16x64xi32, #tpu.memory_space<hbm>>
      %dma_wait3A_715 = tpu.memref_squeeze %dma_wait3A_714 : memref<1x16x64xi32, #tpu.memory_space<hbm>> -> memref<16x64xi32, #tpu.memory_space<hbm>>
      tpu.wait_dma2 semaphore(%run_scoped3A_687 : memref<!tpu.dma_semaphore, #tpu.memory_space<semaphore_mem>>) src(%dma_wait3A_715 : memref<16x64xi32, #tpu.memory_space<hbm>>) dst(%dma_wait3A_711 : memref<16x64xi32, #tpu.memory_space<vmem>>)
      tpu.yield
    }) : () -> ()
    "tpu.region"() ({
      %run_scoped3A_687 = tpu.sem_alloc : memref<!tpu.dma_semaphore, #tpu.memory_space<semaphore_mem>>
      %dma_start3A_688 = arith.constant 0 : i32
      %dma_start3A_689 = arith.constant 0 : i32
      %dma_start3A_690 = tpu.memref_slice %arg8[%dma_start3A_688, %dma_start3A_689] : memref<32x64xi32, #tpu.memory_space<vmem>> -> memref<16x64xi32, #tpu.memory_space<vmem>>
      %dma_start3A_691 = arith.constant 0 : i32
      %dma_start3A_692 = arith.constant 0 : i32
      %dma_start3A_693 = tpu.memref_slice %arg4[%add3A, %dma_start3A_691, %dma_start3A_692] : memref<32x160x64xi32, #tpu.memory_space<hbm>> -> memref<1x16x64xi32, #tpu.memory_space<hbm>>
      %dma_start3A_694 = tpu.memref_squeeze %dma_start3A_693 : memref<1x16x64xi32, #tpu.memory_space<hbm>> -> memref<16x64xi32, #tpu.memory_space<hbm>>
      %dma_start3A_695 = arith.constant 0 : i32
      %dma_start3A_696 = arith.constant 0 : i32
      %dma_start3A_697 = tpu.memref_slice %arg8[%dma_start3A_695, %dma_start3A_696] : memref<32x64xi32, #tpu.memory_space<vmem>> -> memref<16x64xi32, #tpu.memory_space<vmem>>
      %dma_start3A_698 = arith.constant 0 : i32
      %dma_start3A_699 = arith.constant 0 : i32
      %dma_start3A_700 = tpu.memref_slice %arg4[%add3A, %dma_start3A_698, %dma_start3A_699] : memref<32x160x64xi32, #tpu.memory_space<hbm>> -> memref<1x16x64xi32, #tpu.memory_space<hbm>>
      %dma_start3A_701 = tpu.memref_squeeze %dma_start3A_700 : memref<1x16x64xi32, #tpu.memory_space<hbm>> -> memref<16x64xi32, #tpu.memory_space<hbm>>
      tpu.enqueue_dma source(%dma_start3A_701 : memref<16x64xi32, #tpu.memory_space<hbm>>) target(%dma_start3A_697 : memref<16x64xi32, #tpu.memory_space<vmem>>) target_semaphore(%run_scoped3A_687 : memref<!tpu.dma_semaphore, #tpu.memory_space<semaphore_mem>>)
      %dma_wait3A_702 = arith.constant 0 : i32
      %dma_wait3A_703 = arith.constant 0 : i32
      %dma_wait3A_704 = tpu.memref_slice %arg8[%dma_wait3A_702, %dma_wait3A_703] : memref<32x64xi32, #tpu.memory_space<vmem>> -> memref<16x64xi32, #tpu.memory_space<vmem>>
      %dma_wait3A_705 = arith.constant 0 : i32
      %dma_wait3A_706 = arith.constant 0 : i32
      %dma_wait3A_707 = tpu.memref_slice %arg4[%add3A, %dma_wait3A_705, %dma_wait3A_706] : memref<32x160x64xi32, #tpu.memory_space<hbm>> -> memref<1x16x64xi32, #tpu.memory_space<hbm>>
      %dma_wait3A_708 = tpu.memref_squeeze %dma_wait3A_707 : memref<1x16x64xi32, #tpu.memory_space<hbm>> -> memref<16x64xi32, #tpu.memory_space<hbm>>
      %dma_wait3A_709 = arith.constant 0 : i32
      %dma_wait3A_710 = arith.constant 0 : i32
      %dma_wait3A_711 = tpu.memref_slice %arg8[%dma_wait3A_709, %dma_wait3A_710] : memref<32x64xi32, #tpu.memory_space<vmem>> -> memref<16x64xi32, #tpu.memory_space<vmem>>
      %dma_wait3A_712 = arith.constant 0 : i32
      %dma_wait3A_713 = arith.constant 0 : i32
      %dma_wait3A_714 = tpu.memref_slice %arg4[%add3A, %dma_wait3A_712, %dma_wait3A_713] : memref<32x160x64xi32, #tpu.memory_space<hbm>> -> memref<1x16x64xi32, #tpu.memory_space<hbm>>
      %dma_wait3A_715 = tpu.memref_squeeze %dma_wait3A_714 : memref<1x16x64xi32, #tpu.memory_space<hbm>> -> memref<16x64xi32, #tpu.memory_space<hbm>>
      tpu.wait_dma2 semaphore(%run_scoped3A_687 : memref<!tpu.dma_semaphore, #tpu.memory_space<semaphore_mem>>) src(%dma_wait3A_715 : memref<16x64xi32, #tpu.memory_space<hbm>>) dst(%dma_wait3A_711 : memref<16x64xi32, #tpu.memory_space<vmem>>)
      tpu.yield
    }) : () -> ()
    "tpu.region"() ({
      %run_scoped3A_687 = tpu.sem_alloc : memref<!tpu.dma_semaphore, #tpu.memory_space<semaphore_mem>>
      tpu.enqueue_dma source(%arg5 : memref<64x128xf32, #tpu.memory_space<hbm>>) target(%arg9 : memref<64x128xf32, #tpu.memory_space<vmem>>) target_semaphore(%run_scoped3A_687 : memref<!tpu.dma_semaphore, #tpu.memory_space<semaphore_mem>>)
      tpu.wait_dma2 semaphore(%run_scoped3A_687 : memref<!tpu.dma_semaphore, #tpu.memory_space<semaphore_mem>>) src(%arg5 : memref<64x128xf32, #tpu.memory_space<hbm>>) dst(%arg9 : memref<64x128xf32, #tpu.memory_space<vmem>>)
      tpu.yield
    }) : () -> ()
    %run_scoped3A = arith.constant 0 : i32
    "tpu.region"() ({
      %run_scoped3A_687 = tpu.sem_alloc : memref<!tpu.dma_semaphore, #tpu.memory_space<semaphore_mem>>
      %dma_start3A_688 = arith.constant 0 : i32
      %dma_start3A_689 = tpu.memref_slice %arg11[%run_scoped3A, %dma_start3A_688] : memref<10x64xi32, #tpu.memory_space<vmem>> -> memref<1x64xi32, #tpu.memory_space<vmem>>
      %dma_start3A_690 = tpu.memref_squeeze %dma_start3A_689 : memref<1x64xi32, #tpu.memory_space<vmem>> -> memref<64xi32, #tpu.memory_space<vmem>>
      %dma_start3A_691 = arith.constant 0 : i32
      %dma_start3A_692 = arith.constant 0 : i32
      %dma_start3A_693 = tpu.memref_slice %arg14[%dma_start3A_691, %dma_start3A_692] : memref<10240x128xf32, #tpu.memory_space<vmem_shared>> -> memref<10240x128xf32, #tpu.memory_space<vmem_shared>>
      tpu.enqueue_indirect_dma source(%arg9 : memref<64x128xf32, #tpu.memory_space<vmem>>) target(%dma_start3A_693 : memref<10240x128xf32, #tpu.memory_space<vmem_shared>>) offsets(%dma_start3A_690 : memref<64xi32, #tpu.memory_space<vmem>>) semaphore(%run_scoped3A_687 : memref<!tpu.dma_semaphore, #tpu.memory_space<semaphore_mem>>)
      %dma_wait3A_694 = arith.constant 0 : i32
      %dma_wait3A_695 = tpu.memref_slice %arg11[%run_scoped3A, %dma_wait3A_694] : memref<10x64xi32, #tpu.memory_space<vmem>> -> memref<1x64xi32, #tpu.memory_space<vmem>>
      %dma_wait3A_696 = tpu.memref_squeeze %dma_wait3A_695 : memref<1x64xi32, #tpu.memory_space<vmem>> -> memref<64xi32, #tpu.memory_space<vmem>>
      %dma_wait3A_697 = arith.constant 0 : i32
      %dma_wait3A_698 = arith.constant 0 : i32
      %dma_wait3A_699 = tpu.memref_slice %arg14[%dma_wait3A_697, %dma_wait3A_698] : memref<10240x128xf32, #tpu.memory_space<vmem_shared>> -> memref<10240x128xf32, #tpu.memory_space<vmem_shared>>
      tpu.wait_indirect_dma semaphore(%run_scoped3A_687 : memref<!tpu.dma_semaphore, #tpu.memory_space<semaphore_mem>>) src(%arg9 : memref<64x128xf32, #tpu.memory_space<vmem>>) dst(%dma_wait3A_699 : memref<10240x128xf32, #tpu.memory_space<vmem_shared>>)
      tpu.yield
    }) : () -> ()
    %run_scoped3A_480 = arith.constant 1 : i32
    "tpu.region"() ({
      %run_scoped3A_687 = tpu.sem_alloc : memref<!tpu.dma_semaphore, #tpu.memory_space<semaphore_mem>>
      %dma_start3A_688 = arith.constant 0 : i32
      %dma_start3A_689 = tpu.memref_slice %arg11[%run_scoped3A_480, %dma_start3A_688] : memref<10x64xi32, #tpu.memory_space<vmem>> -> memref<1x64xi32, #tpu.memory_space<vmem>>
      %dma_start3A_690 = tpu.memref_squeeze %dma_start3A_689 : memref<1x64xi32, #tpu.memory_space<vmem>> -> memref<64xi32, #tpu.memory_space<vmem>>
      %dma_start3A_691 = arith.constant 0 : i32
      %dma_start3A_692 = arith.constant 0 : i32
      %dma_start3A_693 = tpu.memref_slice %arg14[%dma_start3A_691, %dma_start3A_692] : memref<10240x128xf32, #tpu.memory_space<vmem_shared>> -> memref<10240x128xf32, #tpu.memory_space<vmem_shared>>
      tpu.enqueue_indirect_dma source(%arg9 : memref<64x128xf32, #tpu.memory_space<vmem>>) target(%dma_start3A_693 : memref<10240x128xf32, #tpu.memory_space<vmem_shared>>) offsets(%dma_start3A_690 : memref<64xi32, #tpu.memory_space<vmem>>) semaphore(%run_scoped3A_687 : memref<!tpu.dma_semaphore, #tpu.memory_space<semaphore_mem>>)
      %dma_wait3A_694 = arith.constant 0 : i32
      %dma_wait3A_695 = tpu.memref_slice %arg11[%run_scoped3A_480, %dma_wait3A_694] : memref<10x64xi32, #tpu.memory_space<vmem>> -> memref<1x64xi32, #tpu.memory_space<vmem>>
      %dma_wait3A_696 = tpu.memref_squeeze %dma_wait3A_695 : memref<1x64xi32, #tpu.memory_space<vmem>> -> memref<64xi32, #tpu.memory_space<vmem>>
      %dma_wait3A_697 = arith.constant 0 : i32
      %dma_wait3A_698 = arith.constant 0 : i32
      %dma_wait3A_699 = tpu.memref_slice %arg14[%dma_wait3A_697, %dma_wait3A_698] : memref<10240x128xf32, #tpu.memory_space<vmem_shared>> -> memref<10240x128xf32, #tpu.memory_space<vmem_shared>>
      tpu.wait_indirect_dma semaphore(%run_scoped3A_687 : memref<!tpu.dma_semaphore, #tpu.memory_space<semaphore_mem>>) src(%arg9 : memref<64x128xf32, #tpu.memory_space<vmem>>) dst(%dma_wait3A_699 : memref<10240x128xf32, #tpu.memory_space<vmem_shared>>)
      tpu.yield
    }) : () -> ()
    %run_scoped3A_481 = arith.constant 2 : i32
    "tpu.region"() ({
      %run_scoped3A_687 = tpu.sem_alloc : memref<!tpu.dma_semaphore, #tpu.memory_space<semaphore_mem>>
      %dma_start3A_688 = arith.constant 0 : i32
      %dma_start3A_689 = tpu.memref_slice %arg11[%run_scoped3A_481, %dma_start3A_688] : memref<10x64xi32, #tpu.memory_space<vmem>> -> memref<1x64xi32, #tpu.memory_space<vmem>>
      %dma_start3A_690 = tpu.memref_squeeze %dma_start3A_689 : memref<1x64xi32, #tpu.memory_space<vmem>> -> memref<64xi32, #tpu.memory_space<vmem>>
      %dma_start3A_691 = arith.constant 0 : i32
      %dma_start3A_692 = arith.constant 0 : i32
      %dma_start3A_693 = tpu.memref_slice %arg14[%dma_start3A_691, %dma_start3A_692] : memref<10240x128xf32, #tpu.memory_space<vmem_shared>> -> memref<10240x128xf32, #tpu.memory_space<vmem_shared>>
      tpu.enqueue_indirect_dma source(%arg9 : memref<64x128xf32, #tpu.memory_space<vmem>>) target(%dma_start3A_693 : memref<10240x128xf32, #tpu.memory_space<vmem_shared>>) offsets(%dma_start3A_690 : memref<64xi32, #tpu.memory_space<vmem>>) semaphore(%run_scoped3A_687 : memref<!tpu.dma_semaphore, #tpu.memory_space<semaphore_mem>>)
      %dma_wait3A_694 = arith.constant 0 : i32
      %dma_wait3A_695 = tpu.memref_slice %arg11[%run_scoped3A_481, %dma_wait3A_694] : memref<10x64xi32, #tpu.memory_space<vmem>> -> memref<1x64xi32, #tpu.memory_space<vmem>>
      %dma_wait3A_696 = tpu.memref_squeeze %dma_wait3A_695 : memref<1x64xi32, #tpu.memory_space<vmem>> -> memref<64xi32, #tpu.memory_space<vmem>>
      %dma_wait3A_697 = arith.constant 0 : i32
      %dma_wait3A_698 = arith.constant 0 : i32
      %dma_wait3A_699 = tpu.memref_slice %arg14[%dma_wait3A_697, %dma_wait3A_698] : memref<10240x128xf32, #tpu.memory_space<vmem_shared>> -> memref<10240x128xf32, #tpu.memory_space<vmem_shared>>
      tpu.wait_indirect_dma semaphore(%run_scoped3A_687 : memref<!tpu.dma_semaphore, #tpu.memory_space<semaphore_mem>>) src(%arg9 : memref<64x128xf32, #tpu.memory_space<vmem>>) dst(%dma_wait3A_699 : memref<10240x128xf32, #tpu.memory_space<vmem_shared>>)
      tpu.yield
    }) : () -> ()
    %run_scoped3A_482 = arith.constant 3 : i32
    "tpu.region"() ({
      %run_scoped3A_687 = tpu.sem_alloc : memref<!tpu.dma_semaphore, #tpu.memory_space<semaphore_mem>>
      %dma_start3A_688 = arith.constant 0 : i32
      %dma_start3A_689 = tpu.memref_slice %arg11[%run_scoped3A_482, %dma_start3A_688] : memref<10x64xi32, #tpu.memory_space<vmem>> -> memref<1x64xi32, #tpu.memory_space<vmem>>
      %dma_start3A_690 = tpu.memref_squeeze %dma_start3A_689 : memref<1x64xi32, #tpu.memory_space<vmem>> -> memref<64xi32, #tpu.memory_space<vmem>>
      %dma_start3A_691 = arith.constant 0 : i32
      %dma_start3A_692 = arith.constant 0 : i32
      %dma_start3A_693 = tpu.memref_slice %arg14[%dma_start3A_691, %dma_start3A_692] : memref<10240x128xf32, #tpu.memory_space<vmem_shared>> -> memref<10240x128xf32, #tpu.memory_space<vmem_shared>>
      tpu.enqueue_indirect_dma source(%arg9 : memref<64x128xf32, #tpu.memory_space<vmem>>) target(%dma_start3A_693 : memref<10240x128xf32, #tpu.memory_space<vmem_shared>>) offsets(%dma_start3A_690 : memref<64xi32, #tpu.memory_space<vmem>>) semaphore(%run_scoped3A_687 : memref<!tpu.dma_semaphore, #tpu.memory_space<semaphore_mem>>)
      %dma_wait3A_694 = arith.constant 0 : i32
      %dma_wait3A_695 = tpu.memref_slice %arg11[%run_scoped3A_482, %dma_wait3A_694] : memref<10x64xi32, #tpu.memory_space<vmem>> -> memref<1x64xi32, #tpu.memory_space<vmem>>
      %dma_wait3A_696 = tpu.memref_squeeze %dma_wait3A_695 : memref<1x64xi32, #tpu.memory_space<vmem>> -> memref<64xi32, #tpu.memory_space<vmem>>
      %dma_wait3A_697 = arith.constant 0 : i32
      %dma_wait3A_698 = arith.constant 0 : i32
      %dma_wait3A_699 = tpu.memref_slice %arg14[%dma_wait3A_697, %dma_wait3A_698] : memref<10240x128xf32, #tpu.memory_space<vmem_shared>> -> memref<10240x128xf32, #tpu.memory_space<vmem_shared>>
      tpu.wait_indirect_dma semaphore(%run_scoped3A_687 : memref<!tpu.dma_semaphore, #tpu.memory_space<semaphore_mem>>) src(%arg9 : memref<64x128xf32, #tpu.memory_space<vmem>>) dst(%dma_wait3A_699 : memref<10240x128xf32, #tpu.memory_space<vmem_shared>>)
      tpu.yield
    }) : () -> ()
    %run_scoped3A_483 = arith.constant 4 : i32
    "tpu.region"() ({
      %run_scoped3A_687 = tpu.sem_alloc : memref<!tpu.dma_semaphore, #tpu.memory_space<semaphore_mem>>
      %dma_start3A_688 = arith.constant 0 : i32
      %dma_start3A_689 = tpu.memref_slice %arg11[%run_scoped3A_483, %dma_start3A_688] : memref<10x64xi32, #tpu.memory_space<vmem>> -> memref<1x64xi32, #tpu.memory_space<vmem>>
      %dma_start3A_690 = tpu.memref_squeeze %dma_start3A_689 : memref<1x64xi32, #tpu.memory_space<vmem>> -> memref<64xi32, #tpu.memory_space<vmem>>
      %dma_start3A_691 = arith.constant 0 : i32
      %dma_start3A_692 = arith.constant 0 : i32
      %dma_start3A_693 = tpu.memref_slice %arg14[%dma_start3A_691, %dma_start3A_692] : memref<10240x128xf32, #tpu.memory_space<vmem_shared>> -> memref<10240x128xf32, #tpu.memory_space<vmem_shared>>
      tpu.enqueue_indirect_dma source(%arg9 : memref<64x128xf32, #tpu.memory_space<vmem>>) target(%dma_start3A_693 : memref<10240x128xf32, #tpu.memory_space<vmem_shared>>) offsets(%dma_start3A_690 : memref<64xi32, #tpu.memory_space<vmem>>) semaphore(%run_scoped3A_687 : memref<!tpu.dma_semaphore, #tpu.memory_space<semaphore_mem>>)
      %dma_wait3A_694 = arith.constant 0 : i32
      %dma_wait3A_695 = tpu.memref_slice %arg11[%run_scoped3A_483, %dma_wait3A_694] : memref<10x64xi32, #tpu.memory_space<vmem>> -> memref<1x64xi32, #tpu.memory_space<vmem>>
      %dma_wait3A_696 = tpu.memref_squeeze %dma_wait3A_695 : memref<1x64xi32, #tpu.memory_space<vmem>> -> memref<64xi32, #tpu.memory_space<vmem>>
      %dma_wait3A_697 = arith.constant 0 : i32
      %dma_wait3A_698 = arith.constant 0 : i32
      %dma_wait3A_699 = tpu.memref_slice %arg14[%dma_wait3A_697, %dma_wait3A_698] : memref<10240x128xf32, #tpu.memory_space<vmem_shared>> -> memref<10240x128xf32, #tpu.memory_space<vmem_shared>>
      tpu.wait_indirect_dma semaphore(%run_scoped3A_687 : memref<!tpu.dma_semaphore, #tpu.memory_space<semaphore_mem>>) src(%arg9 : memref<64x128xf32, #tpu.memory_space<vmem>>) dst(%dma_wait3A_699 : memref<10240x128xf32, #tpu.memory_space<vmem_shared>>)
      tpu.yield
    }) : () -> ()
    %run_scoped3A_484 = arith.constant 5 : i32
    "tpu.region"() ({
      %run_scoped3A_687 = tpu.sem_alloc : memref<!tpu.dma_semaphore, #tpu.memory_space<semaphore_mem>>
      %dma_start3A_688 = arith.constant 0 : i32
      %dma_start3A_689 = tpu.memref_slice %arg11[%run_scoped3A_484, %dma_start3A_688] : memref<10x64xi32, #tpu.memory_space<vmem>> -> memref<1x64xi32, #tpu.memory_space<vmem>>
      %dma_start3A_690 = tpu.memref_squeeze %dma_start3A_689 : memref<1x64xi32, #tpu.memory_space<vmem>> -> memref<64xi32, #tpu.memory_space<vmem>>
      %dma_start3A_691 = arith.constant 0 : i32
      %dma_start3A_692 = arith.constant 0 : i32
      %dma_start3A_693 = tpu.memref_slice %arg14[%dma_start3A_691, %dma_start3A_692] : memref<10240x128xf32, #tpu.memory_space<vmem_shared>> -> memref<10240x128xf32, #tpu.memory_space<vmem_shared>>
      tpu.enqueue_indirect_dma source(%arg9 : memref<64x128xf32, #tpu.memory_space<vmem>>) target(%dma_start3A_693 : memref<10240x128xf32, #tpu.memory_space<vmem_shared>>) offsets(%dma_start3A_690 : memref<64xi32, #tpu.memory_space<vmem>>) semaphore(%run_scoped3A_687 : memref<!tpu.dma_semaphore, #tpu.memory_space<semaphore_mem>>)
      %dma_wait3A_694 = arith.constant 0 : i32
      %dma_wait3A_695 = tpu.memref_slice %arg11[%run_scoped3A_484, %dma_wait3A_694] : memref<10x64xi32, #tpu.memory_space<vmem>> -> memref<1x64xi32, #tpu.memory_space<vmem>>
      %dma_wait3A_696 = tpu.memref_squeeze %dma_wait3A_695 : memref<1x64xi32, #tpu.memory_space<vmem>> -> memref<64xi32, #tpu.memory_space<vmem>>
      %dma_wait3A_697 = arith.constant 0 : i32
      %dma_wait3A_698 = arith.constant 0 : i32
      %dma_wait3A_699 = tpu.memref_slice %arg14[%dma_wait3A_697, %dma_wait3A_698] : memref<10240x128xf32, #tpu.memory_space<vmem_shared>> -> memref<10240x128xf32, #tpu.memory_space<vmem_shared>>
      tpu.wait_indirect_dma semaphore(%run_scoped3A_687 : memref<!tpu.dma_semaphore, #tpu.memory_space<semaphore_mem>>) src(%arg9 : memref<64x128xf32, #tpu.memory_space<vmem>>) dst(%dma_wait3A_699 : memref<10240x128xf32, #tpu.memory_space<vmem_shared>>)
      tpu.yield
    }) : () -> ()
    %run_scoped3A_485 = arith.constant 6 : i32
    "tpu.region"() ({
      %run_scoped3A_687 = tpu.sem_alloc : memref<!tpu.dma_semaphore, #tpu.memory_space<semaphore_mem>>
      %dma_start3A_688 = arith.constant 0 : i32
      %dma_start3A_689 = tpu.memref_slice %arg11[%run_scoped3A_485, %dma_start3A_688] : memref<10x64xi32, #tpu.memory_space<vmem>> -> memref<1x64xi32, #tpu.memory_space<vmem>>
      %dma_start3A_690 = tpu.memref_squeeze %dma_start3A_689 : memref<1x64xi32, #tpu.memory_space<vmem>> -> memref<64xi32, #tpu.memory_space<vmem>>
      %dma_start3A_691 = arith.constant 0 : i32
      %dma_start3A_692 = arith.constant 0 : i32
      %dma_start3A_693 = tpu.memref_slice %arg14[%dma_start3A_691, %dma_start3A_692] : memref<10240x128xf32, #tpu.memory_space<vmem_shared>> -> memref<10240x128xf32, #tpu.memory_space<vmem_shared>>
      tpu.enqueue_indirect_dma source(%arg9 : memref<64x128xf32, #tpu.memory_space<vmem>>) target(%dma_start3A_693 : memref<10240x128xf32, #tpu.memory_space<vmem_shared>>) offsets(%dma_start3A_690 : memref<64xi32, #tpu.memory_space<vmem>>) semaphore(%run_scoped3A_687 : memref<!tpu.dma_semaphore, #tpu.memory_space<semaphore_mem>>)
      %dma_wait3A_694 = arith.constant 0 : i32
      %dma_wait3A_695 = tpu.memref_slice %arg11[%run_scoped3A_485, %dma_wait3A_694] : memref<10x64xi32, #tpu.memory_space<vmem>> -> memref<1x64xi32, #tpu.memory_space<vmem>>
      %dma_wait3A_696 = tpu.memref_squeeze %dma_wait3A_695 : memref<1x64xi32, #tpu.memory_space<vmem>> -> memref<64xi32, #tpu.memory_space<vmem>>
      %dma_wait3A_697 = arith.constant 0 : i32
      %dma_wait3A_698 = arith.constant 0 : i32
      %dma_wait3A_699 = tpu.memref_slice %arg14[%dma_wait3A_697, %dma_wait3A_698] : memref<10240x128xf32, #tpu.memory_space<vmem_shared>> -> memref<10240x128xf32, #tpu.memory_space<vmem_shared>>
      tpu.wait_indirect_dma semaphore(%run_scoped3A_687 : memref<!tpu.dma_semaphore, #tpu.memory_space<semaphore_mem>>) src(%arg9 : memref<64x128xf32, #tpu.memory_space<vmem>>) dst(%dma_wait3A_699 : memref<10240x128xf32, #tpu.memory_space<vmem_shared>>)
      tpu.yield
    }) : () -> ()
    %run_scoped3A_486 = arith.constant 7 : i32
    "tpu.region"() ({
      %run_scoped3A_687 = tpu.sem_alloc : memref<!tpu.dma_semaphore, #tpu.memory_space<semaphore_mem>>
      %dma_start3A_688 = arith.constant 0 : i32
      %dma_start3A_689 = tpu.memref_slice %arg11[%run_scoped3A_486, %dma_start3A_688] : memref<10x64xi32, #tpu.memory_space<vmem>> -> memref<1x64xi32, #tpu.memory_space<vmem>>
      %dma_start3A_690 = tpu.memref_squeeze %dma_start3A_689 : memref<1x64xi32, #tpu.memory_space<vmem>> -> memref<64xi32, #tpu.memory_space<vmem>>
      %dma_start3A_691 = arith.constant 0 : i32
      %dma_start3A_692 = arith.constant 0 : i32
      %dma_start3A_693 = tpu.memref_slice %arg14[%dma_start3A_691, %dma_start3A_692] : memref<10240x128xf32, #tpu.memory_space<vmem_shared>> -> memref<10240x128xf32, #tpu.memory_space<vmem_shared>>
      tpu.enqueue_indirect_dma source(%arg9 : memref<64x128xf32, #tpu.memory_space<vmem>>) target(%dma_start3A_693 : memref<10240x128xf32, #tpu.memory_space<vmem_shared>>) offsets(%dma_start3A_690 : memref<64xi32, #tpu.memory_space<vmem>>) semaphore(%run_scoped3A_687 : memref<!tpu.dma_semaphore, #tpu.memory_space<semaphore_mem>>)
      %dma_wait3A_694 = arith.constant 0 : i32
      %dma_wait3A_695 = tpu.memref_slice %arg11[%run_scoped3A_486, %dma_wait3A_694] : memref<10x64xi32, #tpu.memory_space<vmem>> -> memref<1x64xi32, #tpu.memory_space<vmem>>
      %dma_wait3A_696 = tpu.memref_squeeze %dma_wait3A_695 : memref<1x64xi32, #tpu.memory_space<vmem>> -> memref<64xi32, #tpu.memory_space<vmem>>
      %dma_wait3A_697 = arith.constant 0 : i32
      %dma_wait3A_698 = arith.constant 0 : i32
      %dma_wait3A_699 = tpu.memref_slice %arg14[%dma_wait3A_697, %dma_wait3A_698] : memref<10240x128xf32, #tpu.memory_space<vmem_shared>> -> memref<10240x128xf32, #tpu.memory_space<vmem_shared>>
      tpu.wait_indirect_dma semaphore(%run_scoped3A_687 : memref<!tpu.dma_semaphore, #tpu.memory_space<semaphore_mem>>) src(%arg9 : memref<64x128xf32, #tpu.memory_space<vmem>>) dst(%dma_wait3A_699 : memref<10240x128xf32, #tpu.memory_space<vmem_shared>>)
      tpu.yield
    }) : () -> ()
    %run_scoped3A_487 = arith.constant 8 : i32
    "tpu.region"() ({
      %run_scoped3A_687 = tpu.sem_alloc : memref<!tpu.dma_semaphore, #tpu.memory_space<semaphore_mem>>
      %dma_start3A_688 = arith.constant 0 : i32
      %dma_start3A_689 = tpu.memref_slice %arg11[%run_scoped3A_487, %dma_start3A_688] : memref<10x64xi32, #tpu.memory_space<vmem>> -> memref<1x64xi32, #tpu.memory_space<vmem>>
      %dma_start3A_690 = tpu.memref_squeeze %dma_start3A_689 : memref<1x64xi32, #tpu.memory_space<vmem>> -> memref<64xi32, #tpu.memory_space<vmem>>
      %dma_start3A_691 = arith.constant 0 : i32
      %dma_start3A_692 = arith.constant 0 : i32
      %dma_start3A_693 = tpu.memref_slice %arg14[%dma_start3A_691, %dma_start3A_692] : memref<10240x128xf32, #tpu.memory_space<vmem_shared>> -> memref<10240x128xf32, #tpu.memory_space<vmem_shared>>
      tpu.enqueue_indirect_dma source(%arg9 : memref<64x128xf32, #tpu.memory_space<vmem>>) target(%dma_start3A_693 : memref<10240x128xf32, #tpu.memory_space<vmem_shared>>) offsets(%dma_start3A_690 : memref<64xi32, #tpu.memory_space<vmem>>) semaphore(%run_scoped3A_687 : memref<!tpu.dma_semaphore, #tpu.memory_space<semaphore_mem>>)
      %dma_wait3A_694 = arith.constant 0 : i32
      %dma_wait3A_695 = tpu.memref_slice %arg11[%run_scoped3A_487, %dma_wait3A_694] : memref<10x64xi32, #tpu.memory_space<vmem>> -> memref<1x64xi32, #tpu.memory_space<vmem>>
      %dma_wait3A_696 = tpu.memref_squeeze %dma_wait3A_695 : memref<1x64xi32, #tpu.memory_space<vmem>> -> memref<64xi32, #tpu.memory_space<vmem>>
      %dma_wait3A_697 = arith.constant 0 : i32
      %dma_wait3A_698 = arith.constant 0 : i32
      %dma_wait3A_699 = tpu.memref_slice %arg14[%dma_wait3A_697, %dma_wait3A_698] : memref<10240x128xf32, #tpu.memory_space<vmem_shared>> -> memref<10240x128xf32, #tpu.memory_space<vmem_shared>>
      tpu.wait_indirect_dma semaphore(%run_scoped3A_687 : memref<!tpu.dma_semaphore, #tpu.memory_space<semaphore_mem>>) src(%arg9 : memref<64x128xf32, #tpu.memory_space<vmem>>) dst(%dma_wait3A_699 : memref<10240x128xf32, #tpu.memory_space<vmem_shared>>)
      tpu.yield
    }) : () -> ()
    %run_scoped3A_488 = arith.constant 9 : i32
    "tpu.region"() ({
      %run_scoped3A_687 = tpu.sem_alloc : memref<!tpu.dma_semaphore, #tpu.memory_space<semaphore_mem>>
      %dma_start3A_688 = arith.constant 0 : i32
      %dma_start3A_689 = tpu.memref_slice %arg11[%run_scoped3A_488, %dma_start3A_688] : memref<10x64xi32, #tpu.memory_space<vmem>> -> memref<1x64xi32, #tpu.memory_space<vmem>>
      %dma_start3A_690 = tpu.memref_squeeze %dma_start3A_689 : memref<1x64xi32, #tpu.memory_space<vmem>> -> memref<64xi32, #tpu.memory_space<vmem>>
      %dma_start3A_691 = arith.constant 0 : i32
      %dma_start3A_692 = arith.constant 0 : i32
      %dma_start3A_693 = tpu.memref_slice %arg14[%dma_start3A_691, %dma_start3A_692] : memref<10240x128xf32, #tpu.memory_space<vmem_shared>> -> memref<10240x128xf32, #tpu.memory_space<vmem_shared>>
      tpu.enqueue_indirect_dma source(%arg9 : memref<64x128xf32, #tpu.memory_space<vmem>>) target(%dma_start3A_693 : memref<10240x128xf32, #tpu.memory_space<vmem_shared>>) offsets(%dma_start3A_690 : memref<64xi32, #tpu.memory_space<vmem>>) semaphore(%run_scoped3A_687 : memref<!tpu.dma_semaphore, #tpu.memory_space<semaphore_mem>>)
      %dma_wait3A_694 = arith.constant 0 : i32
      %dma_wait3A_695 = tpu.memref_slice %arg11[%run_scoped3A_488, %dma_wait3A_694] : memref<10x64xi32, #tpu.memory_space<vmem>> -> memref<1x64xi32, #tpu.memory_space<vmem>>
      %dma_wait3A_696 = tpu.memref_squeeze %dma_wait3A_695 : memref<1x64xi32, #tpu.memory_space<vmem>> -> memref<64xi32, #tpu.memory_space<vmem>>
      %dma_wait3A_697 = arith.constant 0 : i32
      %dma_wait3A_698 = arith.constant 0 : i32
      %dma_wait3A_699 = tpu.memref_slice %arg14[%dma_wait3A_697, %dma_wait3A_698] : memref<10240x128xf32, #tpu.memory_space<vmem_shared>> -> memref<10240x128xf32, #tpu.memory_space<vmem_shared>>
      tpu.wait_indirect_dma semaphore(%run_scoped3A_687 : memref<!tpu.dma_semaphore, #tpu.memory_space<semaphore_mem>>) src(%arg9 : memref<64x128xf32, #tpu.memory_space<vmem>>) dst(%dma_wait3A_699 : memref<10240x128xf32, #tpu.memory_space<vmem_shared>>)
      tpu.yield
    }) : () -> ()
    %barrier3A = arith.constant 0 : index
    tpu.barrier barrier_id(%barrier3A)
    %dma_start3A = arith.constant 0 : i32
    %dma_start3A_489 = arith.constant 0 : i32
    %dma_start3A_490 = tpu.memref_slice %arg7[%dma_start3A, %dma_start3A_489] : memref<32x64xi32, #tpu.memory_space<vmem>> -> memref<1x64xi32, #tpu.memory_space<vmem>>
    %dma_start3A_491 = tpu.memref_squeeze %dma_start3A_490 : memref<1x64xi32, #tpu.memory_space<vmem>> -> memref<64xi32, #tpu.memory_space<vmem>>
    %dma_start3A_492 = arith.constant 0 : i32
    %dma_start3A_493 = arith.constant 0 : i32
    %dma_start3A_494 = tpu.memref_slice %arg2[%dma_start3A_492, %dma_start3A_493] : memref<10000x128xf32, #tpu.memory_space<hbm>> -> memref<10000x128xf32, #tpu.memory_space<hbm>>
    tpu.enqueue_indirect_dma source(%dma_start3A_494 : memref<10000x128xf32, #tpu.memory_space<hbm>>) target(%arg9 : memref<64x128xf32, #tpu.memory_space<vmem>>) offsets(%dma_start3A_491 : memref<64xi32, #tpu.memory_space<vmem>>) semaphore(%arg12 : memref<!tpu.dma_semaphore, #tpu.memory_space<semaphore_mem>>)
    %dma_start3A_495 = arith.constant 1 : i32
    %dma_start3A_496 = arith.constant 0 : i32
    %dma_start3A_497 = tpu.memref_slice %arg7[%dma_start3A_495, %dma_start3A_496] : memref<32x64xi32, #tpu.memory_space<vmem>> -> memref<1x64xi32, #tpu.memory_space<vmem>>
    %dma_start3A_498 = tpu.memref_squeeze %dma_start3A_497 : memref<1x64xi32, #tpu.memory_space<vmem>> -> memref<64xi32, #tpu.memory_space<vmem>>
    %dma_start3A_499 = arith.constant 0 : i32
    %dma_start3A_500 = arith.constant 0 : i32
    %dma_start3A_501 = tpu.memref_slice %arg2[%dma_start3A_499, %dma_start3A_500] : memref<10000x128xf32, #tpu.memory_space<hbm>> -> memref<10000x128xf32, #tpu.memory_space<hbm>>
    tpu.enqueue_indirect_dma source(%dma_start3A_501 : memref<10000x128xf32, #tpu.memory_space<hbm>>) target(%arg10 : memref<64x128xf32, #tpu.memory_space<vmem>>) offsets(%dma_start3A_498 : memref<64xi32, #tpu.memory_space<vmem>>) semaphore(%arg13 : memref<!tpu.dma_semaphore, #tpu.memory_space<semaphore_mem>>)
    %scan3A = arith.constant 0 : i32
    %scan3A_502 = arith.constant 0 : i32
    %scan3A_503 = arith.constant 80 : i32
    %scan3A_504 = arith.addi %scan3A_502, %scan3A_503 : i32
    %scan3A_505 = arith.constant 1 : i32
    scf.for %scan3A_687 = %scan3A_502 to %scan3A_504 step %scan3A_505  : i32 {
      %mul3A_688 = arith.constant 2 : i32
      %mul3A_689 = arith.muli %mul3A_688, %scan3A_687 : i32
      %jit3A = arith.constant 16 : i32
      %eq3A = arith.constant 0 : i32
      %eq3A_690 = arith.cmpi eq, %jit3A, %eq3A : i32
      %jit3A_691 = arith.constant 1 : i32
      %select_n3A = arith.select %eq3A_690, %jit3A_691, %jit3A : i32
      %rem3A = arith.remsi %mul3A_689, %select_n3A : i32
      %ne3A = arith.constant 0 : i32
      %ne3A_692 = arith.cmpi ne, %rem3A, %ne3A : i32
      %lt3A = arith.constant 0 : i32
      %lt3A_693 = arith.cmpi slt, %rem3A, %lt3A : i32
      %lt3A_694 = arith.constant 0 : i32
      %lt3A_695 = arith.cmpi slt, %select_n3A, %lt3A_694 : i32
      %ne3A_696 = arith.xori %lt3A_693, %lt3A_695 : i1
      %and3A = arith.andi %ne3A_696, %ne3A_692 : i1
      %add3A_697 = arith.addi %rem3A, %select_n3A : i32
      %select_n3A_698 = arith.select %and3A, %add3A_697, %rem3A : i32
      %eq3A_699 = arith.constant 0 : i32
      %eq3A_700 = arith.cmpi eq, %select_n3A_698, %eq3A_699 : i32
      %convert_element_type3A = arith.extui %eq3A_700 : i1 to i32
      %cond3A = arith.constant 0 : i32
      %cond3A_701 = arith.cmpi ne, %convert_element_type3A, %cond3A : i32
      scf.if %cond3A_701 {
        %jit3A_959 = arith.constant 16 : i32
        %div3A_960 = arith.divsi %mul3A_689, %jit3A_959 : i32
        %sign3A_961 = arith.constant 0 : i32
        %sign3A_962 = arith.cmpi sgt, %mul3A_689, %sign3A_961 : i32
        %sign3A_963 = arith.extui %sign3A_962 : i1 to i32
        %sign3A_964 = arith.constant 0 : i32
        %sign3A_965 = arith.cmpi slt, %mul3A_689, %sign3A_964 : i32
        %sign3A_966 = arith.extui %sign3A_965 : i1 to i32
        %sign3A_967 = arith.subi %sign3A_963, %sign3A_966 : i32
        %sign3A_968 = arith.constant 0 : i32
        %sign3A_969 = arith.cmpi sgt, %jit3A_959, %sign3A_968 : i32
        %sign3A_970 = arith.extui %sign3A_969 : i1 to i32
        %sign3A_971 = arith.constant 0 : i32
        %sign3A_972 = arith.cmpi slt, %jit3A_959, %sign3A_971 : i32
        %sign3A_973 = arith.extui %sign3A_972 : i1 to i32
        %sign3A_974 = arith.subi %sign3A_970, %sign3A_973 : i32
        %ne3A_975 = arith.cmpi ne, %sign3A_967, %sign3A_974 : i32
        %rem3A_976 = arith.remsi %mul3A_689, %jit3A_959 : i32
        %ne3A_977 = arith.constant 0 : i32
        %ne3A_978 = arith.cmpi ne, %rem3A_976, %ne3A_977 : i32
        %and3A_979 = arith.andi %ne3A_975, %ne3A_978 : i1
        %sub3A_980 = arith.constant 1 : i32
        %sub3A_981 = arith.subi %div3A_960, %sub3A_980 : i32
        %select_n3A_982 = arith.select %and3A_979, %sub3A_981, %div3A_960 : i32
        %add3A_983 = arith.constant 1 : i32
        %add3A_984 = arith.addi %select_n3A_982, %add3A_983 : i32
        %lt3A_985 = arith.constant 10 : i32
        %lt3A_986 = arith.cmpi slt, %add3A_984, %lt3A_985 : i32
        %convert_element_type3A_987 = arith.extui %lt3A_986 : i1 to i32
        %cond3A_988 = arith.constant 0 : i32
        %cond3A_989 = arith.cmpi ne, %convert_element_type3A_987, %cond3A_988 : i32
        scf.if %cond3A_989 {
          %mul3A_990 = arith.constant 16 : i32
          %mul3A_991 = arith.muli %add3A_984, %mul3A_990 : i32
          %jit3A_992 = arith.constant 2 : i32
          %eq3A_993 = arith.constant 0 : i32
          %eq3A_994 = arith.cmpi eq, %jit3A_992, %eq3A_993 : i32
          %jit3A_995 = arith.constant 1 : i32
          %select_n3A_996 = arith.select %eq3A_994, %jit3A_995, %jit3A_992 : i32
          %rem3A_997 = arith.remsi %add3A_984, %select_n3A_996 : i32
          %ne3A_998 = arith.constant 0 : i32
          %ne3A_999 = arith.cmpi ne, %rem3A_997, %ne3A_998 : i32
          %lt3A_1000 = arith.constant 0 : i32
          %lt3A_1001 = arith.cmpi slt, %rem3A_997, %lt3A_1000 : i32
          %lt3A_1002 = arith.constant 0 : i32
          %lt3A_1003 = arith.cmpi slt, %select_n3A_996, %lt3A_1002 : i32
          %ne3A_1004 = arith.xori %lt3A_1001, %lt3A_1003 : i1
          %and3A_1005 = arith.andi %ne3A_1004, %ne3A_999 : i1
          %add3A_1006 = arith.addi %rem3A_997, %select_n3A_996 : i32
          %select_n3A_1007 = arith.select %and3A_1005, %add3A_1006, %rem3A_997 : i32
          %mul3A_1008 = arith.constant 16 : i32
          %mul3A_1009 = arith.muli %select_n3A_1007, %mul3A_1008 : i32
          "tpu.region"() ({
            %run_scoped3A_1030 = tpu.sem_alloc : memref<!tpu.dma_semaphore, #tpu.memory_space<semaphore_mem>>
            %dma_start3A_1031 = arith.constant 0 : i32
            %dma_start3A_1032 = tpu.memref_slice %arg7[%mul3A_1009, %dma_start3A_1031] : memref<32x64xi32, #tpu.memory_space<vmem>> -> memref<16x64xi32, #tpu.memory_space<vmem>>
            %dma_start3A_1033 = arith.constant 0 : i32
            %dma_start3A_1034 = tpu.memref_slice %arg3[%add3A, %mul3A_991, %dma_start3A_1033] : memref<32x160x64xi32, #tpu.memory_space<hbm>> -> memref<1x16x64xi32, #tpu.memory_space<hbm>>
            %dma_start3A_1035 = tpu.memref_squeeze %dma_start3A_1034 : memref<1x16x64xi32, #tpu.memory_space<hbm>> -> memref<16x64xi32, #tpu.memory_space<hbm>>
            %dma_start3A_1036 = arith.constant 0 : i32
            %dma_start3A_1037 = tpu.memref_slice %arg7[%mul3A_1009, %dma_start3A_1036] : memref<32x64xi32, #tpu.memory_space<vmem>> -> memref<16x64xi32, #tpu.memory_space<vmem>>
            %dma_start3A_1038 = arith.constant 0 : i32
            %dma_start3A_1039 = tpu.memref_slice %arg3[%add3A, %mul3A_991, %dma_start3A_1038] : memref<32x160x64xi32, #tpu.memory_space<hbm>> -> memref<1x16x64xi32, #tpu.memory_space<hbm>>
            %dma_start3A_1040 = tpu.memref_squeeze %dma_start3A_1039 : memref<1x16x64xi32, #tpu.memory_space<hbm>> -> memref<16x64xi32, #tpu.memory_space<hbm>>
            tpu.enqueue_dma source(%dma_start3A_1040 : memref<16x64xi32, #tpu.memory_space<hbm>>) target(%dma_start3A_1037 : memref<16x64xi32, #tpu.memory_space<vmem>>) target_semaphore(%run_scoped3A_1030 : memref<!tpu.dma_semaphore, #tpu.memory_space<semaphore_mem>>)
            %dma_wait3A_1041 = arith.constant 0 : i32
            %dma_wait3A_1042 = tpu.memref_slice %arg7[%mul3A_1009, %dma_wait3A_1041] : memref<32x64xi32, #tpu.memory_space<vmem>> -> memref<16x64xi32, #tpu.memory_space<vmem>>
            %dma_wait3A_1043 = arith.constant 0 : i32
            %dma_wait3A_1044 = tpu.memref_slice %arg3[%add3A, %mul3A_991, %dma_wait3A_1043] : memref<32x160x64xi32, #tpu.memory_space<hbm>> -> memref<1x16x64xi32, #tpu.memory_space<hbm>>
            %dma_wait3A_1045 = tpu.memref_squeeze %dma_wait3A_1044 : memref<1x16x64xi32, #tpu.memory_space<hbm>> -> memref<16x64xi32, #tpu.memory_space<hbm>>
            %dma_wait3A_1046 = arith.constant 0 : i32
            %dma_wait3A_1047 = tpu.memref_slice %arg7[%mul3A_1009, %dma_wait3A_1046] : memref<32x64xi32, #tpu.memory_space<vmem>> -> memref<16x64xi32, #tpu.memory_space<vmem>>
            %dma_wait3A_1048 = arith.constant 0 : i32
            %dma_wait3A_1049 = tpu.memref_slice %arg3[%add3A, %mul3A_991, %dma_wait3A_1048] : memref<32x160x64xi32, #tpu.memory_space<hbm>> -> memref<1x16x64xi32, #tpu.memory_space<hbm>>
            %dma_wait3A_1050 = tpu.memref_squeeze %dma_wait3A_1049 : memref<1x16x64xi32, #tpu.memory_space<hbm>> -> memref<16x64xi32, #tpu.memory_space<hbm>>
            tpu.wait_dma2 semaphore(%run_scoped3A_1030 : memref<!tpu.dma_semaphore, #tpu.memory_space<semaphore_mem>>) src(%dma_wait3A_1050 : memref<16x64xi32, #tpu.memory_space<hbm>>) dst(%dma_wait3A_1047 : memref<16x64xi32, #tpu.memory_space<vmem>>)
            tpu.yield
          }) : () -> ()
          %mul3A_1010 = arith.constant 16 : i32
          %mul3A_1011 = arith.muli %add3A_984, %mul3A_1010 : i32
          %jit3A_1012 = arith.constant 2 : i32
          %eq3A_1013 = arith.constant 0 : i32
          %eq3A_1014 = arith.cmpi eq, %jit3A_1012, %eq3A_1013 : i32
          %jit3A_1015 = arith.constant 1 : i32
          %select_n3A_1016 = arith.select %eq3A_1014, %jit3A_1015, %jit3A_1012 : i32
          %rem3A_1017 = arith.remsi %add3A_984, %select_n3A_1016 : i32
          %ne3A_1018 = arith.constant 0 : i32
          %ne3A_1019 = arith.cmpi ne, %rem3A_1017, %ne3A_1018 : i32
          %lt3A_1020 = arith.constant 0 : i32
          %lt3A_1021 = arith.cmpi slt, %rem3A_1017, %lt3A_1020 : i32
          %lt3A_1022 = arith.constant 0 : i32
          %lt3A_1023 = arith.cmpi slt, %select_n3A_1016, %lt3A_1022 : i32
          %ne3A_1024 = arith.xori %lt3A_1021, %lt3A_1023 : i1
          %and3A_1025 = arith.andi %ne3A_1024, %ne3A_1019 : i1
          %add3A_1026 = arith.addi %rem3A_1017, %select_n3A_1016 : i32
          %select_n3A_1027 = arith.select %and3A_1025, %add3A_1026, %rem3A_1017 : i32
          %mul3A_1028 = arith.constant 16 : i32
          %mul3A_1029 = arith.muli %select_n3A_1027, %mul3A_1028 : i32
          "tpu.region"() ({
            %run_scoped3A_1030 = tpu.sem_alloc : memref<!tpu.dma_semaphore, #tpu.memory_space<semaphore_mem>>
            %dma_start3A_1031 = arith.constant 0 : i32
            %dma_start3A_1032 = tpu.memref_slice %arg8[%mul3A_1029, %dma_start3A_1031] : memref<32x64xi32, #tpu.memory_space<vmem>> -> memref<16x64xi32, #tpu.memory_space<vmem>>
            %dma_start3A_1033 = arith.constant 0 : i32
            %dma_start3A_1034 = tpu.memref_slice %arg4[%add3A, %mul3A_1011, %dma_start3A_1033] : memref<32x160x64xi32, #tpu.memory_space<hbm>> -> memref<1x16x64xi32, #tpu.memory_space<hbm>>
            %dma_start3A_1035 = tpu.memref_squeeze %dma_start3A_1034 : memref<1x16x64xi32, #tpu.memory_space<hbm>> -> memref<16x64xi32, #tpu.memory_space<hbm>>
            %dma_start3A_1036 = arith.constant 0 : i32
            %dma_start3A_1037 = tpu.memref_slice %arg8[%mul3A_1029, %dma_start3A_1036] : memref<32x64xi32, #tpu.memory_space<vmem>> -> memref<16x64xi32, #tpu.memory_space<vmem>>
            %dma_start3A_1038 = arith.constant 0 : i32
            %dma_start3A_1039 = tpu.memref_slice %arg4[%add3A, %mul3A_1011, %dma_start3A_1038] : memref<32x160x64xi32, #tpu.memory_space<hbm>> -> memref<1x16x64xi32, #tpu.memory_space<hbm>>
            %dma_start3A_1040 = tpu.memref_squeeze %dma_start3A_1039 : memref<1x16x64xi32, #tpu.memory_space<hbm>> -> memref<16x64xi32, #tpu.memory_space<hbm>>
            tpu.enqueue_dma source(%dma_start3A_1040 : memref<16x64xi32, #tpu.memory_space<hbm>>) target(%dma_start3A_1037 : memref<16x64xi32, #tpu.memory_space<vmem>>) target_semaphore(%run_scoped3A_1030 : memref<!tpu.dma_semaphore, #tpu.memory_space<semaphore_mem>>)
            %dma_wait3A_1041 = arith.constant 0 : i32
            %dma_wait3A_1042 = tpu.memref_slice %arg8[%mul3A_1029, %dma_wait3A_1041] : memref<32x64xi32, #tpu.memory_space<vmem>> -> memref<16x64xi32, #tpu.memory_space<vmem>>
            %dma_wait3A_1043 = arith.constant 0 : i32
            %dma_wait3A_1044 = tpu.memref_slice %arg4[%add3A, %mul3A_1011, %dma_wait3A_1043] : memref<32x160x64xi32, #tpu.memory_space<hbm>> -> memref<1x16x64xi32, #tpu.memory_space<hbm>>
            %dma_wait3A_1045 = tpu.memref_squeeze %dma_wait3A_1044 : memref<1x16x64xi32, #tpu.memory_space<hbm>> -> memref<16x64xi32, #tpu.memory_space<hbm>>
            %dma_wait3A_1046 = arith.constant 0 : i32
            %dma_wait3A_1047 = tpu.memref_slice %arg8[%mul3A_1029, %dma_wait3A_1046] : memref<32x64xi32, #tpu.memory_space<vmem>> -> memref<16x64xi32, #tpu.memory_space<vmem>>
            %dma_wait3A_1048 = arith.constant 0 : i32
            %dma_wait3A_1049 = tpu.memref_slice %arg4[%add3A, %mul3A_1011, %dma_wait3A_1048] : memref<32x160x64xi32, #tpu.memory_space<hbm>> -> memref<1x16x64xi32, #tpu.memory_space<hbm>>
            %dma_wait3A_1050 = tpu.memref_squeeze %dma_wait3A_1049 : memref<1x16x64xi32, #tpu.memory_space<hbm>> -> memref<16x64xi32, #tpu.memory_space<hbm>>
            tpu.wait_dma2 semaphore(%run_scoped3A_1030 : memref<!tpu.dma_semaphore, #tpu.memory_space<semaphore_mem>>) src(%dma_wait3A_1050 : memref<16x64xi32, #tpu.memory_space<hbm>>) dst(%dma_wait3A_1047 : memref<16x64xi32, #tpu.memory_space<vmem>>)
            tpu.yield
          }) : () -> ()
        } else {
        }
      } else {
      }
      %add3A_702 = arith.constant 1 : i32
      %add3A_703 = arith.addi %mul3A_689, %add3A_702 : i32
      %jit3A_704 = arith.constant 16 : i32
      %div3A = arith.divsi %mul3A_689, %jit3A_704 : i32
      %sign3A = arith.constant 0 : i32
      %sign3A_705 = arith.cmpi sgt, %mul3A_689, %sign3A : i32
      %sign3A_706 = arith.extui %sign3A_705 : i1 to i32
      %sign3A_707 = arith.constant 0 : i32
      %sign3A_708 = arith.cmpi slt, %mul3A_689, %sign3A_707 : i32
      %sign3A_709 = arith.extui %sign3A_708 : i1 to i32
      %sign3A_710 = arith.subi %sign3A_706, %sign3A_709 : i32
      %sign3A_711 = arith.constant 0 : i32
      %sign3A_712 = arith.cmpi sgt, %jit3A_704, %sign3A_711 : i32
      %sign3A_713 = arith.extui %sign3A_712 : i1 to i32
      %sign3A_714 = arith.constant 0 : i32
      %sign3A_715 = arith.cmpi slt, %jit3A_704, %sign3A_714 : i32
      %sign3A_716 = arith.extui %sign3A_715 : i1 to i32
      %sign3A_717 = arith.subi %sign3A_713, %sign3A_716 : i32
      %ne3A_718 = arith.cmpi ne, %sign3A_710, %sign3A_717 : i32
      %rem3A_719 = arith.remsi %mul3A_689, %jit3A_704 : i32
      %ne3A_720 = arith.constant 0 : i32
      %ne3A_721 = arith.cmpi ne, %rem3A_719, %ne3A_720 : i32
      %and3A_722 = arith.andi %ne3A_718, %ne3A_721 : i1
      %sub3A = arith.constant 1 : i32
      %sub3A_723 = arith.subi %div3A, %sub3A : i32
      %select_n3A_724 = arith.select %and3A_722, %sub3A_723, %div3A : i32
      %jit3A_725 = arith.constant 2 : i32
      %eq3A_726 = arith.constant 0 : i32
      %eq3A_727 = arith.cmpi eq, %jit3A_725, %eq3A_726 : i32
      %jit3A_728 = arith.constant 1 : i32
      %select_n3A_729 = arith.select %eq3A_727, %jit3A_728, %jit3A_725 : i32
      %rem3A_730 = arith.remsi %select_n3A_724, %select_n3A_729 : i32
      %ne3A_731 = arith.constant 0 : i32
      %ne3A_732 = arith.cmpi ne, %rem3A_730, %ne3A_731 : i32
      %lt3A_733 = arith.constant 0 : i32
      %lt3A_734 = arith.cmpi slt, %rem3A_730, %lt3A_733 : i32
      %lt3A_735 = arith.constant 0 : i32
      %lt3A_736 = arith.cmpi slt, %select_n3A_729, %lt3A_735 : i32
      %ne3A_737 = arith.xori %lt3A_734, %lt3A_736 : i1
      %and3A_738 = arith.andi %ne3A_737, %ne3A_732 : i1
      %add3A_739 = arith.addi %rem3A_730, %select_n3A_729 : i32
      %select_n3A_740 = arith.select %and3A_738, %add3A_739, %rem3A_730 : i32
      %mul3A_741 = arith.constant 16 : i32
      %mul3A_742 = arith.muli %select_n3A_740, %mul3A_741 : i32
      %jit3A_743 = arith.constant 16 : i32
      %eq3A_744 = arith.constant 0 : i32
      %eq3A_745 = arith.cmpi eq, %jit3A_743, %eq3A_744 : i32
      %jit3A_746 = arith.constant 1 : i32
      %select_n3A_747 = arith.select %eq3A_745, %jit3A_746, %jit3A_743 : i32
      %rem3A_748 = arith.remsi %mul3A_689, %select_n3A_747 : i32
      %ne3A_749 = arith.constant 0 : i32
      %ne3A_750 = arith.cmpi ne, %rem3A_748, %ne3A_749 : i32
      %lt3A_751 = arith.constant 0 : i32
      %lt3A_752 = arith.cmpi slt, %rem3A_748, %lt3A_751 : i32
      %lt3A_753 = arith.constant 0 : i32
      %lt3A_754 = arith.cmpi slt, %select_n3A_747, %lt3A_753 : i32
      %ne3A_755 = arith.xori %lt3A_752, %lt3A_754 : i1
      %and3A_756 = arith.andi %ne3A_755, %ne3A_750 : i1
      %add3A_757 = arith.addi %rem3A_748, %select_n3A_747 : i32
      %select_n3A_758 = arith.select %and3A_756, %add3A_757, %rem3A_748 : i32
      %add3A_759 = arith.addi %mul3A_742, %select_n3A_758 : i32
      %dma_wait3A_760 = arith.constant 0 : i32
      %dma_wait3A_761 = tpu.memref_slice %arg7[%add3A_759, %dma_wait3A_760] : memref<32x64xi32, #tpu.memory_space<vmem>> -> memref<1x64xi32, #tpu.memory_space<vmem>>
      %dma_wait3A_762 = tpu.memref_squeeze %dma_wait3A_761 : memref<1x64xi32, #tpu.memory_space<vmem>> -> memref<64xi32, #tpu.memory_space<vmem>>
      %dma_wait3A_763 = arith.constant 0 : i32
      %dma_wait3A_764 = arith.constant 0 : i32
      %dma_wait3A_765 = tpu.memref_slice %arg2[%dma_wait3A_763, %dma_wait3A_764] : memref<10000x128xf32, #tpu.memory_space<hbm>> -> memref<10000x128xf32, #tpu.memory_space<hbm>>
      tpu.wait_indirect_dma semaphore(%arg12 : memref<!tpu.dma_semaphore, #tpu.memory_space<semaphore_mem>>) src(%dma_wait3A_765 : memref<10000x128xf32, #tpu.memory_space<hbm>>) dst(%arg9 : memref<64x128xf32, #tpu.memory_space<vmem>>)
      %jit3A_766 = arith.constant 16 : i32
      %div3A_767 = arith.divsi %mul3A_689, %jit3A_766 : i32
      %sign3A_768 = arith.constant 0 : i32
      %sign3A_769 = arith.cmpi sgt, %mul3A_689, %sign3A_768 : i32
      %sign3A_770 = arith.extui %sign3A_769 : i1 to i32
      %sign3A_771 = arith.constant 0 : i32
      %sign3A_772 = arith.cmpi slt, %mul3A_689, %sign3A_771 : i32
      %sign3A_773 = arith.extui %sign3A_772 : i1 to i32
      %sign3A_774 = arith.subi %sign3A_770, %sign3A_773 : i32
      %sign3A_775 = arith.constant 0 : i32
      %sign3A_776 = arith.cmpi sgt, %jit3A_766, %sign3A_775 : i32
      %sign3A_777 = arith.extui %sign3A_776 : i1 to i32
      %sign3A_778 = arith.constant 0 : i32
      %sign3A_779 = arith.cmpi slt, %jit3A_766, %sign3A_778 : i32
      %sign3A_780 = arith.extui %sign3A_779 : i1 to i32
      %sign3A_781 = arith.subi %sign3A_777, %sign3A_780 : i32
      %ne3A_782 = arith.cmpi ne, %sign3A_774, %sign3A_781 : i32
      %rem3A_783 = arith.remsi %mul3A_689, %jit3A_766 : i32
      %ne3A_784 = arith.constant 0 : i32
      %ne3A_785 = arith.cmpi ne, %rem3A_783, %ne3A_784 : i32
      %and3A_786 = arith.andi %ne3A_782, %ne3A_785 : i1
      %sub3A_787 = arith.constant 1 : i32
      %sub3A_788 = arith.subi %div3A_767, %sub3A_787 : i32
      %select_n3A_789 = arith.select %and3A_786, %sub3A_788, %div3A_767 : i32
      %jit3A_790 = arith.constant 2 : i32
      %eq3A_791 = arith.constant 0 : i32
      %eq3A_792 = arith.cmpi eq, %jit3A_790, %eq3A_791 : i32
      %jit3A_793 = arith.constant 1 : i32
      %select_n3A_794 = arith.select %eq3A_792, %jit3A_793, %jit3A_790 : i32
      %rem3A_795 = arith.remsi %select_n3A_789, %select_n3A_794 : i32
      %ne3A_796 = arith.constant 0 : i32
      %ne3A_797 = arith.cmpi ne, %rem3A_795, %ne3A_796 : i32
      %lt3A_798 = arith.constant 0 : i32
      %lt3A_799 = arith.cmpi slt, %rem3A_795, %lt3A_798 : i32
      %lt3A_800 = arith.constant 0 : i32
      %lt3A_801 = arith.cmpi slt, %select_n3A_794, %lt3A_800 : i32
      %ne3A_802 = arith.xori %lt3A_799, %lt3A_801 : i1
      %and3A_803 = arith.andi %ne3A_802, %ne3A_797 : i1
      %add3A_804 = arith.addi %rem3A_795, %select_n3A_794 : i32
      %select_n3A_805 = arith.select %and3A_803, %add3A_804, %rem3A_795 : i32
      %mul3A_806 = arith.constant 16 : i32
      %mul3A_807 = arith.muli %select_n3A_805, %mul3A_806 : i32
      %jit3A_808 = arith.constant 16 : i32
      %eq3A_809 = arith.constant 0 : i32
      %eq3A_810 = arith.cmpi eq, %jit3A_808, %eq3A_809 : i32
      %jit3A_811 = arith.constant 1 : i32
      %select_n3A_812 = arith.select %eq3A_810, %jit3A_811, %jit3A_808 : i32
      %rem3A_813 = arith.remsi %mul3A_689, %select_n3A_812 : i32
      %ne3A_814 = arith.constant 0 : i32
      %ne3A_815 = arith.cmpi ne, %rem3A_813, %ne3A_814 : i32
      %lt3A_816 = arith.constant 0 : i32
      %lt3A_817 = arith.cmpi slt, %rem3A_813, %lt3A_816 : i32
      %lt3A_818 = arith.constant 0 : i32
      %lt3A_819 = arith.cmpi slt, %select_n3A_812, %lt3A_818 : i32
      %ne3A_820 = arith.xori %lt3A_817, %lt3A_819 : i1
      %and3A_821 = arith.andi %ne3A_820, %ne3A_815 : i1
      %add3A_822 = arith.addi %rem3A_813, %select_n3A_812 : i32
      %select_n3A_823 = arith.select %and3A_821, %add3A_822, %rem3A_813 : i32
      %add3A_824 = arith.addi %mul3A_807, %select_n3A_823 : i32
      "tpu.region"() ({
        %run_scoped3A_959 = tpu.sem_alloc : memref<!tpu.dma_semaphore, #tpu.memory_space<semaphore_mem>>
        %dma_start3A_960 = arith.constant 0 : i32
        %dma_start3A_961 = tpu.memref_slice %arg8[%add3A_824, %dma_start3A_960] : memref<32x64xi32, #tpu.memory_space<vmem>> -> memref<1x64xi32, #tpu.memory_space<vmem>>
        %dma_start3A_962 = tpu.memref_squeeze %dma_start3A_961 : memref<1x64xi32, #tpu.memory_space<vmem>> -> memref<64xi32, #tpu.memory_space<vmem>>
        %dma_start3A_963 = arith.constant 0 : i32
        %dma_start3A_964 = arith.constant 0 : i32
        %dma_start3A_965 = tpu.memref_slice %arg14[%dma_start3A_963, %dma_start3A_964] : memref<10240x128xf32, #tpu.memory_space<vmem_shared>> -> memref<10240x128xf32, #tpu.memory_space<vmem_shared>>
        tpu.enqueue_indirect_dma source(%arg9 : memref<64x128xf32, #tpu.memory_space<vmem>>) target(%dma_start3A_965 : memref<10240x128xf32, #tpu.memory_space<vmem_shared>>) offsets(%dma_start3A_962 : memref<64xi32, #tpu.memory_space<vmem>>) semaphore(%run_scoped3A_959 : memref<!tpu.dma_semaphore, #tpu.memory_space<semaphore_mem>>) {add = true}
        %dma_wait3A_966 = arith.constant 0 : i32
        %dma_wait3A_967 = tpu.memref_slice %arg8[%add3A_824, %dma_wait3A_966] : memref<32x64xi32, #tpu.memory_space<vmem>> -> memref<1x64xi32, #tpu.memory_space<vmem>>
        %dma_wait3A_968 = tpu.memref_squeeze %dma_wait3A_967 : memref<1x64xi32, #tpu.memory_space<vmem>> -> memref<64xi32, #tpu.memory_space<vmem>>
        %dma_wait3A_969 = arith.constant 0 : i32
        %dma_wait3A_970 = arith.constant 0 : i32
        %dma_wait3A_971 = tpu.memref_slice %arg14[%dma_wait3A_969, %dma_wait3A_970] : memref<10240x128xf32, #tpu.memory_space<vmem_shared>> -> memref<10240x128xf32, #tpu.memory_space<vmem_shared>>
        tpu.wait_indirect_dma semaphore(%run_scoped3A_959 : memref<!tpu.dma_semaphore, #tpu.memory_space<semaphore_mem>>) src(%arg9 : memref<64x128xf32, #tpu.memory_space<vmem>>) dst(%dma_wait3A_971 : memref<10240x128xf32, #tpu.memory_space<vmem_shared>>)
        tpu.yield
      }) : () -> ()
      %lt3A_825 = arith.constant 79 : i32
      %lt3A_826 = arith.cmpi slt, %scan3A_687, %lt3A_825 : i32
      %convert_element_type3A_827 = arith.extui %lt3A_826 : i1 to i32
      %cond3A_828 = arith.constant 0 : i32
      %cond3A_829 = arith.cmpi ne, %convert_element_type3A_827, %cond3A_828 : i32
      scf.if %cond3A_829 {
        %add3A_959 = arith.constant 2 : i32
        %add3A_960 = arith.addi %mul3A_689, %add3A_959 : i32
        %jit3A_961 = arith.constant 16 : i32
        %div3A_962 = arith.divsi %add3A_960, %jit3A_961 : i32
        %sign3A_963 = arith.constant 0 : i32
        %sign3A_964 = arith.cmpi sgt, %add3A_960, %sign3A_963 : i32
        %sign3A_965 = arith.extui %sign3A_964 : i1 to i32
        %sign3A_966 = arith.constant 0 : i32
        %sign3A_967 = arith.cmpi slt, %add3A_960, %sign3A_966 : i32
        %sign3A_968 = arith.extui %sign3A_967 : i1 to i32
        %sign3A_969 = arith.subi %sign3A_965, %sign3A_968 : i32
        %sign3A_970 = arith.constant 0 : i32
        %sign3A_971 = arith.cmpi sgt, %jit3A_961, %sign3A_970 : i32
        %sign3A_972 = arith.extui %sign3A_971 : i1 to i32
        %sign3A_973 = arith.constant 0 : i32
        %sign3A_974 = arith.cmpi slt, %jit3A_961, %sign3A_973 : i32
        %sign3A_975 = arith.extui %sign3A_974 : i1 to i32
        %sign3A_976 = arith.subi %sign3A_972, %sign3A_975 : i32
        %ne3A_977 = arith.cmpi ne, %sign3A_969, %sign3A_976 : i32
        %rem3A_978 = arith.remsi %add3A_960, %jit3A_961 : i32
        %ne3A_979 = arith.constant 0 : i32
        %ne3A_980 = arith.cmpi ne, %rem3A_978, %ne3A_979 : i32
        %and3A_981 = arith.andi %ne3A_977, %ne3A_980 : i1
        %sub3A_982 = arith.constant 1 : i32
        %sub3A_983 = arith.subi %div3A_962, %sub3A_982 : i32
        %select_n3A_984 = arith.select %and3A_981, %sub3A_983, %div3A_962 : i32
        %jit3A_985 = arith.constant 2 : i32
        %eq3A_986 = arith.constant 0 : i32
        %eq3A_987 = arith.cmpi eq, %jit3A_985, %eq3A_986 : i32
        %jit3A_988 = arith.constant 1 : i32
        %select_n3A_989 = arith.select %eq3A_987, %jit3A_988, %jit3A_985 : i32
        %rem3A_990 = arith.remsi %select_n3A_984, %select_n3A_989 : i32
        %ne3A_991 = arith.constant 0 : i32
        %ne3A_992 = arith.cmpi ne, %rem3A_990, %ne3A_991 : i32
        %lt3A_993 = arith.constant 0 : i32
        %lt3A_994 = arith.cmpi slt, %rem3A_990, %lt3A_993 : i32
        %lt3A_995 = arith.constant 0 : i32
        %lt3A_996 = arith.cmpi slt, %select_n3A_989, %lt3A_995 : i32
        %ne3A_997 = arith.xori %lt3A_994, %lt3A_996 : i1
        %and3A_998 = arith.andi %ne3A_997, %ne3A_992 : i1
        %add3A_999 = arith.addi %rem3A_990, %select_n3A_989 : i32
        %select_n3A_1000 = arith.select %and3A_998, %add3A_999, %rem3A_990 : i32
        %mul3A_1001 = arith.constant 16 : i32
        %mul3A_1002 = arith.muli %select_n3A_1000, %mul3A_1001 : i32
        %jit3A_1003 = arith.constant 16 : i32
        %eq3A_1004 = arith.constant 0 : i32
        %eq3A_1005 = arith.cmpi eq, %jit3A_1003, %eq3A_1004 : i32
        %jit3A_1006 = arith.constant 1 : i32
        %select_n3A_1007 = arith.select %eq3A_1005, %jit3A_1006, %jit3A_1003 : i32
        %rem3A_1008 = arith.remsi %add3A_960, %select_n3A_1007 : i32
        %ne3A_1009 = arith.constant 0 : i32
        %ne3A_1010 = arith.cmpi ne, %rem3A_1008, %ne3A_1009 : i32
        %lt3A_1011 = arith.constant 0 : i32
        %lt3A_1012 = arith.cmpi slt, %rem3A_1008, %lt3A_1011 : i32
        %lt3A_1013 = arith.constant 0 : i32
        %lt3A_1014 = arith.cmpi slt, %select_n3A_1007, %lt3A_1013 : i32
        %ne3A_1015 = arith.xori %lt3A_1012, %lt3A_1014 : i1
        %and3A_1016 = arith.andi %ne3A_1015, %ne3A_1010 : i1
        %add3A_1017 = arith.addi %rem3A_1008, %select_n3A_1007 : i32
        %select_n3A_1018 = arith.select %and3A_1016, %add3A_1017, %rem3A_1008 : i32
        %add3A_1019 = arith.addi %mul3A_1002, %select_n3A_1018 : i32
        %dma_start3A_1020 = arith.constant 0 : i32
        %dma_start3A_1021 = tpu.memref_slice %arg7[%add3A_1019, %dma_start3A_1020] : memref<32x64xi32, #tpu.memory_space<vmem>> -> memref<1x64xi32, #tpu.memory_space<vmem>>
        %dma_start3A_1022 = tpu.memref_squeeze %dma_start3A_1021 : memref<1x64xi32, #tpu.memory_space<vmem>> -> memref<64xi32, #tpu.memory_space<vmem>>
        %dma_start3A_1023 = arith.constant 0 : i32
        %dma_start3A_1024 = arith.constant 0 : i32
        %dma_start3A_1025 = tpu.memref_slice %arg2[%dma_start3A_1023, %dma_start3A_1024] : memref<10000x128xf32, #tpu.memory_space<hbm>> -> memref<10000x128xf32, #tpu.memory_space<hbm>>
        tpu.enqueue_indirect_dma source(%dma_start3A_1025 : memref<10000x128xf32, #tpu.memory_space<hbm>>) target(%arg9 : memref<64x128xf32, #tpu.memory_space<vmem>>) offsets(%dma_start3A_1022 : memref<64xi32, #tpu.memory_space<vmem>>) semaphore(%arg12 : memref<!tpu.dma_semaphore, #tpu.memory_space<semaphore_mem>>)
      } else {
      }
      %jit3A_830 = arith.constant 16 : i32
      %div3A_831 = arith.divsi %add3A_703, %jit3A_830 : i32
      %sign3A_832 = arith.constant 0 : i32
      %sign3A_833 = arith.cmpi sgt, %add3A_703, %sign3A_832 : i32
      %sign3A_834 = arith.extui %sign3A_833 : i1 to i32
      %sign3A_835 = arith.constant 0 : i32
      %sign3A_836 = arith.cmpi slt, %add3A_703, %sign3A_835 : i32
      %sign3A_837 = arith.extui %sign3A_836 : i1 to i32
      %sign3A_838 = arith.subi %sign3A_834, %sign3A_837 : i32
      %sign3A_839 = arith.constant 0 : i32
      %sign3A_840 = arith.cmpi sgt, %jit3A_830, %sign3A_839 : i32
      %sign3A_841 = arith.extui %sign3A_840 : i1 to i32
      %sign3A_842 = arith.constant 0 : i32
      %sign3A_843 = arith.cmpi slt, %jit3A_830, %sign3A_842 : i32
      %sign3A_844 = arith.extui %sign3A_843 : i1 to i32
      %sign3A_845 = arith.subi %sign3A_841, %sign3A_844 : i32
      %ne3A_846 = arith.cmpi ne, %sign3A_838, %sign3A_845 : i32
      %rem3A_847 = arith.remsi %add3A_703, %jit3A_830 : i32
      %ne3A_848 = arith.constant 0 : i32
      %ne3A_849 = arith.cmpi ne, %rem3A_847, %ne3A_848 : i32
      %and3A_850 = arith.andi %ne3A_846, %ne3A_849 : i1
      %sub3A_851 = arith.constant 1 : i32
      %sub3A_852 = arith.subi %div3A_831, %sub3A_851 : i32
      %select_n3A_853 = arith.select %and3A_850, %sub3A_852, %div3A_831 : i32
      %jit3A_854 = arith.constant 2 : i32
      %eq3A_855 = arith.constant 0 : i32
      %eq3A_856 = arith.cmpi eq, %jit3A_854, %eq3A_855 : i32
      %jit3A_857 = arith.constant 1 : i32
      %select_n3A_858 = arith.select %eq3A_856, %jit3A_857, %jit3A_854 : i32
      %rem3A_859 = arith.remsi %select_n3A_853, %select_n3A_858 : i32
      %ne3A_860 = arith.constant 0 : i32
      %ne3A_861 = arith.cmpi ne, %rem3A_859, %ne3A_860 : i32
      %lt3A_862 = arith.constant 0 : i32
      %lt3A_863 = arith.cmpi slt, %rem3A_859, %lt3A_862 : i32
      %lt3A_864 = arith.constant 0 : i32
      %lt3A_865 = arith.cmpi slt, %select_n3A_858, %lt3A_864 : i32
      %ne3A_866 = arith.xori %lt3A_863, %lt3A_865 : i1
      %and3A_867 = arith.andi %ne3A_866, %ne3A_861 : i1
      %add3A_868 = arith.addi %rem3A_859, %select_n3A_858 : i32
      %select_n3A_869 = arith.select %and3A_867, %add3A_868, %rem3A_859 : i32
      %mul3A_870 = arith.constant 16 : i32
      %mul3A_871 = arith.muli %select_n3A_869, %mul3A_870 : i32
      %jit3A_872 = arith.constant 16 : i32
      %eq3A_873 = arith.constant 0 : i32
      %eq3A_874 = arith.cmpi eq, %jit3A_872, %eq3A_873 : i32
      %jit3A_875 = arith.constant 1 : i32
      %select_n3A_876 = arith.select %eq3A_874, %jit3A_875, %jit3A_872 : i32
      %rem3A_877 = arith.remsi %add3A_703, %select_n3A_876 : i32
      %ne3A_878 = arith.constant 0 : i32
      %ne3A_879 = arith.cmpi ne, %rem3A_877, %ne3A_878 : i32
      %lt3A_880 = arith.constant 0 : i32
      %lt3A_881 = arith.cmpi slt, %rem3A_877, %lt3A_880 : i32
      %lt3A_882 = arith.constant 0 : i32
      %lt3A_883 = arith.cmpi slt, %select_n3A_876, %lt3A_882 : i32
      %ne3A_884 = arith.xori %lt3A_881, %lt3A_883 : i1
      %and3A_885 = arith.andi %ne3A_884, %ne3A_879 : i1
      %add3A_886 = arith.addi %rem3A_877, %select_n3A_876 : i32
      %select_n3A_887 = arith.select %and3A_885, %add3A_886, %rem3A_877 : i32
      %add3A_888 = arith.addi %mul3A_871, %select_n3A_887 : i32
      %dma_wait3A_889 = arith.constant 0 : i32
      %dma_wait3A_890 = tpu.memref_slice %arg7[%add3A_888, %dma_wait3A_889] : memref<32x64xi32, #tpu.memory_space<vmem>> -> memref<1x64xi32, #tpu.memory_space<vmem>>
      %dma_wait3A_891 = tpu.memref_squeeze %dma_wait3A_890 : memref<1x64xi32, #tpu.memory_space<vmem>> -> memref<64xi32, #tpu.memory_space<vmem>>
      %dma_wait3A_892 = arith.constant 0 : i32
      %dma_wait3A_893 = arith.constant 0 : i32
      %dma_wait3A_894 = tpu.memref_slice %arg2[%dma_wait3A_892, %dma_wait3A_893] : memref<10000x128xf32, #tpu.memory_space<hbm>> -> memref<10000x128xf32, #tpu.memory_space<hbm>>
      tpu.wait_indirect_dma semaphore(%arg13 : memref<!tpu.dma_semaphore, #tpu.memory_space<semaphore_mem>>) src(%dma_wait3A_894 : memref<10000x128xf32, #tpu.memory_space<hbm>>) dst(%arg10 : memref<64x128xf32, #tpu.memory_space<vmem>>)
      %jit3A_895 = arith.constant 16 : i32
      %div3A_896 = arith.divsi %add3A_703, %jit3A_895 : i32
      %sign3A_897 = arith.constant 0 : i32
      %sign3A_898 = arith.cmpi sgt, %add3A_703, %sign3A_897 : i32
      %sign3A_899 = arith.extui %sign3A_898 : i1 to i32
      %sign3A_900 = arith.constant 0 : i32
      %sign3A_901 = arith.cmpi slt, %add3A_703, %sign3A_900 : i32
      %sign3A_902 = arith.extui %sign3A_901 : i1 to i32
      %sign3A_903 = arith.subi %sign3A_899, %sign3A_902 : i32
      %sign3A_904 = arith.constant 0 : i32
      %sign3A_905 = arith.cmpi sgt, %jit3A_895, %sign3A_904 : i32
      %sign3A_906 = arith.extui %sign3A_905 : i1 to i32
      %sign3A_907 = arith.constant 0 : i32
      %sign3A_908 = arith.cmpi slt, %jit3A_895, %sign3A_907 : i32
      %sign3A_909 = arith.extui %sign3A_908 : i1 to i32
      %sign3A_910 = arith.subi %sign3A_906, %sign3A_909 : i32
      %ne3A_911 = arith.cmpi ne, %sign3A_903, %sign3A_910 : i32
      %rem3A_912 = arith.remsi %add3A_703, %jit3A_895 : i32
      %ne3A_913 = arith.constant 0 : i32
      %ne3A_914 = arith.cmpi ne, %rem3A_912, %ne3A_913 : i32
      %and3A_915 = arith.andi %ne3A_911, %ne3A_914 : i1
      %sub3A_916 = arith.constant 1 : i32
      %sub3A_917 = arith.subi %div3A_896, %sub3A_916 : i32
      %select_n3A_918 = arith.select %and3A_915, %sub3A_917, %div3A_896 : i32
      %jit3A_919 = arith.constant 2 : i32
      %eq3A_920 = arith.constant 0 : i32
      %eq3A_921 = arith.cmpi eq, %jit3A_919, %eq3A_920 : i32
      %jit3A_922 = arith.constant 1 : i32
      %select_n3A_923 = arith.select %eq3A_921, %jit3A_922, %jit3A_919 : i32
      %rem3A_924 = arith.remsi %select_n3A_918, %select_n3A_923 : i32
      %ne3A_925 = arith.constant 0 : i32
      %ne3A_926 = arith.cmpi ne, %rem3A_924, %ne3A_925 : i32
      %lt3A_927 = arith.constant 0 : i32
      %lt3A_928 = arith.cmpi slt, %rem3A_924, %lt3A_927 : i32
      %lt3A_929 = arith.constant 0 : i32
      %lt3A_930 = arith.cmpi slt, %select_n3A_923, %lt3A_929 : i32
      %ne3A_931 = arith.xori %lt3A_928, %lt3A_930 : i1
      %and3A_932 = arith.andi %ne3A_931, %ne3A_926 : i1
      %add3A_933 = arith.addi %rem3A_924, %select_n3A_923 : i32
      %select_n3A_934 = arith.select %and3A_932, %add3A_933, %rem3A_924 : i32
      %mul3A_935 = arith.constant 16 : i32
      %mul3A_936 = arith.muli %select_n3A_934, %mul3A_935 : i32
      %jit3A_937 = arith.constant 16 : i32
      %eq3A_938 = arith.constant 0 : i32
      %eq3A_939 = arith.cmpi eq, %jit3A_937, %eq3A_938 : i32
      %jit3A_940 = arith.constant 1 : i32
      %select_n3A_941 = arith.select %eq3A_939, %jit3A_940, %jit3A_937 : i32
      %rem3A_942 = arith.remsi %add3A_703, %select_n3A_941 : i32
      %ne3A_943 = arith.constant 0 : i32
      %ne3A_944 = arith.cmpi ne, %rem3A_942, %ne3A_943 : i32
      %lt3A_945 = arith.constant 0 : i32
      %lt3A_946 = arith.cmpi slt, %rem3A_942, %lt3A_945 : i32
      %lt3A_947 = arith.constant 0 : i32
      %lt3A_948 = arith.cmpi slt, %select_n3A_941, %lt3A_947 : i32
      %ne3A_949 = arith.xori %lt3A_946, %lt3A_948 : i1
      %and3A_950 = arith.andi %ne3A_949, %ne3A_944 : i1
      %add3A_951 = arith.addi %rem3A_942, %select_n3A_941 : i32
      %select_n3A_952 = arith.select %and3A_950, %add3A_951, %rem3A_942 : i32
      %add3A_953 = arith.addi %mul3A_936, %select_n3A_952 : i32
      "tpu.region"() ({
        %run_scoped3A_959 = tpu.sem_alloc : memref<!tpu.dma_semaphore, #tpu.memory_space<semaphore_mem>>
        %dma_start3A_960 = arith.constant 0 : i32
        %dma_start3A_961 = tpu.memref_slice %arg8[%add3A_953, %dma_start3A_960] : memref<32x64xi32, #tpu.memory_space<vmem>> -> memref<1x64xi32, #tpu.memory_space<vmem>>
        %dma_start3A_962 = tpu.memref_squeeze %dma_start3A_961 : memref<1x64xi32, #tpu.memory_space<vmem>> -> memref<64xi32, #tpu.memory_space<vmem>>
        %dma_start3A_963 = arith.constant 0 : i32
        %dma_start3A_964 = arith.constant 0 : i32
        %dma_start3A_965 = tpu.memref_slice %arg14[%dma_start3A_963, %dma_start3A_964] : memref<10240x128xf32, #tpu.memory_space<vmem_shared>> -> memref<10240x128xf32, #tpu.memory_space<vmem_shared>>
        tpu.enqueue_indirect_dma source(%arg10 : memref<64x128xf32, #tpu.memory_space<vmem>>) target(%dma_start3A_965 : memref<10240x128xf32, #tpu.memory_space<vmem_shared>>) offsets(%dma_start3A_962 : memref<64xi32, #tpu.memory_space<vmem>>) semaphore(%run_scoped3A_959 : memref<!tpu.dma_semaphore, #tpu.memory_space<semaphore_mem>>) {add = true}
        %dma_wait3A_966 = arith.constant 0 : i32
        %dma_wait3A_967 = tpu.memref_slice %arg8[%add3A_953, %dma_wait3A_966] : memref<32x64xi32, #tpu.memory_space<vmem>> -> memref<1x64xi32, #tpu.memory_space<vmem>>
        %dma_wait3A_968 = tpu.memref_squeeze %dma_wait3A_967 : memref<1x64xi32, #tpu.memory_space<vmem>> -> memref<64xi32, #tpu.memory_space<vmem>>
        %dma_wait3A_969 = arith.constant 0 : i32
        %dma_wait3A_970 = arith.constant 0 : i32
        %dma_wait3A_971 = tpu.memref_slice %arg14[%dma_wait3A_969, %dma_wait3A_970] : memref<10240x128xf32, #tpu.memory_space<vmem_shared>> -> memref<10240x128xf32, #tpu.memory_space<vmem_shared>>
        tpu.wait_indirect_dma semaphore(%run_scoped3A_959 : memref<!tpu.dma_semaphore, #tpu.memory_space<semaphore_mem>>) src(%arg10 : memref<64x128xf32, #tpu.memory_space<vmem>>) dst(%dma_wait3A_971 : memref<10240x128xf32, #tpu.memory_space<vmem_shared>>)
        tpu.yield
      }) : () -> ()
      %lt3A_954 = arith.constant 79 : i32
      %lt3A_955 = arith.cmpi slt, %scan3A_687, %lt3A_954 : i32
      %convert_element_type3A_956 = arith.extui %lt3A_955 : i1 to i32
      %cond3A_957 = arith.constant 0 : i32
      %cond3A_958 = arith.cmpi ne, %convert_element_type3A_956, %cond3A_957 : i32
      scf.if %cond3A_958 {
        %add3A_959 = arith.constant 2 : i32
        %add3A_960 = arith.addi %add3A_703, %add3A_959 : i32
        %jit3A_961 = arith.constant 16 : i32
        %div3A_962 = arith.divsi %add3A_960, %jit3A_961 : i32
        %sign3A_963 = arith.constant 0 : i32
        %sign3A_964 = arith.cmpi sgt, %add3A_960, %sign3A_963 : i32
        %sign3A_965 = arith.extui %sign3A_964 : i1 to i32
        %sign3A_966 = arith.constant 0 : i32
        %sign3A_967 = arith.cmpi slt, %add3A_960, %sign3A_966 : i32
        %sign3A_968 = arith.extui %sign3A_967 : i1 to i32
        %sign3A_969 = arith.subi %sign3A_965, %sign3A_968 : i32
        %sign3A_970 = arith.constant 0 : i32
        %sign3A_971 = arith.cmpi sgt, %jit3A_961, %sign3A_970 : i32
        %sign3A_972 = arith.extui %sign3A_971 : i1 to i32
        %sign3A_973 = arith.constant 0 : i32
        %sign3A_974 = arith.cmpi slt, %jit3A_961, %sign3A_973 : i32
        %sign3A_975 = arith.extui %sign3A_974 : i1 to i32
        %sign3A_976 = arith.subi %sign3A_972, %sign3A_975 : i32
        %ne3A_977 = arith.cmpi ne, %sign3A_969, %sign3A_976 : i32
        %rem3A_978 = arith.remsi %add3A_960, %jit3A_961 : i32
        %ne3A_979 = arith.constant 0 : i32
        %ne3A_980 = arith.cmpi ne, %rem3A_978, %ne3A_979 : i32
        %and3A_981 = arith.andi %ne3A_977, %ne3A_980 : i1
        %sub3A_982 = arith.constant 1 : i32
        %sub3A_983 = arith.subi %div3A_962, %sub3A_982 : i32
        %select_n3A_984 = arith.select %and3A_981, %sub3A_983, %div3A_962 : i32
        %jit3A_985 = arith.constant 2 : i32
        %eq3A_986 = arith.constant 0 : i32
        %eq3A_987 = arith.cmpi eq, %jit3A_985, %eq3A_986 : i32
        %jit3A_988 = arith.constant 1 : i32
        %select_n3A_989 = arith.select %eq3A_987, %jit3A_988, %jit3A_985 : i32
        %rem3A_990 = arith.remsi %select_n3A_984, %select_n3A_989 : i32
        %ne3A_991 = arith.constant 0 : i32
        %ne3A_992 = arith.cmpi ne, %rem3A_990, %ne3A_991 : i32
        %lt3A_993 = arith.constant 0 : i32
        %lt3A_994 = arith.cmpi slt, %rem3A_990, %lt3A_993 : i32
        %lt3A_995 = arith.constant 0 : i32
        %lt3A_996 = arith.cmpi slt, %select_n3A_989, %lt3A_995 : i32
        %ne3A_997 = arith.xori %lt3A_994, %lt3A_996 : i1
        %and3A_998 = arith.andi %ne3A_997, %ne3A_992 : i1
        %add3A_999 = arith.addi %rem3A_990, %select_n3A_989 : i32
        %select_n3A_1000 = arith.select %and3A_998, %add3A_999, %rem3A_990 : i32
        %mul3A_1001 = arith.constant 16 : i32
        %mul3A_1002 = arith.muli %select_n3A_1000, %mul3A_1001 : i32
        %jit3A_1003 = arith.constant 16 : i32
        %eq3A_1004 = arith.constant 0 : i32
        %eq3A_1005 = arith.cmpi eq, %jit3A_1003, %eq3A_1004 : i32
        %jit3A_1006 = arith.constant 1 : i32
        %select_n3A_1007 = arith.select %eq3A_1005, %jit3A_1006, %jit3A_1003 : i32
        %rem3A_1008 = arith.remsi %add3A_960, %select_n3A_1007 : i32
        %ne3A_1009 = arith.constant 0 : i32
        %ne3A_1010 = arith.cmpi ne, %rem3A_1008, %ne3A_1009 : i32
        %lt3A_1011 = arith.constant 0 : i32
        %lt3A_1012 = arith.cmpi slt, %rem3A_1008, %lt3A_1011 : i32
        %lt3A_1013 = arith.constant 0 : i32
        %lt3A_1014 = arith.cmpi slt, %select_n3A_1007, %lt3A_1013 : i32
        %ne3A_1015 = arith.xori %lt3A_1012, %lt3A_1014 : i1
        %and3A_1016 = arith.andi %ne3A_1015, %ne3A_1010 : i1
        %add3A_1017 = arith.addi %rem3A_1008, %select_n3A_1007 : i32
        %select_n3A_1018 = arith.select %and3A_1016, %add3A_1017, %rem3A_1008 : i32
        %add3A_1019 = arith.addi %mul3A_1002, %select_n3A_1018 : i32
        %dma_start3A_1020 = arith.constant 0 : i32
        %dma_start3A_1021 = tpu.memref_slice %arg7[%add3A_1019, %dma_start3A_1020] : memref<32x64xi32, #tpu.memory_space<vmem>> -> memref<1x64xi32, #tpu.memory_space<vmem>>
        %dma_start3A_1022 = tpu.memref_squeeze %dma_start3A_1021 : memref<1x64xi32, #tpu.memory_space<vmem>> -> memref<64xi32, #tpu.memory_space<vmem>>
        %dma_start3A_1023 = arith.constant 0 : i32
        %dma_start3A_1024 = arith.constant 0 : i32
        %dma_start3A_1025 = tpu.memref_slice %arg2[%dma_start3A_1023, %dma_start3A_1024] : memref<10000x128xf32, #tpu.memory_space<hbm>> -> memref<10000x128xf32, #tpu.memory_space<hbm>>
        tpu.enqueue_indirect_dma source(%dma_start3A_1025 : memref<10000x128xf32, #tpu.memory_space<hbm>>) target(%arg10 : memref<64x128xf32, #tpu.memory_space<vmem>>) offsets(%dma_start3A_1022 : memref<64xi32, #tpu.memory_space<vmem>>) semaphore(%arg13 : memref<!tpu.dma_semaphore, #tpu.memory_space<semaphore_mem>>)
      } else {
      }
    }
    %scan3A_506 = arith.constant 80 : i32
    %barrier3A_507 = arith.constant 0 : index
    tpu.barrier barrier_id(%barrier3A_507)
    %mul3A_508 = arith.constant 640 : i32
    %mul3A_509 = arith.muli %arg1, %mul3A_508 : i32
    %add3A_510 = arith.constant 0 : i32
    %add3A_511 = arith.addi %mul3A_509, %add3A_510 : i32
    %dma_start3A_512 = arith.constant 0 : i32
    %dma_start3A_513 = arith.constant 0 : i32
    %dma_start3A_514 = tpu.memref_slice %arg11[%dma_start3A_512, %dma_start3A_513] : memref<10x64xi32, #tpu.memory_space<vmem>> -> memref<1x64xi32, #tpu.memory_space<vmem>>
    %dma_start3A_515 = tpu.memref_squeeze %dma_start3A_514 : memref<1x64xi32, #tpu.memory_space<vmem>> -> memref<64xi32, #tpu.memory_space<vmem>>
    %dma_start3A_516 = arith.constant 0 : i32
    %dma_start3A_517 = arith.constant 0 : i32
    %dma_start3A_518 = tpu.memref_slice %arg14[%dma_start3A_516, %dma_start3A_517] : memref<10240x128xf32, #tpu.memory_space<vmem_shared>> -> memref<10240x128xf32, #tpu.memory_space<vmem_shared>>
    tpu.enqueue_indirect_dma source(%dma_start3A_518 : memref<10240x128xf32, #tpu.memory_space<vmem_shared>>) target(%arg9 : memref<64x128xf32, #tpu.memory_space<vmem>>) offsets(%dma_start3A_515 : memref<64xi32, #tpu.memory_space<vmem>>) semaphore(%arg12 : memref<!tpu.dma_semaphore, #tpu.memory_space<semaphore_mem>>)
    %dma_wait3A = arith.constant 0 : i32
    %dma_wait3A_519 = arith.constant 0 : i32
    %dma_wait3A_520 = tpu.memref_slice %arg11[%dma_wait3A, %dma_wait3A_519] : memref<10x64xi32, #tpu.memory_space<vmem>> -> memref<1x64xi32, #tpu.memory_space<vmem>>
    %dma_wait3A_521 = tpu.memref_squeeze %dma_wait3A_520 : memref<1x64xi32, #tpu.memory_space<vmem>> -> memref<64xi32, #tpu.memory_space<vmem>>
    %dma_wait3A_522 = arith.constant 0 : i32
    %dma_wait3A_523 = arith.constant 0 : i32
    %dma_wait3A_524 = tpu.memref_slice %arg14[%dma_wait3A_522, %dma_wait3A_523] : memref<10240x128xf32, #tpu.memory_space<vmem_shared>> -> memref<10240x128xf32, #tpu.memory_space<vmem_shared>>
    tpu.wait_indirect_dma semaphore(%arg12 : memref<!tpu.dma_semaphore, #tpu.memory_space<semaphore_mem>>) src(%dma_wait3A_524 : memref<10240x128xf32, #tpu.memory_space<vmem_shared>>) dst(%arg9 : memref<64x128xf32, #tpu.memory_space<vmem>>)
    "tpu.region"() ({
      %run_scoped3A_687 = tpu.sem_alloc : memref<!tpu.dma_semaphore, #tpu.memory_space<semaphore_mem>>
      %dma_start3A_688 = arith.constant 0 : i32
      %dma_start3A_689 = tpu.memref_slice %arg6[%arg0, %add3A_511, %dma_start3A_688] : memref<2x10240x128xf32, #tpu.memory_space<hbm>> -> memref<1x64x128xf32, #tpu.memory_space<hbm>>
      %dma_start3A_690 = tpu.memref_squeeze %dma_start3A_689 : memref<1x64x128xf32, #tpu.memory_space<hbm>> -> memref<64x128xf32, #tpu.memory_space<hbm>>
      %dma_start3A_691 = arith.constant 0 : i32
      %dma_start3A_692 = tpu.memref_slice %arg6[%arg0, %add3A_511, %dma_start3A_691] : memref<2x10240x128xf32, #tpu.memory_space<hbm>> -> memref<1x64x128xf32, #tpu.memory_space<hbm>>
      %dma_start3A_693 = tpu.memref_squeeze %dma_start3A_692 : memref<1x64x128xf32, #tpu.memory_space<hbm>> -> memref<64x128xf32, #tpu.memory_space<hbm>>
      tpu.enqueue_dma source(%arg9 : memref<64x128xf32, #tpu.memory_space<vmem>>) target(%dma_start3A_693 : memref<64x128xf32, #tpu.memory_space<hbm>>) target_semaphore(%run_scoped3A_687 : memref<!tpu.dma_semaphore, #tpu.memory_space<semaphore_mem>>)
      %dma_wait3A_694 = arith.constant 0 : i32
      %dma_wait3A_695 = tpu.memref_slice %arg6[%arg0, %add3A_511, %dma_wait3A_694] : memref<2x10240x128xf32, #tpu.memory_space<hbm>> -> memref<1x64x128xf32, #tpu.memory_space<hbm>>
      %dma_wait3A_696 = tpu.memref_squeeze %dma_wait3A_695 : memref<1x64x128xf32, #tpu.memory_space<hbm>> -> memref<64x128xf32, #tpu.memory_space<hbm>>
      %dma_wait3A_697 = arith.constant 0 : i32
      %dma_wait3A_698 = tpu.memref_slice %arg6[%arg0, %add3A_511, %dma_wait3A_697] : memref<2x10240x128xf32, #tpu.memory_space<hbm>> -> memref<1x64x128xf32, #tpu.memory_space<hbm>>
      %dma_wait3A_699 = tpu.memref_squeeze %dma_wait3A_698 : memref<1x64x128xf32, #tpu.memory_space<hbm>> -> memref<64x128xf32, #tpu.memory_space<hbm>>
      tpu.wait_dma2 semaphore(%run_scoped3A_687 : memref<!tpu.dma_semaphore, #tpu.memory_space<semaphore_mem>>) src(%arg9 : memref<64x128xf32, #tpu.memory_space<vmem>>) dst(%dma_wait3A_699 : memref<64x128xf32, #tpu.memory_space<hbm>>)
      tpu.yield
    }) : () -> ()
    %mul3A_525 = arith.constant 640 : i32
    %mul3A_526 = arith.muli %arg1, %mul3A_525 : i32
    %add3A_527 = arith.constant 64 : i32
    %add3A_528 = arith.addi %mul3A_526, %add3A_527 : i32
    %dma_start3A_529 = arith.constant 1 : i32
    %dma_start3A_530 = arith.constant 0 : i32
    %dma_start3A_531 = tpu.memref_slice %arg11[%dma_start3A_529, %dma_start3A_530] : memref<10x64xi32, #tpu.memory_space<vmem>> -> memref<1x64xi32, #tpu.memory_space<vmem>>
    %dma_start3A_532 = tpu.memref_squeeze %dma_start3A_531 : memref<1x64xi32, #tpu.memory_space<vmem>> -> memref<64xi32, #tpu.memory_space<vmem>>
    %dma_start3A_533 = arith.constant 0 : i32
    %dma_start3A_534 = arith.constant 0 : i32
    %dma_start3A_535 = tpu.memref_slice %arg14[%dma_start3A_533, %dma_start3A_534] : memref<10240x128xf32, #tpu.memory_space<vmem_shared>> -> memref<10240x128xf32, #tpu.memory_space<vmem_shared>>
    tpu.enqueue_indirect_dma source(%dma_start3A_535 : memref<10240x128xf32, #tpu.memory_space<vmem_shared>>) target(%arg9 : memref<64x128xf32, #tpu.memory_space<vmem>>) offsets(%dma_start3A_532 : memref<64xi32, #tpu.memory_space<vmem>>) semaphore(%arg12 : memref<!tpu.dma_semaphore, #tpu.memory_space<semaphore_mem>>)
    %dma_wait3A_536 = arith.constant 1 : i32
    %dma_wait3A_537 = arith.constant 0 : i32
    %dma_wait3A_538 = tpu.memref_slice %arg11[%dma_wait3A_536, %dma_wait3A_537] : memref<10x64xi32, #tpu.memory_space<vmem>> -> memref<1x64xi32, #tpu.memory_space<vmem>>
    %dma_wait3A_539 = tpu.memref_squeeze %dma_wait3A_538 : memref<1x64xi32, #tpu.memory_space<vmem>> -> memref<64xi32, #tpu.memory_space<vmem>>
    %dma_wait3A_540 = arith.constant 0 : i32
    %dma_wait3A_541 = arith.constant 0 : i32
    %dma_wait3A_542 = tpu.memref_slice %arg14[%dma_wait3A_540, %dma_wait3A_541] : memref<10240x128xf32, #tpu.memory_space<vmem_shared>> -> memref<10240x128xf32, #tpu.memory_space<vmem_shared>>
    tpu.wait_indirect_dma semaphore(%arg12 : memref<!tpu.dma_semaphore, #tpu.memory_space<semaphore_mem>>) src(%dma_wait3A_542 : memref<10240x128xf32, #tpu.memory_space<vmem_shared>>) dst(%arg9 : memref<64x128xf32, #tpu.memory_space<vmem>>)
    "tpu.region"() ({
      %run_scoped3A_687 = tpu.sem_alloc : memref<!tpu.dma_semaphore, #tpu.memory_space<semaphore_mem>>
      %dma_start3A_688 = arith.constant 0 : i32
      %dma_start3A_689 = tpu.memref_slice %arg6[%arg0, %add3A_528, %dma_start3A_688] : memref<2x10240x128xf32, #tpu.memory_space<hbm>> -> memref<1x64x128xf32, #tpu.memory_space<hbm>>
      %dma_start3A_690 = tpu.memref_squeeze %dma_start3A_689 : memref<1x64x128xf32, #tpu.memory_space<hbm>> -> memref<64x128xf32, #tpu.memory_space<hbm>>
      %dma_start3A_691 = arith.constant 0 : i32
      %dma_start3A_692 = tpu.memref_slice %arg6[%arg0, %add3A_528, %dma_start3A_691] : memref<2x10240x128xf32, #tpu.memory_space<hbm>> -> memref<1x64x128xf32, #tpu.memory_space<hbm>>
      %dma_start3A_693 = tpu.memref_squeeze %dma_start3A_692 : memref<1x64x128xf32, #tpu.memory_space<hbm>> -> memref<64x128xf32, #tpu.memory_space<hbm>>
      tpu.enqueue_dma source(%arg9 : memref<64x128xf32, #tpu.memory_space<vmem>>) target(%dma_start3A_693 : memref<64x128xf32, #tpu.memory_space<hbm>>) target_semaphore(%run_scoped3A_687 : memref<!tpu.dma_semaphore, #tpu.memory_space<semaphore_mem>>)
      %dma_wait3A_694 = arith.constant 0 : i32
      %dma_wait3A_695 = tpu.memref_slice %arg6[%arg0, %add3A_528, %dma_wait3A_694] : memref<2x10240x128xf32, #tpu.memory_space<hbm>> -> memref<1x64x128xf32, #tpu.memory_space<hbm>>
      %dma_wait3A_696 = tpu.memref_squeeze %dma_wait3A_695 : memref<1x64x128xf32, #tpu.memory_space<hbm>> -> memref<64x128xf32, #tpu.memory_space<hbm>>
      %dma_wait3A_697 = arith.constant 0 : i32
      %dma_wait3A_698 = tpu.memref_slice %arg6[%arg0, %add3A_528, %dma_wait3A_697] : memref<2x10240x128xf32, #tpu.memory_space<hbm>> -> memref<1x64x128xf32, #tpu.memory_space<hbm>>
      %dma_wait3A_699 = tpu.memref_squeeze %dma_wait3A_698 : memref<1x64x128xf32, #tpu.memory_space<hbm>> -> memref<64x128xf32, #tpu.memory_space<hbm>>
      tpu.wait_dma2 semaphore(%run_scoped3A_687 : memref<!tpu.dma_semaphore, #tpu.memory_space<semaphore_mem>>) src(%arg9 : memref<64x128xf32, #tpu.memory_space<vmem>>) dst(%dma_wait3A_699 : memref<64x128xf32, #tpu.memory_space<hbm>>)
      tpu.yield
    }) : () -> ()
    %mul3A_543 = arith.constant 640 : i32
    %mul3A_544 = arith.muli %arg1, %mul3A_543 : i32
    %add3A_545 = arith.constant 128 : i32
    %add3A_546 = arith.addi %mul3A_544, %add3A_545 : i32
    %dma_start3A_547 = arith.constant 2 : i32
    %dma_start3A_548 = arith.constant 0 : i32
    %dma_start3A_549 = tpu.memref_slice %arg11[%dma_start3A_547, %dma_start3A_548] : memref<10x64xi32, #tpu.memory_space<vmem>> -> memref<1x64xi32, #tpu.memory_space<vmem>>
    %dma_start3A_550 = tpu.memref_squeeze %dma_start3A_549 : memref<1x64xi32, #tpu.memory_space<vmem>> -> memref<64xi32, #tpu.memory_space<vmem>>
    %dma_start3A_551 = arith.constant 0 : i32
    %dma_start3A_552 = arith.constant 0 : i32
    %dma_start3A_553 = tpu.memref_slice %arg14[%dma_start3A_551, %dma_start3A_552] : memref<10240x128xf32, #tpu.memory_space<vmem_shared>> -> memref<10240x128xf32, #tpu.memory_space<vmem_shared>>
    tpu.enqueue_indirect_dma source(%dma_start3A_553 : memref<10240x128xf32, #tpu.memory_space<vmem_shared>>) target(%arg9 : memref<64x128xf32, #tpu.memory_space<vmem>>) offsets(%dma_start3A_550 : memref<64xi32, #tpu.memory_space<vmem>>) semaphore(%arg12 : memref<!tpu.dma_semaphore, #tpu.memory_space<semaphore_mem>>)
    %dma_wait3A_554 = arith.constant 2 : i32
    %dma_wait3A_555 = arith.constant 0 : i32
    %dma_wait3A_556 = tpu.memref_slice %arg11[%dma_wait3A_554, %dma_wait3A_555] : memref<10x64xi32, #tpu.memory_space<vmem>> -> memref<1x64xi32, #tpu.memory_space<vmem>>
    %dma_wait3A_557 = tpu.memref_squeeze %dma_wait3A_556 : memref<1x64xi32, #tpu.memory_space<vmem>> -> memref<64xi32, #tpu.memory_space<vmem>>
    %dma_wait3A_558 = arith.constant 0 : i32
    %dma_wait3A_559 = arith.constant 0 : i32
    %dma_wait3A_560 = tpu.memref_slice %arg14[%dma_wait3A_558, %dma_wait3A_559] : memref<10240x128xf32, #tpu.memory_space<vmem_shared>> -> memref<10240x128xf32, #tpu.memory_space<vmem_shared>>
    tpu.wait_indirect_dma semaphore(%arg12 : memref<!tpu.dma_semaphore, #tpu.memory_space<semaphore_mem>>) src(%dma_wait3A_560 : memref<10240x128xf32, #tpu.memory_space<vmem_shared>>) dst(%arg9 : memref<64x128xf32, #tpu.memory_space<vmem>>)
    "tpu.region"() ({
      %run_scoped3A_687 = tpu.sem_alloc : memref<!tpu.dma_semaphore, #tpu.memory_space<semaphore_mem>>
      %dma_start3A_688 = arith.constant 0 : i32
      %dma_start3A_689 = tpu.memref_slice %arg6[%arg0, %add3A_546, %dma_start3A_688] : memref<2x10240x128xf32, #tpu.memory_space<hbm>> -> memref<1x64x128xf32, #tpu.memory_space<hbm>>
      %dma_start3A_690 = tpu.memref_squeeze %dma_start3A_689 : memref<1x64x128xf32, #tpu.memory_space<hbm>> -> memref<64x128xf32, #tpu.memory_space<hbm>>
      %dma_start3A_691 = arith.constant 0 : i32
      %dma_start3A_692 = tpu.memref_slice %arg6[%arg0, %add3A_546, %dma_start3A_691] : memref<2x10240x128xf32, #tpu.memory_space<hbm>> -> memref<1x64x128xf32, #tpu.memory_space<hbm>>
      %dma_start3A_693 = tpu.memref_squeeze %dma_start3A_692 : memref<1x64x128xf32, #tpu.memory_space<hbm>> -> memref<64x128xf32, #tpu.memory_space<hbm>>
      tpu.enqueue_dma source(%arg9 : memref<64x128xf32, #tpu.memory_space<vmem>>) target(%dma_start3A_693 : memref<64x128xf32, #tpu.memory_space<hbm>>) target_semaphore(%run_scoped3A_687 : memref<!tpu.dma_semaphore, #tpu.memory_space<semaphore_mem>>)
      %dma_wait3A_694 = arith.constant 0 : i32
      %dma_wait3A_695 = tpu.memref_slice %arg6[%arg0, %add3A_546, %dma_wait3A_694] : memref<2x10240x128xf32, #tpu.memory_space<hbm>> -> memref<1x64x128xf32, #tpu.memory_space<hbm>>
      %dma_wait3A_696 = tpu.memref_squeeze %dma_wait3A_695 : memref<1x64x128xf32, #tpu.memory_space<hbm>> -> memref<64x128xf32, #tpu.memory_space<hbm>>
      %dma_wait3A_697 = arith.constant 0 : i32
      %dma_wait3A_698 = tpu.memref_slice %arg6[%arg0, %add3A_546, %dma_wait3A_697] : memref<2x10240x128xf32, #tpu.memory_space<hbm>> -> memref<1x64x128xf32, #tpu.memory_space<hbm>>
      %dma_wait3A_699 = tpu.memref_squeeze %dma_wait3A_698 : memref<1x64x128xf32, #tpu.memory_space<hbm>> -> memref<64x128xf32, #tpu.memory_space<hbm>>
      tpu.wait_dma2 semaphore(%run_scoped3A_687 : memref<!tpu.dma_semaphore, #tpu.memory_space<semaphore_mem>>) src(%arg9 : memref<64x128xf32, #tpu.memory_space<vmem>>) dst(%dma_wait3A_699 : memref<64x128xf32, #tpu.memory_space<hbm>>)
      tpu.yield
    }) : () -> ()
    %mul3A_561 = arith.constant 640 : i32
    %mul3A_562 = arith.muli %arg1, %mul3A_561 : i32
    %add3A_563 = arith.constant 192 : i32
    %add3A_564 = arith.addi %mul3A_562, %add3A_563 : i32
    %dma_start3A_565 = arith.constant 3 : i32
    %dma_start3A_566 = arith.constant 0 : i32
    %dma_start3A_567 = tpu.memref_slice %arg11[%dma_start3A_565, %dma_start3A_566] : memref<10x64xi32, #tpu.memory_space<vmem>> -> memref<1x64xi32, #tpu.memory_space<vmem>>
    %dma_start3A_568 = tpu.memref_squeeze %dma_start3A_567 : memref<1x64xi32, #tpu.memory_space<vmem>> -> memref<64xi32, #tpu.memory_space<vmem>>
    %dma_start3A_569 = arith.constant 0 : i32
    %dma_start3A_570 = arith.constant 0 : i32
    %dma_start3A_571 = tpu.memref_slice %arg14[%dma_start3A_569, %dma_start3A_570] : memref<10240x128xf32, #tpu.memory_space<vmem_shared>> -> memref<10240x128xf32, #tpu.memory_space<vmem_shared>>
    tpu.enqueue_indirect_dma source(%dma_start3A_571 : memref<10240x128xf32, #tpu.memory_space<vmem_shared>>) target(%arg9 : memref<64x128xf32, #tpu.memory_space<vmem>>) offsets(%dma_start3A_568 : memref<64xi32, #tpu.memory_space<vmem>>) semaphore(%arg12 : memref<!tpu.dma_semaphore, #tpu.memory_space<semaphore_mem>>)
    %dma_wait3A_572 = arith.constant 3 : i32
    %dma_wait3A_573 = arith.constant 0 : i32
    %dma_wait3A_574 = tpu.memref_slice %arg11[%dma_wait3A_572, %dma_wait3A_573] : memref<10x64xi32, #tpu.memory_space<vmem>> -> memref<1x64xi32, #tpu.memory_space<vmem>>
    %dma_wait3A_575 = tpu.memref_squeeze %dma_wait3A_574 : memref<1x64xi32, #tpu.memory_space<vmem>> -> memref<64xi32, #tpu.memory_space<vmem>>
    %dma_wait3A_576 = arith.constant 0 : i32
    %dma_wait3A_577 = arith.constant 0 : i32
    %dma_wait3A_578 = tpu.memref_slice %arg14[%dma_wait3A_576, %dma_wait3A_577] : memref<10240x128xf32, #tpu.memory_space<vmem_shared>> -> memref<10240x128xf32, #tpu.memory_space<vmem_shared>>
    tpu.wait_indirect_dma semaphore(%arg12 : memref<!tpu.dma_semaphore, #tpu.memory_space<semaphore_mem>>) src(%dma_wait3A_578 : memref<10240x128xf32, #tpu.memory_space<vmem_shared>>) dst(%arg9 : memref<64x128xf32, #tpu.memory_space<vmem>>)
    "tpu.region"() ({
      %run_scoped3A_687 = tpu.sem_alloc : memref<!tpu.dma_semaphore, #tpu.memory_space<semaphore_mem>>
      %dma_start3A_688 = arith.constant 0 : i32
      %dma_start3A_689 = tpu.memref_slice %arg6[%arg0, %add3A_564, %dma_start3A_688] : memref<2x10240x128xf32, #tpu.memory_space<hbm>> -> memref<1x64x128xf32, #tpu.memory_space<hbm>>
      %dma_start3A_690 = tpu.memref_squeeze %dma_start3A_689 : memref<1x64x128xf32, #tpu.memory_space<hbm>> -> memref<64x128xf32, #tpu.memory_space<hbm>>
      %dma_start3A_691 = arith.constant 0 : i32
      %dma_start3A_692 = tpu.memref_slice %arg6[%arg0, %add3A_564, %dma_start3A_691] : memref<2x10240x128xf32, #tpu.memory_space<hbm>> -> memref<1x64x128xf32, #tpu.memory_space<hbm>>
      %dma_start3A_693 = tpu.memref_squeeze %dma_start3A_692 : memref<1x64x128xf32, #tpu.memory_space<hbm>> -> memref<64x128xf32, #tpu.memory_space<hbm>>
      tpu.enqueue_dma source(%arg9 : memref<64x128xf32, #tpu.memory_space<vmem>>) target(%dma_start3A_693 : memref<64x128xf32, #tpu.memory_space<hbm>>) target_semaphore(%run_scoped3A_687 : memref<!tpu.dma_semaphore, #tpu.memory_space<semaphore_mem>>)
      %dma_wait3A_694 = arith.constant 0 : i32
      %dma_wait3A_695 = tpu.memref_slice %arg6[%arg0, %add3A_564, %dma_wait3A_694] : memref<2x10240x128xf32, #tpu.memory_space<hbm>> -> memref<1x64x128xf32, #tpu.memory_space<hbm>>
      %dma_wait3A_696 = tpu.memref_squeeze %dma_wait3A_695 : memref<1x64x128xf32, #tpu.memory_space<hbm>> -> memref<64x128xf32, #tpu.memory_space<hbm>>
      %dma_wait3A_697 = arith.constant 0 : i32
      %dma_wait3A_698 = tpu.memref_slice %arg6[%arg0, %add3A_564, %dma_wait3A_697] : memref<2x10240x128xf32, #tpu.memory_space<hbm>> -> memref<1x64x128xf32, #tpu.memory_space<hbm>>
      %dma_wait3A_699 = tpu.memref_squeeze %dma_wait3A_698 : memref<1x64x128xf32, #tpu.memory_space<hbm>> -> memref<64x128xf32, #tpu.memory_space<hbm>>
      tpu.wait_dma2 semaphore(%run_scoped3A_687 : memref<!tpu.dma_semaphore, #tpu.memory_space<semaphore_mem>>) src(%arg9 : memref<64x128xf32, #tpu.memory_space<vmem>>) dst(%dma_wait3A_699 : memref<64x128xf32, #tpu.memory_space<hbm>>)
      tpu.yield
    }) : () -> ()
    %mul3A_579 = arith.constant 640 : i32
    %mul3A_580 = arith.muli %arg1, %mul3A_579 : i32
    %add3A_581 = arith.constant 256 : i32
    %add3A_582 = arith.addi %mul3A_580, %add3A_581 : i32
    %dma_start3A_583 = arith.constant 4 : i32
    %dma_start3A_584 = arith.constant 0 : i32
    %dma_start3A_585 = tpu.memref_slice %arg11[%dma_start3A_583, %dma_start3A_584] : memref<10x64xi32, #tpu.memory_space<vmem>> -> memref<1x64xi32, #tpu.memory_space<vmem>>
    %dma_start3A_586 = tpu.memref_squeeze %dma_start3A_585 : memref<1x64xi32, #tpu.memory_space<vmem>> -> memref<64xi32, #tpu.memory_space<vmem>>
    %dma_start3A_587 = arith.constant 0 : i32
    %dma_start3A_588 = arith.constant 0 : i32
    %dma_start3A_589 = tpu.memref_slice %arg14[%dma_start3A_587, %dma_start3A_588] : memref<10240x128xf32, #tpu.memory_space<vmem_shared>> -> memref<10240x128xf32, #tpu.memory_space<vmem_shared>>
    tpu.enqueue_indirect_dma source(%dma_start3A_589 : memref<10240x128xf32, #tpu.memory_space<vmem_shared>>) target(%arg9 : memref<64x128xf32, #tpu.memory_space<vmem>>) offsets(%dma_start3A_586 : memref<64xi32, #tpu.memory_space<vmem>>) semaphore(%arg12 : memref<!tpu.dma_semaphore, #tpu.memory_space<semaphore_mem>>)
    %dma_wait3A_590 = arith.constant 4 : i32
    %dma_wait3A_591 = arith.constant 0 : i32
    %dma_wait3A_592 = tpu.memref_slice %arg11[%dma_wait3A_590, %dma_wait3A_591] : memref<10x64xi32, #tpu.memory_space<vmem>> -> memref<1x64xi32, #tpu.memory_space<vmem>>
    %dma_wait3A_593 = tpu.memref_squeeze %dma_wait3A_592 : memref<1x64xi32, #tpu.memory_space<vmem>> -> memref<64xi32, #tpu.memory_space<vmem>>
    %dma_wait3A_594 = arith.constant 0 : i32
    %dma_wait3A_595 = arith.constant 0 : i32
    %dma_wait3A_596 = tpu.memref_slice %arg14[%dma_wait3A_594, %dma_wait3A_595] : memref<10240x128xf32, #tpu.memory_space<vmem_shared>> -> memref<10240x128xf32, #tpu.memory_space<vmem_shared>>
    tpu.wait_indirect_dma semaphore(%arg12 : memref<!tpu.dma_semaphore, #tpu.memory_space<semaphore_mem>>) src(%dma_wait3A_596 : memref<10240x128xf32, #tpu.memory_space<vmem_shared>>) dst(%arg9 : memref<64x128xf32, #tpu.memory_space<vmem>>)
    "tpu.region"() ({
      %run_scoped3A_687 = tpu.sem_alloc : memref<!tpu.dma_semaphore, #tpu.memory_space<semaphore_mem>>
      %dma_start3A_688 = arith.constant 0 : i32
      %dma_start3A_689 = tpu.memref_slice %arg6[%arg0, %add3A_582, %dma_start3A_688] : memref<2x10240x128xf32, #tpu.memory_space<hbm>> -> memref<1x64x128xf32, #tpu.memory_space<hbm>>
      %dma_start3A_690 = tpu.memref_squeeze %dma_start3A_689 : memref<1x64x128xf32, #tpu.memory_space<hbm>> -> memref<64x128xf32, #tpu.memory_space<hbm>>
      %dma_start3A_691 = arith.constant 0 : i32
      %dma_start3A_692 = tpu.memref_slice %arg6[%arg0, %add3A_582, %dma_start3A_691] : memref<2x10240x128xf32, #tpu.memory_space<hbm>> -> memref<1x64x128xf32, #tpu.memory_space<hbm>>
      %dma_start3A_693 = tpu.memref_squeeze %dma_start3A_692 : memref<1x64x128xf32, #tpu.memory_space<hbm>> -> memref<64x128xf32, #tpu.memory_space<hbm>>
      tpu.enqueue_dma source(%arg9 : memref<64x128xf32, #tpu.memory_space<vmem>>) target(%dma_start3A_693 : memref<64x128xf32, #tpu.memory_space<hbm>>) target_semaphore(%run_scoped3A_687 : memref<!tpu.dma_semaphore, #tpu.memory_space<semaphore_mem>>)
      %dma_wait3A_694 = arith.constant 0 : i32
      %dma_wait3A_695 = tpu.memref_slice %arg6[%arg0, %add3A_582, %dma_wait3A_694] : memref<2x10240x128xf32, #tpu.memory_space<hbm>> -> memref<1x64x128xf32, #tpu.memory_space<hbm>>
      %dma_wait3A_696 = tpu.memref_squeeze %dma_wait3A_695 : memref<1x64x128xf32, #tpu.memory_space<hbm>> -> memref<64x128xf32, #tpu.memory_space<hbm>>
      %dma_wait3A_697 = arith.constant 0 : i32
      %dma_wait3A_698 = tpu.memref_slice %arg6[%arg0, %add3A_582, %dma_wait3A_697] : memref<2x10240x128xf32, #tpu.memory_space<hbm>> -> memref<1x64x128xf32, #tpu.memory_space<hbm>>
      %dma_wait3A_699 = tpu.memref_squeeze %dma_wait3A_698 : memref<1x64x128xf32, #tpu.memory_space<hbm>> -> memref<64x128xf32, #tpu.memory_space<hbm>>
      tpu.wait_dma2 semaphore(%run_scoped3A_687 : memref<!tpu.dma_semaphore, #tpu.memory_space<semaphore_mem>>) src(%arg9 : memref<64x128xf32, #tpu.memory_space<vmem>>) dst(%dma_wait3A_699 : memref<64x128xf32, #tpu.memory_space<hbm>>)
      tpu.yield
    }) : () -> ()
    %mul3A_597 = arith.constant 640 : i32
    %mul3A_598 = arith.muli %arg1, %mul3A_597 : i32
    %add3A_599 = arith.constant 320 : i32
    %add3A_600 = arith.addi %mul3A_598, %add3A_599 : i32
    %dma_start3A_601 = arith.constant 5 : i32
    %dma_start3A_602 = arith.constant 0 : i32
    %dma_start3A_603 = tpu.memref_slice %arg11[%dma_start3A_601, %dma_start3A_602] : memref<10x64xi32, #tpu.memory_space<vmem>> -> memref<1x64xi32, #tpu.memory_space<vmem>>
    %dma_start3A_604 = tpu.memref_squeeze %dma_start3A_603 : memref<1x64xi32, #tpu.memory_space<vmem>> -> memref<64xi32, #tpu.memory_space<vmem>>
    %dma_start3A_605 = arith.constant 0 : i32
    %dma_start3A_606 = arith.constant 0 : i32
    %dma_start3A_607 = tpu.memref_slice %arg14[%dma_start3A_605, %dma_start3A_606] : memref<10240x128xf32, #tpu.memory_space<vmem_shared>> -> memref<10240x128xf32, #tpu.memory_space<vmem_shared>>
    tpu.enqueue_indirect_dma source(%dma_start3A_607 : memref<10240x128xf32, #tpu.memory_space<vmem_shared>>) target(%arg9 : memref<64x128xf32, #tpu.memory_space<vmem>>) offsets(%dma_start3A_604 : memref<64xi32, #tpu.memory_space<vmem>>) semaphore(%arg12 : memref<!tpu.dma_semaphore, #tpu.memory_space<semaphore_mem>>)
    %dma_wait3A_608 = arith.constant 5 : i32
    %dma_wait3A_609 = arith.constant 0 : i32
    %dma_wait3A_610 = tpu.memref_slice %arg11[%dma_wait3A_608, %dma_wait3A_609] : memref<10x64xi32, #tpu.memory_space<vmem>> -> memref<1x64xi32, #tpu.memory_space<vmem>>
    %dma_wait3A_611 = tpu.memref_squeeze %dma_wait3A_610 : memref<1x64xi32, #tpu.memory_space<vmem>> -> memref<64xi32, #tpu.memory_space<vmem>>
    %dma_wait3A_612 = arith.constant 0 : i32
    %dma_wait3A_613 = arith.constant 0 : i32
    %dma_wait3A_614 = tpu.memref_slice %arg14[%dma_wait3A_612, %dma_wait3A_613] : memref<10240x128xf32, #tpu.memory_space<vmem_shared>> -> memref<10240x128xf32, #tpu.memory_space<vmem_shared>>
    tpu.wait_indirect_dma semaphore(%arg12 : memref<!tpu.dma_semaphore, #tpu.memory_space<semaphore_mem>>) src(%dma_wait3A_614 : memref<10240x128xf32, #tpu.memory_space<vmem_shared>>) dst(%arg9 : memref<64x128xf32, #tpu.memory_space<vmem>>)
    "tpu.region"() ({
      %run_scoped3A_687 = tpu.sem_alloc : memref<!tpu.dma_semaphore, #tpu.memory_space<semaphore_mem>>
      %dma_start3A_688 = arith.constant 0 : i32
      %dma_start3A_689 = tpu.memref_slice %arg6[%arg0, %add3A_600, %dma_start3A_688] : memref<2x10240x128xf32, #tpu.memory_space<hbm>> -> memref<1x64x128xf32, #tpu.memory_space<hbm>>
      %dma_start3A_690 = tpu.memref_squeeze %dma_start3A_689 : memref<1x64x128xf32, #tpu.memory_space<hbm>> -> memref<64x128xf32, #tpu.memory_space<hbm>>
      %dma_start3A_691 = arith.constant 0 : i32
      %dma_start3A_692 = tpu.memref_slice %arg6[%arg0, %add3A_600, %dma_start3A_691] : memref<2x10240x128xf32, #tpu.memory_space<hbm>> -> memref<1x64x128xf32, #tpu.memory_space<hbm>>
      %dma_start3A_693 = tpu.memref_squeeze %dma_start3A_692 : memref<1x64x128xf32, #tpu.memory_space<hbm>> -> memref<64x128xf32, #tpu.memory_space<hbm>>
      tpu.enqueue_dma source(%arg9 : memref<64x128xf32, #tpu.memory_space<vmem>>) target(%dma_start3A_693 : memref<64x128xf32, #tpu.memory_space<hbm>>) target_semaphore(%run_scoped3A_687 : memref<!tpu.dma_semaphore, #tpu.memory_space<semaphore_mem>>)
      %dma_wait3A_694 = arith.constant 0 : i32
      %dma_wait3A_695 = tpu.memref_slice %arg6[%arg0, %add3A_600, %dma_wait3A_694] : memref<2x10240x128xf32, #tpu.memory_space<hbm>> -> memref<1x64x128xf32, #tpu.memory_space<hbm>>
      %dma_wait3A_696 = tpu.memref_squeeze %dma_wait3A_695 : memref<1x64x128xf32, #tpu.memory_space<hbm>> -> memref<64x128xf32, #tpu.memory_space<hbm>>
      %dma_wait3A_697 = arith.constant 0 : i32
      %dma_wait3A_698 = tpu.memref_slice %arg6[%arg0, %add3A_600, %dma_wait3A_697] : memref<2x10240x128xf32, #tpu.memory_space<hbm>> -> memref<1x64x128xf32, #tpu.memory_space<hbm>>
      %dma_wait3A_699 = tpu.memref_squeeze %dma_wait3A_698 : memref<1x64x128xf32, #tpu.memory_space<hbm>> -> memref<64x128xf32, #tpu.memory_space<hbm>>
      tpu.wait_dma2 semaphore(%run_scoped3A_687 : memref<!tpu.dma_semaphore, #tpu.memory_space<semaphore_mem>>) src(%arg9 : memref<64x128xf32, #tpu.memory_space<vmem>>) dst(%dma_wait3A_699 : memref<64x128xf32, #tpu.memory_space<hbm>>)
      tpu.yield
    }) : () -> ()
    %mul3A_615 = arith.constant 640 : i32
    %mul3A_616 = arith.muli %arg1, %mul3A_615 : i32
    %add3A_617 = arith.constant 384 : i32
    %add3A_618 = arith.addi %mul3A_616, %add3A_617 : i32
    %dma_start3A_619 = arith.constant 6 : i32
    %dma_start3A_620 = arith.constant 0 : i32
    %dma_start3A_621 = tpu.memref_slice %arg11[%dma_start3A_619, %dma_start3A_620] : memref<10x64xi32, #tpu.memory_space<vmem>> -> memref<1x64xi32, #tpu.memory_space<vmem>>
    %dma_start3A_622 = tpu.memref_squeeze %dma_start3A_621 : memref<1x64xi32, #tpu.memory_space<vmem>> -> memref<64xi32, #tpu.memory_space<vmem>>
    %dma_start3A_623 = arith.constant 0 : i32
    %dma_start3A_624 = arith.constant 0 : i32
    %dma_start3A_625 = tpu.memref_slice %arg14[%dma_start3A_623, %dma_start3A_624] : memref<10240x128xf32, #tpu.memory_space<vmem_shared>> -> memref<10240x128xf32, #tpu.memory_space<vmem_shared>>
    tpu.enqueue_indirect_dma source(%dma_start3A_625 : memref<10240x128xf32, #tpu.memory_space<vmem_shared>>) target(%arg9 : memref<64x128xf32, #tpu.memory_space<vmem>>) offsets(%dma_start3A_622 : memref<64xi32, #tpu.memory_space<vmem>>) semaphore(%arg12 : memref<!tpu.dma_semaphore, #tpu.memory_space<semaphore_mem>>)
    %dma_wait3A_626 = arith.constant 6 : i32
    %dma_wait3A_627 = arith.constant 0 : i32
    %dma_wait3A_628 = tpu.memref_slice %arg11[%dma_wait3A_626, %dma_wait3A_627] : memref<10x64xi32, #tpu.memory_space<vmem>> -> memref<1x64xi32, #tpu.memory_space<vmem>>
    %dma_wait3A_629 = tpu.memref_squeeze %dma_wait3A_628 : memref<1x64xi32, #tpu.memory_space<vmem>> -> memref<64xi32, #tpu.memory_space<vmem>>
    %dma_wait3A_630 = arith.constant 0 : i32
    %dma_wait3A_631 = arith.constant 0 : i32
    %dma_wait3A_632 = tpu.memref_slice %arg14[%dma_wait3A_630, %dma_wait3A_631] : memref<10240x128xf32, #tpu.memory_space<vmem_shared>> -> memref<10240x128xf32, #tpu.memory_space<vmem_shared>>
    tpu.wait_indirect_dma semaphore(%arg12 : memref<!tpu.dma_semaphore, #tpu.memory_space<semaphore_mem>>) src(%dma_wait3A_632 : memref<10240x128xf32, #tpu.memory_space<vmem_shared>>) dst(%arg9 : memref<64x128xf32, #tpu.memory_space<vmem>>)
    "tpu.region"() ({
      %run_scoped3A_687 = tpu.sem_alloc : memref<!tpu.dma_semaphore, #tpu.memory_space<semaphore_mem>>
      %dma_start3A_688 = arith.constant 0 : i32
      %dma_start3A_689 = tpu.memref_slice %arg6[%arg0, %add3A_618, %dma_start3A_688] : memref<2x10240x128xf32, #tpu.memory_space<hbm>> -> memref<1x64x128xf32, #tpu.memory_space<hbm>>
      %dma_start3A_690 = tpu.memref_squeeze %dma_start3A_689 : memref<1x64x128xf32, #tpu.memory_space<hbm>> -> memref<64x128xf32, #tpu.memory_space<hbm>>
      %dma_start3A_691 = arith.constant 0 : i32
      %dma_start3A_692 = tpu.memref_slice %arg6[%arg0, %add3A_618, %dma_start3A_691] : memref<2x10240x128xf32, #tpu.memory_space<hbm>> -> memref<1x64x128xf32, #tpu.memory_space<hbm>>
      %dma_start3A_693 = tpu.memref_squeeze %dma_start3A_692 : memref<1x64x128xf32, #tpu.memory_space<hbm>> -> memref<64x128xf32, #tpu.memory_space<hbm>>
      tpu.enqueue_dma source(%arg9 : memref<64x128xf32, #tpu.memory_space<vmem>>) target(%dma_start3A_693 : memref<64x128xf32, #tpu.memory_space<hbm>>) target_semaphore(%run_scoped3A_687 : memref<!tpu.dma_semaphore, #tpu.memory_space<semaphore_mem>>)
      %dma_wait3A_694 = arith.constant 0 : i32
      %dma_wait3A_695 = tpu.memref_slice %arg6[%arg0, %add3A_618, %dma_wait3A_694] : memref<2x10240x128xf32, #tpu.memory_space<hbm>> -> memref<1x64x128xf32, #tpu.memory_space<hbm>>
      %dma_wait3A_696 = tpu.memref_squeeze %dma_wait3A_695 : memref<1x64x128xf32, #tpu.memory_space<hbm>> -> memref<64x128xf32, #tpu.memory_space<hbm>>
      %dma_wait3A_697 = arith.constant 0 : i32
      %dma_wait3A_698 = tpu.memref_slice %arg6[%arg0, %add3A_618, %dma_wait3A_697] : memref<2x10240x128xf32, #tpu.memory_space<hbm>> -> memref<1x64x128xf32, #tpu.memory_space<hbm>>
      %dma_wait3A_699 = tpu.memref_squeeze %dma_wait3A_698 : memref<1x64x128xf32, #tpu.memory_space<hbm>> -> memref<64x128xf32, #tpu.memory_space<hbm>>
      tpu.wait_dma2 semaphore(%run_scoped3A_687 : memref<!tpu.dma_semaphore, #tpu.memory_space<semaphore_mem>>) src(%arg9 : memref<64x128xf32, #tpu.memory_space<vmem>>) dst(%dma_wait3A_699 : memref<64x128xf32, #tpu.memory_space<hbm>>)
      tpu.yield
    }) : () -> ()
    %mul3A_633 = arith.constant 640 : i32
    %mul3A_634 = arith.muli %arg1, %mul3A_633 : i32
    %add3A_635 = arith.constant 448 : i32
    %add3A_636 = arith.addi %mul3A_634, %add3A_635 : i32
    %dma_start3A_637 = arith.constant 7 : i32
    %dma_start3A_638 = arith.constant 0 : i32
    %dma_start3A_639 = tpu.memref_slice %arg11[%dma_start3A_637, %dma_start3A_638] : memref<10x64xi32, #tpu.memory_space<vmem>> -> memref<1x64xi32, #tpu.memory_space<vmem>>
    %dma_start3A_640 = tpu.memref_squeeze %dma_start3A_639 : memref<1x64xi32, #tpu.memory_space<vmem>> -> memref<64xi32, #tpu.memory_space<vmem>>
    %dma_start3A_641 = arith.constant 0 : i32
    %dma_start3A_642 = arith.constant 0 : i32
    %dma_start3A_643 = tpu.memref_slice %arg14[%dma_start3A_641, %dma_start3A_642] : memref<10240x128xf32, #tpu.memory_space<vmem_shared>> -> memref<10240x128xf32, #tpu.memory_space<vmem_shared>>
    tpu.enqueue_indirect_dma source(%dma_start3A_643 : memref<10240x128xf32, #tpu.memory_space<vmem_shared>>) target(%arg9 : memref<64x128xf32, #tpu.memory_space<vmem>>) offsets(%dma_start3A_640 : memref<64xi32, #tpu.memory_space<vmem>>) semaphore(%arg12 : memref<!tpu.dma_semaphore, #tpu.memory_space<semaphore_mem>>)
    %dma_wait3A_644 = arith.constant 7 : i32
    %dma_wait3A_645 = arith.constant 0 : i32
    %dma_wait3A_646 = tpu.memref_slice %arg11[%dma_wait3A_644, %dma_wait3A_645] : memref<10x64xi32, #tpu.memory_space<vmem>> -> memref<1x64xi32, #tpu.memory_space<vmem>>
    %dma_wait3A_647 = tpu.memref_squeeze %dma_wait3A_646 : memref<1x64xi32, #tpu.memory_space<vmem>> -> memref<64xi32, #tpu.memory_space<vmem>>
    %dma_wait3A_648 = arith.constant 0 : i32
    %dma_wait3A_649 = arith.constant 0 : i32
    %dma_wait3A_650 = tpu.memref_slice %arg14[%dma_wait3A_648, %dma_wait3A_649] : memref<10240x128xf32, #tpu.memory_space<vmem_shared>> -> memref<10240x128xf32, #tpu.memory_space<vmem_shared>>
    tpu.wait_indirect_dma semaphore(%arg12 : memref<!tpu.dma_semaphore, #tpu.memory_space<semaphore_mem>>) src(%dma_wait3A_650 : memref<10240x128xf32, #tpu.memory_space<vmem_shared>>) dst(%arg9 : memref<64x128xf32, #tpu.memory_space<vmem>>)
    "tpu.region"() ({
      %run_scoped3A_687 = tpu.sem_alloc : memref<!tpu.dma_semaphore, #tpu.memory_space<semaphore_mem>>
      %dma_start3A_688 = arith.constant 0 : i32
      %dma_start3A_689 = tpu.memref_slice %arg6[%arg0, %add3A_636, %dma_start3A_688] : memref<2x10240x128xf32, #tpu.memory_space<hbm>> -> memref<1x64x128xf32, #tpu.memory_space<hbm>>
      %dma_start3A_690 = tpu.memref_squeeze %dma_start3A_689 : memref<1x64x128xf32, #tpu.memory_space<hbm>> -> memref<64x128xf32, #tpu.memory_space<hbm>>
      %dma_start3A_691 = arith.constant 0 : i32
      %dma_start3A_692 = tpu.memref_slice %arg6[%arg0, %add3A_636, %dma_start3A_691] : memref<2x10240x128xf32, #tpu.memory_space<hbm>> -> memref<1x64x128xf32, #tpu.memory_space<hbm>>
      %dma_start3A_693 = tpu.memref_squeeze %dma_start3A_692 : memref<1x64x128xf32, #tpu.memory_space<hbm>> -> memref<64x128xf32, #tpu.memory_space<hbm>>
      tpu.enqueue_dma source(%arg9 : memref<64x128xf32, #tpu.memory_space<vmem>>) target(%dma_start3A_693 : memref<64x128xf32, #tpu.memory_space<hbm>>) target_semaphore(%run_scoped3A_687 : memref<!tpu.dma_semaphore, #tpu.memory_space<semaphore_mem>>)
      %dma_wait3A_694 = arith.constant 0 : i32
      %dma_wait3A_695 = tpu.memref_slice %arg6[%arg0, %add3A_636, %dma_wait3A_694] : memref<2x10240x128xf32, #tpu.memory_space<hbm>> -> memref<1x64x128xf32, #tpu.memory_space<hbm>>
      %dma_wait3A_696 = tpu.memref_squeeze %dma_wait3A_695 : memref<1x64x128xf32, #tpu.memory_space<hbm>> -> memref<64x128xf32, #tpu.memory_space<hbm>>
      %dma_wait3A_697 = arith.constant 0 : i32
      %dma_wait3A_698 = tpu.memref_slice %arg6[%arg0, %add3A_636, %dma_wait3A_697] : memref<2x10240x128xf32, #tpu.memory_space<hbm>> -> memref<1x64x128xf32, #tpu.memory_space<hbm>>
      %dma_wait3A_699 = tpu.memref_squeeze %dma_wait3A_698 : memref<1x64x128xf32, #tpu.memory_space<hbm>> -> memref<64x128xf32, #tpu.memory_space<hbm>>
      tpu.wait_dma2 semaphore(%run_scoped3A_687 : memref<!tpu.dma_semaphore, #tpu.memory_space<semaphore_mem>>) src(%arg9 : memref<64x128xf32, #tpu.memory_space<vmem>>) dst(%dma_wait3A_699 : memref<64x128xf32, #tpu.memory_space<hbm>>)
      tpu.yield
    }) : () -> ()
    %mul3A_651 = arith.constant 640 : i32
    %mul3A_652 = arith.muli %arg1, %mul3A_651 : i32
    %add3A_653 = arith.constant 512 : i32
    %add3A_654 = arith.addi %mul3A_652, %add3A_653 : i32
    %dma_start3A_655 = arith.constant 8 : i32
    %dma_start3A_656 = arith.constant 0 : i32
    %dma_start3A_657 = tpu.memref_slice %arg11[%dma_start3A_655, %dma_start3A_656] : memref<10x64xi32, #tpu.memory_space<vmem>> -> memref<1x64xi32, #tpu.memory_space<vmem>>
    %dma_start3A_658 = tpu.memref_squeeze %dma_start3A_657 : memref<1x64xi32, #tpu.memory_space<vmem>> -> memref<64xi32, #tpu.memory_space<vmem>>
    %dma_start3A_659 = arith.constant 0 : i32
    %dma_start3A_660 = arith.constant 0 : i32
    %dma_start3A_661 = tpu.memref_slice %arg14[%dma_start3A_659, %dma_start3A_660] : memref<10240x128xf32, #tpu.memory_space<vmem_shared>> -> memref<10240x128xf32, #tpu.memory_space<vmem_shared>>
    tpu.enqueue_indirect_dma source(%dma_start3A_661 : memref<10240x128xf32, #tpu.memory_space<vmem_shared>>) target(%arg9 : memref<64x128xf32, #tpu.memory_space<vmem>>) offsets(%dma_start3A_658 : memref<64xi32, #tpu.memory_space<vmem>>) semaphore(%arg12 : memref<!tpu.dma_semaphore, #tpu.memory_space<semaphore_mem>>)
    %dma_wait3A_662 = arith.constant 8 : i32
    %dma_wait3A_663 = arith.constant 0 : i32
    %dma_wait3A_664 = tpu.memref_slice %arg11[%dma_wait3A_662, %dma_wait3A_663] : memref<10x64xi32, #tpu.memory_space<vmem>> -> memref<1x64xi32, #tpu.memory_space<vmem>>
    %dma_wait3A_665 = tpu.memref_squeeze %dma_wait3A_664 : memref<1x64xi32, #tpu.memory_space<vmem>> -> memref<64xi32, #tpu.memory_space<vmem>>
    %dma_wait3A_666 = arith.constant 0 : i32
    %dma_wait3A_667 = arith.constant 0 : i32
    %dma_wait3A_668 = tpu.memref_slice %arg14[%dma_wait3A_666, %dma_wait3A_667] : memref<10240x128xf32, #tpu.memory_space<vmem_shared>> -> memref<10240x128xf32, #tpu.memory_space<vmem_shared>>
    tpu.wait_indirect_dma semaphore(%arg12 : memref<!tpu.dma_semaphore, #tpu.memory_space<semaphore_mem>>) src(%dma_wait3A_668 : memref<10240x128xf32, #tpu.memory_space<vmem_shared>>) dst(%arg9 : memref<64x128xf32, #tpu.memory_space<vmem>>)
    "tpu.region"() ({
      %run_scoped3A_687 = tpu.sem_alloc : memref<!tpu.dma_semaphore, #tpu.memory_space<semaphore_mem>>
      %dma_start3A_688 = arith.constant 0 : i32
      %dma_start3A_689 = tpu.memref_slice %arg6[%arg0, %add3A_654, %dma_start3A_688] : memref<2x10240x128xf32, #tpu.memory_space<hbm>> -> memref<1x64x128xf32, #tpu.memory_space<hbm>>
      %dma_start3A_690 = tpu.memref_squeeze %dma_start3A_689 : memref<1x64x128xf32, #tpu.memory_space<hbm>> -> memref<64x128xf32, #tpu.memory_space<hbm>>
      %dma_start3A_691 = arith.constant 0 : i32
      %dma_start3A_692 = tpu.memref_slice %arg6[%arg0, %add3A_654, %dma_start3A_691] : memref<2x10240x128xf32, #tpu.memory_space<hbm>> -> memref<1x64x128xf32, #tpu.memory_space<hbm>>
      %dma_start3A_693 = tpu.memref_squeeze %dma_start3A_692 : memref<1x64x128xf32, #tpu.memory_space<hbm>> -> memref<64x128xf32, #tpu.memory_space<hbm>>
      tpu.enqueue_dma source(%arg9 : memref<64x128xf32, #tpu.memory_space<vmem>>) target(%dma_start3A_693 : memref<64x128xf32, #tpu.memory_space<hbm>>) target_semaphore(%run_scoped3A_687 : memref<!tpu.dma_semaphore, #tpu.memory_space<semaphore_mem>>)
      %dma_wait3A_694 = arith.constant 0 : i32
      %dma_wait3A_695 = tpu.memref_slice %arg6[%arg0, %add3A_654, %dma_wait3A_694] : memref<2x10240x128xf32, #tpu.memory_space<hbm>> -> memref<1x64x128xf32, #tpu.memory_space<hbm>>
      %dma_wait3A_696 = tpu.memref_squeeze %dma_wait3A_695 : memref<1x64x128xf32, #tpu.memory_space<hbm>> -> memref<64x128xf32, #tpu.memory_space<hbm>>
      %dma_wait3A_697 = arith.constant 0 : i32
      %dma_wait3A_698 = tpu.memref_slice %arg6[%arg0, %add3A_654, %dma_wait3A_697] : memref<2x10240x128xf32, #tpu.memory_space<hbm>> -> memref<1x64x128xf32, #tpu.memory_space<hbm>>
      %dma_wait3A_699 = tpu.memref_squeeze %dma_wait3A_698 : memref<1x64x128xf32, #tpu.memory_space<hbm>> -> memref<64x128xf32, #tpu.memory_space<hbm>>
      tpu.wait_dma2 semaphore(%run_scoped3A_687 : memref<!tpu.dma_semaphore, #tpu.memory_space<semaphore_mem>>) src(%arg9 : memref<64x128xf32, #tpu.memory_space<vmem>>) dst(%dma_wait3A_699 : memref<64x128xf32, #tpu.memory_space<hbm>>)
      tpu.yield
    }) : () -> ()
    %mul3A_669 = arith.constant 640 : i32
    %mul3A_670 = arith.muli %arg1, %mul3A_669 : i32
    %add3A_671 = arith.constant 576 : i32
    %add3A_672 = arith.addi %mul3A_670, %add3A_671 : i32
    %dma_start3A_673 = arith.constant 9 : i32
    %dma_start3A_674 = arith.constant 0 : i32
    %dma_start3A_675 = tpu.memref_slice %arg11[%dma_start3A_673, %dma_start3A_674] : memref<10x64xi32, #tpu.memory_space<vmem>> -> memref<1x64xi32, #tpu.memory_space<vmem>>
    %dma_start3A_676 = tpu.memref_squeeze %dma_start3A_675 : memref<1x64xi32, #tpu.memory_space<vmem>> -> memref<64xi32, #tpu.memory_space<vmem>>
    %dma_start3A_677 = arith.constant 0 : i32
    %dma_start3A_678 = arith.constant 0 : i32
    %dma_start3A_679 = tpu.memref_slice %arg14[%dma_start3A_677, %dma_start3A_678] : memref<10240x128xf32, #tpu.memory_space<vmem_shared>> -> memref<10240x128xf32, #tpu.memory_space<vmem_shared>>
    tpu.enqueue_indirect_dma source(%dma_start3A_679 : memref<10240x128xf32, #tpu.memory_space<vmem_shared>>) target(%arg9 : memref<64x128xf32, #tpu.memory_space<vmem>>) offsets(%dma_start3A_676 : memref<64xi32, #tpu.memory_space<vmem>>) semaphore(%arg12 : memref<!tpu.dma_semaphore, #tpu.memory_space<semaphore_mem>>)
    %dma_wait3A_680 = arith.constant 9 : i32
    %dma_wait3A_681 = arith.constant 0 : i32
    %dma_wait3A_682 = tpu.memref_slice %arg11[%dma_wait3A_680, %dma_wait3A_681] : memref<10x64xi32, #tpu.memory_space<vmem>> -> memref<1x64xi32, #tpu.memory_space<vmem>>
    %dma_wait3A_683 = tpu.memref_squeeze %dma_wait3A_682 : memref<1x64xi32, #tpu.memory_space<vmem>> -> memref<64xi32, #tpu.memory_space<vmem>>
    %dma_wait3A_684 = arith.constant 0 : i32
    %dma_wait3A_685 = arith.constant 0 : i32
    %dma_wait3A_686 = tpu.memref_slice %arg14[%dma_wait3A_684, %dma_wait3A_685] : memref<10240x128xf32, #tpu.memory_space<vmem_shared>> -> memref<10240x128xf32, #tpu.memory_space<vmem_shared>>
    tpu.wait_indirect_dma semaphore(%arg12 : memref<!tpu.dma_semaphore, #tpu.memory_space<semaphore_mem>>) src(%dma_wait3A_686 : memref<10240x128xf32, #tpu.memory_space<vmem_shared>>) dst(%arg9 : memref<64x128xf32, #tpu.memory_space<vmem>>)
    "tpu.region"() ({
      %run_scoped3A_687 = tpu.sem_alloc : memref<!tpu.dma_semaphore, #tpu.memory_space<semaphore_mem>>
      %dma_start3A_688 = arith.constant 0 : i32
      %dma_start3A_689 = tpu.memref_slice %arg6[%arg0, %add3A_672, %dma_start3A_688] : memref<2x10240x128xf32, #tpu.memory_space<hbm>> -> memref<1x64x128xf32, #tpu.memory_space<hbm>>
      %dma_start3A_690 = tpu.memref_squeeze %dma_start3A_689 : memref<1x64x128xf32, #tpu.memory_space<hbm>> -> memref<64x128xf32, #tpu.memory_space<hbm>>
      %dma_start3A_691 = arith.constant 0 : i32
      %dma_start3A_692 = tpu.memref_slice %arg6[%arg0, %add3A_672, %dma_start3A_691] : memref<2x10240x128xf32, #tpu.memory_space<hbm>> -> memref<1x64x128xf32, #tpu.memory_space<hbm>>
      %dma_start3A_693 = tpu.memref_squeeze %dma_start3A_692 : memref<1x64x128xf32, #tpu.memory_space<hbm>> -> memref<64x128xf32, #tpu.memory_space<hbm>>
      tpu.enqueue_dma source(%arg9 : memref<64x128xf32, #tpu.memory_space<vmem>>) target(%dma_start3A_693 : memref<64x128xf32, #tpu.memory_space<hbm>>) target_semaphore(%run_scoped3A_687 : memref<!tpu.dma_semaphore, #tpu.memory_space<semaphore_mem>>)
      %dma_wait3A_694 = arith.constant 0 : i32
      %dma_wait3A_695 = tpu.memref_slice %arg6[%arg0, %add3A_672, %dma_wait3A_694] : memref<2x10240x128xf32, #tpu.memory_space<hbm>> -> memref<1x64x128xf32, #tpu.memory_space<hbm>>
      %dma_wait3A_696 = tpu.memref_squeeze %dma_wait3A_695 : memref<1x64x128xf32, #tpu.memory_space<hbm>> -> memref<64x128xf32, #tpu.memory_space<hbm>>
      %dma_wait3A_697 = arith.constant 0 : i32
      %dma_wait3A_698 = tpu.memref_slice %arg6[%arg0, %add3A_672, %dma_wait3A_697] : memref<2x10240x128xf32, #tpu.memory_space<hbm>> -> memref<1x64x128xf32, #tpu.memory_space<hbm>>
      %dma_wait3A_699 = tpu.memref_squeeze %dma_wait3A_698 : memref<1x64x128xf32, #tpu.memory_space<hbm>> -> memref<64x128xf32, #tpu.memory_space<hbm>>
      tpu.wait_dma2 semaphore(%run_scoped3A_687 : memref<!tpu.dma_semaphore, #tpu.memory_space<semaphore_mem>>) src(%arg9 : memref<64x128xf32, #tpu.memory_space<vmem>>) dst(%dma_wait3A_699 : memref<64x128xf32, #tpu.memory_space<hbm>>)
      tpu.yield
    }) : () -> ()
    return
  }
}

module attributes {stable_mosaic.version = 14 : i64} {
  func.func @_inv_cnt_body(%arg0: memref<32x10240xf32, #tpu.memory_space<vmem>>, %arg1: memref<10240x1xf32, #tpu.memory_space<vmem>>) attributes {dimension_semantics = [], scalar_prefetch = 0 : i64, scratch_operands = 0 : i64, tpu.core_type = #tpu.core_type<tc>} {
    %broadcast_in_dim3A = arith.constant 1.000000e+00 : f32
    %broadcast_in_dim3A_0 = vector.broadcast %broadcast_in_dim3A : f32 to vector<32x1xf32>
    %get3A = arith.constant 0 : index
    %get3A_1 = arith.constant 0 : index
    %get3A_2 = vector.load %arg0[%get3A, %get3A_1] : memref<32x10240xf32, #tpu.memory_space<vmem>>, vector<32x10240xf32>
    %dot_general3A = arith.constant dense<0.000000e+00> : vector<10240x1xf32>
    %dot_general3A_3 = tpu.matmul %get3A_2, %broadcast_in_dim3A_0, %dot_general3A {dimension_numbers = #tpu.dot_dimension_numbers<[0], [0], [1], [1], [0, 1, 1, 1], [], []>, transpose_lhs_hint = false} : vector<32x10240xf32>, vector<32x1xf32>, vector<10240x1xf32> -> vector<10240x1xf32>
    %add3A = arith.constant 1.000000e+00 : f32
    %add3A_4 = vector.broadcast %add3A : f32 to vector<10240x1xf32>
    %add3A_5 = arith.addf %dot_general3A_3, %add3A_4 : vector<10240x1xf32>
    %div3A = arith.constant 1.000000e+00 : f32
    %div3A_6 = vector.broadcast %div3A : f32 to vector<10240x1xf32>
    %div3A_7 = arith.divf %div3A_6, %add3A_5 : vector<10240x1xf32>
    %swap3A = arith.constant 0 : index
    %swap3A_8 = arith.constant 0 : index
    %swap3A_9 = vector.load %arg1[%swap3A, %swap3A_8] : memref<10240x1xf32, #tpu.memory_space<vmem>>, vector<10240x1xf32>
    tpu.vector_store %arg1[%swap3A, %swap3A_8], %div3A_7 {strides = array<i32>} : memref<10240x1xf32, #tpu.memory_space<vmem>>, vector<10240x1xf32>,
    return
  }
}

module attributes {stable_mosaic.version = 14 : i64} {
  func.func @_l1_body(%arg0: i32, %arg1: memref<2x2000x128xf32, #tpu.memory_space<vmem>>, %arg2: memref<2000x1xf32, #tpu.memory_space<vmem>>, %arg3: memref<2000x128xf32, #tpu.memory_space<vmem>>, %arg4: memref<128x128xf32, #tpu.memory_space<vmem>>, %arg5: memref<128x128xf32, #tpu.memory_space<vmem>>, %arg6: memref<1x128xf32, #tpu.memory_space<vmem>>, %arg7: memref<2000x128xf32, #tpu.memory_space<vmem>>) attributes {dimension_semantics = [#tpu.dimension_semantics<arbitrary>], iteration_bounds = array<i64: 5>, scalar_prefetch = 0 : i64, scratch_operands = 0 : i64, tpu.core_type = #tpu.core_type<tc>, window_params = [{transform_indices = @transform_0, window_bounds = array<i64: 2, 2000, 128>}, {transform_indices = @transform_1, window_bounds = array<i64: 2000, 1>}, {transform_indices = @transform_2, window_bounds = array<i64: 2000, 128>}, {pipeline_mode = #tpu.pipeline_mode<synchronous>, transform_indices = @transform_3, window_bounds = array<i64: 128, 128>}, {pipeline_mode = #tpu.pipeline_mode<synchronous>, transform_indices = @transform_4, window_bounds = array<i64: 128, 128>}, {pipeline_mode = #tpu.pipeline_mode<synchronous>, transform_indices = @transform_5, window_bounds = array<i64: 1, 128>}, {transform_indices = @transform_6, window_bounds = array<i64: 2000, 128>}]} {
    %get3A = arith.constant 0 : index
    %get3A_0 = arith.constant 0 : index
    %get3A_1 = arith.constant 0 : index
    %get3A_2 = vector.load %arg1[%get3A, %get3A_0, %get3A_1] : memref<2x2000x128xf32, #tpu.memory_space<vmem>>, vector<1x2000x128xf32>
    %get3A_3 = vector.shape_cast %get3A_2 : vector<1x2000x128xf32> to vector<2000x128xf32>
    %get3A_4 = arith.constant 1 : index
    %get3A_5 = arith.constant 0 : index
    %get3A_6 = arith.constant 0 : index
    %get3A_7 = vector.load %arg1[%get3A_4, %get3A_5, %get3A_6] : memref<2x2000x128xf32, #tpu.memory_space<vmem>>, vector<1x2000x128xf32>
    %get3A_8 = vector.shape_cast %get3A_7 : vector<1x2000x128xf32> to vector<2000x128xf32>
    %add3A = arith.addf %get3A_3, %get3A_8 : vector<2000x128xf32>
    %get3A_9 = arith.constant 0 : index
    %get3A_10 = arith.constant 0 : index
    %get3A_11 = vector.load %arg3[%get3A_9, %get3A_10] : memref<2000x128xf32, #tpu.memory_space<vmem>>, vector<2000x128xf32>
    %add3A_12 = arith.addf %add3A, %get3A_11 : vector<2000x128xf32>
    %get3A_13 = arith.constant 0 : index
    %get3A_14 = arith.constant 0 : index
    %get3A_15 = vector.load %arg2[%get3A_13, %get3A_14] : memref<2000x1xf32, #tpu.memory_space<vmem>>, vector<2000x1xf32>
    %mul3A = vector.broadcast %get3A_15 : vector<2000x1xf32> to vector<2000x128xf32>
    %mul3A_16 = arith.mulf %add3A_12, %mul3A : vector<2000x128xf32>
    %get3A_17 = arith.constant 0 : index
    %get3A_18 = arith.constant 0 : index
    %get3A_19 = vector.load %arg4[%get3A_17, %get3A_18] : memref<128x128xf32, #tpu.memory_space<vmem>>, vector<128x128xf32>
    %dot_general3A = arith.constant dense<0.000000e+00> : vector<2000x128xf32>
    %dot_general3A_20 = tpu.matmul %mul3A_16, %get3A_19, %dot_general3A {dimension_numbers = #tpu.dot_dimension_numbers<[1], [0], [0], [1], [0, 0, 1, 1], [], []>, transpose_lhs_hint = false} : vector<2000x128xf32>, vector<128x128xf32>, vector<2000x128xf32> -> vector<2000x128xf32>
    %get3A_21 = arith.constant 0 : index
    %get3A_22 = arith.constant 0 : index
    %get3A_23 = vector.load %arg3[%get3A_21, %get3A_22] : memref<2000x128xf32, #tpu.memory_space<vmem>>, vector<2000x128xf32>
    %get3A_24 = arith.constant 0 : index
    %get3A_25 = arith.constant 0 : index
    %get3A_26 = vector.load %arg5[%get3A_24, %get3A_25] : memref<128x128xf32, #tpu.memory_space<vmem>>, vector<128x128xf32>
    %dot_general3A_27 = arith.constant dense<0.000000e+00> : vector<2000x128xf32>
    %dot_general3A_28 = tpu.matmul %get3A_23, %get3A_26, %dot_general3A_27 {dimension_numbers = #tpu.dot_dimension_numbers<[1], [0], [0], [1], [0, 0, 1, 1], [], []>, transpose_lhs_hint = false} : vector<2000x128xf32>, vector<128x128xf32>, vector<2000x128xf32> -> vector<2000x128xf32>
    %add3A_29 = arith.addf %dot_general3A_20, %dot_general3A_28 : vector<2000x128xf32>
    %get3A_30 = arith.constant 0 : index
    %get3A_31 = arith.constant 0 : index
    %get3A_32 = vector.load %arg6[%get3A_30, %get3A_31] : memref<1x128xf32, #tpu.memory_space<vmem>>, vector<1x128xf32>
    %add3A_33 = vector.broadcast %get3A_32 : vector<1x128xf32> to vector<2000x128xf32>
    %add3A_34 = arith.addf %add3A_29, %add3A_33 : vector<2000x128xf32>
    %max3A = arith.constant 0.000000e+00 : f32
    %max3A_35 = vector.broadcast %max3A : f32 to vector<2000x128xf32>
    %max3A_36 = arith.maximumf %add3A_34, %max3A_35 : vector<2000x128xf32>
    %swap3A = arith.constant 0 : index
    %swap3A_37 = arith.constant 0 : index
    %swap3A_38 = vector.load %arg7[%swap3A, %swap3A_37] : memref<2000x128xf32, #tpu.memory_space<vmem>>, vector<2000x128xf32>
    tpu.vector_store %arg7[%swap3A, %swap3A_37], %max3A_36 {strides = array<i32>} : memref<2000x128xf32, #tpu.memory_space<vmem>>, vector<2000x128xf32>,
    return
  }
  func.func @transform_0(%arg0: i32) -> (i32, i32, i32) {
    %c0_i32 = arith.constant 0 : i32
    %c0_i32_0 = arith.constant 0 : i32
    %c0_i32_1 = arith.constant 0 : i32
    return %c0_i32, %arg0, %c0_i32_0 : i32, i32, i32
  }
  func.func @transform_1(%arg0: i32) -> (i32, i32) {
    %c0_i32 = arith.constant 0 : i32
    %c0_i32_0 = arith.constant 0 : i32
    return %arg0, %c0_i32 : i32, i32
  }
  func.func @transform_2(%arg0: i32) -> (i32, i32) {
    %c0_i32 = arith.constant 0 : i32
    %c0_i32_0 = arith.constant 0 : i32
    return %arg0, %c0_i32 : i32, i32
  }
  func.func @transform_3(%arg0: i32) -> (i32, i32) {
    %c0_i32 = arith.constant 0 : i32
    %c0_i32_0 = arith.constant 0 : i32
    %c0_i32_1 = arith.constant 0 : i32
    return %c0_i32, %c0_i32_0 : i32, i32
  }
  func.func @transform_4(%arg0: i32) -> (i32, i32) {
    %c0_i32 = arith.constant 0 : i32
    %c0_i32_0 = arith.constant 0 : i32
    %c0_i32_1 = arith.constant 0 : i32
    return %c0_i32, %c0_i32_0 : i32, i32
  }
  func.func @transform_5(%arg0: i32) -> (i32, i32) {
    %c0_i32 = arith.constant 0 : i32
    %c0_i32_0 = arith.constant 0 : i32
    %c0_i32_1 = arith.constant 0 : i32
    return %c0_i32, %c0_i32_0 : i32, i32
  }
  func.func @transform_6(%arg0: i32) -> (i32, i32) {
    %c0_i32 = arith.constant 0 : i32
    %c0_i32_0 = arith.constant 0 : i32
    return %arg0, %c0_i32 : i32, i32
  }
}

module attributes {stable_mosaic.version = 14 : i64} {
  func.func @_l2_body(%arg0: i32, %arg1: memref<2x2000x128xf32, #tpu.memory_space<vmem>>, %arg2: memref<2000x1xf32, #tpu.memory_space<vmem>>, %arg3: memref<2000x128xf32, #tpu.memory_space<vmem>>, %arg4: memref<128x128xf32, #tpu.memory_space<vmem>>, %arg5: memref<128x128xf32, #tpu.memory_space<vmem>>, %arg6: memref<1x128xf32, #tpu.memory_space<vmem>>, %arg7: memref<128x128xf32, #tpu.memory_space<vmem>>, %arg8: memref<1x128xf32, #tpu.memory_space<vmem>>, %arg9: memref<128x2xf32, #tpu.memory_space<vmem>>, %arg10: memref<1x2xf32, #tpu.memory_space<vmem>>, %arg11: memref<2000x2xf32, #tpu.memory_space<vmem>>) attributes {dimension_semantics = [#tpu.dimension_semantics<arbitrary>], iteration_bounds = array<i64: 5>, scalar_prefetch = 0 : i64, scratch_operands = 0 : i64, tpu.core_type = #tpu.core_type<tc>, window_params = [{transform_indices = @transform_0, window_bounds = array<i64: 2, 2000, 128>}, {transform_indices = @transform_1, window_bounds = array<i64: 2000, 1>}, {transform_indices = @transform_2, window_bounds = array<i64: 2000, 128>}, {pipeline_mode = #tpu.pipeline_mode<synchronous>, transform_indices = @transform_3, window_bounds = array<i64: 128, 128>}, {pipeline_mode = #tpu.pipeline_mode<synchronous>, transform_indices = @transform_4, window_bounds = array<i64: 128, 128>}, {pipeline_mode = #tpu.pipeline_mode<synchronous>, transform_indices = @transform_5, window_bounds = array<i64: 1, 128>}, {pipeline_mode = #tpu.pipeline_mode<synchronous>, transform_indices = @transform_6, window_bounds = array<i64: 128, 128>}, {pipeline_mode = #tpu.pipeline_mode<synchronous>, transform_indices = @transform_7, window_bounds = array<i64: 1, 128>}, {pipeline_mode = #tpu.pipeline_mode<synchronous>, transform_indices = @transform_8, window_bounds = array<i64: 128, 2>}, {pipeline_mode = #tpu.pipeline_mode<synchronous>, transform_indices = @transform_9, window_bounds = array<i64: 1, 2>}, {transform_indices = @transform_10, window_bounds = array<i64: 2000, 2>}]} {
    %get3A = arith.constant 0 : index
    %get3A_0 = arith.constant 0 : index
    %get3A_1 = arith.constant 0 : index
    %get3A_2 = vector.load %arg1[%get3A, %get3A_0, %get3A_1] : memref<2x2000x128xf32, #tpu.memory_space<vmem>>, vector<1x2000x128xf32>
    %get3A_3 = vector.shape_cast %get3A_2 : vector<1x2000x128xf32> to vector<2000x128xf32>
    %get3A_4 = arith.constant 1 : index
    %get3A_5 = arith.constant 0 : index
    %get3A_6 = arith.constant 0 : index
    %get3A_7 = vector.load %arg1[%get3A_4, %get3A_5, %get3A_6] : memref<2x2000x128xf32, #tpu.memory_space<vmem>>, vector<1x2000x128xf32>
    %get3A_8 = vector.shape_cast %get3A_7 : vector<1x2000x128xf32> to vector<2000x128xf32>
    %add3A = arith.addf %get3A_3, %get3A_8 : vector<2000x128xf32>
    %get3A_9 = arith.constant 0 : index
    %get3A_10 = arith.constant 0 : index
    %get3A_11 = vector.load %arg3[%get3A_9, %get3A_10] : memref<2000x128xf32, #tpu.memory_space<vmem>>, vector<2000x128xf32>
    %add3A_12 = arith.addf %add3A, %get3A_11 : vector<2000x128xf32>
    %get3A_13 = arith.constant 0 : index
    %get3A_14 = arith.constant 0 : index
    %get3A_15 = vector.load %arg2[%get3A_13, %get3A_14] : memref<2000x1xf32, #tpu.memory_space<vmem>>, vector<2000x1xf32>
    %mul3A = vector.broadcast %get3A_15 : vector<2000x1xf32> to vector<2000x128xf32>
    %mul3A_16 = arith.mulf %add3A_12, %mul3A : vector<2000x128xf32>
    %get3A_17 = arith.constant 0 : index
    %get3A_18 = arith.constant 0 : index
    %get3A_19 = vector.load %arg4[%get3A_17, %get3A_18] : memref<128x128xf32, #tpu.memory_space<vmem>>, vector<128x128xf32>
    %dot_general3A = arith.constant dense<0.000000e+00> : vector<2000x128xf32>
    %dot_general3A_20 = tpu.matmul %mul3A_16, %get3A_19, %dot_general3A {dimension_numbers = #tpu.dot_dimension_numbers<[1], [0], [0], [1], [0, 0, 1, 1], [], []>, transpose_lhs_hint = false} : vector<2000x128xf32>, vector<128x128xf32>, vector<2000x128xf32> -> vector<2000x128xf32>
    %get3A_21 = arith.constant 0 : index
    %get3A_22 = arith.constant 0 : index
    %get3A_23 = vector.load %arg3[%get3A_21, %get3A_22] : memref<2000x128xf32, #tpu.memory_space<vmem>>, vector<2000x128xf32>
    %get3A_24 = arith.constant 0 : index
    %get3A_25 = arith.constant 0 : index
    %get3A_26 = vector.load %arg5[%get3A_24, %get3A_25] : memref<128x128xf32, #tpu.memory_space<vmem>>, vector<128x128xf32>
    %dot_general3A_27 = arith.constant dense<0.000000e+00> : vector<2000x128xf32>
    %dot_general3A_28 = tpu.matmul %get3A_23, %get3A_26, %dot_general3A_27 {dimension_numbers = #tpu.dot_dimension_numbers<[1], [0], [0], [1], [0, 0, 1, 1], [], []>, transpose_lhs_hint = false} : vector<2000x128xf32>, vector<128x128xf32>, vector<2000x128xf32> -> vector<2000x128xf32>
    %add3A_29 = arith.addf %dot_general3A_20, %dot_general3A_28 : vector<2000x128xf32>
    %get3A_30 = arith.constant 0 : index
    %get3A_31 = arith.constant 0 : index
    %get3A_32 = vector.load %arg6[%get3A_30, %get3A_31] : memref<1x128xf32, #tpu.memory_space<vmem>>, vector<1x128xf32>
    %add3A_33 = vector.broadcast %get3A_32 : vector<1x128xf32> to vector<2000x128xf32>
    %add3A_34 = arith.addf %add3A_29, %add3A_33 : vector<2000x128xf32>
    %max3A = arith.constant 0.000000e+00 : f32
    %max3A_35 = vector.broadcast %max3A : f32 to vector<2000x128xf32>
    %max3A_36 = arith.maximumf %add3A_34, %max3A_35 : vector<2000x128xf32>
    %get3A_37 = arith.constant 0 : index
    %get3A_38 = arith.constant 0 : index
    %get3A_39 = vector.load %arg7[%get3A_37, %get3A_38] : memref<128x128xf32, #tpu.memory_space<vmem>>, vector<128x128xf32>
    %dot_general3A_40 = arith.constant dense<0.000000e+00> : vector<2000x128xf32>
    %dot_general3A_41 = tpu.matmul %max3A_36, %get3A_39, %dot_general3A_40 {dimension_numbers = #tpu.dot_dimension_numbers<[1], [0], [0], [1], [0, 0, 1, 1], [], []>, transpose_lhs_hint = false} : vector<2000x128xf32>, vector<128x128xf32>, vector<2000x128xf32> -> vector<2000x128xf32>
    %get3A_42 = arith.constant 0 : index
    %get3A_43 = arith.constant 0 : index
    %get3A_44 = vector.load %arg8[%get3A_42, %get3A_43] : memref<1x128xf32, #tpu.memory_space<vmem>>, vector<1x128xf32>
    %add3A_45 = vector.broadcast %get3A_44 : vector<1x128xf32> to vector<2000x128xf32>
    %add3A_46 = arith.addf %dot_general3A_41, %add3A_45 : vector<2000x128xf32>
    %max3A_47 = arith.constant 0.000000e+00 : f32
    %max3A_48 = vector.broadcast %max3A_47 : f32 to vector<2000x128xf32>
    %max3A_49 = arith.maximumf %add3A_46, %max3A_48 : vector<2000x128xf32>
    %get3A_50 = arith.constant 0 : index
    %get3A_51 = arith.constant 0 : index
    %get3A_52 = vector.load %arg9[%get3A_50, %get3A_51] : memref<128x2xf32, #tpu.memory_space<vmem>>, vector<128x2xf32>
    %dot_general3A_53 = arith.constant dense<0.000000e+00> : vector<2000x2xf32>
    %dot_general3A_54 = tpu.matmul %max3A_49, %get3A_52, %dot_general3A_53 {dimension_numbers = #tpu.dot_dimension_numbers<[1], [0], [0], [1], [0, 0, 1, 1], [], []>, transpose_lhs_hint = false} : vector<2000x128xf32>, vector<128x2xf32>, vector<2000x2xf32> -> vector<2000x2xf32>
    %get3A_55 = arith.constant 0 : index
    %get3A_56 = arith.constant 0 : index
    %get3A_57 = vector.load %arg10[%get3A_55, %get3A_56] : memref<1x2xf32, #tpu.memory_space<vmem>>, vector<1x2xf32>
    %add3A_58 = vector.broadcast %get3A_57 : vector<1x2xf32> to vector<2000x2xf32>
    %add3A_59 = arith.addf %dot_general3A_54, %add3A_58 : vector<2000x2xf32>
    %swap3A = arith.constant 0 : index
    %swap3A_60 = arith.constant 0 : index
    %swap3A_61 = vector.load %arg11[%swap3A, %swap3A_60] : memref<2000x2xf32, #tpu.memory_space<vmem>>, vector<2000x2xf32>
    tpu.vector_store %arg11[%swap3A, %swap3A_60], %add3A_59 {strides = array<i32>} : memref<2000x2xf32, #tpu.memory_space<vmem>>, vector<2000x2xf32>,
    return
  }
  func.func @transform_0(%arg0: i32) -> (i32, i32, i32) {
    %c0_i32 = arith.constant 0 : i32
    %c0_i32_0 = arith.constant 0 : i32
    %c0_i32_1 = arith.constant 0 : i32
    return %c0_i32, %arg0, %c0_i32_0 : i32, i32, i32
  }
  func.func @transform_1(%arg0: i32) -> (i32, i32) {
    %c0_i32 = arith.constant 0 : i32
    %c0_i32_0 = arith.constant 0 : i32
    return %arg0, %c0_i32 : i32, i32
  }
  func.func @transform_2(%arg0: i32) -> (i32, i32) {
    %c0_i32 = arith.constant 0 : i32
    %c0_i32_0 = arith.constant 0 : i32
    return %arg0, %c0_i32 : i32, i32
  }
  func.func @transform_3(%arg0: i32) -> (i32, i32) {
    %c0_i32 = arith.constant 0 : i32
    %c0_i32_0 = arith.constant 0 : i32
    %c0_i32_1 = arith.constant 0 : i32
    return %c0_i32, %c0_i32_0 : i32, i32
  }
  func.func @transform_4(%arg0: i32) -> (i32, i32) {
    %c0_i32 = arith.constant 0 : i32
    %c0_i32_0 = arith.constant 0 : i32
    %c0_i32_1 = arith.constant 0 : i32
    return %c0_i32, %c0_i32_0 : i32, i32
  }
  func.func @transform_5(%arg0: i32) -> (i32, i32) {
    %c0_i32 = arith.constant 0 : i32
    %c0_i32_0 = arith.constant 0 : i32
    %c0_i32_1 = arith.constant 0 : i32
    return %c0_i32, %c0_i32_0 : i32, i32
  }
  func.func @transform_6(%arg0: i32) -> (i32, i32) {
    %c0_i32 = arith.constant 0 : i32
    %c0_i32_0 = arith.constant 0 : i32
    %c0_i32_1 = arith.constant 0 : i32
    return %c0_i32, %c0_i32_0 : i32, i32
  }
  func.func @transform_7(%arg0: i32) -> (i32, i32) {
    %c0_i32 = arith.constant 0 : i32
    %c0_i32_0 = arith.constant 0 : i32
    %c0_i32_1 = arith.constant 0 : i32
    return %c0_i32, %c0_i32_0 : i32, i32
  }
  func.func @transform_8(%arg0: i32) -> (i32, i32) {
    %c0_i32 = arith.constant 0 : i32
    %c0_i32_0 = arith.constant 0 : i32
    %c0_i32_1 = arith.constant 0 : i32
    return %c0_i32, %c0_i32_0 : i32, i32
  }
  func.func @transform_9(%arg0: i32) -> (i32, i32) {
    %c0_i32 = arith.constant 0 : i32
    %c0_i32_0 = arith.constant 0 : i32
    %c0_i32_1 = arith.constant 0 : i32
    return %c0_i32, %c0_i32_0 : i32, i32
  }
  func.func @transform_10(%arg0: i32) -> (i32, i32) {
    %c0_i32 = arith.constant 0 : i32
    %c0_i32_0 = arith.constant 0 : i32
    return %arg0, %c0_i32 : i32, i32
  }
}

</mosaic_0001>

<sc_bundles>
// kernel: kernel.10.cloned.1.call-start
scs
__scs_entry_jumppad:
0x0: {  	(pc) =	sbr.rel $0x88, $3  }
0x1: {  	(tag) =	ssettag $0x0;
	lr =	simm.s32 $0x1  }
0x2: {  	[smem:$0x3F97] =	sst lr;
	_ =	strace $0xD0000000  }
0x3: {  	_ = 	snop  }
0x4: {  	_ = 	snop  }
0x5: {  	_ = 	snop  }
0x6: {  	_ = 	snop  }
0x7: {  	_ = 	snop  }
__scs_overlays_trampoline_lowered:
0x8: {  	[smem:$0x3FA6] =	sst s0  }
0x9: {  	[smem:$0x3FA7] =	sst s1  }
0xa: {  	[smem:$0x3FA8] =	sst s2  }
0xb: {  	[smem:$0x3FA9] =	sst s3  }
0xc: {  	[smem:$0x3FAA] =	sst s4  }
0xd: {  	[smem:$0x3FAB] =	sst s5  }
0xe: {  	[smem:$0x3FAC] =	sst s6  }
0xf: {  	[smem:$0x3FAD] =	sst s7  }
0x10: {  	[smem:$0x3FAE] =	sst s8  }
0x11: {  	[smem:$0x3FAF] =	sst s9;
	s0 =	simm.s32 @!p0 $0x0  }
0x12: {  	s1 =	sld [smem:$0x3F95];
	s0 =	simm.s32 @p0 $0x1  }
0x13: {  	[smem:$0x3FB0] =	sst s0;
	s0 =	simm.s32 @!p1 $0x0  }
0x14: {  	s2 =	sld [smem:$0x3F94];
	s0 =	simm.s32 @p1 $0x1  }
0x15: {  	[smem:$0x3FB1] =	sst s0;
	s0 =	simm.s32 @!p2 $0x0  }
0x16: {  	s3 =	sld [smem:$0x3FDB];
	s0 =	simm.s32 @p2 $0x1  }
0x17: {  	s4 =	simm.s32 $0x1BF5;
	[smem:$0x3FB3] =	sst s0  }
0x18: {  	s0 =	sld [smem:$0x3F96];
	_ =	swait.ge [sflag:s4], $0x0  }
0x19: {  	s7 =	sld [smem:$0x3F97]  }
0x1a: {  	s8 =	sadd.s32 $0xFFFFE003, lr  }
0x1b: {  	s9 =	sadd.s32 $0xFFFFFEF7, lr;
	s5 =	simm.s32 $0xFFFFFFFF;
	p2 =	slt.u32 s8, $0xFFFFF086  }
0x1c: {  	p1 =	slt.u32 s9, $0xF7A;
	s5 =	simm.s32 @!p2 $0x0  }
0x1d: {  	s5 =	simm.s32 @p1 $0x1;
	p0 =	seq.s32 s7, s2  }
0x1e: {  	s7 =	smul.u32 @!p0 $0xF7A, s2;
	p2 =	seq.s32 @!p0 s5, $0x0  }
0x1f: {  	s9 =	smul.u32 $0xF7A, s1;
	s8 =	simm.s32 @!p0 $0x1BF5;
	p2 =	por !p2, p0  }
0x20: {  	[sflag:s8] =	ssyncset.s32 @!p0 $0xFFFFF086;
	s6 =	sadd.s32 @!p0 s3, s7;
	s7 =	simm.s32 @!p0 $0x108  }
0x21: {  	s3 =	sadd.s32 s3, s9;
	s6 =	sadd.s32 @!p0 $0x88, s6;
	s7 =	simm.s32 @p2 $0x1082  }
0x22: {  	[simem:s7], [sflag:s8] =	dma.local @!p0 [hbm:s6], $0xF7A  }
0x23: {  	s9 =	sor.u32 $0xD0000000, s2;
	s6 =	simm.s32 $0x108;
	_ =	swait.ge @!p0 [sflag:s8], $0x0  }
0x24: {  	s3 =	sadd.s32 $0x88, s3;
	s6 =	simm.s32 @!p1 $0x1082;
	[sflag:s4] =	ssyncset.s32 $0xFFFFF086  }
0x25: {  	[simem:s6], [sflag:s4] =	dma.local [hbm:s3], $0xF7A  }
0x26: {  	[smem:$0x3F97] =	sst s1;
	(tag) =	ssettag s2;
	_ =	strace s9  }
0x27: {  	s1 =	sld [smem:$0x3FA7]  }
0x28: {  	s2 =	sld [smem:$0x3FA8]  }
0x29: {  	s4 =	sld [smem:$0x3FAA]  }
0x2a: {  	p0 =	seq.s32 s5, $0x0;
	s5 =	sld [smem:$0x3FAB]  }
0x2b: {  	s6 =	sld [smem:$0x3FAC]  }
0x2c: {  	s7 =	sld [smem:$0x3FAD]  }
0x2d: {  	s3 =	simm.s32 $0x108;
	s8 =	sld [smem:$0x3FAE]  }
0x2e: {  	s3 =	simm.s32 @!p0 $0x1082;
	s9 =	sld [smem:$0x3FAF]  }
0x2f: {  	lr =	sadd.s32 s0, s3;
	s0 =	sld [smem:$0x3FA6]  }
0x30: {  	s3 =	sld [smem:$0x3FA9]  }
0x31: {  	[smem:$0x3FB2] =	sst s10  }
0x32: {  	s10 =	sld [smem:$0x3FB0];
	_ =	sdelay $0x3  }
0x33: {  	p0 =	seq.s32 s10, $0x1;
	s10 =	sld [smem:$0x3FB2];
	_ =	sdelay $0x3  }
0x34: {  	[smem:$0x3FB2] =	sst s10  }
0x35: {  	s10 =	sld [smem:$0x3FB1];
	_ =	sdelay $0x3  }
0x36: {  	p1 =	seq.s32 s10, $0x1;
	s10 =	sld [smem:$0x3FB2];
	_ =	sdelay $0x3  }
0x37: {  	[smem:$0x3FB2] =	sst s10  }
0x38: {  	s10 =	sld [smem:$0x3FB3]  }
0x39: {  	_ = 	snop;
	(pc) =	sbr.ind lr, $3  }
0x3a: {  	_ = 	snop  }
0x3b: {  	_ = 	snop  }
0x3c: {  	p2 =	seq.s32 s10, $0x1;
	s10 =	sld [smem:$0x3FB2]  }
0x3d: {  	_ =	shalt  }
0x3e: {  	_ =	shalt  }
0x3f: {  	_ =	shalt  }
0x40: {  	_ =	shalt  }
0x41: {  	_ =	shalt  }
0x42: {  	_ =	shalt  }
0x43: {  	_ =	shalt  }
0x44: {  	_ =	shalt  }
0x45: {  	_ =	shalt  }
0x46: {  	_ =	shalt  }
0x47: {  	_ =	shalt  }
0x48: {  	_ =	shalt  }
0x49: {  	_ =	shalt  }
0x4a: {  	_ =	shalt  }
0x4b: {  	_ =	shalt  }
0x4c: {  	_ =	shalt  }
0x4d: {  	_ =	shalt  }
0x4e: {  	_ =	shalt  }
0x4f: {  	_ =	shalt  }
0x50: {  	_ =	shalt  }
0x51: {  	_ =	shalt  }
0x52: {  	_ =	shalt  }
0x53: {  	_ =	shalt  }
0x54: {  	_ =	shalt  }
0x55: {  	_ =	shalt  }
0x56: {  	_ =	shalt  }
0x57: {  	_ =	shalt  }
0x58: {  	_ =	shalt  }
0x59: {  	_ =	shalt  }
0x5a: {  	_ =	shalt  }
0x5b: {  	_ =	shalt  }
0x5c: {  	_ =	shalt  }
0x5d: {  	_ =	shalt  }
0x5e: {  	_ =	shalt  }
0x5f: {  	_ =	shalt  }
0x60: {  	_ =	shalt  }
0x61: {  	_ =	shalt  }
0x62: {  	_ =	shalt  }
0x63: {  	_ =	shalt  }
0x64: {  	_ =	shalt  }
0x65: {  	_ =	shalt  }
0x66: {  	_ =	shalt  }
0x67: {  	_ =	shalt  }
0x68: {  	_ =	shalt  }
0x69: {  	_ =	shalt  }
0x6a: {  	_ =	shalt  }
0x6b: {  	_ =	shalt  }
0x6c: {  	_ =	shalt  }
0x6d: {  	_ =	shalt  }
0x6e: {  	_ =	shalt  }
0x6f: {  	_ =	shalt  }
0x70: {  	_ =	shalt  }
0x71: {  	_ =	shalt  }
0x72: {  	_ =	shalt  }
0x73: {  	_ =	shalt  }
0x74: {  	_ =	shalt  }
0x75: {  	_ =	shalt  }
0x76: {  	_ =	shalt  }
0x77: {  	_ =	shalt  }
0x78: {  	_ =	shalt  }
0x79: {  	_ =	shalt  }
0x7a: {  	_ =	shalt  }
0x7b: {  	_ =	shalt  }
0x7c: {  	_ =	shalt  }
0x7d: {  	_ =	shalt  }
0x7e: {  	_ =	shalt  }
0x7f: {  	_ =	shalt  }
0x80: {  	_ =	shalt  }
0x81: {  	_ =	shalt  }
0x82: {  	_ =	shalt  }
0x83: {  	_ =	shalt  }
0x84: {  	_ =	shalt  }
0x85: {  	_ =	shalt  }
0x86: {  	_ =	shalt  }
0x87: {  	_ =	shalt  }
.Lfunc_end0:
.L_simem_size_0:
called_computation.1_lowered:
.L_overlay_start_0:
0x88: {  	s2 =	sld [smem:$0x3FD9]  }
0x89: {  	s3 =	sld [smem:$0x3FFE];
	_ =	sdelay $0x1  }
0x8a: {  	s1 =	srdreg.scid  }
0x8b: {  	s0 =	sand.u32 $0x1, s1  }
0x8c: {  	s17 =	sshll.u32 s0, $0xA;
	s2 =	sadd.s32 s3, s2  }
0x8d: {  	s2 =	sadd.s32 s2, s17  }
0x8e: {  	[smem:$0x3FBE] =	sst s2  }
0x8f: {  	_ = 	snop  }
0x90: {  	s2 =	sld [smem:$0x3FD0];
	(tm) =	ssettm $0x1  }
0x91: {  	s18 =	sld [smem:$0x3FFB];
	_ =	sdelay $0x3  }
0x92: {  	_ =	strace s18  }
0x93: {  	s3 =	sld [smem:$0x3FFC];
	_ =	sdelay $0x3  }
0x94: {  	_ =	strace s3  }
0x95: {  	s3 =	sld [smem:$0x3FFD];
	_ =	sdelay $0x3  }
0x96: {  	_ =	strace s3  }
0x97: {  	_ =	strace $0x8FFFFFFF  }
0x98: {  	s19 =	sld [smem:$0x3FDB];
	_ =	sdelay $0x1  }
0x99: {  	s4 =	simm.s32 $_scs_section_size  }
0x9a: {  	s5 =	simm.s32 $_size__tile_overlayer_lowered;
	s6 =	simm.s32 $_tile_overlayer_lowered  }
0x9b: {  	s22 =	simm.s32 $0x1BFF;
	s21 =	sshll.u32 s6, $0x1;
	s3 =	sadd.s32 s4, s19  }
0x9c: {  	s7 =	simm.s32 $0x0;
	s20 =	sshll.u32 s5, $0x1;
	s5 =	sadd.s32 s21, s3  }
0x9d: {  	[timem:s7], [sflag:s22] =	dma.local [hbm:s5], s20  }
0x9e: {  	_ =	swait.ge [sflag:s22], s20  }
0x9f: {  	s4 =	ssub.s32 $0x0, s20;
	[sflag:s22] =	ssyncset.done $0x0  }
0xa0: {  	[sflag:s22] =	ssyncadd.s32 s4;
	_ =	sdelay $0x1  }
0xa1: {  	s23 =	simm.s32 $0x1B8B  }
0xa2: {  	_ =	swait.ge [sflag:s23], $0x1  }
0xa3: {  	[sflag:s23] =	ssyncset.done $0x0  }
0xa4: {  	s25 =	simm.s32 $0x1B8E;
	s24 =	sld [smem:$0x3FFE];
	[sflag:s23] =	ssyncadd.s32 $0xFFFFFFFF  }
0xa5: {  	s26 =	simm.s32 $execute0_lowered;
	[smem:$0x3FD2] =	sst s25  }
0xa6: {  	s5 =	sshll.u32 s26, $0x1;
	_ =	strace $0x80000049;
	[dreg:$0x1] =	wrdreg $0xFFFFFFFF  }
0xa7: {  	s28 =	simm.s32 $_size_execute0_lowered;
	s3 =	sadd.s32 s3, s5;
	[dreg:$0x0] =	wrdreg $0x0  }
0xa8: {  	s5 =	sshll.u32 s28, $0x1;
	[dreg:$0x2] =	wrdreg s3  }
0xa9: {  	[dreg:$0x3] =	wrdreg s5  }
0xaa: {  	[dreg:$0x4] =	wrdreg $0xC0  }
0xab: {  	_ =	task [dreg:s7], $0x5FFFF  }
0xac: {  	[dreg:$0x1] =	wrdreg $0xFFFFFFFF  }
0xad: {  	[dreg:$0x0] =	wrdreg $0x60  }
0xae: {  	[dreg:$0x2] =	wrdreg s24  }
0xaf: {  	[dreg:$0x3] =	wrdreg s2  }
0xb0: {  	[dreg:$0x4] =	wrdreg $0x68000  }
0xb1: {  	[dreg:$0x5] =	wrdreg $0x9  }
0xb2: {  	_ =	task.clear_ibuf [dreg:s7], $0x6FFFF;
	_ =	strace $0x90000049  }
0xb3: {  	s29 =	simm.s32 $0x9;
	_ =	strace $0x8000004B  }
0xb4: {  	_ =	swait.ge [sflag:s29], $0x1  }
0xb5: {  	[sflag:s29] =	ssyncadd.s32 $0xFFFFFFFF  }
0xb6: {  	_ =	strace $0x9000004B  }
0xb7: {  	_ =	sfence  }
0xb8: {  	s30 =	sld [smem:$0x0];
	_ =	sdelay $0x2  }
0xb9: {  	s31 =	sshll.u32 s1, $0xD;
	s1 =	sshrl.u32 s1, $0x2  }
0xba: {  	s3 =	sand.u32 $0x4000, s31;
	s1 =	sadd.s32 s1, s30  }
0xbb: {  	s0 =	sor.u32 s3, s0;
	s1 =	sshll.u32 s1, $0x11  }
0xbc: {  	s0 =	sor.u32 s1, s0  }
0xbd: {  	s0 =	sadd.s32 $0x8F2B, s0  }
0xbe: {  	[sflag:s0] =	ssyncadd.remote.s32 $0x1  }
0xbf: {  	_ =	sfence.sel $0xFFFF  }
0xc0: {  	[dreg:$0x0] =	wrdreg $0xFFFFFFFF;
	(pc) =	sbr.abs _section_cstart, $3  }
0xc1: {  	[dreg:$0x1] =	wrdreg $0xFFFFFFFF  }
0xc2: {  	_ =	task.clear_ibuf [dreg:s7], $0x2FFFF;
	_ =	strace $0x9FFFFFFF  }
0xc3: {  	(tm) =	ssettm $0x7FFFFFFF  }
tec
execute0_lowered:
.L_overlay_start_1:
0x0: {  	(tag) =	ssettag $0x1  }
0x1: {  	s4 =	stileid.u32  }
0x2: {  	s0 =	srdreg.scid;
	s3 =	smul.u32 $0x280, s4  }
0x3: {  	s8 =	sand.u32 $0x1, s0;
	s11 =	smul.u32 $0x14000, s4  }
0x4: {  	s7 =	rddreg [dreg:$0x0];
	s0 =	ssub.s32 $0x2, s8;
	s10 =	smul.u32 $0x140000, s8  }
0x5: {  	s2 =	sshll.u32 s8, $0x4;
	s8 =	smul.u32 $0x50000, s8;
	s1 =	sshrl.u32 s0, $0x1  }
0x6: {  	s9 =	sor.u32 s4, s2;
	s6 =	sor.u32 $0x40, s3;
	s21 =	sadd.s32 $0x80, s3  }
0x7: {  	s20 =	sadd.s32 $0xC0, s3;
	s13 =	sadd.s32 $0x100, s3;
	s12 =	sadd.s32 $0x140, s3  }
0x8: {  	s5 =	sadd.s32 $0x1C0, s3;
	s24 =	sadd.s32 $0x200, s3;
	s25 =	sadd.s32 $0x240, s3  }
0x9: {  	s28 =	sadd.s32 $0x110, s3;
	s29 =	sadd.s32 $0x1B0, s3;
	[dreg:$0x13] =	wrdreg s5  }
0xa: {  	s31 =	sadd.s32 $0x1D0, s3;
	s30 =	ssub.s32 s0, s1;
	[dreg:$0x12] =	wrdreg s24  }
0xb: {  	s0 =	sadd.s32 $0x180, s3;
	[dreg:$0x11] =	wrdreg s25;
	s11 =	sadd.s32 s11, s10  }
0xc: {  	s14 =	sshll.u32 s6, $0x7;
	s15 =	sshll.u32 s21, $0x7;
	s16 =	sshll.u32 s20, $0x7  }
0xd: {  	s17 =	sshll.u32 s13, $0x7;
	s18 =	sshll.u32 s12, $0x7;
	s22 =	sshll.u32 s5, $0x7  }
0xe: {  	v39 =	vlaneseq.u32;
	s23 =	sshll.u32 s24, $0x7;
	s24 =	sshll.u32 s25, $0x7;
	s9 =	smul.u32 $0x5000, s9  }
0xf: {  	s1 =	sadd.s32 $0x90, s3;
	v3 =	vor.u32 s6, v39;
	s6 =	sadd.s32 $0x120, s3;
	v11 =	vor.u32 s20, v39;
	s20 =	sadd.s32 $0x250, s3  }
0x10: {  	v7 =	vor.u32 s21, v39;
	v16 =	vor.u32 s28, v39;
	s21 =	simm.s32 $0x3;
	v27 =	vor.u32 s29, v39;
	s28 =	simm.s32 $0x6100;
	s29 =	simm.s32 $0x6180  }
0x11: {  	v20 =	vor.u32 s12, v39;
	v29 =	vor.u32 s31, v39;
	s31 =	simm.s32 $0x6280;
	s12 =	simm.s32 $0x6400;
	s14 =	sadd.s32 s10, s14  }
0x12: {  	s15 =	sadd.s32 s10, s15;
	s16 =	sadd.s32 s10, s16;
	s19 =	sshll.u32 s0, $0x7  }
0x13: {  	s17 =	sadd.s32 s10, s17;
	s18 =	sadd.s32 s10, s18;
	s22 =	sadd.s32 s10, s22  }
0x14: {  	s23 =	sadd.s32 s10, s23;
	s11 =	sshrl.u32 s11, $0x3;
	v8 =	vor.u32 s1, v39;
	s1 =	sadd.s32 $0x1F0, s3  }
0x15: {  	v17 =	vor.u32 s6, v39;
	s6 =	sadd.s32 $0x260, s3;
	v24 =	vor.u32 s0, v39;
	s0 =	simm.s32 $0x6380;
	s19 =	sadd.s32 s10, s19  }
0x16: {  	s10 =	sadd.s32 s10, s24;
	s24 =	sadd.s32 $0x51A00, s7;
	s2 =	sshrl.u32 s14, $0x3  }
0x17: {  	s5 =	sshrl.u32 s15, $0x3;
	s25 =	sshrl.u32 s16, $0x3;
	s9 =	sshrl.u32 s9, $0x3  }
0x18: {  	v31 =	vor.u32 s1, v39;
	s1 =	simm.s32 $0x4000;
	s26 =	sadd.s32 s24, s11;
	s11 =	sadd.s32 s24, s2  }
0x19: {  	s15 =	sadd.s32 s24, s5;
	s2 =	sshrl.u32 s17, $0x3;
	[dreg:$0x4] =	wrdreg s26  }
0x1a: {  	s5 =	sshrl.u32 s18, $0x3;
	s17 =	sshrl.u32 s22, $0x3;
	[dreg:$0x5] =	wrdreg s11  }
0x1b: {  	s22 =	smul.u32 $0x5000, s4;
	s4 =	sadd.s32 $0x16800, s7;
	[dreg:$0x6] =	wrdreg s15  }
0x1c: {  	s26 =	sadd.s32 s24, s25;
	s11 =	sadd.s32 s24, s2;
	s14 =	sadd.s32 s24, s5  }
0x1d: {  	s15 =	sshrl.u32 s19, $0x3;
	s18 =	sadd.s32 s24, s17;
	[dreg:$0x7] =	wrdreg s26  }
0x1e: {  	s19 =	sshrl.u32 s23, $0x3;
	s25 =	sshrl.u32 s10, $0x3;
	[dreg:$0x8] =	wrdreg s11  }
0x1f: {  	s10 =	simm.s32 $0x0;
	s2 =	sadd.s32 $0x2800, s7;
	[dreg:$0x9] =	wrdreg s14  }
0x20: {  	s16 =	sadd.s32 s24, s15;
	[dreg:$0xb] =	wrdreg s18;
	s23 =	sadd.s32 s24, s19  }
0x21: {  	s26 =	sadd.s32 s24, s25;
	s8 =	sadd.s32 s22, s8;
	[smem:$0x7FF] =	sst s10  }
0x22: {  	s5 =	sadd.s32 s2, s9;
	s9 =	sadd.s32 s4, s9;
	[dreg:$0xa] =	wrdreg s16  }
0x23: {  	s19 =	sadd.s32 $0x2A800, s7;
	s11 =	sor.u32 $0x10, s3;
	[dreg:$0xc] =	wrdreg s23  }
0x24: {  	s14 =	sor.u32 $0x20, s3;
	s15 =	sor.u32 $0x30, s3;
	[dreg:$0xd] =	wrdreg s26  }
0x25: {  	s22 =	sor.u32 $0x50, s3;
	s24 =	sor.u32 $0x70, s3;
	[dreg:$0xe] =	wrdreg s5  }
0x26: {  	s25 =	sadd.s32 $0xD0, s3;
	s7 =	sadd.s32 $0x220, s3;
	[dreg:$0xf] =	wrdreg s9  }
0x27: {  	s8 =	sor.u32 $0x800, s8;
	s16 =	rddreg [dreg:$0x2];
	s23 =	sor.u32 $0x60, s3  }
0x28: {  	s5 =	sadd.s32 $0xE0, s3;
	s26 =	sadd.s32 $0xF0, s3;
	s9 =	sadd.s32 $0x150, s3  }
0x29: {  	v0 =	vor.u32 s11, v39;
	v1 =	vor.u32 s14, v39;
	v2 =	vor.u32 s15, v39;
	s11 =	sadd.s32 $0x160, s3;
	s14 =	sadd.s32 $0x170, s3;
	s15 =	sadd.s32 $0x190, s3  }
0x2a: {  	v4 =	vor.u32 s22, v39;
	v6 =	vor.u32 s24, v39;
	s22 =	sadd.s32 $0x1A0, s3;
	v12 =	vor.u32 s25, v39;
	s25 =	sadd.s32 $0x270, s3;
	s24 =	simm.s32 $0x40  }
0x2b: {  	v18 =	vor.u32 s3, v39;
	s8 =	sshrl.u32 s8, $0x3;
	_ =	strace $0x8000004A;
	v13 =	vor.u32 s5, v39;
	s5 =	sadd.s32 $0x230, s3  }
0x2c: {  	v15 =	vor.u32 s13, v39;
	v5 =	vor.u32 s23, v39;
	v14 =	vor.u32 s26, v39;
	s26 =	smax.u32 s30, $0x1;
	s23 =	simm.s32 $0x2000;
	s30 =	simm.s32 $0x6200  }
0x2d: {  	v37 =	vor.u32 s20, v39;
	v38 =	vor.u32 s6, v39;
	v26 =	vor.u32 s22, v39;
	s22 =	simm.s32 $0x6480;
	s17 =	sadd.s32 s8, s4;
	[dreg:$0x10] =	wrdreg s26  }
0x2e: {  	v34 =	vor.u32 s7, v39;
	v21 =	vor.u32 s9, v39;
	v22 =	vor.u32 s11, v39;
	s18 =	sadd.s32 s8, s2;
	s2 =	sadd.s32 $0xA0, s3;
	s13 =	rddreg [dreg:$0x13]  }
0x2f: {  	v23 =	vor.u32 s14, v39;
	v25 =	vor.u32 s15, v39;
	s4 =	sadd.s32 $0xB0, s3;
	s8 =	sadd.s32 $0x130, s3;
	s14 =	rddreg [dreg:$0x12];
	v35 =	vor.u32 s5, v39  }
0x30: {  	s26 =	simm.s32 $0x6080;
	s15 =	rddreg [dreg:$0x11];
	v9 =	vor.u32 s2, v39;
	v10 =	vor.u32 s4, v39;
	s4 =	sadd.s32 $0x1E0, s3;
	v19 =	vor.u32 s8, v39  }
0x31: {  	s2 =	sadd.s32 $0x210, s3;
	s8 =	simm.s32 $0x6000;
	v28 =	vor.u32 s13, v39;
	s13 =	simm.s32 $0x6300;
	v32 =	vor.u32 s14, v39;
	v36 =	vor.u32 s15, v39  }
0x32: {  	s3 =	simm.s32 $0x2;
	v30 =	vor.u32 s4, v39;
	v33 =	vor.u32 s2, v39;
	s2 =	simm.s32 $0x1;
	v39 =	vor.u32 s25, v39;
	s4 =	simm.s32 $0x0  }
.LBB2_1:
0x33: {  	[tilespmem:$0x6000] =	vst v18  }
0x34: {  	[tilespmem:$0x6010] =	vst v0  }
0x35: {  	[tilespmem:$0x6020] =	vst v1  }
0x36: {  	[tilespmem:$0x6030] =	vst v2  }
0x37: {  	[tilespmem:$0x6080] =	vst v3  }
0x38: {  	[tilespmem:$0x6090] =	vst v4  }
0x39: {  	[tilespmem:$0x60A0] =	vst v5  }
0x3a: {  	[tilespmem:$0x60B0] =	vst v6  }
0x3b: {  	[tilespmem:$0x6100] =	vst v7  }
0x3c: {  	[tilespmem:$0x6110] =	vst v8  }
0x3d: {  	[tilespmem:$0x6120] =	vst v9  }
0x3e: {  	[tilespmem:$0x6130] =	vst v10  }
0x3f: {  	[tilespmem:$0x6180] =	vst v11  }
0x40: {  	[tilespmem:$0x6190] =	vst v12  }
0x41: {  	[tilespmem:$0x61A0] =	vst v13  }
0x42: {  	[tilespmem:$0x61B0] =	vst v14  }
0x43: {  	[tilespmem:$0x6200] =	vst v15  }
0x44: {  	[tilespmem:$0x6210] =	vst v16  }
0x45: {  	[tilespmem:$0x6220] =	vst v17  }
0x46: {  	[tilespmem:$0x6230] =	vst v19  }
0x47: {  	[tilespmem:$0x6280] =	vst v20  }
0x48: {  	[tilespmem:$0x6290] =	vst v21  }
0x49: {  	[tilespmem:$0x62A0] =	vst v22  }
0x4a: {  	[tilespmem:$0x62B0] =	vst v23  }
0x4b: {  	[tilespmem:$0x6300] =	vst v24  }
0x4c: {  	[tilespmem:$0x6310] =	vst v25  }
0x4d: {  	[tilespmem:$0x6320] =	vst v26  }
0x4e: {  	[tilespmem:$0x6330] =	vst v27  }
0x4f: {  	[tilespmem:$0x6380] =	vst v28  }
0x50: {  	[tilespmem:$0x6390] =	vst v29  }
0x51: {  	[tilespmem:$0x63A0] =	vst v30  }
0x52: {  	[tilespmem:$0x63B0] =	vst v31  }
0x53: {  	[tilespmem:$0x6400] =	vst v32  }
0x54: {  	[tilespmem:$0x6410] =	vst v33  }
0x55: {  	[tilespmem:$0x6420] =	vst v34  }
0x56: {  	[tilespmem:$0x6430] =	vst v35  }
0x57: {  	[tilespmem:$0x6480] =	vst v36  }
0x58: {  	[tilespmem:$0x6490] =	vst v37  }
0x59: {  	[tilespmem:$0x64A0] =	vst v38  }
0x5a: {  	[tilespmem:$0x64B0] =	vst v39;
	s5 =	rddreg [dreg:$0xe]  }
0x5b: {  	[tilespmem:s10], [sflag:$0x3] =	stream.linear.gather [hbm4b:s5+s10], $0x800, $0x38;
	[tilespmem:$0x1A800] =	vst v63  }
0x5c: {  	_ =	swait.ge [sflag:s21], $0x800  }
0x5d: {  	[sflag:s21] =	ssyncset.done $0x0  }
0x5e: {  	s6 =	simm.s32 $0x1000;
	s25 =	rddreg [dreg:$0xf];
	[sflag:s21] =	ssyncadd.s32 $0xFFFFF800  }
0x5f: {  	[tilespmem:s6], [sflag:$0x3] =	stream.linear.gather [hbm4b:s25+s10], $0x800, $0x38;
	[tilespmem:$0x1A800] =	vst v63  }
0x60: {  	_ =	swait.ge [sflag:s21], $0x800  }
0x61: {  	[sflag:s21] =	ssyncset.done $0x0  }
0x62: {  	[sflag:s21] =	ssyncadd.s32 $0xFFFFF800  }
0x63: {  	s7 =	rddreg [dreg:$0x1]  }
0x64: {  	[tilespmem:s23], [sflag:$0x3] =	stream.linear.gather [hbm4b:s7+s10], $0x2000, $0x38;
	[tilespmem:$0x1A800] =	vst v63  }
0x65: {  	_ =	swait.ge [sflag:s21], $0x2000  }
0x66: {  	[sflag:s21] =	ssyncset.done $0x0  }
0x67: {  	[sflag:s21] =	ssyncadd.s32 $0xFFFFE000  }
0x68: {  	[spmem:s16] =	stream.indirect.scatter [tilespmem:s23], [sflag:$0x3], $0x80, s8, s24, $0xb8;
	[tilespmem:$0x1A800] =	vst v63  }
0x69: {  	_ =	swait.ge [sflag:s21], $0x2000  }
0x6a: {  	[sflag:s21] =	ssyncset.done $0x0  }
0x6b: {  	[sflag:s21] =	ssyncadd.s32 $0xFFFFE000  }
0x6c: {  	[spmem:s16] =	stream.indirect.scatter [tilespmem:s23], [sflag:$0x3], $0x80, s26, s24, $0xb8;
	[tilespmem:$0x1A800] =	vst v63  }
0x6d: {  	_ =	swait.ge [sflag:s21], $0x2000  }
0x6e: {  	[sflag:s21] =	ssyncset.done $0x0  }
0x6f: {  	[sflag:s21] =	ssyncadd.s32 $0xFFFFE000  }
0x70: {  	[spmem:s16] =	stream.indirect.scatter [tilespmem:s23], [sflag:$0x3], $0x80, s28, s24, $0xb8;
	[tilespmem:$0x1A800] =	vst v63  }
0x71: {  	_ =	swait.ge [sflag:s21], $0x2000  }
0x72: {  	[sflag:s21] =	ssyncset.done $0x0  }
0x73: {  	[sflag:s21] =	ssyncadd.s32 $0xFFFFE000  }
0x74: {  	[spmem:s16] =	stream.indirect.scatter [tilespmem:s23], [sflag:$0x3], $0x80, s29, s24, $0xb8;
	[tilespmem:$0x1A800] =	vst v63  }
0x75: {  	_ =	swait.ge [sflag:s21], $0x2000  }
0x76: {  	[sflag:s21] =	ssyncset.done $0x0  }
0x77: {  	[sflag:s21] =	ssyncadd.s32 $0xFFFFE000  }
0x78: {  	[spmem:s16] =	stream.indirect.scatter [tilespmem:s23], [sflag:$0x3], $0x80, s30, s24, $0xb8;
	[tilespmem:$0x1A800] =	vst v63  }
0x79: {  	_ =	swait.ge [sflag:s21], $0x2000  }
0x7a: {  	[sflag:s21] =	ssyncset.done $0x0  }
0x7b: {  	[sflag:s21] =	ssyncadd.s32 $0xFFFFE000  }
0x7c: {  	[spmem:s16] =	stream.indirect.scatter [tilespmem:s23], [sflag:$0x3], $0x80, s31, s24, $0xb8;
	[tilespmem:$0x1A800] =	vst v63  }
0x7d: {  	_ =	swait.ge [sflag:s21], $0x2000  }
0x7e: {  	[sflag:s21] =	ssyncset.done $0x0  }
0x7f: {  	[sflag:s21] =	ssyncadd.s32 $0xFFFFE000  }
0x80: {  	[spmem:s16] =	stream.indirect.scatter [tilespmem:s23], [sflag:$0x3], $0x80, s13, s24, $0xb8;
	[tilespmem:$0x1A800] =	vst v63  }
0x81: {  	_ =	swait.ge [sflag:s21], $0x2000  }
0x82: {  	[sflag:s21] =	ssyncset.done $0x0  }
0x83: {  	[sflag:s21] =	ssyncadd.s32 $0xFFFFE000  }
0x84: {  	[spmem:s16] =	stream.indirect.scatter [tilespmem:s23], [sflag:$0x3], $0x80, s0, s24, $0xb8;
	[tilespmem:$0x1A800] =	vst v63  }
0x85: {  	_ =	swait.ge [sflag:s21], $0x2000  }
0x86: {  	[sflag:s21] =	ssyncset.done $0x0  }
0x87: {  	[sflag:s21] =	ssyncadd.s32 $0xFFFFE000  }
0x88: {  	[spmem:s16] =	stream.indirect.scatter [tilespmem:s23], [sflag:$0x3], $0x80, s12, s24, $0xb8;
	[tilespmem:$0x1A800] =	vst v63  }
0x89: {  	_ =	swait.ge [sflag:s21], $0x2000  }
0x8a: {  	[sflag:s21] =	ssyncset.done $0x0  }
0x8b: {  	[sflag:s21] =	ssyncadd.s32 $0xFFFFE000  }
0x8c: {  	[spmem:s16] =	stream.indirect.scatter [tilespmem:s23], [sflag:$0x3], $0x80, s22, s24, $0xb8;
	[tilespmem:$0x1A800] =	vst v63  }
0x8d: {  	_ =	swait.ge [sflag:s21], $0x2000  }
0x8e: {  	s11 =	sand.u32 $0x7, s10;
	[sflag:s21] =	ssyncset.done $0x0  }
0x8f: {  	p0 =	sne.s32 s11, $0x0;
	[sflag:s21] =	ssyncadd.s32 $0xFFFFE000  }
0x90: {  	p1 =	por @!p0 $0x0, $0x0;
	[bflag:$0x0] =	sbarrier.arrive $0xFFFF  }
0x91: {  	[tilespmem:s23], [sflag:$0x1] =	stream.indirect.gather [hbm4b:s19+s24], $0x80, s10, s24, $0xb8;
	[tilespmem:$0x1A800] =	vst v63  }
0x92: {  	s9 =	simm.s32 $0x80;
	s5 =	simm.s32 $0x800;
	p0 =	por p1, p0  }
0x93: {  	[tilespmem:s1], [sflag:$0x2] =	stream.indirect.gather [hbm4b:s19+s24], $0x80, s9, s24, $0xb8;
	[tilespmem:$0x1A800] =	vst v63  }
0x94: {  	s5 =	sand.u32 @!p0 $0x800, s5;
	s6 =	simm.s32 @!p0 $0x0;
	s7 =	simm.s32 @!p0 $0x3  }
0x95: {  	[tilespmem:s5], [sflag:$0x3] =	stream.linear.gather @!p0 [hbm4b:s18+s6], $0x800, $0x38;
	[tilespmem:$0x1A800] =	vst v63  }
0x96: {  	_ =	swait.ge @!p0 [sflag:s7], $0x800  }
0x97: {  	[sflag:s7] =	ssyncset.done @!p0 $0x0  }
0x98: {  	s5 =	sor.u32 @!p0 $0x1000, s5;
	[sflag:s7] =	ssyncadd.s32 @!p0 $0xFFFFF800  }
0x99: {  	[tilespmem:s5], [sflag:$0x3] =	stream.linear.gather @!p0 [hbm4b:s17+s6], $0x800, $0x38;
	[tilespmem:$0x1A800] =	vst v63  }
0x9a: {  	_ =	swait.ge @!p0 [sflag:s7], $0x800  }
0x9b: {  	[sflag:s7] =	ssyncset.done @!p0 $0x0  }
0x9c: {  	[sflag:s7] =	ssyncadd.s32 @!p0 $0xFFFFF800  }
0x9d: {  	s14 =	simm.s32 $0x0;
	_ =	swait.ge [sflag:s2], $0x2000  }
0x9e: {  	s15 =	sand.u32 $0xF00, s14;
	[sflag:s2] =	ssyncset.done $0x0  }
0x9f: {  	s5 =	sor.u32 $0x1000, s15;
	[sflag:s2] =	ssyncadd.s32 $0xFFFFE000  }
0xa0: {  	[spmem:s16] =	stream.indirect.scatter.add.f32 [tilespmem:s23], [sflag:$0x3], $0x80, s5, s24, $0xb8;
	[tilespmem:$0x1A800] =	vst v63  }
0xa1: {  	s20 =	simm.s32 $0x400;
	s11 =	simm.s32 $0x600;
	_ =	swait.ge [sflag:s21], $0x2000  }
0xa2: {  	s25 =	simm.s32 $0x1;
	s5 =	sand.u32 $0x3C00, s20;
	[sflag:s21] =	ssyncset.done $0x0  }
0xa3: {  	s14 =	sand.u32 $0x7, s25;
	s5 =	sshrl.u32 s5, $0x2;
	[sflag:s21] =	ssyncadd.s32 $0xFFFFE000  }
0xa4: {  	[tilespmem:s23], [sflag:$0x1] =	stream.indirect.gather [hbm4b:s19+s24], $0x80, s5, s24, $0xb8;
	[tilespmem:$0x1A800] =	vst v63  }
0xa5: {  	s11 =	sand.u32 $0x3E00, s11;
	p1 =	sne.s32 s14, $0x0;
	_ =	swait.ge [sflag:s3], $0x2000  }
0xa6: {  	p2 =	por @!p1 $0x0, $0x0;
	s8 =	sadd.s32 $0x20, s18;
	[sflag:s3] =	ssyncset.done $0x0  }
0xa7: {  	s9 =	simm.s32 $0x900;
	s6 =	sor.u32 $0x1080, s15;
	[sflag:s3] =	ssyncadd.s32 $0xFFFFE000  }
0xa8: {  	[spmem:s16] =	stream.indirect.scatter.add.f32 [tilespmem:s1], [sflag:$0x3], $0x80, s6, s24, $0xb8;
	[tilespmem:$0x1A800] =	vst v63  }
0xa9: {  	s15 =	sshrl.u32 s11, $0x2;
	s7 =	simm.s32 $0x2;
	_ =	swait.ge [sflag:s21], $0x2000  }
0xaa: {  	s5 =	simm.s32 $0xA00;
	s6 =	sadd.s32 $0x20, s17;
	[sflag:s21] =	ssyncset.done $0x0  }
.LBB2_2:
0xab: {  	p1 =	por p2, p1;
	[sflag:s21] =	ssyncadd.s32 $0xFFFFE000  }
0xac: {  	s11 =	smov.u32 s7;
	s7 =	sadd.s32 $0x1, s7;
	s14 =	smov.u32 s5  }
0xad: {  	[tilespmem:s1], [sflag:$0x2] =	stream.indirect.gather [hbm4b:s19+s24], $0x80, s15, s24, $0xb8;
	[tilespmem:$0x1A800] =	vst v63  }
0xae: {  	s15 =	sand.u32 @!p1 $0x800, s9;
	s20 =	simm.s32 @!p1 $0x0;
	s25 =	simm.s32 @!p1 $0x3  }
0xaf: {  	[tilespmem:s15], [sflag:$0x3] =	stream.linear.gather @!p1 [hbm4b:s8+s20], $0x800, $0x38;
	[tilespmem:$0x1A800] =	vst v63  }
0xb0: {  	p0 =	sne.s32 s7, $0x4F;
	s15 =	sor.u32 @!p1 $0x1000, s15;
	_ =	swait.ge @!p1 [sflag:s25], $0x800  }
0xb1: {  	[sflag:s25] =	ssyncset.done @!p1 $0x0  }
0xb2: {  	[sflag:s25] =	ssyncadd.s32 @!p1 $0xFFFFF800  }
0xb3: {  	[tilespmem:s15], [sflag:$0x3] =	stream.linear.gather @!p1 [hbm4b:s6+s20], $0x800, $0x38;
	[tilespmem:$0x1A800] =	vst v63  }
0xb4: {  	_ =	swait.ge @!p1 [sflag:s25], $0x800  }
0xb5: {  	[sflag:s25] =	ssyncset.done @!p1 $0x0  }
0xb6: {  	s15 =	sadd.s32 $0xFFFFFA00, s5;
	[sflag:s25] =	ssyncadd.s32 @!p1 $0xFFFFF800  }
0xb7: {  	s15 =	sshrl.u32 s15, $0x2;
	_ =	swait.ge [sflag:s2], $0x2000  }
0xb8: {  	s15 =	sand.u32 $0xF00, s15;
	[sflag:s2] =	ssyncset.done $0x0  }
0xb9: {  	s20 =	sor.u32 $0x1000, s15;
	[sflag:s2] =	ssyncadd.s32 $0xFFFFE000  }
0xba: {  	[spmem:s16] =	stream.indirect.scatter.add.f32 [tilespmem:s23], [sflag:$0x3], $0x80, s20, s24, $0xb8;
	[tilespmem:$0x1A800] =	vst v63  }
0xbb: {  	s20 =	sadd.s32 $0xFFFFFE00, s5;
	_ =	swait.ge [sflag:s21], $0x2000  }
0xbc: {  	s20 =	sand.u32 $0x3C00, s20;
	[sflag:s21] =	ssyncset.done $0x0  }
0xbd: {  	s5 =	sadd.s32 $0x400, s5;
	s20 =	sshrl.u32 s20, $0x2;
	[sflag:s21] =	ssyncadd.s32 $0xFFFFE000  }
0xbe: {  	[tilespmem:s23], [sflag:$0x1] =	stream.indirect.gather [hbm4b:s19+s24], $0x80, s20, s24, $0xb8;
	[tilespmem:$0x1A800] =	vst v63  }
0xbf: {  	s9 =	sadd.s32 $0x100, s9;
	s8 =	sadd.s32 $0x20, s8;
	_ =	swait.ge [sflag:s3], $0x2000  }
.Ltmp0:
0xc0: {  	s6 =	sadd.s32 $0x20, s6;
	[sflag:s3] =	ssyncset.done $0x0;
	(pc) =	sbr.rel @p0 .LBB2_2-.Ltmp0, $4  }
0xc1: {  	s15 =	sor.u32 $0x1080, s15;
	s20 =	sand.u32 $0x7, s11;
	[sflag:s3] =	ssyncadd.s32 $0xFFFFE000  }
0xc2: {  	[spmem:s16] =	stream.indirect.scatter.add.f32 [tilespmem:s1], [sflag:$0x3], $0x80, s15, s24, $0xb8;
	[tilespmem:$0x1A800] =	vst v63  }
0xc3: {  	s14 =	sand.u32 $0x3E00, s14;
	p1 =	sne.s32 s20, $0x0;
	_ =	swait.ge [sflag:s21], $0x2000  }
0xc4: {  	p2 =	sgt.u32 @!p1 s11, $0x47;
	s15 =	sshrl.u32 s14, $0x2;
	[sflag:s21] =	ssyncset.done $0x0  }
0xc5: {  	p0 =	por p2, p1;
	[sflag:s21] =	ssyncadd.s32 $0xFFFFE000  }
0xc6: {  	[tilespmem:s1], [sflag:$0x2] =	stream.indirect.gather [hbm4b:s19+s24], $0x80, s15, s24, $0xb8;
	[tilespmem:$0x1A800] =	vst v63  }
0xc7: {  	s7 =	sand.u32 @!p0 $0x800, s9;
	s9 =	simm.s32 @!p0 $0x0  }
0xc8: {  	[tilespmem:s7], [sflag:$0x3] =	stream.linear.gather @!p0 [hbm4b:s8+s9], $0x800, $0x38;
	[tilespmem:$0x1A800] =	vst v63  }
0xc9: {  	s8 =	simm.s32 @!p0 $0x3  }
0xca: {  	_ =	swait.ge @!p0 [sflag:s8], $0x800  }
0xcb: {  	[sflag:s8] =	ssyncset.done @!p0 $0x0  }
0xcc: {  	s7 =	sor.u32 @!p0 $0x1000, s7;
	[sflag:s8] =	ssyncadd.s32 @!p0 $0xFFFFF800  }
0xcd: {  	[tilespmem:s7], [sflag:$0x3] =	stream.linear.gather @!p0 [hbm4b:s6+s9], $0x800, $0x38;
	[tilespmem:$0x1A800] =	vst v63  }
0xce: {  	_ =	swait.ge @!p0 [sflag:s8], $0x800  }
0xcf: {  	[sflag:s8] =	ssyncset.done @!p0 $0x0  }
0xd0: {  	s20 =	sadd.s32 $0xFFFFFA00, s5;
	[sflag:s8] =	ssyncadd.s32 @!p0 $0xFFFFF800  }
0xd1: {  	s6 =	sshrl.u32 s20, $0x2;
	_ =	swait.ge [sflag:s2], $0x2000  }
0xd2: {  	s6 =	sand.u32 $0xF00, s6;
	[sflag:s2] =	ssyncset.done $0x0  }
0xd3: {  	s25 =	sor.u32 $0x1000, s6;
	[sflag:s2] =	ssyncadd.s32 $0xFFFFE000  }
0xd4: {  	[spmem:s16] =	stream.indirect.scatter.add.f32 [tilespmem:s23], [sflag:$0x3], $0x80, s25, s24, $0xb8;
	[tilespmem:$0x1A800] =	vst v63  }
0xd5: {  	s8 =	sadd.s32 $0xFFFFFE00, s5;
	_ =	swait.ge [sflag:s21], $0x2000  }
0xd6: {  	s7 =	sand.u32 $0x3C00, s8;
	[sflag:s21] =	ssyncset.done $0x0  }
0xd7: {  	s7 =	sshrl.u32 s7, $0x2;
	[sflag:s21] =	ssyncadd.s32 $0xFFFFE000  }
0xd8: {  	[tilespmem:s23], [sflag:$0x1] =	stream.indirect.gather [hbm4b:s19+s24], $0x80, s7, s24, $0xb8;
	[tilespmem:$0x1A800] =	vst v63  }
0xd9: {  	_ =	swait.ge [sflag:s3], $0x2000  }
0xda: {  	[sflag:s3] =	ssyncset.done $0x0  }
0xdb: {  	s6 =	sor.u32 $0x1080, s6;
	[sflag:s3] =	ssyncadd.s32 $0xFFFFE000  }
0xdc: {  	[spmem:s16] =	stream.indirect.scatter.add.f32 [tilespmem:s1], [sflag:$0x3], $0x80, s6, s24, $0xb8;
	[tilespmem:$0x1A800] =	vst v63  }
0xdd: {  	_ =	swait.ge [sflag:s21], $0x2000  }
0xde: {  	s9 =	sand.u32 $0x3E00, s5;
	[sflag:s21] =	ssyncset.done $0x0  }
0xdf: {  	s5 =	sshrl.u32 s9, $0x2;
	[sflag:s21] =	ssyncadd.s32 $0xFFFFE000  }
0xe0: {  	[tilespmem:s1], [sflag:$0x2] =	stream.indirect.gather [hbm4b:s19+s24], $0x80, s5, s24, $0xb8;
	[tilespmem:$0x1A800] =	vst v63  }
0xe1: {  	_ =	swait.ge [sflag:s2], $0x2000  }
0xe2: {  	[sflag:s2] =	ssyncset.done $0x0  }
0xe3: {  	s11 =	simm.s32 $0x1F00;
	[sflag:s2] =	ssyncadd.s32 $0xFFFFE000  }
0xe4: {  	[spmem:s16] =	stream.indirect.scatter.add.f32 [tilespmem:s23], [sflag:$0x3], $0x80, s11, s24, $0xb8;
	[tilespmem:$0x1A800] =	vst v63  }
0xe5: {  	_ =	swait.ge [sflag:s21], $0x2000  }
0xe6: {  	[sflag:s21] =	ssyncset.done $0x0  }
0xe7: {  	[sflag:s21] =	ssyncadd.s32 $0xFFFFE000  }
0xe8: {  	_ =	swait.ge [sflag:s3], $0x2000  }
0xe9: {  	[sflag:s3] =	ssyncset.done $0x0  }
0xea: {  	s14 =	simm.s32 $0x1F80;
	[sflag:s3] =	ssyncadd.s32 $0xFFFFE000  }
0xeb: {  	[spmem:s16] =	stream.indirect.scatter.add.f32 [tilespmem:s1], [sflag:$0x3], $0x80, s14, s24, $0xb8;
	[tilespmem:$0x1A800] =	vst v63  }
0xec: {  	_ =	swait.ge [sflag:s21], $0x2000  }
0xed: {  	[sflag:s21] =	ssyncset.done $0x0  }
0xee: {  	[sflag:s21] =	ssyncadd.s32 $0xFFFFE000  }
0xef: {  	s8 =	simm.s32 $0x6000;
	[bflag:$0x0] =	sbarrier.arrive $0xFFFF  }
0xf0: {  	[tilespmem:s23], [sflag:$0x1] =	stream.indirect.gather [spmem:s16], $0x80, s8, s24, $0xb8;
	[tilespmem:$0x1A800] =	vst v63  }
0xf1: {  	_ =	swait.ge [sflag:s2], $0x2000  }
0xf2: {  	[sflag:s2] =	ssyncset.done $0x0  }
0xf3: {  	s15 =	rddreg [dreg:$0x4];
	[sflag:s2] =	ssyncadd.s32 $0xFFFFE000  }
0xf4: {  	[hbm4b:s15+s10] =	stream.linear.scatter [tilespmem:s23], [sflag:$0x3], $0x2000, $0x38;
	[tilespmem:$0x1A800] =	vst v63  }
0xf5: {  	_ =	swait.ge [sflag:s21], $0x2000  }
0xf6: {  	[sflag:s21] =	ssyncset.done $0x0  }
0xf7: {  	[sflag:s21] =	ssyncadd.s32 $0xFFFFE000  }
0xf8: {  	[tilespmem:s23], [sflag:$0x1] =	stream.indirect.gather [spmem:s16], $0x80, s26, s24, $0xb8;
	[tilespmem:$0x1A800] =	vst v63  }
0xf9: {  	_ =	swait.ge [sflag:s2], $0x2000  }
0xfa: {  	[sflag:s2] =	ssyncset.done $0x0  }
0xfb: {  	s20 =	rddreg [dreg:$0x5];
	[sflag:s2] =	ssyncadd.s32 $0xFFFFE000  }
0xfc: {  	[hbm4b:s20+s10] =	stream.linear.scatter [tilespmem:s23], [sflag:$0x3], $0x2000, $0x38;
	[tilespmem:$0x1A800] =	vst v63  }
0xfd: {  	_ =	swait.ge [sflag:s21], $0x2000  }
0xfe: {  	[sflag:s21] =	ssyncset.done $0x0  }
0xff: {  	[sflag:s21] =	ssyncadd.s32 $0xFFFFE000  }
0x100: {  	[tilespmem:s23], [sflag:$0x1] =	stream.indirect.gather [spmem:s16], $0x80, s28, s24, $0xb8;
	[tilespmem:$0x1A800] =	vst v63  }
0x101: {  	_ =	swait.ge [sflag:s2], $0x2000  }
0x102: {  	[sflag:s2] =	ssyncset.done $0x0  }
0x103: {  	s25 =	rddreg [dreg:$0x6];
	[sflag:s2] =	ssyncadd.s32 $0xFFFFE000  }
0x104: {  	[hbm4b:s25+s10] =	stream.linear.scatter [tilespmem:s23], [sflag:$0x3], $0x2000, $0x38;
	[tilespmem:$0x1A800] =	vst v63  }
0x105: {  	_ =	swait.ge [sflag:s21], $0x2000  }
0x106: {  	[sflag:s21] =	ssyncset.done $0x0  }
0x107: {  	[sflag:s21] =	ssyncadd.s32 $0xFFFFE000  }
0x108: {  	[tilespmem:s23], [sflag:$0x1] =	stream.indirect.gather [spmem:s16], $0x80, s29, s24, $0xb8;
	[tilespmem:$0x1A800] =	vst v63  }
0x109: {  	_ =	swait.ge [sflag:s2], $0x2000  }
0x10a: {  	[sflag:s2] =	ssyncset.done $0x0  }
0x10b: {  	s6 =	rddreg [dreg:$0x7];
	[sflag:s2] =	ssyncadd.s32 $0xFFFFE000  }
0x10c: {  	[hbm4b:s6+s10] =	stream.linear.scatter [tilespmem:s23], [sflag:$0x3], $0x2000, $0x38;
	[tilespmem:$0x1A800] =	vst v63  }
0x10d: {  	_ =	swait.ge [sflag:s21], $0x2000  }
0x10e: {  	[sflag:s21] =	ssyncset.done $0x0  }
0x10f: {  	[sflag:s21] =	ssyncadd.s32 $0xFFFFE000  }
0x110: {  	[tilespmem:s23], [sflag:$0x1] =	stream.indirect.gather [spmem:s16], $0x80, s30, s24, $0xb8;
	[tilespmem:$0x1A800] =	vst v63  }
0x111: {  	_ =	swait.ge [sflag:s2], $0x2000  }
0x112: {  	[sflag:s2] =	ssyncset.done $0x0  }
0x113: {  	s7 =	rddreg [dreg:$0x8];
	[sflag:s2] =	ssyncadd.s32 $0xFFFFE000  }
0x114: {  	[hbm4b:s7+s10] =	stream.linear.scatter [tilespmem:s23], [sflag:$0x3], $0x2000, $0x38;
	[tilespmem:$0x1A800] =	vst v63  }
0x115: {  	_ =	swait.ge [sflag:s21], $0x2000  }
0x116: {  	[sflag:s21] =	ssyncset.done $0x0  }
0x117: {  	[sflag:s21] =	ssyncadd.s32 $0xFFFFE000  }
0x118: {  	[tilespmem:s23], [sflag:$0x1] =	stream.indirect.gather [spmem:s16], $0x80, s31, s24, $0xb8;
	[tilespmem:$0x1A800] =	vst v63  }
0x119: {  	_ =	swait.ge [sflag:s2], $0x2000  }
0x11a: {  	[sflag:s2] =	ssyncset.done $0x0  }
0x11b: {  	s9 =	rddreg [dreg:$0x9];
	[sflag:s2] =	ssyncadd.s32 $0xFFFFE000  }
0x11c: {  	[hbm4b:s9+s10] =	stream.linear.scatter [tilespmem:s23], [sflag:$0x3], $0x2000, $0x38;
	[tilespmem:$0x1A800] =	vst v63  }
0x11d: {  	_ =	swait.ge [sflag:s21], $0x2000  }
0x11e: {  	[sflag:s21] =	ssyncset.done $0x0  }
0x11f: {  	[sflag:s21] =	ssyncadd.s32 $0xFFFFE000  }
0x120: {  	[tilespmem:s23], [sflag:$0x1] =	stream.indirect.gather [spmem:s16], $0x80, s13, s24, $0xb8;
	[tilespmem:$0x1A800] =	vst v63  }
0x121: {  	_ =	swait.ge [sflag:s2], $0x2000  }
0x122: {  	[sflag:s2] =	ssyncset.done $0x0  }
0x123: {  	s11 =	rddreg [dreg:$0xa];
	[sflag:s2] =	ssyncadd.s32 $0xFFFFE000  }
0x124: {  	[hbm4b:s11+s10] =	stream.linear.scatter [tilespmem:s23], [sflag:$0x3], $0x2000, $0x38;
	[tilespmem:$0x1A800] =	vst v63  }
0x125: {  	_ =	swait.ge [sflag:s21], $0x2000  }
0x126: {  	[sflag:s21] =	ssyncset.done $0x0  }
0x127: {  	[sflag:s21] =	ssyncadd.s32 $0xFFFFE000  }
0x128: {  	[tilespmem:s23], [sflag:$0x1] =	stream.indirect.gather [spmem:s16], $0x80, s0, s24, $0xb8;
	[tilespmem:$0x1A800] =	vst v63  }
0x129: {  	_ =	swait.ge [sflag:s2], $0x2000  }
0x12a: {  	[sflag:s2] =	ssyncset.done $0x0  }
0x12b: {  	s14 =	rddreg [dreg:$0xb];
	[sflag:s2] =	ssyncadd.s32 $0xFFFFE000  }
0x12c: {  	[hbm4b:s14+s10] =	stream.linear.scatter [tilespmem:s23], [sflag:$0x3], $0x2000, $0x38;
	[tilespmem:$0x1A800] =	vst v63  }
0x12d: {  	_ =	swait.ge [sflag:s21], $0x2000  }
0x12e: {  	[sflag:s21] =	ssyncset.done $0x0  }
0x12f: {  	[sflag:s21] =	ssyncadd.s32 $0xFFFFE000  }
0x130: {  	[tilespmem:s23], [sflag:$0x1] =	stream.indirect.gather [spmem:s16], $0x80, s12, s24, $0xb8;
	[tilespmem:$0x1A800] =	vst v63  }
0x131: {  	_ =	swait.ge [sflag:s2], $0x2000  }
0x132: {  	[sflag:s2] =	ssyncset.done $0x0  }
0x133: {  	s15 =	rddreg [dreg:$0xc];
	[sflag:s2] =	ssyncadd.s32 $0xFFFFE000  }
0x134: {  	[hbm4b:s15+s10] =	stream.linear.scatter [tilespmem:s23], [sflag:$0x3], $0x2000, $0x38;
	[tilespmem:$0x1A800] =	vst v63  }
0x135: {  	_ =	swait.ge [sflag:s21], $0x2000  }
0x136: {  	[sflag:s21] =	ssyncset.done $0x0  }
0x137: {  	[sflag:s21] =	ssyncadd.s32 $0xFFFFE000  }
0x138: {  	[tilespmem:s23], [sflag:$0x1] =	stream.indirect.gather [spmem:s16], $0x80, s22, s24, $0xb8;
	[tilespmem:$0x1A800] =	vst v63  }
0x139: {  	_ =	swait.ge [sflag:s2], $0x2000  }
0x13a: {  	[sflag:s2] =	ssyncset.done $0x0  }
0x13b: {  	s20 =	rddreg [dreg:$0xd];
	[sflag:s2] =	ssyncadd.s32 $0xFFFFE000  }
0x13c: {  	[hbm4b:s20+s10] =	stream.linear.scatter [tilespmem:s23], [sflag:$0x3], $0x2000, $0x38;
	[tilespmem:$0x1A800] =	vst v63  }
0x13d: {  	_ =	swait.ge [sflag:s21], $0x2000  }
0x13e: {  	s4 =	sadd.s32 $0x1, s4;
	s25 =	rddreg [dreg:$0x10]  }
0x13f: {  	p0 =	sne.s32 s4, s25  }
.Ltmp1:
0x140: {  	_ = 	snop;
	(pc) =	sbr.rel @p0 .LBB2_1-.Ltmp1, $3  }
0x141: {  	_ =	sdelay $0x1  }
0x142: {  	[sflag:s21] =	ssyncset.done $0x0  }
0x143: {  	[sflag:s21] =	ssyncadd.s32 $0xFFFFE000  }
0x144: {  	_ =	sfence.sel $0x180000  }
0x145: {  	[bflag:$0x0] =	sbarrier.arrive $0xFFFF  }
0x146: {  	_ =	strace $0x9000004A  }
0x147: {  	s0 =	stileid.u32;
	[bflag:$0x2] =	sbarrier.arrive $0xFFFF  }
0x148: {  	p0 =	sne.s32 s0, $0x0;
	s0 =	rddreg [dreg:$0x3]  }
0x149: {  	s0 =	sadd.s32 @!p0 $0x100000, s0  }
0x14a: {  	[sflag:s0] =	ssyncadd.tile.s32 @!p0 $0x1;
	_ =	shalt  }
.Lfunc_end2:
_tile_overlayer_lowered:
.L_overlay_start_2:
0x14b: {  	(tag) =	ssettag $0x2  }
0x14c: {  	s0 =	rddreg [dreg:$0x0];
	s2 =	stileid.u32  }
0x14d: {  	s1 =	rddreg [dreg:$0x1];
	p0 =	sne.s32 s2, $0x0  }
0x14e: {  	s3 =	rddreg [dreg:$0x2];
	[bflag:$0x3] =	sbarrier.arrive $0xFFFF;
	s2 =	simm.s32 @!p0 $0x1C03  }
0x14f: {  	[timem:s3], [sflag:s2] =	dma.local @!p0 [hbm:s0], s1  }
0x150: {  	s0 =	simm.s32 @!p0 $0x3  }
0x151: {  	_ =	swait.ge @!p0 [sflag:s0], s1  }
0x152: {  	s1 =	ssub.s32 @!p0 $0x0, s1;
	[sflag:s0] =	ssyncset.done @!p0 $0x0  }
0x153: {  	[sflag:s0] =	ssyncadd.s32 @!p0 s1  }
0x154: {  	[bflag:$0x3] =	sbarrier.arrive $0xFFFF  }
0x155: {  	_ =	shalt  }

// kernel: kernel.7.cloned.1.call-start
scs
__scs_entry_jumppad:
0x0: {  	(pc) =	sbr.rel $0x88, $3  }
0x1: {  	(tag) =	ssettag $0x0;
	lr =	simm.s32 $0x1  }
0x2: {  	[smem:$0x3F97] =	sst lr;
	_ =	strace $0xD0000000  }
0x3: {  	_ = 	snop  }
0x4: {  	_ = 	snop  }
0x5: {  	_ = 	snop  }
0x6: {  	_ = 	snop  }
0x7: {  	_ = 	snop  }
__scs_overlays_trampoline_lowered:
0x8: {  	[smem:$0x3FA6] =	sst s0  }
0x9: {  	[smem:$0x3FA7] =	sst s1  }
0xa: {  	[smem:$0x3FA8] =	sst s2  }
0xb: {  	[smem:$0x3FA9] =	sst s3  }
0xc: {  	[smem:$0x3FAA] =	sst s4  }
0xd: {  	[smem:$0x3FAB] =	sst s5  }
0xe: {  	[smem:$0x3FAC] =	sst s6  }
0xf: {  	[smem:$0x3FAD] =	sst s7  }
0x10: {  	[smem:$0x3FAE] =	sst s8  }
0x11: {  	[smem:$0x3FAF] =	sst s9;
	s0 =	simm.s32 @!p0 $0x0  }
0x12: {  	s1 =	sld [smem:$0x3F95];
	s0 =	simm.s32 @p0 $0x1  }
0x13: {  	[smem:$0x3FB0] =	sst s0;
	s0 =	simm.s32 @!p1 $0x0  }
0x14: {  	s2 =	sld [smem:$0x3F94];
	s0 =	simm.s32 @p1 $0x1  }
0x15: {  	[smem:$0x3FB1] =	sst s0;
	s0 =	simm.s32 @!p2 $0x0  }
0x16: {  	s3 =	sld [smem:$0x3FDB];
	s0 =	simm.s32 @p2 $0x1  }
0x17: {  	s4 =	simm.s32 $0x1BF5;
	[smem:$0x3FB3] =	sst s0  }
0x18: {  	s0 =	sld [smem:$0x3F96];
	_ =	swait.ge [sflag:s4], $0x0  }
0x19: {  	s7 =	sld [smem:$0x3F97]  }
0x1a: {  	s8 =	sadd.s32 $0xFFFFE003, lr  }
0x1b: {  	s9 =	sadd.s32 $0xFFFFFEF7, lr;
	s5 =	simm.s32 $0xFFFFFFFF;
	p2 =	slt.u32 s8, $0xFFFFF086  }
0x1c: {  	p1 =	slt.u32 s9, $0xF7A;
	s5 =	simm.s32 @!p2 $0x0  }
0x1d: {  	s5 =	simm.s32 @p1 $0x1;
	p0 =	seq.s32 s7, s2  }
0x1e: {  	s7 =	smul.u32 @!p0 $0xF7A, s2;
	p2 =	seq.s32 @!p0 s5, $0x0  }
0x1f: {  	s9 =	smul.u32 $0xF7A, s1;
	s8 =	simm.s32 @!p0 $0x1BF5;
	p2 =	por !p2, p0  }
0x20: {  	[sflag:s8] =	ssyncset.s32 @!p0 $0xFFFFF086;
	s6 =	sadd.s32 @!p0 s3, s7;
	s7 =	simm.s32 @!p0 $0x108  }
0x21: {  	s3 =	sadd.s32 s3, s9;
	s6 =	sadd.s32 @!p0 $0x88, s6;
	s7 =	simm.s32 @p2 $0x1082  }
0x22: {  	[simem:s7], [sflag:s8] =	dma.local @!p0 [hbm:s6], $0xF7A  }
0x23: {  	s9 =	sor.u32 $0xD0000000, s2;
	s6 =	simm.s32 $0x108;
	_ =	swait.ge @!p0 [sflag:s8], $0x0  }
0x24: {  	s3 =	sadd.s32 $0x88, s3;
	s6 =	simm.s32 @!p1 $0x1082;
	[sflag:s4] =	ssyncset.s32 $0xFFFFF086  }
0x25: {  	[simem:s6], [sflag:s4] =	dma.local [hbm:s3], $0xF7A  }
0x26: {  	[smem:$0x3F97] =	sst s1;
	(tag) =	ssettag s2;
	_ =	strace s9  }
0x27: {  	s1 =	sld [smem:$0x3FA7]  }
0x28: {  	s2 =	sld [smem:$0x3FA8]  }
0x29: {  	s4 =	sld [smem:$0x3FAA]  }
0x2a: {  	p0 =	seq.s32 s5, $0x0;
	s5 =	sld [smem:$0x3FAB]  }
0x2b: {  	s6 =	sld [smem:$0x3FAC]  }
0x2c: {  	s7 =	sld [smem:$0x3FAD]  }
0x2d: {  	s3 =	simm.s32 $0x108;
	s8 =	sld [smem:$0x3FAE]  }
0x2e: {  	s3 =	simm.s32 @!p0 $0x1082;
	s9 =	sld [smem:$0x3FAF]  }
0x2f: {  	lr =	sadd.s32 s0, s3;
	s0 =	sld [smem:$0x3FA6]  }
0x30: {  	s3 =	sld [smem:$0x3FA9]  }
0x31: {  	[smem:$0x3FB2] =	sst s10  }
0x32: {  	s10 =	sld [smem:$0x3FB0];
	_ =	sdelay $0x3  }
0x33: {  	p0 =	seq.s32 s10, $0x1;
	s10 =	sld [smem:$0x3FB2];
	_ =	sdelay $0x3  }
0x34: {  	[smem:$0x3FB2] =	sst s10  }
0x35: {  	s10 =	sld [smem:$0x3FB1];
	_ =	sdelay $0x3  }
0x36: {  	p1 =	seq.s32 s10, $0x1;
	s10 =	sld [smem:$0x3FB2];
	_ =	sdelay $0x3  }
0x37: {  	[smem:$0x3FB2] =	sst s10  }
0x38: {  	s10 =	sld [smem:$0x3FB3]  }
0x39: {  	_ = 	snop;
	(pc) =	sbr.ind lr, $3  }
0x3a: {  	_ = 	snop  }
0x3b: {  	_ = 	snop  }
0x3c: {  	p2 =	seq.s32 s10, $0x1;
	s10 =	sld [smem:$0x3FB2]  }
0x3d: {  	_ =	shalt  }
0x3e: {  	_ =	shalt  }
0x3f: {  	_ =	shalt  }
0x40: {  	_ =	shalt  }
0x41: {  	_ =	shalt  }
0x42: {  	_ =	shalt  }
0x43: {  	_ =	shalt  }
0x44: {  	_ =	shalt  }
0x45: {  	_ =	shalt  }
0x46: {  	_ =	shalt  }
0x47: {  	_ =	shalt  }
0x48: {  	_ =	shalt  }
0x49: {  	_ =	shalt  }
0x4a: {  	_ =	shalt  }
0x4b: {  	_ =	shalt  }
0x4c: {  	_ =	shalt  }
0x4d: {  	_ =	shalt  }
0x4e: {  	_ =	shalt  }
0x4f: {  	_ =	shalt  }
0x50: {  	_ =	shalt  }
0x51: {  	_ =	shalt  }
0x52: {  	_ =	shalt  }
0x53: {  	_ =	shalt  }
0x54: {  	_ =	shalt  }
0x55: {  	_ =	shalt  }
0x56: {  	_ =	shalt  }
0x57: {  	_ =	shalt  }
0x58: {  	_ =	shalt  }
0x59: {  	_ =	shalt  }
0x5a: {  	_ =	shalt  }
0x5b: {  	_ =	shalt  }
0x5c: {  	_ =	shalt  }
0x5d: {  	_ =	shalt  }
0x5e: {  	_ =	shalt  }
0x5f: {  	_ =	shalt  }
0x60: {  	_ =	shalt  }
0x61: {  	_ =	shalt  }
0x62: {  	_ =	shalt  }
0x63: {  	_ =	shalt  }
0x64: {  	_ =	shalt  }
0x65: {  	_ =	shalt  }
0x66: {  	_ =	shalt  }
0x67: {  	_ =	shalt  }
0x68: {  	_ =	shalt  }
0x69: {  	_ =	shalt  }
0x6a: {  	_ =	shalt  }
0x6b: {  	_ =	shalt  }
0x6c: {  	_ =	shalt  }
0x6d: {  	_ =	shalt  }
0x6e: {  	_ =	shalt  }
0x6f: {  	_ =	shalt  }
0x70: {  	_ =	shalt  }
0x71: {  	_ =	shalt  }
0x72: {  	_ =	shalt  }
0x73: {  	_ =	shalt  }
0x74: {  	_ =	shalt  }
0x75: {  	_ =	shalt  }
0x76: {  	_ =	shalt  }
0x77: {  	_ =	shalt  }
0x78: {  	_ =	shalt  }
0x79: {  	_ =	shalt  }
0x7a: {  	_ =	shalt  }
0x7b: {  	_ =	shalt  }
0x7c: {  	_ =	shalt  }
0x7d: {  	_ =	shalt  }
0x7e: {  	_ =	shalt  }
0x7f: {  	_ =	shalt  }
0x80: {  	_ =	shalt  }
0x81: {  	_ =	shalt  }
0x82: {  	_ =	shalt  }
0x83: {  	_ =	shalt  }
0x84: {  	_ =	shalt  }
0x85: {  	_ =	shalt  }
0x86: {  	_ =	shalt  }
0x87: {  	_ =	shalt  }
.Lfunc_end0:
.L_simem_size_0:
called_computation_lowered:
.L_overlay_start_0:
0x88: {  	s2 =	sld [smem:$0x3FD9]  }
0x89: {  	s3 =	sld [smem:$0x3FFE];
	_ =	sdelay $0x1  }
0x8a: {  	s1 =	srdreg.scid  }
0x8b: {  	s0 =	sand.u32 $0x1, s1  }
0x8c: {  	s17 =	sshll.u32 s0, $0xA;
	s2 =	sadd.s32 s3, s2  }
0x8d: {  	s2 =	sadd.s32 s2, s17  }
0x8e: {  	[smem:$0x3FBE] =	sst s2  }
0x8f: {  	_ = 	snop  }
0x90: {  	s2 =	sld [smem:$0x3FC9]  }
0x91: {  	s18 =	sld [smem:$0x3FD0];
	(tm) =	ssettm $0x1  }
0x92: {  	s4 =	sld [smem:$0x3FFB];
	_ =	sdelay $0x3  }
0x93: {  	_ =	strace s4  }
0x94: {  	s4 =	sld [smem:$0x3FFC];
	_ =	sdelay $0x3  }
0x95: {  	_ =	strace s4  }
0x96: {  	s4 =	sld [smem:$0x3FFD];
	_ =	sdelay $0x3  }
0x97: {  	_ =	strace s4  }
0x98: {  	_ =	strace $0x8FFFFFFF  }
0x99: {  	s19 =	sld [smem:$0x3FDB];
	_ =	sdelay $0x1  }
0x9a: {  	s5 =	simm.s32 $_scs_section_size  }
0x9b: {  	s6 =	simm.s32 $_size__tile_overlayer_lowered;
	s7 =	simm.s32 $_tile_overlayer_lowered  }
0x9c: {  	s22 =	simm.s32 $0x1BFF;
	s21 =	sshll.u32 s7, $0x1;
	s4 =	sadd.s32 s5, s19  }
0x9d: {  	s8 =	simm.s32 $0x0;
	s20 =	sshll.u32 s6, $0x1;
	s6 =	sadd.s32 s21, s4  }
0x9e: {  	[timem:s8], [sflag:s22] =	dma.local [hbm:s6], s20  }
0x9f: {  	_ =	swait.ge [sflag:s22], s20  }
0xa0: {  	s5 =	ssub.s32 $0x0, s20;
	[sflag:s22] =	ssyncset.done $0x0  }
0xa1: {  	[sflag:s22] =	ssyncadd.s32 s5;
	_ =	sdelay $0x1  }
0xa2: {  	s23 =	simm.s32 $0x1B8B  }
0xa3: {  	_ =	swait.ge [sflag:s23], $0x1  }
0xa4: {  	[sflag:s23] =	ssyncset.done $0x0  }
0xa5: {  	s25 =	simm.s32 $0x1B8E;
	s24 =	sld [smem:$0x3FFE];
	[sflag:s23] =	ssyncadd.s32 $0xFFFFFFFF  }
0xa6: {  	s26 =	simm.s32 $execute0_lowered;
	[smem:$0x3FD2] =	sst s25  }
0xa7: {  	s6 =	sshll.u32 s26, $0x1;
	_ =	strace $0x80000046;
	[dreg:$0x1] =	wrdreg $0xFFFFFFFF  }
0xa8: {  	s28 =	simm.s32 $_size_execute0_lowered;
	s4 =	sadd.s32 s4, s6;
	[dreg:$0x0] =	wrdreg $0x0  }
0xa9: {  	s6 =	sshll.u32 s28, $0x1;
	[dreg:$0x2] =	wrdreg s4  }
0xaa: {  	[dreg:$0x3] =	wrdreg s6  }
0xab: {  	[dreg:$0x4] =	wrdreg $0xC0  }
0xac: {  	_ =	task [dreg:s8], $0x5FFFF  }
0xad: {  	[dreg:$0x1] =	wrdreg $0xFFFFFFFF  }
0xae: {  	[dreg:$0x0] =	wrdreg $0x60  }
0xaf: {  	[dreg:$0x2] =	wrdreg s2  }
0xb0: {  	[dreg:$0x3] =	wrdreg s24  }
0xb1: {  	[dreg:$0x4] =	wrdreg s18  }
0xb2: {  	[dreg:$0x5] =	wrdreg $0x90000  }
0xb3: {  	[dreg:$0x6] =	wrdreg $0x9  }
0xb4: {  	_ =	task.clear_ibuf [dreg:s8], $0x7FFFF;
	_ =	strace $0x90000046  }
0xb5: {  	s29 =	simm.s32 $0x9;
	_ =	strace $0x80000048  }
0xb6: {  	_ =	swait.ge [sflag:s29], $0x1  }
0xb7: {  	[sflag:s29] =	ssyncadd.s32 $0xFFFFFFFF  }
0xb8: {  	_ =	strace $0x90000048  }
0xb9: {  	_ =	sfence  }
0xba: {  	s30 =	sld [smem:$0x0];
	_ =	sdelay $0x2  }
0xbb: {  	s31 =	sshll.u32 s1, $0xD;
	s1 =	sshrl.u32 s1, $0x2  }
0xbc: {  	s3 =	sand.u32 $0x4000, s31;
	s1 =	sadd.s32 s1, s30  }
0xbd: {  	s0 =	sor.u32 s3, s0;
	s1 =	sshll.u32 s1, $0x11  }
0xbe: {  	s0 =	sor.u32 s1, s0  }
0xbf: {  	s0 =	sadd.s32 $0x8F2B, s0  }
0xc0: {  	[sflag:s0] =	ssyncadd.remote.s32 $0x1  }
0xc1: {  	_ =	sfence.sel $0xFFFF  }
0xc2: {  	[dreg:$0x0] =	wrdreg $0xFFFFFFFF;
	(pc) =	sbr.abs _section_cstart, $3  }
0xc3: {  	[dreg:$0x1] =	wrdreg $0xFFFFFFFF  }
0xc4: {  	_ =	task.clear_ibuf [dreg:s8], $0x2FFFF;
	_ =	strace $0x9FFFFFFF  }
0xc5: {  	(tm) =	ssettm $0x7FFFFFFF  }
tec
execute0_lowered:
.L_overlay_start_1:
0x0: {  	(tag) =	ssettag $0x1  }
0x1: {  	s26 =	stileid.u32  }
0x2: {  	s0 =	srdreg.scid;
	s2 =	smul.u32 $0x280, s26  }
0x3: {  	s9 =	sand.u32 $0x1, s0;
	s1 =	sshll.u32 s26, $0x7;
	s12 =	smul.u32 $0x14000, s26  }
0x4: {  	s0 =	sshll.u32 s9, $0x4;
	s3 =	ssub.s32 $0x2, s9;
	s11 =	smul.u32 $0x140000, s9  }
0x5: {  	s1 =	sand.u32 $0x380, s1;
	s9 =	smul.u32 $0x50000, s9;
	s8 =	sor.u32 s26, s0  }
0x6: {  	s4 =	sshrl.u32 s3, $0x1;
	s20 =	sor.u32 $0x40, s2;
	s14 =	sadd.s32 $0x80, s2  }
0x7: {  	s13 =	sadd.s32 $0xC0, s2;
	s7 =	sadd.s32 $0x100, s2;
	s6 =	sadd.s32 $0x140, s2  }
0x8: {  	s5 =	sadd.s32 $0x180, s2;
	s23 =	sadd.s32 $0x1C0, s2;
	s24 =	sadd.s32 $0x200, s2  }
0x9: {  	s25 =	sadd.s32 $0x240, s2;
	s28 =	sadd.s32 $0xE0, s2;
	s29 =	sadd.s32 $0x150, s2  }
0xa: {  	s30 =	sadd.s32 $0x160, s2;
	s31 =	sadd.s32 $0x1A0, s2;
	[dreg:$0x18] =	wrdreg s23  }
0xb: {  	s0 =	sshrl.u32 s8, $0x3;
	s22 =	ssub.s32 s3, s4;
	[dreg:$0x17] =	wrdreg s24  }
0xc: {  	[dreg:$0x15] =	wrdreg s25;
	s12 =	sadd.s32 s12, s11;
	s15 =	sshll.u32 s20, $0x7  }
0xd: {  	v39 =	vlaneseq.u32;
	s16 =	sshll.u32 s14, $0x7;
	s17 =	sshll.u32 s13, $0x7;
	s18 =	sshll.u32 s7, $0x7  }
0xe: {  	s19 =	sshll.u32 s6, $0x7;
	s21 =	sshll.u32 s5, $0x7;
	v11 =	vor.u32 s13, v39;
	s13 =	sadd.s32 $0x1B0, s2  }
0xf: {  	v3 =	vor.u32 s20, v39;
	v13 =	vor.u32 s28, v39;
	s20 =	sadd.s32 $0x1F0, s2;
	v19 =	vor.u32 s6, v39;
	s6 =	sadd.s32 $0x270, s2;
	s28 =	simm.s32 $0x8880  }
0x10: {  	v21 =	vor.u32 s29, v39;
	v22 =	vor.u32 s30, v39;
	v26 =	vor.u32 s31, v39;
	s29 =	simm.s32 $0x8900;
	s30 =	simm.s32 $0x8980;
	s31 =	simm.s32 $0x8A00  }
0x11: {  	v7 =	vor.u32 s14, v39;
	v15 =	vor.u32 s7, v39;
	v24 =	vor.u32 s5, v39;
	s14 =	simm.s32 $0x8A80;
	s5 =	simm.s32 $0x6000;
	s7 =	simm.s32 $0x0  }
0x12: {  	s0 =	smul.u32 $0x14000, s0;
	[dreg:$0x16] =	wrdreg s22;
	s15 =	sadd.s32 s11, s15  }
0x13: {  	s16 =	sadd.s32 s11, s16;
	s17 =	sadd.s32 s11, s17;
	s18 =	sadd.s32 s11, s18  }
0x14: {  	s19 =	sadd.s32 s11, s19;
	s21 =	sadd.s32 s11, s21;
	s22 =	sshll.u32 s23, $0x7  }
0x15: {  	s23 =	sshll.u32 s24, $0x7;
	s24 =	sshll.u32 s25, $0x7;
	s12 =	sshrl.u32 s12, $0x3  }
0x16: {  	v27 =	vor.u32 s13, v39;
	s13 =	simm.s32 $0x8B80;
	s22 =	sadd.s32 s11, s22;
	s23 =	sadd.s32 s11, s23  }
0x17: {  	s11 =	sadd.s32 s11, s24;
	s24 =	rddreg [dreg:$0x1];
	s15 =	sshrl.u32 s15, $0x3  }
0x18: {  	s17 =	sshrl.u32 s17, $0x3;
	s18 =	sshrl.u32 s18, $0x3;
	s10 =	sor.u32 s1, s0  }
0x19: {  	s25 =	sadd.s32 $0x34800, s24;
	s11 =	sshrl.u32 s11, $0x3;
	s0 =	sadd.s32 $0x90, s2  }
0x1a: {  	s4 =	sadd.s32 s25, s12;
	s12 =	sadd.s32 s25, s15;
	s15 =	sshrl.u32 s16, $0x3  }
0x1b: {  	s1 =	sadd.s32 s25, s17;
	s3 =	sadd.s32 s25, s18;
	[dreg:$0x5] =	wrdreg s4  }
0x1c: {  	s17 =	sshrl.u32 s22, $0x3;
	s18 =	smul.u32 $0x5000, s26;
	[dreg:$0x6] =	wrdreg s12  }
0x1d: {  	s10 =	sshrl.u32 s10, $0x3;
	s26 =	sadd.s32 $0x2800, s24;
	[dreg:$0x8] =	wrdreg s1  }
0x1e: {  	v8 =	vor.u32 s0, v39;
	s0 =	sadd.s32 $0x1D0, s2;
	s16 =	sadd.s32 s25, s15;
	[dreg:$0x9] =	wrdreg s3  }
0x1f: {  	s4 =	sshrl.u32 s19, $0x3;
	s15 =	sshrl.u32 s21, $0x3;
	s19 =	sadd.s32 s25, s17  }
0x20: {  	s21 =	sshrl.u32 s23, $0x3;
	s23 =	sadd.s32 s25, s11;
	[dreg:$0x7] =	wrdreg s16  }
0x21: {  	s11 =	simm.s32 $0x0;
	s1 =	sadd.s32 $0x16800, s24;
	[dreg:$0xc] =	wrdreg s19  }
0x22: {  	v29 =	vor.u32 s0, v39;
	s0 =	simm.s32 $0x8B00;
	s12 =	sadd.s32 s25, s4;
	[dreg:$0xe] =	wrdreg s23  }
0x23: {  	s16 =	sadd.s32 s25, s15;
	s22 =	sadd.s32 s25, s21;
	[smem:$0x7FF] =	sst s11  }
0x24: {  	s9 =	sadd.s32 s18, s9;
	s25 =	smul.u32 $0x5000, s8;
	[dreg:$0xa] =	wrdreg s12  }
0x25: {  	s8 =	sadd.s32 s10, s24;
	s21 =	sor.u32 $0x10, s2;
	[dreg:$0xb] =	wrdreg s16  }
0x26: {  	s23 =	sor.u32 $0x30, s2;
	s24 =	sor.u32 $0x50, s2;
	[dreg:$0xd] =	wrdreg s22  }
0x27: {  	s10 =	sadd.s32 $0x120, s2;
	s15 =	sadd.s32 $0x130, s2;
	s12 =	rddreg [dreg:$0x0]  }
0x28: {  	s9 =	sor.u32 $0x800, s9;
	s22 =	sor.u32 $0x20, s2;
	s16 =	sadd.s32 $0xF0, s2  }
0x29: {  	v0 =	vor.u32 s21, v39;
	v2 =	vor.u32 s23, v39;
	s23 =	sadd.s32 $0x190, s2;
	v17 =	vor.u32 s10, v39;
	s21 =	sadd.s32 $0x230, s2;
	s10 =	sadd.s32 $0x2A800, s8  }
0x2a: {  	v4 =	vor.u32 s24, v39;
	s24 =	simm.s32 $0x2000;
	s3 =	sshrl.u32 s25, $0x3;
	s9 =	sshrl.u32 s9, $0x3  }
0x2b: {  	s25 =	sor.u32 $0x60, s2;
	v1 =	vor.u32 s22, v39;
	s22 =	sadd.s32 $0x170, s2;
	s4 =	sadd.s32 s26, s3  }
0x2c: {  	v14 =	vor.u32 s16, v39;
	s16 =	sadd.s32 $0x250, s2;
	s17 =	sadd.s32 s1, s3;
	[dreg:$0xf] =	wrdreg s4  }
0x2d: {  	v25 =	vor.u32 s23, v39;
	s23 =	simm.s32 $0x8C00;
	s18 =	sadd.s32 s9, s1;
	[dreg:$0x10] =	wrdreg s17  }
0x2e: {  	s19 =	sadd.s32 s9, s26;
	s26 =	sor.u32 $0x70, s2;
	s17 =	rddreg [dreg:$0x3]  }
0x2f: {  	s1 =	sadd.s32 $0xA0, s2;
	s3 =	sadd.s32 $0xB0, s2;
	[dreg:$0x11] =	wrdreg s18  }
0x30: {  	v5 =	vor.u32 s25, v39;
	v23 =	vor.u32 s22, v39;
	s22 =	simm.s32 $0x3;
	s25 =	simm.s32 $0x40;
	[dreg:$0x12] =	wrdreg s19  }
0x31: {  	v40 =	vimm.f32 $0.0e+00;
	s4 =	sadd.s32 $0xD0, s2;
	s18 =	sadd.s32 $0x110, s2;
	v9 =	vor.u32 s1, v39;
	s1 =	sadd.s32 $0x1E0, s2  }
0x32: {  	v41 =	vimm.f32 $1.000000000e+00;
	v20 =	vor.u32 s2, v39;
	v10 =	vor.u32 s3, v39;
	s3 =	sadd.s32 $0x210, s2;
	_ =	strace $0x80000047;
	[dreg:$0x13] =	wrdreg s10  }
.Ltmp0:
0x33: {  	v31 =	vor.u32 s20, v39;
	v18 =	vor.u32 s15, v39;
	v6 =	vor.u32 s26, v39;
	s26 =	simm.s32 $0x8800;
	s15 =	rddreg [dreg:$0x16];
	(pc) =	sbr.rel .LBB2_1-.Ltmp0, $4  }
0x34: {  	v35 =	vor.u32 s21, v39;
	v12 =	vor.u32 s4, v39;
	s4 =	sadd.s32 $0x220, s2;
	v16 =	vor.u32 s18, v39;
	s18 =	sadd.s32 $0x260, s2;
	s19 =	rddreg [dreg:$0x18]  }
0x35: {  	v37 =	vor.u32 s16, v39;
	v30 =	vor.u32 s1, v39;
	v33 =	vor.u32 s3, v39;
	s1 =	simm.s32 $0x8C80;
	s3 =	simm.s32 $0x4000;
	s20 =	rddreg [dreg:$0x17]  }
0x36: {  	v34 =	vor.u32 s4, v39;
	s21 =	rddreg [dreg:$0x15];
	v38 =	vor.u32 s18, v39;
	s4 =	simm.s32 $0x1;
	s2 =	smax.u32 s15, $0x1;
	v28 =	vor.u32 s19, v39  }
0x37: {  	v32 =	vor.u32 s20, v39;
	v36 =	vor.u32 s21, v39;
	v39 =	vor.u32 s6, v39;
	s6 =	simm.s32 $0x2;
	[dreg:$0x14] =	wrdreg s2;
	s2 =	simm.s32 $0x80  }
.LBB2_6:
0x38: {  	[bflag:$0x0] =	sbarrier.arrive $0xFFFF  }
0x39: {  	[tilespmem:s24], [sflag:$0x1] =	stream.indirect.gather [spmem:s17], $0x80, s26, s25, $0xb8;
	[tilespmem:$0x1D000] =	vst v63  }
0x3a: {  	_ =	swait.ge [sflag:s4], $0x2000  }
0x3b: {  	[sflag:s4] =	ssyncset.done $0x0  }
0x3c: {  	s8 =	rddreg [dreg:$0x5];
	[sflag:s4] =	ssyncadd.s32 $0xFFFFE000  }
0x3d: {  	[hbm4b:s8+s11] =	stream.linear.scatter [tilespmem:s24], [sflag:$0x3], $0x2000, $0x38;
	[tilespmem:$0x1D000] =	vst v63  }
0x3e: {  	_ =	swait.ge [sflag:s22], $0x2000  }
0x3f: {  	[sflag:s22] =	ssyncset.done $0x0  }
0x40: {  	[sflag:s22] =	ssyncadd.s32 $0xFFFFE000  }
0x41: {  	[tilespmem:s24], [sflag:$0x1] =	stream.indirect.gather [spmem:s17], $0x80, s28, s25, $0xb8;
	[tilespmem:$0x1D000] =	vst v63  }
0x42: {  	_ =	swait.ge [sflag:s4], $0x2000  }
0x43: {  	[sflag:s4] =	ssyncset.done $0x0  }
0x44: {  	s19 =	rddreg [dreg:$0x6];
	[sflag:s4] =	ssyncadd.s32 $0xFFFFE000  }
0x45: {  	[hbm4b:s19+s11] =	stream.linear.scatter [tilespmem:s24], [sflag:$0x3], $0x2000, $0x38;
	[tilespmem:$0x1D000] =	vst v63  }
0x46: {  	_ =	swait.ge [sflag:s22], $0x2000  }
0x47: {  	[sflag:s22] =	ssyncset.done $0x0  }
0x48: {  	[sflag:s22] =	ssyncadd.s32 $0xFFFFE000  }
0x49: {  	[tilespmem:s24], [sflag:$0x1] =	stream.indirect.gather [spmem:s17], $0x80, s29, s25, $0xb8;
	[tilespmem:$0x1D000] =	vst v63  }
0x4a: {  	_ =	swait.ge [sflag:s4], $0x2000  }
0x4b: {  	[sflag:s4] =	ssyncset.done $0x0  }
0x4c: {  	s20 =	rddreg [dreg:$0x7];
	[sflag:s4] =	ssyncadd.s32 $0xFFFFE000  }
0x4d: {  	[hbm4b:s20+s11] =	stream.linear.scatter [tilespmem:s24], [sflag:$0x3], $0x2000, $0x38;
	[tilespmem:$0x1D000] =	vst v63  }
0x4e: {  	_ =	swait.ge [sflag:s22], $0x2000  }
0x4f: {  	[sflag:s22] =	ssyncset.done $0x0  }
0x50: {  	[sflag:s22] =	ssyncadd.s32 $0xFFFFE000  }
0x51: {  	[tilespmem:s24], [sflag:$0x1] =	stream.indirect.gather [spmem:s17], $0x80, s30, s25, $0xb8;
	[tilespmem:$0x1D000] =	vst v63  }
0x52: {  	_ =	swait.ge [sflag:s4], $0x2000  }
0x53: {  	[sflag:s4] =	ssyncset.done $0x0  }
0x54: {  	s21 =	rddreg [dreg:$0x8];
	[sflag:s4] =	ssyncadd.s32 $0xFFFFE000  }
0x55: {  	[hbm4b:s21+s11] =	stream.linear.scatter [tilespmem:s24], [sflag:$0x3], $0x2000, $0x38;
	[tilespmem:$0x1D000] =	vst v63  }
0x56: {  	_ =	swait.ge [sflag:s22], $0x2000  }
0x57: {  	[sflag:s22] =	ssyncset.done $0x0  }
0x58: {  	[sflag:s22] =	ssyncadd.s32 $0xFFFFE000  }
0x59: {  	[tilespmem:s24], [sflag:$0x1] =	stream.indirect.gather [spmem:s17], $0x80, s31, s25, $0xb8;
	[tilespmem:$0x1D000] =	vst v63  }
0x5a: {  	_ =	swait.ge [sflag:s4], $0x2000  }
0x5b: {  	[sflag:s4] =	ssyncset.done $0x0  }
0x5c: {  	s9 =	rddreg [dreg:$0x9];
	[sflag:s4] =	ssyncadd.s32 $0xFFFFE000  }
0x5d: {  	[hbm4b:s9+s11] =	stream.linear.scatter [tilespmem:s24], [sflag:$0x3], $0x2000, $0x38;
	[tilespmem:$0x1D000] =	vst v63  }
0x5e: {  	_ =	swait.ge [sflag:s22], $0x2000  }
0x5f: {  	[sflag:s22] =	ssyncset.done $0x0  }
0x60: {  	[sflag:s22] =	ssyncadd.s32 $0xFFFFE000  }
0x61: {  	[tilespmem:s24], [sflag:$0x1] =	stream.indirect.gather [spmem:s17], $0x80, s14, s25, $0xb8;
	[tilespmem:$0x1D000] =	vst v63  }
0x62: {  	_ =	swait.ge [sflag:s4], $0x2000  }
0x63: {  	[sflag:s4] =	ssyncset.done $0x0  }
0x64: {  	s10 =	rddreg [dreg:$0xa];
	[sflag:s4] =	ssyncadd.s32 $0xFFFFE000  }
0x65: {  	[hbm4b:s10+s11] =	stream.linear.scatter [tilespmem:s24], [sflag:$0x3], $0x2000, $0x38;
	[tilespmem:$0x1D000] =	vst v63  }
0x66: {  	_ =	swait.ge [sflag:s22], $0x2000  }
0x67: {  	[sflag:s22] =	ssyncset.done $0x0  }
0x68: {  	[sflag:s22] =	ssyncadd.s32 $0xFFFFE000  }
0x69: {  	[tilespmem:s24], [sflag:$0x1] =	stream.indirect.gather [spmem:s17], $0x80, s0, s25, $0xb8;
	[tilespmem:$0x1D000] =	vst v63  }
0x6a: {  	_ =	swait.ge [sflag:s4], $0x2000  }
0x6b: {  	[sflag:s4] =	ssyncset.done $0x0  }
0x6c: {  	s15 =	rddreg [dreg:$0xb];
	[sflag:s4] =	ssyncadd.s32 $0xFFFFE000  }
0x6d: {  	[hbm4b:s15+s11] =	stream.linear.scatter [tilespmem:s24], [sflag:$0x3], $0x2000, $0x38;
	[tilespmem:$0x1D000] =	vst v63  }
0x6e: {  	_ =	swait.ge [sflag:s22], $0x2000  }
0x6f: {  	[sflag:s22] =	ssyncset.done $0x0  }
0x70: {  	[sflag:s22] =	ssyncadd.s32 $0xFFFFE000  }
0x71: {  	[tilespmem:s24], [sflag:$0x1] =	stream.indirect.gather [spmem:s17], $0x80, s13, s25, $0xb8;
	[tilespmem:$0x1D000] =	vst v63  }
0x72: {  	_ =	swait.ge [sflag:s4], $0x2000  }
0x73: {  	[sflag:s4] =	ssyncset.done $0x0  }
0x74: {  	s16 =	rddreg [dreg:$0xc];
	[sflag:s4] =	ssyncadd.s32 $0xFFFFE000  }
0x75: {  	[hbm4b:s16+s11] =	stream.linear.scatter [tilespmem:s24], [sflag:$0x3], $0x2000, $0x38;
	[tilespmem:$0x1D000] =	vst v63  }
0x76: {  	_ =	swait.ge [sflag:s22], $0x2000  }
0x77: {  	[sflag:s22] =	ssyncset.done $0x0  }
0x78: {  	[sflag:s22] =	ssyncadd.s32 $0xFFFFE000  }
0x79: {  	[tilespmem:s24], [sflag:$0x1] =	stream.indirect.gather [spmem:s17], $0x80, s23, s25, $0xb8;
	[tilespmem:$0x1D000] =	vst v63  }
0x7a: {  	_ =	swait.ge [sflag:s4], $0x2000  }
0x7b: {  	[sflag:s4] =	ssyncset.done $0x0  }
0x7c: {  	s18 =	rddreg [dreg:$0xd];
	[sflag:s4] =	ssyncadd.s32 $0xFFFFE000  }
0x7d: {  	[hbm4b:s18+s11] =	stream.linear.scatter [tilespmem:s24], [sflag:$0x3], $0x2000, $0x38;
	[tilespmem:$0x1D000] =	vst v63  }
0x7e: {  	_ =	swait.ge [sflag:s22], $0x2000  }
0x7f: {  	[sflag:s22] =	ssyncset.done $0x0  }
0x80: {  	[sflag:s22] =	ssyncadd.s32 $0xFFFFE000  }
0x81: {  	[tilespmem:s24], [sflag:$0x1] =	stream.indirect.gather [spmem:s17], $0x80, s1, s25, $0xb8;
	[tilespmem:$0x1D000] =	vst v63  }
0x82: {  	_ =	swait.ge [sflag:s4], $0x2000  }
0x83: {  	[sflag:s4] =	ssyncset.done $0x0  }
0x84: {  	s19 =	rddreg [dreg:$0xe];
	[sflag:s4] =	ssyncadd.s32 $0xFFFFE000  }
0x85: {  	[hbm4b:s19+s11] =	stream.linear.scatter [tilespmem:s24], [sflag:$0x3], $0x2000, $0x38;
	[tilespmem:$0x1D000] =	vst v63  }
0x86: {  	_ =	swait.ge [sflag:s22], $0x2000  }
0x87: {  	[sflag:s22] =	ssyncset.done $0x0  }
0x88: {  	s9 =	simm.s32 $0x400;
	s20 =	rddreg [dreg:$0x13];
	[sflag:s22] =	ssyncadd.s32 $0xFFFFE000  }
0x89: {  	[hbm4b:s20+s2] =	stream.strided.scatter [tilespmem:s5], [sflag:$0x3], $0x2800, s9, s2, $0x38;
	[tilespmem:$0x1D000] =	vst v63  }
0x8a: {  	_ =	swait.ge [sflag:s22], $0x2800  }
0x8b: {  	s7 =	sadd.s32 $0x1, s7;
	s21 =	rddreg [dreg:$0x14]  }
0x8c: {  	p0 =	sne.s32 s7, s21  }
.Ltmp1:
0x8d: {  	_ = 	snop;
	(pc) =	sbr.rel @!p0 .LBB2_7-.Ltmp1, $3  }
0x8e: {  	_ =	sdelay $0x1  }
0x8f: {  	[sflag:s22] =	ssyncset.done $0x0  }
0x90: {  	[sflag:s22] =	ssyncadd.s32 $0xFFFFD800  }
.LBB2_1:
0x91: {  	[tilespmem:$0x8800] =	vst v20  }
0x92: {  	[tilespmem:$0x8810] =	vst v0  }
0x93: {  	[tilespmem:$0x8820] =	vst v1  }
0x94: {  	[tilespmem:$0x8830] =	vst v2  }
0x95: {  	[tilespmem:$0x8880] =	vst v3  }
0x96: {  	[tilespmem:$0x8890] =	vst v4  }
0x97: {  	[tilespmem:$0x88A0] =	vst v5  }
0x98: {  	[tilespmem:$0x88B0] =	vst v6  }
0x99: {  	[tilespmem:$0x8900] =	vst v7  }
0x9a: {  	[tilespmem:$0x8910] =	vst v8  }
0x9b: {  	[tilespmem:$0x8920] =	vst v9  }
0x9c: {  	[tilespmem:$0x8930] =	vst v10  }
0x9d: {  	[tilespmem:$0x8980] =	vst v11  }
0x9e: {  	[tilespmem:$0x8990] =	vst v12  }
0x9f: {  	[tilespmem:$0x89A0] =	vst v13  }
0xa0: {  	[tilespmem:$0x89B0] =	vst v14  }
0xa1: {  	[tilespmem:$0x8A00] =	vst v15  }
0xa2: {  	[tilespmem:$0x8A10] =	vst v16  }
0xa3: {  	[tilespmem:$0x8A20] =	vst v17  }
0xa4: {  	[tilespmem:$0x8A30] =	vst v18  }
0xa5: {  	[tilespmem:$0x8A80] =	vst v19  }
0xa6: {  	[tilespmem:$0x8A90] =	vst v21  }
0xa7: {  	[tilespmem:$0x8AA0] =	vst v22  }
0xa8: {  	[tilespmem:$0x8AB0] =	vst v23  }
0xa9: {  	[tilespmem:$0x8B00] =	vst v24  }
0xaa: {  	[tilespmem:$0x8B10] =	vst v25  }
0xab: {  	[tilespmem:$0x8B20] =	vst v26  }
0xac: {  	[tilespmem:$0x8B30] =	vst v27  }
0xad: {  	[tilespmem:$0x8B80] =	vst v28  }
0xae: {  	[tilespmem:$0x8B90] =	vst v29  }
0xaf: {  	[tilespmem:$0x8BA0] =	vst v30  }
0xb0: {  	[tilespmem:$0x8BB0] =	vst v31  }
0xb1: {  	[tilespmem:$0x8C00] =	vst v32  }
0xb2: {  	[tilespmem:$0x8C10] =	vst v33  }
0xb3: {  	[tilespmem:$0x8C20] =	vst v34  }
0xb4: {  	[tilespmem:$0x8C30] =	vst v35  }
0xb5: {  	[tilespmem:$0x8C80] =	vst v36  }
0xb6: {  	[tilespmem:$0x8C90] =	vst v37  }
0xb7: {  	[tilespmem:$0x8CA0] =	vst v38  }
0xb8: {  	[tilespmem:$0x8CB0] =	vst v39;
	s8 =	rddreg [dreg:$0xf]  }
0xb9: {  	[tilespmem:s11], [sflag:$0x3] =	stream.linear.gather [hbm4b:s8+s11], $0x800, $0x38;
	[tilespmem:$0x1D000] =	vst v63  }
0xba: {  	_ =	swait.ge [sflag:s22], $0x800  }
0xbb: {  	[sflag:s22] =	ssyncset.done $0x0  }
0xbc: {  	s9 =	simm.s32 $0x1000;
	s20 =	rddreg [dreg:$0x10];
	[sflag:s22] =	ssyncadd.s32 $0xFFFFF800  }
0xbd: {  	[tilespmem:s9], [sflag:$0x3] =	stream.linear.gather [hbm4b:s20+s11], $0x800, $0x38;
	[tilespmem:$0x1D000] =	vst v63  }
0xbe: {  	_ =	swait.ge [sflag:s22], $0x800  }
0xbf: {  	[sflag:s22] =	ssyncset.done $0x0  }
0xc0: {  	[sflag:s22] =	ssyncadd.s32 $0xFFFFF800  }
0xc1: {  	s21 =	rddreg [dreg:$0x2]  }
0xc2: {  	[tilespmem:s24], [sflag:$0x3] =	stream.linear.gather [hbm4b:s21+s11], $0x2000, $0x38;
	[tilespmem:$0x1D000] =	vst v63  }
0xc3: {  	_ =	swait.ge [sflag:s22], $0x2000  }
0xc4: {  	[sflag:s22] =	ssyncset.done $0x0  }
0xc5: {  	[sflag:s22] =	ssyncadd.s32 $0xFFFFE000  }
0xc6: {  	[spmem:s17] =	stream.indirect.scatter [tilespmem:s24], [sflag:$0x3], $0x80, s26, s25, $0xb8;
	[tilespmem:$0x1D000] =	vst v63  }
0xc7: {  	_ =	swait.ge [sflag:s22], $0x2000  }
0xc8: {  	[sflag:s22] =	ssyncset.done $0x0  }
0xc9: {  	[sflag:s22] =	ssyncadd.s32 $0xFFFFE000  }
0xca: {  	[spmem:s17] =	stream.indirect.scatter [tilespmem:s24], [sflag:$0x3], $0x80, s28, s25, $0xb8;
	[tilespmem:$0x1D000] =	vst v63  }
0xcb: {  	_ =	swait.ge [sflag:s22], $0x2000  }
0xcc: {  	[sflag:s22] =	ssyncset.done $0x0  }
0xcd: {  	[sflag:s22] =	ssyncadd.s32 $0xFFFFE000  }
0xce: {  	[spmem:s17] =	stream.indirect.scatter [tilespmem:s24], [sflag:$0x3], $0x80, s29, s25, $0xb8;
	[tilespmem:$0x1D000] =	vst v63  }
0xcf: {  	_ =	swait.ge [sflag:s22], $0x2000  }
0xd0: {  	[sflag:s22] =	ssyncset.done $0x0  }
0xd1: {  	[sflag:s22] =	ssyncadd.s32 $0xFFFFE000  }
0xd2: {  	[spmem:s17] =	stream.indirect.scatter [tilespmem:s24], [sflag:$0x3], $0x80, s30, s25, $0xb8;
	[tilespmem:$0x1D000] =	vst v63  }
0xd3: {  	_ =	swait.ge [sflag:s22], $0x2000  }
0xd4: {  	[sflag:s22] =	ssyncset.done $0x0  }
0xd5: {  	[sflag:s22] =	ssyncadd.s32 $0xFFFFE000  }
0xd6: {  	[spmem:s17] =	stream.indirect.scatter [tilespmem:s24], [sflag:$0x3], $0x80, s31, s25, $0xb8;
	[tilespmem:$0x1D000] =	vst v63  }
0xd7: {  	_ =	swait.ge [sflag:s22], $0x2000  }
0xd8: {  	[sflag:s22] =	ssyncset.done $0x0  }
0xd9: {  	[sflag:s22] =	ssyncadd.s32 $0xFFFFE000  }
0xda: {  	[spmem:s17] =	stream.indirect.scatter [tilespmem:s24], [sflag:$0x3], $0x80, s14, s25, $0xb8;
	[tilespmem:$0x1D000] =	vst v63  }
0xdb: {  	_ =	swait.ge [sflag:s22], $0x2000  }
0xdc: {  	[sflag:s22] =	ssyncset.done $0x0  }
0xdd: {  	[sflag:s22] =	ssyncadd.s32 $0xFFFFE000  }
0xde: {  	[spmem:s17] =	stream.indirect.scatter [tilespmem:s24], [sflag:$0x3], $0x80, s0, s25, $0xb8;
	[tilespmem:$0x1D000] =	vst v63  }
0xdf: {  	_ =	swait.ge [sflag:s22], $0x2000  }
0xe0: {  	[sflag:s22] =	ssyncset.done $0x0  }
0xe1: {  	[sflag:s22] =	ssyncadd.s32 $0xFFFFE000  }
0xe2: {  	[spmem:s17] =	stream.indirect.scatter [tilespmem:s24], [sflag:$0x3], $0x80, s13, s25, $0xb8;
	[tilespmem:$0x1D000] =	vst v63  }
0xe3: {  	_ =	swait.ge [sflag:s22], $0x2000  }
0xe4: {  	[sflag:s22] =	ssyncset.done $0x0  }
0xe5: {  	[sflag:s22] =	ssyncadd.s32 $0xFFFFE000  }
0xe6: {  	[spmem:s17] =	stream.indirect.scatter [tilespmem:s24], [sflag:$0x3], $0x80, s23, s25, $0xb8;
	[tilespmem:$0x1D000] =	vst v63  }
0xe7: {  	_ =	swait.ge [sflag:s22], $0x2000  }
0xe8: {  	[sflag:s22] =	ssyncset.done $0x0  }
0xe9: {  	[sflag:s22] =	ssyncadd.s32 $0xFFFFE000  }
0xea: {  	[spmem:s17] =	stream.indirect.scatter [tilespmem:s24], [sflag:$0x3], $0x80, s1, s25, $0xb8;
	[tilespmem:$0x1D000] =	vst v63  }
0xeb: {  	_ =	swait.ge [sflag:s22], $0x2000  }
0xec: {  	[sflag:s22] =	ssyncset.done $0x0  }
0xed: {  	[sflag:s22] =	ssyncadd.s32 $0xFFFFE000  }
0xee: {  	s8 =	simm.s32 $0x40;
	s9 =	simm.s32 $0x0;
	[bflag:$0x0] =	sbarrier.arrive $0xFFFF  }
.LBB2_2:
0xef: {  	p0 =	sne.s32 s8, $0x9FC0;
	[tilespmem:s9+$0x6000] =	vst v40;
	s9 =	smov.u32 s8;
	s8 =	sadd.s32 $0x40, s8  }
.Ltmp2:
0xf0: {  	(pc) =	sbr.rel @p0 .LBB2_2-.Ltmp2, $2  }
0xf1: {  	_ =	sdelay $0x2  }
0xf2: {  	s9 =	sshra.s32 s9, $0x2  }
0xf3: {  	[tilespmem:s9+$0x6000] =	vst v40;
	s8 =	simm.s32 $0x0;
	s19 =	rddreg [dreg:$0x12]  }
0xf4: {  	[tilespmem:s24], [sflag:$0x1] =	stream.indirect.gather [hbm4b:s12+s25], $0x80, s8, s25, $0xb8;
	[tilespmem:$0x1D000] =	vst v63  }
0xf5: {  	s9 =	simm.s32 $0x600;
	s18 =	rddreg [dreg:$0x11];
	s16 =	simm.s32 $0x0  }
0xf6: {  	[tilespmem:s3], [sflag:$0x2] =	stream.indirect.gather [hbm4b:s12+s25], $0x80, s2, s25, $0xb8;
	[tilespmem:$0x1D000] =	vst v63  }
.LBB2_4:
0xf7: {  	s15 =	sand.u32 $0x7, s16  }
0xf8: {  	p0 =	sne.s32 s15, $0x0  }
0xf9: {  	p1 =	sgt.u32 @!p0 s16, $0x47  }
0xfa: {  	p0 =	por p1, p0  }
0xfb: {  	s15 =	sxor.u32 @!p0 $0xFFFFFFFF, s8  }
0xfc: {  	s10 =	simm.s32 @!p0 $0x0;
	s20 =	simm.s32 @!p0 $0x3;
	s15 =	sand.u32 @!p0 $0x800, s15  }
0xfd: {  	[tilespmem:s15], [sflag:$0x3] =	stream.linear.gather @!p0 [hbm4b:s19+s10], $0x800, $0x38;
	[tilespmem:$0x1D000] =	vst v63  }
0xfe: {  	_ =	swait.ge @!p0 [sflag:s20], $0x800  }
0xff: {  	[sflag:s20] =	ssyncset.done @!p0 $0x0  }
0x100: {  	s15 =	sor.u32 @!p0 $0x1000, s15;
	[sflag:s20] =	ssyncadd.s32 @!p0 $0xFFFFF800  }
0x101: {  	[tilespmem:s15], [sflag:$0x3] =	stream.linear.gather @!p0 [hbm4b:s18+s10], $0x800, $0x38;
	[tilespmem:$0x1D000] =	vst v63  }
0x102: {  	_ =	swait.ge @!p0 [sflag:s20], $0x800  }
0x103: {  	[sflag:s20] =	ssyncset.done @!p0 $0x0  }
0x104: {  	[sflag:s20] =	ssyncadd.s32 @!p0 $0xFFFFF800  }
0x105: {  	_ =	swait.ge [sflag:s4], $0x2000  }
0x106: {  	s20 =	sand.u32 $0xF00, s8;
	[sflag:s4] =	ssyncset.done $0x0  }
0x107: {  	s21 =	sor.u32 $0x1000, s20;
	[sflag:s4] =	ssyncadd.s32 $0xFFFFE000  }
0x108: {  	[spmem:s17] =	stream.indirect.scatter.add.f32 [tilespmem:s24], [sflag:$0x3], $0x80, s21, s25, $0xb8;
	[tilespmem:$0x1D000] =	vst v63  }
0x109: {  	_ =	swait.ge [sflag:s22], $0x2000  }
0x10a: {  	[sflag:s22] =	ssyncset.done $0x0  }
0x10b: {  	[sflag:s22] =	ssyncadd.s32 $0xFFFFE000  }
0x10c: {  	v42 =	vld [tilespmem:s20+$0x1000];
	_ =	sdelay $0x7  }
0x10d: {  	[tilespmem:v42+s5+$0x0] =	vst.idx.add.f32.msk $0xffff, v41  }
0x10e: {  	v42 =	vld [tilespmem:s20+$0x1010];
	_ =	sdelay $0x7  }
0x10f: {  	[tilespmem:v42+s5+$0x0] =	vst.idx.add.f32.msk $0xffff, v41  }
0x110: {  	v42 =	vld [tilespmem:s20+$0x1020];
	_ =	sdelay $0x7  }
0x111: {  	[tilespmem:v42+s5+$0x0] =	vst.idx.add.f32.msk $0xffff, v41  }
0x112: {  	v42 =	vld [tilespmem:s20+$0x1030];
	_ =	sdelay $0x4  }
0x113: {  	p0 =	seq.s32 s9, $0x14200  }
0x114: {  	s10 =	sadd.s32 @!p0 $0xFFFFFE00, s9  }
0x115: {  	s15 =	sadd.s32 $0xFFFFFA00, s9;
	s10 =	sand.u32 @!p0 $0x3C00, s10  }
0x116: {  	s10 =	sshrl.u32 @!p0 s10, $0x2;
	s21 =	simm.s32 @!p0 $0x2000;
	s20 =	simm.s32 @!p0 $0x40;
	[tilespmem:v42+s5+$0x0] =	vst.idx.add.f32.msk $0xffff, v41  }
0x117: {  	[tilespmem:s21], [sflag:$0x1] =	stream.indirect.gather @!p0 [hbm4b:s12+s20], $0x80, s10, s20, $0xb8;
	[tilespmem:$0x1D000] =	vst v63  }
0x118: {  	s20 =	sshrl.u32 s15, $0x2;
	_ =	swait.ge [sflag:s6], $0x2000  }
0x119: {  	s10 =	sand.u32 $0xF00, s20;
	[sflag:s6] =	ssyncset.done $0x0  }
0x11a: {  	s21 =	sor.u32 $0x1080, s10;
	[sflag:s6] =	ssyncadd.s32 $0xFFFFE000  }
0x11b: {  	[spmem:s17] =	stream.indirect.scatter.add.f32 [tilespmem:s3], [sflag:$0x3], $0x80, s21, s25, $0xb8;
	[tilespmem:$0x1D000] =	vst v63  }
0x11c: {  	_ =	swait.ge [sflag:s22], $0x2000  }
0x11d: {  	[sflag:s22] =	ssyncset.done $0x0  }
0x11e: {  	[sflag:s22] =	ssyncadd.s32 $0xFFFFE000  }
0x11f: {  	v63 =	vld [tilespmem:s10+$0x1080];
	_ =	sdelay $0x7  }
0x120: {  	[tilespmem:v63+s5+$0x0] =	vst.idx.add.f32.msk $0xffff, v41  }
0x121: {  	v42 =	vld [tilespmem:s10+$0x1090];
	_ =	sdelay $0x7  }
0x122: {  	[tilespmem:v42+s5+$0x0] =	vst.idx.add.f32.msk $0xffff, v41  }
0x123: {  	v42 =	vld [tilespmem:s10+$0x10A0];
	_ =	sdelay $0x7  }
0x124: {  	[tilespmem:v42+s5+$0x0] =	vst.idx.add.f32.msk $0xffff, v41  }
0x125: {  	v42 =	vld [tilespmem:s10+$0x10B0];
	_ =	sdelay $0x3  }
.Ltmp3:
0x126: {  	_ = 	snop;
	(pc) =	sbr.rel @p0 .LBB2_6-.Ltmp3, $2  }
0x127: {  	_ =	sdelay $0x2  }
0x128: {  	[tilespmem:v42+s5+$0x0] =	vst.idx.add.f32.msk $0xffff, v41  }
.Ltmp4:
0x129: {  	(pc) =	sbr.rel .LBB2_4-.Ltmp4, $4  }
0x12a: {  	s10 =	sand.u32 $0x3E00, s9  }
0x12b: {  	s16 =	sadd.s32 $0x1, s16;
	s8 =	sadd.s32 $0x100, s8;
	s18 =	sadd.s32 $0x20, s18  }
0x12c: {  	s19 =	sadd.s32 $0x20, s19;
	s9 =	sadd.s32 $0x400, s9;
	s10 =	sshrl.u32 s10, $0x2  }
0x12d: {  	[tilespmem:s3], [sflag:$0x2] =	stream.indirect.gather [hbm4b:s12+s25], $0x80, s10, s25, $0xb8;
	[tilespmem:$0x1D000] =	vst v63  }
.LBB2_7:
0x12e: {  	_ =	sfence.sel $0x180000  }
0x12f: {  	[bflag:$0x0] =	sbarrier.arrive $0xFFFF  }
0x130: {  	_ =	strace $0x90000047  }
0x131: {  	s0 =	stileid.u32;
	[bflag:$0x2] =	sbarrier.arrive $0xFFFF  }
0x132: {  	p0 =	sne.s32 s0, $0x0;
	s0 =	rddreg [dreg:$0x4]  }
0x133: {  	s0 =	sadd.s32 @!p0 $0x100000, s0  }
0x134: {  	[sflag:s0] =	ssyncadd.tile.s32 @!p0 $0x1;
	_ =	shalt  }
.Lfunc_end2:
_tile_overlayer_lowered:
.L_overlay_start_2:
0x135: {  	(tag) =	ssettag $0x2  }
0x136: {  	s0 =	rddreg [dreg:$0x0];
	s2 =	stileid.u32  }
0x137: {  	s1 =	rddreg [dreg:$0x1];
	p0 =	sne.s32 s2, $0x0  }
0x138: {  	s3 =	rddreg [dreg:$0x2];
	[bflag:$0x3] =	sbarrier.arrive $0xFFFF;
	s2 =	simm.s32 @!p0 $0x1C03  }
0x139: {  	[timem:s3], [sflag:s2] =	dma.local @!p0 [hbm:s0], s1  }
0x13a: {  	s0 =	simm.s32 @!p0 $0x3  }
0x13b: {  	_ =	swait.ge @!p0 [sflag:s0], s1  }
0x13c: {  	s1 =	ssub.s32 @!p0 $0x0, s1;
	[sflag:s0] =	ssyncset.done @!p0 $0x0  }
0x13d: {  	[sflag:s0] =	ssyncadd.s32 @!p0 s1  }
0x13e: {  	[bflag:$0x3] =	sbarrier.arrive $0xFFFF  }
0x13f: {  	_ =	shalt  }

</sc_bundles>
